<compile_context>
chip_gen: v7x
topology: tpu7x:2x2x1
jax: 0.10.2.dev20260603
libtpu: 0.0.44.dev20260713+nightly
codegen_flags: <defaults>
</compile_context>

<pallas_src>
import dataclasses
import functools

import jax
import jax.numpy as jnp
from jax import lax
from jax.experimental import pallas as pl
from jax.experimental.pallas import tpu as pltpu
from jax.experimental.pallas import tpu_sc as plsc

N_NODE = 10000
N_PAD = 10240
EMB = 128
LAYERS = 2
NNZ = 320000
NC = 2
NS = 16
ROWS_PER_TILE = N_PAD // NS
CH = 128
NCH = NNZ // CH
N_FULL = (NCH // NS) // 6 * 6
NXTRA = NCH - N_FULL * NS

def _vector_mesh():
    return plsc.VectorSubcoreMesh(
        core_axis_name="c", subcore_axis_name="s", num_cores=NC, num_subcores=NS)


_sc_params = pltpu.CompilerParams()
if "needs_layout_passes" in pltpu.CompilerParams.__dataclass_fields__:
    _sc_params = dataclasses.replace(_sc_params, needs_layout_passes=False)


def _spmm_body(table_hbm, pk_hbm, out_hbm,
               p0, p1, p2, b0, b1, gs0, gs1, is0, is1, is2, ss0, ss1, acc_sh):
    c = lax.axis_index("c")
    s = lax.axis_index("s")

    pbufs = (p0, p1, p2)
    bufs = (b0, b1)
    gsems = (gs0, gs1)
    isems = (is0, is1, is2)
    ssems = (ss0, ss1)

    @pl.loop(0, CH)
    def _(r):
        for q in range(EMB // 16):
            b0[r, pl.ds(q * 16, 16)] = jnp.zeros((16,), jnp.float32)

    row0 = s * ROWS_PER_TILE
    for k in range(ROWS_PER_TILE // CH):
        pltpu.sync_copy(b0, acc_sh.at[pl.ds(row0 + k * CH, CH)])
    plsc.subcore_barrier()

    ch0 = c * NCH + s * N_FULL

    def start_idx_fetch(g, k):
        pltpu.async_copy(pk_hbm.at[ch0 + g], pbufs[k], isems[k])

    def wait_idx_fetch(g, k):
        pltpu.make_async_copy(pk_hbm.at[ch0 + g], pbufs[k], isems[k]).wait()

    def start_gather(j, k):
        pltpu.async_copy(table_hbm.at[pbufs[k].at[1]], bufs[j], gsems[j])

    def wait_gather(j, k):
        pltpu.make_async_copy(table_hbm.at[pbufs[k].at[1]], bufs[j],
                              gsems[j]).wait()

    def start_scatter(j, k):
        pltpu.async_copy(bufs[j], acc_sh.at[pbufs[k].at[0]], ssems[j],
                         add=True)

    def wait_scatter(j, k):
        pltpu.make_async_copy(bufs[j], acc_sh.at[pbufs[k].at[0]],
                              ssems[j]).wait()

    def scale(j, k):
        @plsc.parallel_loop(0, CH, unroll=4)
        def _(r):
            vsp = plsc.bitcast(
                plsc.load_gather(pbufs[k],
                                 [jnp.full((16,), 2, jnp.int32),
                                  jnp.full((16,), r, jnp.int32)]),
                jnp.float32)
            for q in range(EMB // 16):
                sl = pl.ds(q * 16, 16)
                bufs[j][r, sl] = bufs[j][r, sl] * vsp

    start_idx_fetch(0, 0)
    wait_idx_fetch(0, 0)
    start_gather(0, 0)
    start_idx_fetch(1, 1)

    @pl.loop(0, N_FULL // 6)
    def _(h):
        for u in range(6):
            g = 6 * h + u
            j, jn = u % 2, 1 - (u % 2)
            k, k1, k2 = u % 3, (u + 1) % 3, (u + 2) % 3
            wait_gather(j, k)

            @pl.when(g + 1 < N_FULL)
            def _():
                wait_idx_fetch(g + 1, k1)

                @pl.when(g >= 1)
                def _():
                    wait_scatter(jn, k2)
                start_gather(jn, k1)

            scale(j, k)
            start_scatter(j, k)

            @pl.when(g + 2 < N_FULL)
            def _():
                start_idx_fetch(g + 2, k2)

    wait_scatter(0, 1)
    wait_scatter(1, 2)

    @pl.when(s == NS - 1)
    def _():
        @pl.loop(0, NXTRA)
        def _(x):
            gch = c * NCH + NS * N_FULL + x
            pltpu.async_copy(pk_hbm.at[gch], p0, is0).wait()
            pltpu.async_copy(table_hbm.at[p0.at[1]], b0, gs0).wait()
            scale(0, 0)
            pltpu.async_copy(b0, acc_sh.at[p0.at[0]], ss0, add=True).wait()

    plsc.subcore_barrier()
    for k in range(ROWS_PER_TILE // CH):
        pltpu.sync_copy(acc_sh.at[pl.ds(row0 + k * CH, CH)], b0)
        pltpu.sync_copy(b0, out_hbm.at[c, pl.ds(row0 + k * CH, CH)])


@functools.cache
def _make_spmm_sc():
  return pl.kernel(
    _spmm_body,
    out_type=jax.ShapeDtypeStruct((NC, N_PAD, EMB), jnp.float32),
    mesh=_vector_mesh(),
    scratch_types=(
        [pltpu.VMEM((4, CH), jnp.int32)] * 3
        + [pltpu.VMEM((CH, EMB), jnp.float32)] * 2
        + [pltpu.SemaphoreType.DMA] * 7
        + [pltpu.VMEM_SHARED((N_PAD, EMB), jnp.float32)]
    ),
    compiler_params=_sc_params,
  )


def _gather_body(table_hbm, ids_hbm, out_hbm, ids_a, b0, b1,
                 gs0, gs1, ws0, ws1, *, n_ids):
    c = lax.axis_index("c")
    s = lax.axis_index("s")
    wid = s * NC + c
    per_tile = n_ids // (NC * NS)
    n_chunks = per_tile // CH
    base0 = wid * per_tile

    bufs = (b0, b1)
    gsems = (gs0, gs1)
    wsems = (ws0, ws1)

    pltpu.sync_copy(ids_hbm.at[pl.ds(base0, per_tile)], ids_a)

    def start_gather(g, j):
        pltpu.async_copy(table_hbm.at[ids_a.at[pl.ds(g * CH, CH)]],
                         bufs[j], gsems[j])

    def wait_gather(g, j):
        pltpu.make_async_copy(table_hbm.at[ids_a.at[pl.ds(g * CH, CH)]],
                              bufs[j], gsems[j]).wait()

    def start_wb(g, j):
        pltpu.async_copy(bufs[j], out_hbm.at[pl.ds(base0 + g * CH, CH)],
                         wsems[j])

    def wait_wb(g, j):
        pltpu.make_async_copy(bufs[j], out_hbm.at[pl.ds(base0 + g * CH, CH)],
                              wsems[j]).wait()

    start_gather(0, 0)

    @pl.loop(0, n_chunks // 2)
    def _(h):
        for j in range(2):
            g = 2 * h + j
            jn = 1 - j
            wait_gather(g, j)

            @pl.when(g + 1 < n_chunks)
            def _():
                @pl.when(g >= 1)
                def _():
                    wait_wb(g - 1, jn)
                start_gather(g + 1, jn)

            start_wb(g, j)

    wait_wb(n_chunks - 2, 0)
    wait_wb(n_chunks - 1, 1)


@functools.cache
def _make_gather_sc(n_ids):
    per_tile = n_ids // (NC * NS)
    return pl.kernel(
        functools.partial(_gather_body, n_ids=n_ids),
        out_type=jax.ShapeDtypeStruct((n_ids, EMB), jnp.float32),
        mesh=_vector_mesh(),
        scratch_types=[
            pltpu.VMEM((per_tile,), jnp.int32),
            pltpu.VMEM((CH, EMB), jnp.float32),
            pltpu.VMEM((CH, EMB), jnp.float32),
            pltpu.SemaphoreType.DMA,
            pltpu.SemaphoreType.DMA,
            pltpu.SemaphoreType.DMA,
            pltpu.SemaphoreType.DMA,
        ],
        compiler_params=_sc_params,
    )



_RB = 2048


def _gated_body(x_ref, w0_ref, b0_ref, w1_ref, b1_ref, o_ref):
    x = x_ref[...]
    g0 = jax.nn.sigmoid(jnp.dot(x, w0_ref[...], preferred_element_type=jnp.float32)
                        + b0_ref[...])
    g1 = jax.nn.sigmoid(jnp.dot(x, w1_ref[...], preferred_element_type=jnp.float32)
                        + b1_ref[...])
    o_ref[0] = x * g0
    o_ref[1] = x * g1


def _gated_tc(user_emb, W0, b0, W1, b1):
    return pl.pallas_call(
        _gated_body,
        grid=(N_PAD // _RB,),
        in_specs=[
            pl.BlockSpec((_RB, EMB), lambda i: (i, 0)),
            pl.BlockSpec((EMB, EMB), lambda i: (0, 0)),
            pl.BlockSpec((1, EMB), lambda i: (0, 0)),
            pl.BlockSpec((EMB, EMB), lambda i: (0, 0)),
            pl.BlockSpec((1, EMB), lambda i: (0, 0)),
        ],
        out_specs=pl.BlockSpec((2, _RB, EMB), lambda i: (0, i, 0)),
        out_shape=jax.ShapeDtypeStruct((2, N_PAD, EMB), jnp.float32),
    )(user_emb, W0, b0, W1, b1)


def _norm_acc_body(acc_ref, u_ref, o_ref):
    u = u_ref[...]
    n = jnp.sqrt(jnp.sum(u * u, axis=-1, keepdims=True))
    o_ref[...] = acc_ref[...] + u / jnp.maximum(n, 1e-12)


def _norm_acc_tc(acc, u_new):
    spec = pl.BlockSpec((2, _RB, EMB), lambda i: (0, i, 0))
    return pl.pallas_call(
        _norm_acc_body,
        grid=(N_PAD // _RB,),
        in_specs=[spec, spec],
        out_specs=spec,
        out_shape=jax.ShapeDtypeStruct((2, N_PAD, EMB), jnp.float32),
    )(acc, u_new)


def _combine_body(acc_ref, att_ref, attm_ref, o_ref):
    a2 = acc_ref[0]
    a3 = acc_ref[1]
    att = att_ref[...]
    attm = attm_ref[...]
    w2 = jnp.sum(att * jnp.dot(a2, attm, preferred_element_type=jnp.float32),
                 axis=1, keepdims=True)
    w3 = jnp.sum(att * jnp.dot(a3, attm, preferred_element_type=jnp.float32),
                 axis=1, keepdims=True)
    m = jnp.maximum(w2, w3)
    e2 = jnp.exp(w2 - m)
    e3 = jnp.exp(w3 - m)
    inv = 1.0 / (e2 + e3)
    o_ref[...] = (e2 * inv) * a2 + (e3 * inv) * a3


def _combine_tc(acc, att, att_m):
    return pl.pallas_call(
        _combine_body,
        grid=(N_PAD // _RB,),
        in_specs=[
            pl.BlockSpec((2, _RB, EMB), lambda i: (0, i, 0)),
            pl.BlockSpec((1, EMB), lambda i: (0, 0)),
            pl.BlockSpec((EMB, EMB), lambda i: (0, 0)),
        ],
        out_specs=pl.BlockSpec((_RB, EMB), lambda i: (i, 0)),
        out_shape=jax.ShapeDtypeStruct((N_PAD, EMB), jnp.float32),
    )(acc, att, att_m)


_BB = 16


def _cascade_att_body(ids_ref, cas_ref, o_ref):
    cas = cas_ref[...]
    ids = ids_ref[...]
    src = cas[:, 0:1, :]
    sc = jnp.sum(cas * src, axis=2) * (1.0 / jnp.sqrt(jnp.float32(EMB)))
    sc = jnp.where(ids == 0, jnp.float32(-1e9), sc)
    m = jnp.max(sc, axis=1, keepdims=True)
    e = jnp.exp(sc - m)
    attn = e / jnp.sum(e, axis=1, keepdims=True)
    ctx = jnp.sum(attn[:, :, None] * cas, axis=1, keepdims=True)
    o_ref[...] = cas + ctx


def _cascade_att_tc(ids, cas):
    b, l, d = cas.shape
    return pl.pallas_call(
        _cascade_att_body,
        grid=(b // _BB,),
        in_specs=[
            pl.BlockSpec((_BB, l), lambda i: (i, 0)),
            pl.BlockSpec((_BB, l, d), lambda i: (i, 0, 0)),
        ],
        out_specs=pl.BlockSpec((_BB, l, d), lambda i: (i, 0, 0)),
        out_shape=jax.ShapeDtypeStruct((b, l, d), jnp.float32),
    )(ids, cas)


def kernel(input, H_item_idx, H_item_val, H_user_idx, H_user_val,
           user_emb, W0, b0, W1, b1, att, att_m):
    ids = input.astype(jnp.int32)
    b, l = ids.shape

    hi = H_item_idx.astype(jnp.int32)
    hu = H_user_idx.astype(jnp.int32)
    hu_src = hu[1] + jnp.int32(N_PAD)
    zpad = jnp.zeros((NCH, CH), jnp.int32)
    pk = jnp.stack([
        jnp.stack([hi[0].reshape(NCH, CH), hi[1].reshape(NCH, CH),
                   H_item_val.view(jnp.int32).reshape(NCH, CH), zpad], axis=1),
        jnp.stack([hu[0].reshape(NCH, CH), hu_src.reshape(NCH, CH),
                   H_user_val.view(jnp.int32).reshape(NCH, CH), zpad], axis=1),
    ]).reshape(2 * NCH, 4, CH)

    emb_pad = jnp.pad(user_emb, ((0, N_PAD - N_NODE), (0, 0)))
    u_cur = _gated_tc(emb_pad, W0, b0, W1, b1)

    def layer(carry, _):
        u, a = carry
        u = _make_spmm_sc()(u.reshape(2 * N_PAD, EMB), pk)
        return (u, _norm_acc_tc(a, u)), None

    (_, acc), _ = lax.scan(layer, (u_cur, u_cur), None, length=LAYERS)

    hg = _combine_tc(acc, att, att_m)

    cas_flat = _make_gather_sc(b * l)(hg, ids.reshape(-1))
    cas = cas_flat.reshape(b, l, EMB)
    l_cas = _cascade_att_tc(ids, cas)
    return (l_cas, cas)

# --- scband reference (transcript-rebuilt; emitter-appended) ---
"""Pipeline reference for scband-lstmgnn-27977416966548 (READ-ONLY COPY).

The authoritative reference and input builder live on the scoring server;
editing this copy changes nothing except your own understanding.
"""

import jax, jax.numpy as jnp
import numpy as np

N_NODE = 10000
EMB = 128
LAYERS = 2
B = 1024
L = 200
NNZ = 320000


def _spmm(idx, val, x):
    # sparse [N_NODE, N_NODE] @ dense [N_NODE, d]; idx[0]=row (dst), idx[1]=col (src)
    gathered = x[idx[1]] * val[:, None]
    return jnp.zeros((N_NODE, x.shape[1]), x.dtype).at[idx[0]].add(gathered)


def _normalize(x):
    n = jnp.sqrt(jnp.sum(x * x, axis=1, keepdims=True))
    return x / jnp.maximum(n, 1e-12)


def _structure_embed(user_emb, W0, b0, W1, b1, att, att_m, hi_idx, hi_val, hu_idx, hu_val):
    # eval mode: no graph dropout
    u2 = user_emb * jax.nn.sigmoid(user_emb @ W0 + b0)
    u3 = user_emb * jax.nn.sigmoid(user_emb @ W1 + b1)
    acc2 = u2
    acc3 = u3
    for _ in range(LAYERS):
        u2 = _spmm(hi_idx, hi_val, u2)
        acc2 = acc2 + _normalize(u2)
        u3 = _spmm(hu_idx, hu_val, u3)
        acc3 = acc3 + _normalize(u3)
    w2 = jnp.sum(att * (acc2 @ att_m), axis=1)
    w3 = jnp.sum(att * (acc3 @ att_m), axis=1)
    score = jax.nn.softmax(jnp.stack([w2, w3], axis=0).T, axis=-1)
    return score[:, 0:1] * acc2 + score[:, 1:2] * acc3


def _forward(input_ids, hi_idx, hi_val, hu_idx, hu_val, user_emb, W0, b0, W1, b1, att, att_m):
    mask = input_ids == 0
    HG = _structure_embed(user_emb, W0, b0, W1, b1, att, att_m, hi_idx, hi_val, hu_idx, hu_val)
    cas = jnp.take(HG, input_ids, axis=0)  # F.embedding(input, HG_Uemb)
    src = cas[:, 0, :]
    # Long_term_atention: source-query attention over the cascade + residual
    scores = jnp.einsum('bd,bld->bl', src, cas) / jnp.sqrt(jnp.float32(EMB))
    scores = jnp.where(mask, jnp.float32(-1e9), scores)
    attn = jax.nn.softmax(scores, axis=-1)
    ctx = jnp.einsum('bl,bld->bd', attn, cas)
    L_cas = cas + ctx[:, None, :]
    # past_multi_att / pre_y do not contribute to the returned tuple (dead code)
    return (L_cas, cas)


def setup_inputs(seed: int = 0) -> dict:
    key = jax.random.key(seed)
    ks = jax.random.split(key, 12)
    stdv = 1.0 / float(np.sqrt(EMB))
    def u(k, shape):
        return jax.random.uniform(k, shape, jnp.float32, -stdv, stdv)
    return {
        "input": jax.random.randint(ks[0], (B, L), 0, N_NODE),
        "H_item_idx": jax.random.randint(ks[1], (2, NNZ), 0, N_NODE),
        "H_item_val": jax.random.uniform(ks[2], (NNZ,), jnp.float32) * (1.0 / 32.0),
        "H_user_idx": jax.random.randint(ks[3], (2, NNZ), 0, N_NODE),
        "H_user_val": jax.random.uniform(ks[4], (NNZ,), jnp.float32) * (1.0 / 32.0),
        "user_emb": u(ks[5], (N_NODE, EMB)),
        "W0": u(ks[6], (EMB, EMB)),
        "b0": u(ks[7], (1, EMB)),
        "W1": u(ks[8], (EMB, EMB)),
        "b1": u(ks[9], (1, EMB)),
        "att": u(ks[10], (1, EMB)),
        "att_m": u(ks[11], (EMB, EMB)),
    }


def reference(input, H_item_idx, H_item_val, H_user_idx, H_user_val, user_emb, W0, b0, W1, b1, att, att_m):
    return _forward(input, H_item_idx, H_item_val, H_user_idx, H_user_val, user_emb, W0, b0, W1, b1, att, att_m)

if __name__ == "__main__":
    import jax
    _d = setup_inputs()
    print(jax.jit(kernel)(*tuple(_d.values())))

</pallas_src>

<mosaic_0001>
#map = affine_map<(d0, d1) -> (0, 0)>
#map1 = affine_map<(d0, d1) -> (0, 0, 0)>
module attributes {stable_mosaic.version = 14 : i64} {
  func.func @_spmm_body(%arg0: i32, %arg1: i32, %arg2: memref<20480x128xf32, #tpu.memory_space<hbm>>, %arg3: memref<5000x4x128xi32, #tpu.memory_space<hbm>>, %arg4: memref<2x10240x128xf32, #tpu.memory_space<hbm>>, %arg5: memref<4x128xi32, #tpu.memory_space<vmem>>, %arg6: memref<4x128xi32, #tpu.memory_space<vmem>>, %arg7: memref<4x128xi32, #tpu.memory_space<vmem>>, %arg8: memref<128x128xf32, #tpu.memory_space<vmem>>, %arg9: memref<128x128xf32, #tpu.memory_space<vmem>>, %arg10: memref<!tpu.dma_semaphore, #tpu.memory_space<semaphore_mem>>, %arg11: memref<!tpu.dma_semaphore, #tpu.memory_space<semaphore_mem>>, %arg12: memref<!tpu.dma_semaphore, #tpu.memory_space<semaphore_mem>>, %arg13: memref<!tpu.dma_semaphore, #tpu.memory_space<semaphore_mem>>, %arg14: memref<!tpu.dma_semaphore, #tpu.memory_space<semaphore_mem>>, %arg15: memref<!tpu.dma_semaphore, #tpu.memory_space<semaphore_mem>>, %arg16: memref<!tpu.dma_semaphore, #tpu.memory_space<semaphore_mem>>, %arg17: memref<10240x128xf32, #tpu.memory_space<vmem_shared>>) attributes {dimension_semantics = [#tpu.dimension_semantics<core_parallel>, #tpu.dimension_semantics<subcore_parallel>], iteration_bounds = array<i64: 2, 16>, scalar_prefetch = 0 : i64, scratch_operands = 13 : i64, tpu.core_type = #tpu.core_type<sc_vector_subcore>, window_params = [{transform_indices = #map}, {transform_indices = #map1}, {transform_indices = #map1}]} {
    %scan3A = arith.constant 0 : i32
    %scan3A_0 = arith.constant 128 : i32
    %scan3A_1 = arith.addi %scan3A, %scan3A_0 : i32
    %scan3A_2 = arith.constant 1 : i32
    scf.for %scan3A_96 = %scan3A to %scan3A_1 step %scan3A_2  : i32 {
      %mul3A_97 = arith.constant 1 : i32
      %mul3A_98 = arith.muli %scan3A_96, %mul3A_97 : i32
      %add3A_99 = arith.constant 0 : i32
      %add3A_100 = arith.addi %add3A_99, %mul3A_98 : i32
      %broadcast_in_dim3A = arith.constant 0.000000e+00 : f32
      %broadcast_in_dim3A_101 = vector.broadcast %broadcast_in_dim3A : f32 to vector<16xf32>
      %swap3A = arith.index_cast %add3A_100 : i32 to index
      %swap3A_102 = arith.constant 0 : index
      %swap3A_103 = tpu.vector_load %arg8[%swap3A, %swap3A_102] {strides = array<i32>} : memref<128x128xf32, #tpu.memory_space<vmem>>, vector<16xf32>,
      tpu.vector_store %arg8[%swap3A, %swap3A_102], %broadcast_in_dim3A_101 {strides = array<i32>} : memref<128x128xf32, #tpu.memory_space<vmem>>, vector<16xf32>,
      %broadcast_in_dim3A_104 = arith.constant 0.000000e+00 : f32
      %broadcast_in_dim3A_105 = vector.broadcast %broadcast_in_dim3A_104 : f32 to vector<16xf32>
      %swap3A_106 = arith.index_cast %add3A_100 : i32 to index
      %swap3A_107 = arith.constant 16 : index
      %swap3A_108 = tpu.vector_load %arg8[%swap3A_106, %swap3A_107] {strides = array<i32>} : memref<128x128xf32, #tpu.memory_space<vmem>>, vector<16xf32>,
      tpu.vector_store %arg8[%swap3A_106, %swap3A_107], %broadcast_in_dim3A_105 {strides = array<i32>} : memref<128x128xf32, #tpu.memory_space<vmem>>, vector<16xf32>,
      %broadcast_in_dim3A_109 = arith.constant 0.000000e+00 : f32
      %broadcast_in_dim3A_110 = vector.broadcast %broadcast_in_dim3A_109 : f32 to vector<16xf32>
      %swap3A_111 = arith.index_cast %add3A_100 : i32 to index
      %swap3A_112 = arith.constant 32 : index
      %swap3A_113 = tpu.vector_load %arg8[%swap3A_111, %swap3A_112] {strides = array<i32>} : memref<128x128xf32, #tpu.memory_space<vmem>>, vector<16xf32>,
      tpu.vector_store %arg8[%swap3A_111, %swap3A_112], %broadcast_in_dim3A_110 {strides = array<i32>} : memref<128x128xf32, #tpu.memory_space<vmem>>, vector<16xf32>,
      %broadcast_in_dim3A_114 = arith.constant 0.000000e+00 : f32
      %broadcast_in_dim3A_115 = vector.broadcast %broadcast_in_dim3A_114 : f32 to vector<16xf32>
      %swap3A_116 = arith.index_cast %add3A_100 : i32 to index
      %swap3A_117 = arith.constant 48 : index
      %swap3A_118 = tpu.vector_load %arg8[%swap3A_116, %swap3A_117] {strides = array<i32>} : memref<128x128xf32, #tpu.memory_space<vmem>>, vector<16xf32>,
      tpu.vector_store %arg8[%swap3A_116, %swap3A_117], %broadcast_in_dim3A_115 {strides = array<i32>} : memref<128x128xf32, #tpu.memory_space<vmem>>, vector<16xf32>,
      %broadcast_in_dim3A_119 = arith.constant 0.000000e+00 : f32
      %broadcast_in_dim3A_120 = vector.broadcast %broadcast_in_dim3A_119 : f32 to vector<16xf32>
      %swap3A_121 = arith.index_cast %add3A_100 : i32 to index
      %swap3A_122 = arith.constant 64 : index
      %swap3A_123 = tpu.vector_load %arg8[%swap3A_121, %swap3A_122] {strides = array<i32>} : memref<128x128xf32, #tpu.memory_space<vmem>>, vector<16xf32>,
      tpu.vector_store %arg8[%swap3A_121, %swap3A_122], %broadcast_in_dim3A_120 {strides = array<i32>} : memref<128x128xf32, #tpu.memory_space<vmem>>, vector<16xf32>,
      %broadcast_in_dim3A_124 = arith.constant 0.000000e+00 : f32
      %broadcast_in_dim3A_125 = vector.broadcast %broadcast_in_dim3A_124 : f32 to vector<16xf32>
      %swap3A_126 = arith.index_cast %add3A_100 : i32 to index
      %swap3A_127 = arith.constant 80 : index
      %swap3A_128 = tpu.vector_load %arg8[%swap3A_126, %swap3A_127] {strides = array<i32>} : memref<128x128xf32, #tpu.memory_space<vmem>>, vector<16xf32>,
      tpu.vector_store %arg8[%swap3A_126, %swap3A_127], %broadcast_in_dim3A_125 {strides = array<i32>} : memref<128x128xf32, #tpu.memory_space<vmem>>, vector<16xf32>,
      %broadcast_in_dim3A_129 = arith.constant 0.000000e+00 : f32
      %broadcast_in_dim3A_130 = vector.broadcast %broadcast_in_dim3A_129 : f32 to vector<16xf32>
      %swap3A_131 = arith.index_cast %add3A_100 : i32 to index
      %swap3A_132 = arith.constant 96 : index
      %swap3A_133 = tpu.vector_load %arg8[%swap3A_131, %swap3A_132] {strides = array<i32>} : memref<128x128xf32, #tpu.memory_space<vmem>>, vector<16xf32>,
      tpu.vector_store %arg8[%swap3A_131, %swap3A_132], %broadcast_in_dim3A_130 {strides = array<i32>} : memref<128x128xf32, #tpu.memory_space<vmem>>, vector<16xf32>,
      %broadcast_in_dim3A_134 = arith.constant 0.000000e+00 : f32
      %broadcast_in_dim3A_135 = vector.broadcast %broadcast_in_dim3A_134 : f32 to vector<16xf32>
      %swap3A_136 = arith.index_cast %add3A_100 : i32 to index
      %swap3A_137 = arith.constant 112 : index
      %swap3A_138 = tpu.vector_load %arg8[%swap3A_136, %swap3A_137] {strides = array<i32>} : memref<128x128xf32, #tpu.memory_space<vmem>>, vector<16xf32>,
      tpu.vector_store %arg8[%swap3A_136, %swap3A_137], %broadcast_in_dim3A_135 {strides = array<i32>} : memref<128x128xf32, #tpu.memory_space<vmem>>, vector<16xf32>,
    }
    %scan3A_3 = arith.constant 128 : i32
    %mul3A = arith.constant 640 : i32
    %mul3A_4 = arith.muli %arg1, %mul3A : i32
    %add3A = arith.constant 0 : i32
    %add3A_5 = arith.addi %mul3A_4, %add3A : i32
    "tpu.region"() ({
      %run_scoped3A = tpu.sem_alloc : memref<!tpu.dma_semaphore, #tpu.memory_space<semaphore_mem>>
      %dma_start3A_96 = arith.constant 0 : i32
      %dma_start3A_97 = tpu.memref_slice %arg17[%add3A_5, %dma_start3A_96] : memref<10240x128xf32, #tpu.memory_space<vmem_shared>> -> memref<128x128xf32, #tpu.memory_space<vmem_shared>>
      %dma_start3A_98 = arith.constant 0 : i32
      %dma_start3A_99 = tpu.memref_slice %arg17[%add3A_5, %dma_start3A_98] : memref<10240x128xf32, #tpu.memory_space<vmem_shared>> -> memref<128x128xf32, #tpu.memory_space<vmem_shared>>
      tpu.enqueue_dma source(%arg8 : memref<128x128xf32, #tpu.memory_space<vmem>>) target(%dma_start3A_99 : memref<128x128xf32, #tpu.memory_space<vmem_shared>>) target_semaphore(%run_scoped3A : memref<!tpu.dma_semaphore, #tpu.memory_space<semaphore_mem>>)
      %dma_wait3A_100 = arith.constant 0 : i32
      %dma_wait3A_101 = tpu.memref_slice %arg17[%add3A_5, %dma_wait3A_100] : memref<10240x128xf32, #tpu.memory_space<vmem_shared>> -> memref<128x128xf32, #tpu.memory_space<vmem_shared>>
      %dma_wait3A_102 = arith.constant 0 : i32
      %dma_wait3A_103 = tpu.memref_slice %arg17[%add3A_5, %dma_wait3A_102] : memref<10240x128xf32, #tpu.memory_space<vmem_shared>> -> memref<128x128xf32, #tpu.memory_space<vmem_shared>>
      tpu.wait_dma2 semaphore(%run_scoped3A : memref<!tpu.dma_semaphore, #tpu.memory_space<semaphore_mem>>) src(%arg8 : memref<128x128xf32, #tpu.memory_space<vmem>>) dst(%dma_wait3A_103 : memref<128x128xf32, #tpu.memory_space<vmem_shared>>)
      tpu.yield
    }) : () -> ()
    %add3A_6 = arith.constant 128 : i32
    %add3A_7 = arith.addi %mul3A_4, %add3A_6 : i32
    "tpu.region"() ({
      %run_scoped3A = tpu.sem_alloc : memref<!tpu.dma_semaphore, #tpu.memory_space<semaphore_mem>>
      %dma_start3A_96 = arith.constant 0 : i32
      %dma_start3A_97 = tpu.memref_slice %arg17[%add3A_7, %dma_start3A_96] : memref<10240x128xf32, #tpu.memory_space<vmem_shared>> -> memref<128x128xf32, #tpu.memory_space<vmem_shared>>
      %dma_start3A_98 = arith.constant 0 : i32
      %dma_start3A_99 = tpu.memref_slice %arg17[%add3A_7, %dma_start3A_98] : memref<10240x128xf32, #tpu.memory_space<vmem_shared>> -> memref<128x128xf32, #tpu.memory_space<vmem_shared>>
      tpu.enqueue_dma source(%arg8 : memref<128x128xf32, #tpu.memory_space<vmem>>) target(%dma_start3A_99 : memref<128x128xf32, #tpu.memory_space<vmem_shared>>) target_semaphore(%run_scoped3A : memref<!tpu.dma_semaphore, #tpu.memory_space<semaphore_mem>>)
      %dma_wait3A_100 = arith.constant 0 : i32
      %dma_wait3A_101 = tpu.memref_slice %arg17[%add3A_7, %dma_wait3A_100] : memref<10240x128xf32, #tpu.memory_space<vmem_shared>> -> memref<128x128xf32, #tpu.memory_space<vmem_shared>>
      %dma_wait3A_102 = arith.constant 0 : i32
      %dma_wait3A_103 = tpu.memref_slice %arg17[%add3A_7, %dma_wait3A_102] : memref<10240x128xf32, #tpu.memory_space<vmem_shared>> -> memref<128x128xf32, #tpu.memory_space<vmem_shared>>
      tpu.wait_dma2 semaphore(%run_scoped3A : memref<!tpu.dma_semaphore, #tpu.memory_space<semaphore_mem>>) src(%arg8 : memref<128x128xf32, #tpu.memory_space<vmem>>) dst(%dma_wait3A_103 : memref<128x128xf32, #tpu.memory_space<vmem_shared>>)
      tpu.yield
    }) : () -> ()
    %add3A_8 = arith.constant 256 : i32
    %add3A_9 = arith.addi %mul3A_4, %add3A_8 : i32
    "tpu.region"() ({
      %run_scoped3A = tpu.sem_alloc : memref<!tpu.dma_semaphore, #tpu.memory_space<semaphore_mem>>
      %dma_start3A_96 = arith.constant 0 : i32
      %dma_start3A_97 = tpu.memref_slice %arg17[%add3A_9, %dma_start3A_96] : memref<10240x128xf32, #tpu.memory_space<vmem_shared>> -> memref<128x128xf32, #tpu.memory_space<vmem_shared>>
      %dma_start3A_98 = arith.constant 0 : i32
      %dma_start3A_99 = tpu.memref_slice %arg17[%add3A_9, %dma_start3A_98] : memref<10240x128xf32, #tpu.memory_space<vmem_shared>> -> memref<128x128xf32, #tpu.memory_space<vmem_shared>>
      tpu.enqueue_dma source(%arg8 : memref<128x128xf32, #tpu.memory_space<vmem>>) target(%dma_start3A_99 : memref<128x128xf32, #tpu.memory_space<vmem_shared>>) target_semaphore(%run_scoped3A : memref<!tpu.dma_semaphore, #tpu.memory_space<semaphore_mem>>)
      %dma_wait3A_100 = arith.constant 0 : i32
      %dma_wait3A_101 = tpu.memref_slice %arg17[%add3A_9, %dma_wait3A_100] : memref<10240x128xf32, #tpu.memory_space<vmem_shared>> -> memref<128x128xf32, #tpu.memory_space<vmem_shared>>
      %dma_wait3A_102 = arith.constant 0 : i32
      %dma_wait3A_103 = tpu.memref_slice %arg17[%add3A_9, %dma_wait3A_102] : memref<10240x128xf32, #tpu.memory_space<vmem_shared>> -> memref<128x128xf32, #tpu.memory_space<vmem_shared>>
      tpu.wait_dma2 semaphore(%run_scoped3A : memref<!tpu.dma_semaphore, #tpu.memory_space<semaphore_mem>>) src(%arg8 : memref<128x128xf32, #tpu.memory_space<vmem>>) dst(%dma_wait3A_103 : memref<128x128xf32, #tpu.memory_space<vmem_shared>>)
      tpu.yield
    }) : () -> ()
    %add3A_10 = arith.constant 384 : i32
    %add3A_11 = arith.addi %mul3A_4, %add3A_10 : i32
    "tpu.region"() ({
      %run_scoped3A = tpu.sem_alloc : memref<!tpu.dma_semaphore, #tpu.memory_space<semaphore_mem>>
      %dma_start3A_96 = arith.constant 0 : i32
      %dma_start3A_97 = tpu.memref_slice %arg17[%add3A_11, %dma_start3A_96] : memref<10240x128xf32, #tpu.memory_space<vmem_shared>> -> memref<128x128xf32, #tpu.memory_space<vmem_shared>>
      %dma_start3A_98 = arith.constant 0 : i32
      %dma_start3A_99 = tpu.memref_slice %arg17[%add3A_11, %dma_start3A_98] : memref<10240x128xf32, #tpu.memory_space<vmem_shared>> -> memref<128x128xf32, #tpu.memory_space<vmem_shared>>
      tpu.enqueue_dma source(%arg8 : memref<128x128xf32, #tpu.memory_space<vmem>>) target(%dma_start3A_99 : memref<128x128xf32, #tpu.memory_space<vmem_shared>>) target_semaphore(%run_scoped3A : memref<!tpu.dma_semaphore, #tpu.memory_space<semaphore_mem>>)
      %dma_wait3A_100 = arith.constant 0 : i32
      %dma_wait3A_101 = tpu.memref_slice %arg17[%add3A_11, %dma_wait3A_100] : memref<10240x128xf32, #tpu.memory_space<vmem_shared>> -> memref<128x128xf32, #tpu.memory_space<vmem_shared>>
      %dma_wait3A_102 = arith.constant 0 : i32
      %dma_wait3A_103 = tpu.memref_slice %arg17[%add3A_11, %dma_wait3A_102] : memref<10240x128xf32, #tpu.memory_space<vmem_shared>> -> memref<128x128xf32, #tpu.memory_space<vmem_shared>>
      tpu.wait_dma2 semaphore(%run_scoped3A : memref<!tpu.dma_semaphore, #tpu.memory_space<semaphore_mem>>) src(%arg8 : memref<128x128xf32, #tpu.memory_space<vmem>>) dst(%dma_wait3A_103 : memref<128x128xf32, #tpu.memory_space<vmem_shared>>)
      tpu.yield
    }) : () -> ()
    %add3A_12 = arith.constant 512 : i32
    %add3A_13 = arith.addi %mul3A_4, %add3A_12 : i32
    "tpu.region"() ({
      %run_scoped3A = tpu.sem_alloc : memref<!tpu.dma_semaphore, #tpu.memory_space<semaphore_mem>>
      %dma_start3A_96 = arith.constant 0 : i32
      %dma_start3A_97 = tpu.memref_slice %arg17[%add3A_13, %dma_start3A_96] : memref<10240x128xf32, #tpu.memory_space<vmem_shared>> -> memref<128x128xf32, #tpu.memory_space<vmem_shared>>
      %dma_start3A_98 = arith.constant 0 : i32
      %dma_start3A_99 = tpu.memref_slice %arg17[%add3A_13, %dma_start3A_98] : memref<10240x128xf32, #tpu.memory_space<vmem_shared>> -> memref<128x128xf32, #tpu.memory_space<vmem_shared>>
      tpu.enqueue_dma source(%arg8 : memref<128x128xf32, #tpu.memory_space<vmem>>) target(%dma_start3A_99 : memref<128x128xf32, #tpu.memory_space<vmem_shared>>) target_semaphore(%run_scoped3A : memref<!tpu.dma_semaphore, #tpu.memory_space<semaphore_mem>>)
      %dma_wait3A_100 = arith.constant 0 : i32
      %dma_wait3A_101 = tpu.memref_slice %arg17[%add3A_13, %dma_wait3A_100] : memref<10240x128xf32, #tpu.memory_space<vmem_shared>> -> memref<128x128xf32, #tpu.memory_space<vmem_shared>>
      %dma_wait3A_102 = arith.constant 0 : i32
      %dma_wait3A_103 = tpu.memref_slice %arg17[%add3A_13, %dma_wait3A_102] : memref<10240x128xf32, #tpu.memory_space<vmem_shared>> -> memref<128x128xf32, #tpu.memory_space<vmem_shared>>
      tpu.wait_dma2 semaphore(%run_scoped3A : memref<!tpu.dma_semaphore, #tpu.memory_space<semaphore_mem>>) src(%arg8 : memref<128x128xf32, #tpu.memory_space<vmem>>) dst(%dma_wait3A_103 : memref<128x128xf32, #tpu.memory_space<vmem_shared>>)
      tpu.yield
    }) : () -> ()
    %barrier3A = arith.constant 0 : index
    tpu.barrier barrier_id(%barrier3A)
    %mul3A_14 = arith.constant 2500 : i32
    %mul3A_15 = arith.muli %arg0, %mul3A_14 : i32
    %mul3A_16 = arith.constant 156 : i32
    %mul3A_17 = arith.muli %arg1, %mul3A_16 : i32
    %add3A_18 = arith.addi %mul3A_15, %mul3A_17 : i32
    %add3A_19 = arith.constant 0 : i32
    %add3A_20 = arith.addi %add3A_18, %add3A_19 : i32
    %dma_start3A = arith.constant 0 : i32
    %dma_start3A_21 = arith.constant 0 : i32
    %dma_start3A_22 = tpu.memref_slice %arg3[%add3A_20, %dma_start3A, %dma_start3A_21] : memref<5000x4x128xi32, #tpu.memory_space<hbm>> -> memref<1x4x128xi32, #tpu.memory_space<hbm>>
    %dma_start3A_23 = tpu.memref_squeeze %dma_start3A_22 : memref<1x4x128xi32, #tpu.memory_space<hbm>> -> memref<4x128xi32, #tpu.memory_space<hbm>>
    %dma_start3A_24 = arith.constant 0 : i32
    %dma_start3A_25 = arith.constant 0 : i32
    %dma_start3A_26 = tpu.memref_slice %arg3[%add3A_20, %dma_start3A_24, %dma_start3A_25] : memref<5000x4x128xi32, #tpu.memory_space<hbm>> -> memref<1x4x128xi32, #tpu.memory_space<hbm>>
    %dma_start3A_27 = tpu.memref_squeeze %dma_start3A_26 : memref<1x4x128xi32, #tpu.memory_space<hbm>> -> memref<4x128xi32, #tpu.memory_space<hbm>>
    tpu.enqueue_dma source(%dma_start3A_27 : memref<4x128xi32, #tpu.memory_space<hbm>>) target(%arg5 : memref<4x128xi32, #tpu.memory_space<vmem>>) target_semaphore(%arg12 : memref<!tpu.dma_semaphore, #tpu.memory_space<semaphore_mem>>)
    %add3A_28 = arith.constant 0 : i32
    %add3A_29 = arith.addi %add3A_18, %add3A_28 : i32
    %dma_wait3A = arith.constant 0 : i32
    %dma_wait3A_30 = arith.constant 0 : i32
    %dma_wait3A_31 = tpu.memref_slice %arg3[%add3A_29, %dma_wait3A, %dma_wait3A_30] : memref<5000x4x128xi32, #tpu.memory_space<hbm>> -> memref<1x4x128xi32, #tpu.memory_space<hbm>>
    %dma_wait3A_32 = tpu.memref_squeeze %dma_wait3A_31 : memref<1x4x128xi32, #tpu.memory_space<hbm>> -> memref<4x128xi32, #tpu.memory_space<hbm>>
    %dma_wait3A_33 = arith.constant 0 : i32
    %dma_wait3A_34 = arith.constant 0 : i32
    %dma_wait3A_35 = tpu.memref_slice %arg3[%add3A_29, %dma_wait3A_33, %dma_wait3A_34] : memref<5000x4x128xi32, #tpu.memory_space<hbm>> -> memref<1x4x128xi32, #tpu.memory_space<hbm>>
    %dma_wait3A_36 = tpu.memref_squeeze %dma_wait3A_35 : memref<1x4x128xi32, #tpu.memory_space<hbm>> -> memref<4x128xi32, #tpu.memory_space<hbm>>
    tpu.wait_dma2 semaphore(%arg12 : memref<!tpu.dma_semaphore, #tpu.memory_space<semaphore_mem>>) src(%dma_wait3A_36 : memref<4x128xi32, #tpu.memory_space<hbm>>) dst(%arg5 : memref<4x128xi32, #tpu.memory_space<vmem>>)
    %dma_start3A_37 = arith.constant 1 : i32
    %dma_start3A_38 = arith.constant 0 : i32
    %dma_start3A_39 = tpu.memref_slice %arg5[%dma_start3A_37, %dma_start3A_38] : memref<4x128xi32, #tpu.memory_space<vmem>> -> memref<1x128xi32, #tpu.memory_space<vmem>>
    %dma_start3A_40 = tpu.memref_squeeze %dma_start3A_39 : memref<1x128xi32, #tpu.memory_space<vmem>> -> memref<128xi32, #tpu.memory_space<vmem>>
    %dma_start3A_41 = arith.constant 0 : i32
    %dma_start3A_42 = arith.constant 0 : i32
    %dma_start3A_43 = tpu.memref_slice %arg2[%dma_start3A_41, %dma_start3A_42] : memref<20480x128xf32, #tpu.memory_space<hbm>> -> memref<20480x128xf32, #tpu.memory_space<hbm>>
    tpu.enqueue_indirect_dma source(%dma_start3A_43 : memref<20480x128xf32, #tpu.memory_space<hbm>>) target(%arg8 : memref<128x128xf32, #tpu.memory_space<vmem>>) offsets(%dma_start3A_40 : memref<128xi32, #tpu.memory_space<vmem>>) semaphore(%arg10 : memref<!tpu.dma_semaphore, #tpu.memory_space<semaphore_mem>>)
    %add3A_44 = arith.constant 1 : i32
    %add3A_45 = arith.addi %add3A_18, %add3A_44 : i32
    %dma_start3A_46 = arith.constant 0 : i32
    %dma_start3A_47 = arith.constant 0 : i32
    %dma_start3A_48 = tpu.memref_slice %arg3[%add3A_45, %dma_start3A_46, %dma_start3A_47] : memref<5000x4x128xi32, #tpu.memory_space<hbm>> -> memref<1x4x128xi32, #tpu.memory_space<hbm>>
    %dma_start3A_49 = tpu.memref_squeeze %dma_start3A_48 : memref<1x4x128xi32, #tpu.memory_space<hbm>> -> memref<4x128xi32, #tpu.memory_space<hbm>>
    %dma_start3A_50 = arith.constant 0 : i32
    %dma_start3A_51 = arith.constant 0 : i32
    %dma_start3A_52 = tpu.memref_slice %arg3[%add3A_45, %dma_start3A_50, %dma_start3A_51] : memref<5000x4x128xi32, #tpu.memory_space<hbm>> -> memref<1x4x128xi32, #tpu.memory_space<hbm>>
    %dma_start3A_53 = tpu.memref_squeeze %dma_start3A_52 : memref<1x4x128xi32, #tpu.memory_space<hbm>> -> memref<4x128xi32, #tpu.memory_space<hbm>>
    tpu.enqueue_dma source(%dma_start3A_53 : memref<4x128xi32, #tpu.memory_space<hbm>>) target(%arg6 : memref<4x128xi32, #tpu.memory_space<vmem>>) target_semaphore(%arg13 : memref<!tpu.dma_semaphore, #tpu.memory_space<semaphore_mem>>)
    %scan3A_54 = arith.constant 0 : i32
    %scan3A_55 = arith.constant 26 : i32
    %scan3A_56 = arith.addi %scan3A_54, %scan3A_55 : i32
    %scan3A_57 = arith.constant 1 : i32
    scf.for %scan3A_96 = %scan3A_54 to %scan3A_56 step %scan3A_57  : i32 {
      %mul3A_97 = arith.constant 1 : i32
      %mul3A_98 = arith.muli %scan3A_96, %mul3A_97 : i32
      %add3A_99 = arith.constant 0 : i32
      %add3A_100 = arith.addi %add3A_99, %mul3A_98 : i32
      %mul3A_101 = arith.constant 6 : i32
      %mul3A_102 = arith.muli %mul3A_101, %add3A_100 : i32
      %add3A_103 = arith.constant 0 : i32
      %add3A_104 = arith.addi %mul3A_102, %add3A_103 : i32
      %dma_wait3A_105 = arith.constant 1 : i32
      %dma_wait3A_106 = arith.constant 0 : i32
      %dma_wait3A_107 = tpu.memref_slice %arg5[%dma_wait3A_105, %dma_wait3A_106] : memref<4x128xi32, #tpu.memory_space<vmem>> -> memref<1x128xi32, #tpu.memory_space<vmem>>
      %dma_wait3A_108 = tpu.memref_squeeze %dma_wait3A_107 : memref<1x128xi32, #tpu.memory_space<vmem>> -> memref<128xi32, #tpu.memory_space<vmem>>
      %dma_wait3A_109 = arith.constant 0 : i32
      %dma_wait3A_110 = arith.constant 0 : i32
      %dma_wait3A_111 = tpu.memref_slice %arg2[%dma_wait3A_109, %dma_wait3A_110] : memref<20480x128xf32, #tpu.memory_space<hbm>> -> memref<20480x128xf32, #tpu.memory_space<hbm>>
      tpu.wait_indirect_dma semaphore(%arg10 : memref<!tpu.dma_semaphore, #tpu.memory_space<semaphore_mem>>) src(%dma_wait3A_111 : memref<20480x128xf32, #tpu.memory_space<hbm>>) dst(%arg8 : memref<128x128xf32, #tpu.memory_space<vmem>>)
      %add3A_112 = arith.constant 1 : i32
      %add3A_113 = arith.addi %add3A_104, %add3A_112 : i32
      %lt3A = arith.constant 156 : i32
      %lt3A_114 = arith.cmpi slt, %add3A_113, %lt3A : i32
      %convert_element_type3A_115 = arith.extui %lt3A_114 : i1 to i32
      %cond3A_116 = arith.constant 0 : i32
      %cond3A_117 = arith.cmpi ne, %convert_element_type3A_115, %cond3A_116 : i32
      scf.if %cond3A_117 {
        %add3A_309 = arith.constant 1 : i32
        %add3A_310 = arith.addi %add3A_104, %add3A_309 : i32
        %add3A_311 = arith.addi %add3A_18, %add3A_310 : i32
        %dma_wait3A_312 = arith.constant 0 : i32
        %dma_wait3A_313 = arith.constant 0 : i32
        %dma_wait3A_314 = tpu.memref_slice %arg3[%add3A_311, %dma_wait3A_312, %dma_wait3A_313] : memref<5000x4x128xi32, #tpu.memory_space<hbm>> -> memref<1x4x128xi32, #tpu.memory_space<hbm>>
        %dma_wait3A_315 = tpu.memref_squeeze %dma_wait3A_314 : memref<1x4x128xi32, #tpu.memory_space<hbm>> -> memref<4x128xi32, #tpu.memory_space<hbm>>
        %dma_wait3A_316 = arith.constant 0 : i32
        %dma_wait3A_317 = arith.constant 0 : i32
        %dma_wait3A_318 = tpu.memref_slice %arg3[%add3A_311, %dma_wait3A_316, %dma_wait3A_317] : memref<5000x4x128xi32, #tpu.memory_space<hbm>> -> memref<1x4x128xi32, #tpu.memory_space<hbm>>
        %dma_wait3A_319 = tpu.memref_squeeze %dma_wait3A_318 : memref<1x4x128xi32, #tpu.memory_space<hbm>> -> memref<4x128xi32, #tpu.memory_space<hbm>>
        tpu.wait_dma2 semaphore(%arg13 : memref<!tpu.dma_semaphore, #tpu.memory_space<semaphore_mem>>) src(%dma_wait3A_319 : memref<4x128xi32, #tpu.memory_space<hbm>>) dst(%arg6 : memref<4x128xi32, #tpu.memory_space<vmem>>)
        %ge3A = arith.constant 1 : i32
        %ge3A_320 = arith.cmpi sge, %add3A_104, %ge3A : i32
        %convert_element_type3A_321 = arith.extui %ge3A_320 : i1 to i32
        %cond3A_322 = arith.constant 0 : i32
        %cond3A_323 = arith.cmpi ne, %convert_element_type3A_321, %cond3A_322 : i32
        scf.if %cond3A_323 {
          %dma_wait3A_331 = arith.constant 0 : i32
          %dma_wait3A_332 = arith.constant 0 : i32
          %dma_wait3A_333 = tpu.memref_slice %arg7[%dma_wait3A_331, %dma_wait3A_332] : memref<4x128xi32, #tpu.memory_space<vmem>> -> memref<1x128xi32, #tpu.memory_space<vmem>>
          %dma_wait3A_334 = tpu.memref_squeeze %dma_wait3A_333 : memref<1x128xi32, #tpu.memory_space<vmem>> -> memref<128xi32, #tpu.memory_space<vmem>>
          %dma_wait3A_335 = arith.constant 0 : i32
          %dma_wait3A_336 = arith.constant 0 : i32
          %dma_wait3A_337 = tpu.memref_slice %arg17[%dma_wait3A_335, %dma_wait3A_336] : memref<10240x128xf32, #tpu.memory_space<vmem_shared>> -> memref<10240x128xf32, #tpu.memory_space<vmem_shared>>
          tpu.wait_indirect_dma semaphore(%arg16 : memref<!tpu.dma_semaphore, #tpu.memory_space<semaphore_mem>>) src(%arg9 : memref<128x128xf32, #tpu.memory_space<vmem>>) dst(%dma_wait3A_337 : memref<10240x128xf32, #tpu.memory_space<vmem_shared>>)
        } else {
        }
        %dma_start3A_324 = arith.constant 1 : i32
        %dma_start3A_325 = arith.constant 0 : i32
        %dma_start3A_326 = tpu.memref_slice %arg6[%dma_start3A_324, %dma_start3A_325] : memref<4x128xi32, #tpu.memory_space<vmem>> -> memref<1x128xi32, #tpu.memory_space<vmem>>
        %dma_start3A_327 = tpu.memref_squeeze %dma_start3A_326 : memref<1x128xi32, #tpu.memory_space<vmem>> -> memref<128xi32, #tpu.memory_space<vmem>>
        %dma_start3A_328 = arith.constant 0 : i32
        %dma_start3A_329 = arith.constant 0 : i32
        %dma_start3A_330 = tpu.memref_slice %arg2[%dma_start3A_328, %dma_start3A_329] : memref<20480x128xf32, #tpu.memory_space<hbm>> -> memref<20480x128xf32, #tpu.memory_space<hbm>>
        tpu.enqueue_indirect_dma source(%dma_start3A_330 : memref<20480x128xf32, #tpu.memory_space<hbm>>) target(%arg9 : memref<128x128xf32, #tpu.memory_space<vmem>>) offsets(%dma_start3A_327 : memref<128xi32, #tpu.memory_space<vmem>>) semaphore(%arg11 : memref<!tpu.dma_semaphore, #tpu.memory_space<semaphore_mem>>)
      } else {
      }
      %parallel_loop3A = arith.constant 0 : i32
      %parallel_loop3A_118 = arith.constant 128 : i32
      %parallel_loop3A_119 = arith.constant 1 : i32
      scf.for %parallel_loop3A_309 = %parallel_loop3A to %parallel_loop3A_118 step %parallel_loop3A_119  : i32 {
        %parallel_loop3A_310 = arith.constant 2 : i32
        %parallel_loop3A_311 = vector.broadcast %parallel_loop3A_310 : i32 to vector<16xi32>
        %parallel_loop3A_312 = vector.broadcast %parallel_loop3A_309 : i32 to vector<16xi32>
        %parallel_loop3A_313 = tpu.vector_load_idx %arg5[%parallel_loop3A_311, %parallel_loop3A_312] : memref<4x128xi32, #tpu.memory_space<vmem>>[vector<16xi32>, vector<16xi32>], vector<16xi32>,
        %parallel_loop3A_314 = vector.bitcast %parallel_loop3A_313 : vector<16xi32> to vector<16xf32>
        %parallel_loop3A_315 = arith.index_cast %parallel_loop3A_309 : i32 to index
        %parallel_loop3A_316 = arith.constant 0 : index
        %parallel_loop3A_317 = tpu.vector_load %arg8[%parallel_loop3A_315, %parallel_loop3A_316] {strides = array<i32>} : memref<128x128xf32, #tpu.memory_space<vmem>>, vector<16xf32>,
        %parallel_loop3A_318 = arith.mulf %parallel_loop3A_317, %parallel_loop3A_314 : vector<16xf32>
        %parallel_loop3A_319 = arith.index_cast %parallel_loop3A_309 : i32 to index
        %parallel_loop3A_320 = arith.constant 0 : index
        %parallel_loop3A_321 = tpu.vector_load %arg8[%parallel_loop3A_319, %parallel_loop3A_320] {strides = array<i32>} : memref<128x128xf32, #tpu.memory_space<vmem>>, vector<16xf32>,
        tpu.vector_store %arg8[%parallel_loop3A_319, %parallel_loop3A_320], %parallel_loop3A_318 {strides = array<i32>} : memref<128x128xf32, #tpu.memory_space<vmem>>, vector<16xf32>,
        %parallel_loop3A_322 = arith.index_cast %parallel_loop3A_309 : i32 to index
        %parallel_loop3A_323 = arith.constant 16 : index
        %parallel_loop3A_324 = tpu.vector_load %arg8[%parallel_loop3A_322, %parallel_loop3A_323] {strides = array<i32>} : memref<128x128xf32, #tpu.memory_space<vmem>>, vector<16xf32>,
        %parallel_loop3A_325 = arith.mulf %parallel_loop3A_324, %parallel_loop3A_314 : vector<16xf32>
        %parallel_loop3A_326 = arith.index_cast %parallel_loop3A_309 : i32 to index
        %parallel_loop3A_327 = arith.constant 16 : index
        %parallel_loop3A_328 = tpu.vector_load %arg8[%parallel_loop3A_326, %parallel_loop3A_327] {strides = array<i32>} : memref<128x128xf32, #tpu.memory_space<vmem>>, vector<16xf32>,
        tpu.vector_store %arg8[%parallel_loop3A_326, %parallel_loop3A_327], %parallel_loop3A_325 {strides = array<i32>} : memref<128x128xf32, #tpu.memory_space<vmem>>, vector<16xf32>,
        %parallel_loop3A_329 = arith.index_cast %parallel_loop3A_309 : i32 to index
        %parallel_loop3A_330 = arith.constant 32 : index
        %parallel_loop3A_331 = tpu.vector_load %arg8[%parallel_loop3A_329, %parallel_loop3A_330] {strides = array<i32>} : memref<128x128xf32, #tpu.memory_space<vmem>>, vector<16xf32>,
        %parallel_loop3A_332 = arith.mulf %parallel_loop3A_331, %parallel_loop3A_314 : vector<16xf32>
        %parallel_loop3A_333 = arith.index_cast %parallel_loop3A_309 : i32 to index
        %parallel_loop3A_334 = arith.constant 32 : index
        %parallel_loop3A_335 = tpu.vector_load %arg8[%parallel_loop3A_333, %parallel_loop3A_334] {strides = array<i32>} : memref<128x128xf32, #tpu.memory_space<vmem>>, vector<16xf32>,
        tpu.vector_store %arg8[%parallel_loop3A_333, %parallel_loop3A_334], %parallel_loop3A_332 {strides = array<i32>} : memref<128x128xf32, #tpu.memory_space<vmem>>, vector<16xf32>,
        %parallel_loop3A_336 = arith.index_cast %parallel_loop3A_309 : i32 to index
        %parallel_loop3A_337 = arith.constant 48 : index
        %parallel_loop3A_338 = tpu.vector_load %arg8[%parallel_loop3A_336, %parallel_loop3A_337] {strides = array<i32>} : memref<128x128xf32, #tpu.memory_space<vmem>>, vector<16xf32>,
        %parallel_loop3A_339 = arith.mulf %parallel_loop3A_338, %parallel_loop3A_314 : vector<16xf32>
        %parallel_loop3A_340 = arith.index_cast %parallel_loop3A_309 : i32 to index
        %parallel_loop3A_341 = arith.constant 48 : index
        %parallel_loop3A_342 = tpu.vector_load %arg8[%parallel_loop3A_340, %parallel_loop3A_341] {strides = array<i32>} : memref<128x128xf32, #tpu.memory_space<vmem>>, vector<16xf32>,
        tpu.vector_store %arg8[%parallel_loop3A_340, %parallel_loop3A_341], %parallel_loop3A_339 {strides = array<i32>} : memref<128x128xf32, #tpu.memory_space<vmem>>, vector<16xf32>,
        %parallel_loop3A_343 = arith.index_cast %parallel_loop3A_309 : i32 to index
        %parallel_loop3A_344 = arith.constant 64 : index
        %parallel_loop3A_345 = tpu.vector_load %arg8[%parallel_loop3A_343, %parallel_loop3A_344] {strides = array<i32>} : memref<128x128xf32, #tpu.memory_space<vmem>>, vector<16xf32>,
        %parallel_loop3A_346 = arith.mulf %parallel_loop3A_345, %parallel_loop3A_314 : vector<16xf32>
        %parallel_loop3A_347 = arith.index_cast %parallel_loop3A_309 : i32 to index
        %parallel_loop3A_348 = arith.constant 64 : index
        %parallel_loop3A_349 = tpu.vector_load %arg8[%parallel_loop3A_347, %parallel_loop3A_348] {strides = array<i32>} : memref<128x128xf32, #tpu.memory_space<vmem>>, vector<16xf32>,
        tpu.vector_store %arg8[%parallel_loop3A_347, %parallel_loop3A_348], %parallel_loop3A_346 {strides = array<i32>} : memref<128x128xf32, #tpu.memory_space<vmem>>, vector<16xf32>,
        %parallel_loop3A_350 = arith.index_cast %parallel_loop3A_309 : i32 to index
        %parallel_loop3A_351 = arith.constant 80 : index
        %parallel_loop3A_352 = tpu.vector_load %arg8[%parallel_loop3A_350, %parallel_loop3A_351] {strides = array<i32>} : memref<128x128xf32, #tpu.memory_space<vmem>>, vector<16xf32>,
        %parallel_loop3A_353 = arith.mulf %parallel_loop3A_352, %parallel_loop3A_314 : vector<16xf32>
        %parallel_loop3A_354 = arith.index_cast %parallel_loop3A_309 : i32 to index
        %parallel_loop3A_355 = arith.constant 80 : index
        %parallel_loop3A_356 = tpu.vector_load %arg8[%parallel_loop3A_354, %parallel_loop3A_355] {strides = array<i32>} : memref<128x128xf32, #tpu.memory_space<vmem>>, vector<16xf32>,
        tpu.vector_store %arg8[%parallel_loop3A_354, %parallel_loop3A_355], %parallel_loop3A_353 {strides = array<i32>} : memref<128x128xf32, #tpu.memory_space<vmem>>, vector<16xf32>,
        %parallel_loop3A_357 = arith.index_cast %parallel_loop3A_309 : i32 to index
        %parallel_loop3A_358 = arith.constant 96 : index
        %parallel_loop3A_359 = tpu.vector_load %arg8[%parallel_loop3A_357, %parallel_loop3A_358] {strides = array<i32>} : memref<128x128xf32, #tpu.memory_space<vmem>>, vector<16xf32>,
        %parallel_loop3A_360 = arith.mulf %parallel_loop3A_359, %parallel_loop3A_314 : vector<16xf32>
        %parallel_loop3A_361 = arith.index_cast %parallel_loop3A_309 : i32 to index
        %parallel_loop3A_362 = arith.constant 96 : index
        %parallel_loop3A_363 = tpu.vector_load %arg8[%parallel_loop3A_361, %parallel_loop3A_362] {strides = array<i32>} : memref<128x128xf32, #tpu.memory_space<vmem>>, vector<16xf32>,
        tpu.vector_store %arg8[%parallel_loop3A_361, %parallel_loop3A_362], %parallel_loop3A_360 {strides = array<i32>} : memref<128x128xf32, #tpu.memory_space<vmem>>, vector<16xf32>,
        %parallel_loop3A_364 = arith.index_cast %parallel_loop3A_309 : i32 to index
        %parallel_loop3A_365 = arith.constant 112 : index
        %parallel_loop3A_366 = tpu.vector_load %arg8[%parallel_loop3A_364, %parallel_loop3A_365] {strides = array<i32>} : memref<128x128xf32, #tpu.memory_space<vmem>>, vector<16xf32>,
        %parallel_loop3A_367 = arith.mulf %parallel_loop3A_366, %parallel_loop3A_314 : vector<16xf32>
        %parallel_loop3A_368 = arith.index_cast %parallel_loop3A_309 : i32 to index
        %parallel_loop3A_369 = arith.constant 112 : index
        %parallel_loop3A_370 = tpu.vector_load %arg8[%parallel_loop3A_368, %parallel_loop3A_369] {strides = array<i32>} : memref<128x128xf32, #tpu.memory_space<vmem>>, vector<16xf32>,
        tpu.vector_store %arg8[%parallel_loop3A_368, %parallel_loop3A_369], %parallel_loop3A_367 {strides = array<i32>} : memref<128x128xf32, #tpu.memory_space<vmem>>, vector<16xf32>,
      } {sc.loop_unroll_factor = 4 : i64, sc.parallel_access}
      %dma_start3A_120 = arith.constant 0 : i32
      %dma_start3A_121 = arith.constant 0 : i32
      %dma_start3A_122 = tpu.memref_slice %arg5[%dma_start3A_120, %dma_start3A_121] : memref<4x128xi32, #tpu.memory_space<vmem>> -> memref<1x128xi32, #tpu.memory_space<vmem>>
      %dma_start3A_123 = tpu.memref_squeeze %dma_start3A_122 : memref<1x128xi32, #tpu.memory_space<vmem>> -> memref<128xi32, #tpu.memory_space<vmem>>
      %dma_start3A_124 = arith.constant 0 : i32
      %dma_start3A_125 = arith.constant 0 : i32
      %dma_start3A_126 = tpu.memref_slice %arg17[%dma_start3A_124, %dma_start3A_125] : memref<10240x128xf32, #tpu.memory_space<vmem_shared>> -> memref<10240x128xf32, #tpu.memory_space<vmem_shared>>
      tpu.enqueue_indirect_dma source(%arg8 : memref<128x128xf32, #tpu.memory_space<vmem>>) target(%dma_start3A_126 : memref<10240x128xf32, #tpu.memory_space<vmem_shared>>) offsets(%dma_start3A_123 : memref<128xi32, #tpu.memory_space<vmem>>) semaphore(%arg15 : memref<!tpu.dma_semaphore, #tpu.memory_space<semaphore_mem>>) {add = true}
      %add3A_127 = arith.constant 2 : i32
      %add3A_128 = arith.addi %add3A_104, %add3A_127 : i32
      %lt3A_129 = arith.constant 156 : i32
      %lt3A_130 = arith.cmpi slt, %add3A_128, %lt3A_129 : i32
      %convert_element_type3A_131 = arith.extui %lt3A_130 : i1 to i32
      %cond3A_132 = arith.constant 0 : i32
      %cond3A_133 = arith.cmpi ne, %convert_element_type3A_131, %cond3A_132 : i32
      scf.if %cond3A_133 {
        %add3A_309 = arith.constant 2 : i32
        %add3A_310 = arith.addi %add3A_104, %add3A_309 : i32
        %add3A_311 = arith.addi %add3A_18, %add3A_310 : i32
        %dma_start3A_312 = arith.constant 0 : i32
        %dma_start3A_313 = arith.constant 0 : i32
        %dma_start3A_314 = tpu.memref_slice %arg3[%add3A_311, %dma_start3A_312, %dma_start3A_313] : memref<5000x4x128xi32, #tpu.memory_space<hbm>> -> memref<1x4x128xi32, #tpu.memory_space<hbm>>
        %dma_start3A_315 = tpu.memref_squeeze %dma_start3A_314 : memref<1x4x128xi32, #tpu.memory_space<hbm>> -> memref<4x128xi32, #tpu.memory_space<hbm>>
        %dma_start3A_316 = arith.constant 0 : i32
        %dma_start3A_317 = arith.constant 0 : i32
        %dma_start3A_318 = tpu.memref_slice %arg3[%add3A_311, %dma_start3A_316, %dma_start3A_317] : memref<5000x4x128xi32, #tpu.memory_space<hbm>> -> memref<1x4x128xi32, #tpu.memory_space<hbm>>
        %dma_start3A_319 = tpu.memref_squeeze %dma_start3A_318 : memref<1x4x128xi32, #tpu.memory_space<hbm>> -> memref<4x128xi32, #tpu.memory_space<hbm>>
        tpu.enqueue_dma source(%dma_start3A_319 : memref<4x128xi32, #tpu.memory_space<hbm>>) target(%arg7 : memref<4x128xi32, #tpu.memory_space<vmem>>) target_semaphore(%arg14 : memref<!tpu.dma_semaphore, #tpu.memory_space<semaphore_mem>>)
      } else {
      }
      %mul3A_134 = arith.constant 6 : i32
      %mul3A_135 = arith.muli %mul3A_134, %add3A_100 : i32
      %add3A_136 = arith.constant 1 : i32
      %add3A_137 = arith.addi %mul3A_135, %add3A_136 : i32
      %dma_wait3A_138 = arith.constant 1 : i32
      %dma_wait3A_139 = arith.constant 0 : i32
      %dma_wait3A_140 = tpu.memref_slice %arg6[%dma_wait3A_138, %dma_wait3A_139] : memref<4x128xi32, #tpu.memory_space<vmem>> -> memref<1x128xi32, #tpu.memory_space<vmem>>
      %dma_wait3A_141 = tpu.memref_squeeze %dma_wait3A_140 : memref<1x128xi32, #tpu.memory_space<vmem>> -> memref<128xi32, #tpu.memory_space<vmem>>
      %dma_wait3A_142 = arith.constant 0 : i32
      %dma_wait3A_143 = arith.constant 0 : i32
      %dma_wait3A_144 = tpu.memref_slice %arg2[%dma_wait3A_142, %dma_wait3A_143] : memref<20480x128xf32, #tpu.memory_space<hbm>> -> memref<20480x128xf32, #tpu.memory_space<hbm>>
      tpu.wait_indirect_dma semaphore(%arg11 : memref<!tpu.dma_semaphore, #tpu.memory_space<semaphore_mem>>) src(%dma_wait3A_144 : memref<20480x128xf32, #tpu.memory_space<hbm>>) dst(%arg9 : memref<128x128xf32, #tpu.memory_space<vmem>>)
      %add3A_145 = arith.constant 1 : i32
      %add3A_146 = arith.addi %add3A_137, %add3A_145 : i32
      %lt3A_147 = arith.constant 156 : i32
      %lt3A_148 = arith.cmpi slt, %add3A_146, %lt3A_147 : i32
      %convert_element_type3A_149 = arith.extui %lt3A_148 : i1 to i32
      %cond3A_150 = arith.constant 0 : i32
      %cond3A_151 = arith.cmpi ne, %convert_element_type3A_149, %cond3A_150 : i32
      scf.if %cond3A_151 {
        %add3A_309 = arith.constant 1 : i32
        %add3A_310 = arith.addi %add3A_137, %add3A_309 : i32
        %add3A_311 = arith.addi %add3A_18, %add3A_310 : i32
        %dma_wait3A_312 = arith.constant 0 : i32
        %dma_wait3A_313 = arith.constant 0 : i32
        %dma_wait3A_314 = tpu.memref_slice %arg3[%add3A_311, %dma_wait3A_312, %dma_wait3A_313] : memref<5000x4x128xi32, #tpu.memory_space<hbm>> -> memref<1x4x128xi32, #tpu.memory_space<hbm>>
        %dma_wait3A_315 = tpu.memref_squeeze %dma_wait3A_314 : memref<1x4x128xi32, #tpu.memory_space<hbm>> -> memref<4x128xi32, #tpu.memory_space<hbm>>
        %dma_wait3A_316 = arith.constant 0 : i32
        %dma_wait3A_317 = arith.constant 0 : i32
        %dma_wait3A_318 = tpu.memref_slice %arg3[%add3A_311, %dma_wait3A_316, %dma_wait3A_317] : memref<5000x4x128xi32, #tpu.memory_space<hbm>> -> memref<1x4x128xi32, #tpu.memory_space<hbm>>
        %dma_wait3A_319 = tpu.memref_squeeze %dma_wait3A_318 : memref<1x4x128xi32, #tpu.memory_space<hbm>> -> memref<4x128xi32, #tpu.memory_space<hbm>>
        tpu.wait_dma2 semaphore(%arg14 : memref<!tpu.dma_semaphore, #tpu.memory_space<semaphore_mem>>) src(%dma_wait3A_319 : memref<4x128xi32, #tpu.memory_space<hbm>>) dst(%arg7 : memref<4x128xi32, #tpu.memory_space<vmem>>)
        %ge3A = arith.constant 1 : i32
        %ge3A_320 = arith.cmpi sge, %add3A_137, %ge3A : i32
        %convert_element_type3A_321 = arith.extui %ge3A_320 : i1 to i32
        %cond3A_322 = arith.constant 0 : i32
        %cond3A_323 = arith.cmpi ne, %convert_element_type3A_321, %cond3A_322 : i32
        scf.if %cond3A_323 {
          %dma_wait3A_331 = arith.constant 0 : i32
          %dma_wait3A_332 = arith.constant 0 : i32
          %dma_wait3A_333 = tpu.memref_slice %arg5[%dma_wait3A_331, %dma_wait3A_332] : memref<4x128xi32, #tpu.memory_space<vmem>> -> memref<1x128xi32, #tpu.memory_space<vmem>>
          %dma_wait3A_334 = tpu.memref_squeeze %dma_wait3A_333 : memref<1x128xi32, #tpu.memory_space<vmem>> -> memref<128xi32, #tpu.memory_space<vmem>>
          %dma_wait3A_335 = arith.constant 0 : i32
          %dma_wait3A_336 = arith.constant 0 : i32
          %dma_wait3A_337 = tpu.memref_slice %arg17[%dma_wait3A_335, %dma_wait3A_336] : memref<10240x128xf32, #tpu.memory_space<vmem_shared>> -> memref<10240x128xf32, #tpu.memory_space<vmem_shared>>
          tpu.wait_indirect_dma semaphore(%arg15 : memref<!tpu.dma_semaphore, #tpu.memory_space<semaphore_mem>>) src(%arg8 : memref<128x128xf32, #tpu.memory_space<vmem>>) dst(%dma_wait3A_337 : memref<10240x128xf32, #tpu.memory_space<vmem_shared>>)
        } else {
        }
        %dma_start3A_324 = arith.constant 1 : i32
        %dma_start3A_325 = arith.constant 0 : i32
        %dma_start3A_326 = tpu.memref_slice %arg7[%dma_start3A_324, %dma_start3A_325] : memref<4x128xi32, #tpu.memory_space<vmem>> -> memref<1x128xi32, #tpu.memory_space<vmem>>
        %dma_start3A_327 = tpu.memref_squeeze %dma_start3A_326 : memref<1x128xi32, #tpu.memory_space<vmem>> -> memref<128xi32, #tpu.memory_space<vmem>>
        %dma_start3A_328 = arith.constant 0 : i32
        %dma_start3A_329 = arith.constant 0 : i32
        %dma_start3A_330 = tpu.memref_slice %arg2[%dma_start3A_328, %dma_start3A_329] : memref<20480x128xf32, #tpu.memory_space<hbm>> -> memref<20480x128xf32, #tpu.memory_space<hbm>>
        tpu.enqueue_indirect_dma source(%dma_start3A_330 : memref<20480x128xf32, #tpu.memory_space<hbm>>) target(%arg8 : memref<128x128xf32, #tpu.memory_space<vmem>>) offsets(%dma_start3A_327 : memref<128xi32, #tpu.memory_space<vmem>>) semaphore(%arg10 : memref<!tpu.dma_semaphore, #tpu.memory_space<semaphore_mem>>)
      } else {
      }
      %parallel_loop3A_152 = arith.constant 0 : i32
      %parallel_loop3A_153 = arith.constant 128 : i32
      %parallel_loop3A_154 = arith.constant 1 : i32
      scf.for %parallel_loop3A_309 = %parallel_loop3A_152 to %parallel_loop3A_153 step %parallel_loop3A_154  : i32 {
        %parallel_loop3A_310 = arith.constant 2 : i32
        %parallel_loop3A_311 = vector.broadcast %parallel_loop3A_310 : i32 to vector<16xi32>
        %parallel_loop3A_312 = vector.broadcast %parallel_loop3A_309 : i32 to vector<16xi32>
        %parallel_loop3A_313 = tpu.vector_load_idx %arg6[%parallel_loop3A_311, %parallel_loop3A_312] : memref<4x128xi32, #tpu.memory_space<vmem>>[vector<16xi32>, vector<16xi32>], vector<16xi32>,
        %parallel_loop3A_314 = vector.bitcast %parallel_loop3A_313 : vector<16xi32> to vector<16xf32>
        %parallel_loop3A_315 = arith.index_cast %parallel_loop3A_309 : i32 to index
        %parallel_loop3A_316 = arith.constant 0 : index
        %parallel_loop3A_317 = tpu.vector_load %arg9[%parallel_loop3A_315, %parallel_loop3A_316] {strides = array<i32>} : memref<128x128xf32, #tpu.memory_space<vmem>>, vector<16xf32>,
        %parallel_loop3A_318 = arith.mulf %parallel_loop3A_317, %parallel_loop3A_314 : vector<16xf32>
        %parallel_loop3A_319 = arith.index_cast %parallel_loop3A_309 : i32 to index
        %parallel_loop3A_320 = arith.constant 0 : index
        %parallel_loop3A_321 = tpu.vector_load %arg9[%parallel_loop3A_319, %parallel_loop3A_320] {strides = array<i32>} : memref<128x128xf32, #tpu.memory_space<vmem>>, vector<16xf32>,
        tpu.vector_store %arg9[%parallel_loop3A_319, %parallel_loop3A_320], %parallel_loop3A_318 {strides = array<i32>} : memref<128x128xf32, #tpu.memory_space<vmem>>, vector<16xf32>,
        %parallel_loop3A_322 = arith.index_cast %parallel_loop3A_309 : i32 to index
        %parallel_loop3A_323 = arith.constant 16 : index
        %parallel_loop3A_324 = tpu.vector_load %arg9[%parallel_loop3A_322, %parallel_loop3A_323] {strides = array<i32>} : memref<128x128xf32, #tpu.memory_space<vmem>>, vector<16xf32>,
        %parallel_loop3A_325 = arith.mulf %parallel_loop3A_324, %parallel_loop3A_314 : vector<16xf32>
        %parallel_loop3A_326 = arith.index_cast %parallel_loop3A_309 : i32 to index
        %parallel_loop3A_327 = arith.constant 16 : index
        %parallel_loop3A_328 = tpu.vector_load %arg9[%parallel_loop3A_326, %parallel_loop3A_327] {strides = array<i32>} : memref<128x128xf32, #tpu.memory_space<vmem>>, vector<16xf32>,
        tpu.vector_store %arg9[%parallel_loop3A_326, %parallel_loop3A_327], %parallel_loop3A_325 {strides = array<i32>} : memref<128x128xf32, #tpu.memory_space<vmem>>, vector<16xf32>,
        %parallel_loop3A_329 = arith.index_cast %parallel_loop3A_309 : i32 to index
        %parallel_loop3A_330 = arith.constant 32 : index
        %parallel_loop3A_331 = tpu.vector_load %arg9[%parallel_loop3A_329, %parallel_loop3A_330] {strides = array<i32>} : memref<128x128xf32, #tpu.memory_space<vmem>>, vector<16xf32>,
        %parallel_loop3A_332 = arith.mulf %parallel_loop3A_331, %parallel_loop3A_314 : vector<16xf32>
        %parallel_loop3A_333 = arith.index_cast %parallel_loop3A_309 : i32 to index
        %parallel_loop3A_334 = arith.constant 32 : index
        %parallel_loop3A_335 = tpu.vector_load %arg9[%parallel_loop3A_333, %parallel_loop3A_334] {strides = array<i32>} : memref<128x128xf32, #tpu.memory_space<vmem>>, vector<16xf32>,
        tpu.vector_store %arg9[%parallel_loop3A_333, %parallel_loop3A_334], %parallel_loop3A_332 {strides = array<i32>} : memref<128x128xf32, #tpu.memory_space<vmem>>, vector<16xf32>,
        %parallel_loop3A_336 = arith.index_cast %parallel_loop3A_309 : i32 to index
        %parallel_loop3A_337 = arith.constant 48 : index
        %parallel_loop3A_338 = tpu.vector_load %arg9[%parallel_loop3A_336, %parallel_loop3A_337] {strides = array<i32>} : memref<128x128xf32, #tpu.memory_space<vmem>>, vector<16xf32>,
        %parallel_loop3A_339 = arith.mulf %parallel_loop3A_338, %parallel_loop3A_314 : vector<16xf32>
        %parallel_loop3A_340 = arith.index_cast %parallel_loop3A_309 : i32 to index
        %parallel_loop3A_341 = arith.constant 48 : index
        %parallel_loop3A_342 = tpu.vector_load %arg9[%parallel_loop3A_340, %parallel_loop3A_341] {strides = array<i32>} : memref<128x128xf32, #tpu.memory_space<vmem>>, vector<16xf32>,
        tpu.vector_store %arg9[%parallel_loop3A_340, %parallel_loop3A_341], %parallel_loop3A_339 {strides = array<i32>} : memref<128x128xf32, #tpu.memory_space<vmem>>, vector<16xf32>,
        %parallel_loop3A_343 = arith.index_cast %parallel_loop3A_309 : i32 to index
        %parallel_loop3A_344 = arith.constant 64 : index
        %parallel_loop3A_345 = tpu.vector_load %arg9[%parallel_loop3A_343, %parallel_loop3A_344] {strides = array<i32>} : memref<128x128xf32, #tpu.memory_space<vmem>>, vector<16xf32>,
        %parallel_loop3A_346 = arith.mulf %parallel_loop3A_345, %parallel_loop3A_314 : vector<16xf32>
        %parallel_loop3A_347 = arith.index_cast %parallel_loop3A_309 : i32 to index
        %parallel_loop3A_348 = arith.constant 64 : index
        %parallel_loop3A_349 = tpu.vector_load %arg9[%parallel_loop3A_347, %parallel_loop3A_348] {strides = array<i32>} : memref<128x128xf32, #tpu.memory_space<vmem>>, vector<16xf32>,
        tpu.vector_store %arg9[%parallel_loop3A_347, %parallel_loop3A_348], %parallel_loop3A_346 {strides = array<i32>} : memref<128x128xf32, #tpu.memory_space<vmem>>, vector<16xf32>,
        %parallel_loop3A_350 = arith.index_cast %parallel_loop3A_309 : i32 to index
        %parallel_loop3A_351 = arith.constant 80 : index
        %parallel_loop3A_352 = tpu.vector_load %arg9[%parallel_loop3A_350, %parallel_loop3A_351] {strides = array<i32>} : memref<128x128xf32, #tpu.memory_space<vmem>>, vector<16xf32>,
        %parallel_loop3A_353 = arith.mulf %parallel_loop3A_352, %parallel_loop3A_314 : vector<16xf32>
        %parallel_loop3A_354 = arith.index_cast %parallel_loop3A_309 : i32 to index
        %parallel_loop3A_355 = arith.constant 80 : index
        %parallel_loop3A_356 = tpu.vector_load %arg9[%parallel_loop3A_354, %parallel_loop3A_355] {strides = array<i32>} : memref<128x128xf32, #tpu.memory_space<vmem>>, vector<16xf32>,
        tpu.vector_store %arg9[%parallel_loop3A_354, %parallel_loop3A_355], %parallel_loop3A_353 {strides = array<i32>} : memref<128x128xf32, #tpu.memory_space<vmem>>, vector<16xf32>,
        %parallel_loop3A_357 = arith.index_cast %parallel_loop3A_309 : i32 to index
        %parallel_loop3A_358 = arith.constant 96 : index
        %parallel_loop3A_359 = tpu.vector_load %arg9[%parallel_loop3A_357, %parallel_loop3A_358] {strides = array<i32>} : memref<128x128xf32, #tpu.memory_space<vmem>>, vector<16xf32>,
        %parallel_loop3A_360 = arith.mulf %parallel_loop3A_359, %parallel_loop3A_314 : vector<16xf32>
        %parallel_loop3A_361 = arith.index_cast %parallel_loop3A_309 : i32 to index
        %parallel_loop3A_362 = arith.constant 96 : index
        %parallel_loop3A_363 = tpu.vector_load %arg9[%parallel_loop3A_361, %parallel_loop3A_362] {strides = array<i32>} : memref<128x128xf32, #tpu.memory_space<vmem>>, vector<16xf32>,
        tpu.vector_store %arg9[%parallel_loop3A_361, %parallel_loop3A_362], %parallel_loop3A_360 {strides = array<i32>} : memref<128x128xf32, #tpu.memory_space<vmem>>, vector<16xf32>,
        %parallel_loop3A_364 = arith.index_cast %parallel_loop3A_309 : i32 to index
        %parallel_loop3A_365 = arith.constant 112 : index
        %parallel_loop3A_366 = tpu.vector_load %arg9[%parallel_loop3A_364, %parallel_loop3A_365] {strides = array<i32>} : memref<128x128xf32, #tpu.memory_space<vmem>>, vector<16xf32>,
        %parallel_loop3A_367 = arith.mulf %parallel_loop3A_366, %parallel_loop3A_314 : vector<16xf32>
        %parallel_loop3A_368 = arith.index_cast %parallel_loop3A_309 : i32 to index
        %parallel_loop3A_369 = arith.constant 112 : index
        %parallel_loop3A_370 = tpu.vector_load %arg9[%parallel_loop3A_368, %parallel_loop3A_369] {strides = array<i32>} : memref<128x128xf32, #tpu.memory_space<vmem>>, vector<16xf32>,
        tpu.vector_store %arg9[%parallel_loop3A_368, %parallel_loop3A_369], %parallel_loop3A_367 {strides = array<i32>} : memref<128x128xf32, #tpu.memory_space<vmem>>, vector<16xf32>,
      } {sc.loop_unroll_factor = 4 : i64, sc.parallel_access}
      %dma_start3A_155 = arith.constant 0 : i32
      %dma_start3A_156 = arith.constant 0 : i32
      %dma_start3A_157 = tpu.memref_slice %arg6[%dma_start3A_155, %dma_start3A_156] : memref<4x128xi32, #tpu.memory_space<vmem>> -> memref<1x128xi32, #tpu.memory_space<vmem>>
      %dma_start3A_158 = tpu.memref_squeeze %dma_start3A_157 : memref<1x128xi32, #tpu.memory_space<vmem>> -> memref<128xi32, #tpu.memory_space<vmem>>
      %dma_start3A_159 = arith.constant 0 : i32
      %dma_start3A_160 = arith.constant 0 : i32
      %dma_start3A_161 = tpu.memref_slice %arg17[%dma_start3A_159, %dma_start3A_160] : memref<10240x128xf32, #tpu.memory_space<vmem_shared>> -> memref<10240x128xf32, #tpu.memory_space<vmem_shared>>
      tpu.enqueue_indirect_dma source(%arg9 : memref<128x128xf32, #tpu.memory_space<vmem>>) target(%dma_start3A_161 : memref<10240x128xf32, #tpu.memory_space<vmem_shared>>) offsets(%dma_start3A_158 : memref<128xi32, #tpu.memory_space<vmem>>) semaphore(%arg16 : memref<!tpu.dma_semaphore, #tpu.memory_space<semaphore_mem>>) {add = true}
      %add3A_162 = arith.constant 2 : i32
      %add3A_163 = arith.addi %add3A_137, %add3A_162 : i32
      %lt3A_164 = arith.constant 156 : i32
      %lt3A_165 = arith.cmpi slt, %add3A_163, %lt3A_164 : i32
      %convert_element_type3A_166 = arith.extui %lt3A_165 : i1 to i32
      %cond3A_167 = arith.constant 0 : i32
      %cond3A_168 = arith.cmpi ne, %convert_element_type3A_166, %cond3A_167 : i32
      scf.if %cond3A_168 {
        %add3A_309 = arith.constant 2 : i32
        %add3A_310 = arith.addi %add3A_137, %add3A_309 : i32
        %add3A_311 = arith.addi %add3A_18, %add3A_310 : i32
        %dma_start3A_312 = arith.constant 0 : i32
        %dma_start3A_313 = arith.constant 0 : i32
        %dma_start3A_314 = tpu.memref_slice %arg3[%add3A_311, %dma_start3A_312, %dma_start3A_313] : memref<5000x4x128xi32, #tpu.memory_space<hbm>> -> memref<1x4x128xi32, #tpu.memory_space<hbm>>
        %dma_start3A_315 = tpu.memref_squeeze %dma_start3A_314 : memref<1x4x128xi32, #tpu.memory_space<hbm>> -> memref<4x128xi32, #tpu.memory_space<hbm>>
        %dma_start3A_316 = arith.constant 0 : i32
        %dma_start3A_317 = arith.constant 0 : i32
        %dma_start3A_318 = tpu.memref_slice %arg3[%add3A_311, %dma_start3A_316, %dma_start3A_317] : memref<5000x4x128xi32, #tpu.memory_space<hbm>> -> memref<1x4x128xi32, #tpu.memory_space<hbm>>
        %dma_start3A_319 = tpu.memref_squeeze %dma_start3A_318 : memref<1x4x128xi32, #tpu.memory_space<hbm>> -> memref<4x128xi32, #tpu.memory_space<hbm>>
        tpu.enqueue_dma source(%dma_start3A_319 : memref<4x128xi32, #tpu.memory_space<hbm>>) target(%arg5 : memref<4x128xi32, #tpu.memory_space<vmem>>) target_semaphore(%arg12 : memref<!tpu.dma_semaphore, #tpu.memory_space<semaphore_mem>>)
      } else {
      }
      %mul3A_169 = arith.constant 6 : i32
      %mul3A_170 = arith.muli %mul3A_169, %add3A_100 : i32
      %add3A_171 = arith.constant 2 : i32
      %add3A_172 = arith.addi %mul3A_170, %add3A_171 : i32
      %dma_wait3A_173 = arith.constant 1 : i32
      %dma_wait3A_174 = arith.constant 0 : i32
      %dma_wait3A_175 = tpu.memref_slice %arg7[%dma_wait3A_173, %dma_wait3A_174] : memref<4x128xi32, #tpu.memory_space<vmem>> -> memref<1x128xi32, #tpu.memory_space<vmem>>
      %dma_wait3A_176 = tpu.memref_squeeze %dma_wait3A_175 : memref<1x128xi32, #tpu.memory_space<vmem>> -> memref<128xi32, #tpu.memory_space<vmem>>
      %dma_wait3A_177 = arith.constant 0 : i32
      %dma_wait3A_178 = arith.constant 0 : i32
      %dma_wait3A_179 = tpu.memref_slice %arg2[%dma_wait3A_177, %dma_wait3A_178] : memref<20480x128xf32, #tpu.memory_space<hbm>> -> memref<20480x128xf32, #tpu.memory_space<hbm>>
      tpu.wait_indirect_dma semaphore(%arg10 : memref<!tpu.dma_semaphore, #tpu.memory_space<semaphore_mem>>) src(%dma_wait3A_179 : memref<20480x128xf32, #tpu.memory_space<hbm>>) dst(%arg8 : memref<128x128xf32, #tpu.memory_space<vmem>>)
      %add3A_180 = arith.constant 1 : i32
      %add3A_181 = arith.addi %add3A_172, %add3A_180 : i32
      %lt3A_182 = arith.constant 156 : i32
      %lt3A_183 = arith.cmpi slt, %add3A_181, %lt3A_182 : i32
      %convert_element_type3A_184 = arith.extui %lt3A_183 : i1 to i32
      %cond3A_185 = arith.constant 0 : i32
      %cond3A_186 = arith.cmpi ne, %convert_element_type3A_184, %cond3A_185 : i32
      scf.if %cond3A_186 {
        %add3A_309 = arith.constant 1 : i32
        %add3A_310 = arith.addi %add3A_172, %add3A_309 : i32
        %add3A_311 = arith.addi %add3A_18, %add3A_310 : i32
        %dma_wait3A_312 = arith.constant 0 : i32
        %dma_wait3A_313 = arith.constant 0 : i32
        %dma_wait3A_314 = tpu.memref_slice %arg3[%add3A_311, %dma_wait3A_312, %dma_wait3A_313] : memref<5000x4x128xi32, #tpu.memory_space<hbm>> -> memref<1x4x128xi32, #tpu.memory_space<hbm>>
        %dma_wait3A_315 = tpu.memref_squeeze %dma_wait3A_314 : memref<1x4x128xi32, #tpu.memory_space<hbm>> -> memref<4x128xi32, #tpu.memory_space<hbm>>
        %dma_wait3A_316 = arith.constant 0 : i32
        %dma_wait3A_317 = arith.constant 0 : i32
        %dma_wait3A_318 = tpu.memref_slice %arg3[%add3A_311, %dma_wait3A_316, %dma_wait3A_317] : memref<5000x4x128xi32, #tpu.memory_space<hbm>> -> memref<1x4x128xi32, #tpu.memory_space<hbm>>
        %dma_wait3A_319 = tpu.memref_squeeze %dma_wait3A_318 : memref<1x4x128xi32, #tpu.memory_space<hbm>> -> memref<4x128xi32, #tpu.memory_space<hbm>>
        tpu.wait_dma2 semaphore(%arg12 : memref<!tpu.dma_semaphore, #tpu.memory_space<semaphore_mem>>) src(%dma_wait3A_319 : memref<4x128xi32, #tpu.memory_space<hbm>>) dst(%arg5 : memref<4x128xi32, #tpu.memory_space<vmem>>)
        %ge3A = arith.constant 1 : i32
        %ge3A_320 = arith.cmpi sge, %add3A_172, %ge3A : i32
        %convert_element_type3A_321 = arith.extui %ge3A_320 : i1 to i32
        %cond3A_322 = arith.constant 0 : i32
        %cond3A_323 = arith.cmpi ne, %convert_element_type3A_321, %cond3A_322 : i32
        scf.if %cond3A_323 {
          %dma_wait3A_331 = arith.constant 0 : i32
          %dma_wait3A_332 = arith.constant 0 : i32
          %dma_wait3A_333 = tpu.memref_slice %arg6[%dma_wait3A_331, %dma_wait3A_332] : memref<4x128xi32, #tpu.memory_space<vmem>> -> memref<1x128xi32, #tpu.memory_space<vmem>>
          %dma_wait3A_334 = tpu.memref_squeeze %dma_wait3A_333 : memref<1x128xi32, #tpu.memory_space<vmem>> -> memref<128xi32, #tpu.memory_space<vmem>>
          %dma_wait3A_335 = arith.constant 0 : i32
          %dma_wait3A_336 = arith.constant 0 : i32
          %dma_wait3A_337 = tpu.memref_slice %arg17[%dma_wait3A_335, %dma_wait3A_336] : memref<10240x128xf32, #tpu.memory_space<vmem_shared>> -> memref<10240x128xf32, #tpu.memory_space<vmem_shared>>
          tpu.wait_indirect_dma semaphore(%arg16 : memref<!tpu.dma_semaphore, #tpu.memory_space<semaphore_mem>>) src(%arg9 : memref<128x128xf32, #tpu.memory_space<vmem>>) dst(%dma_wait3A_337 : memref<10240x128xf32, #tpu.memory_space<vmem_shared>>)
        } else {
        }
        %dma_start3A_324 = arith.constant 1 : i32
        %dma_start3A_325 = arith.constant 0 : i32
        %dma_start3A_326 = tpu.memref_slice %arg5[%dma_start3A_324, %dma_start3A_325] : memref<4x128xi32, #tpu.memory_space<vmem>> -> memref<1x128xi32, #tpu.memory_space<vmem>>
        %dma_start3A_327 = tpu.memref_squeeze %dma_start3A_326 : memref<1x128xi32, #tpu.memory_space<vmem>> -> memref<128xi32, #tpu.memory_space<vmem>>
        %dma_start3A_328 = arith.constant 0 : i32
        %dma_start3A_329 = arith.constant 0 : i32
        %dma_start3A_330 = tpu.memref_slice %arg2[%dma_start3A_328, %dma_start3A_329] : memref<20480x128xf32, #tpu.memory_space<hbm>> -> memref<20480x128xf32, #tpu.memory_space<hbm>>
        tpu.enqueue_indirect_dma source(%dma_start3A_330 : memref<20480x128xf32, #tpu.memory_space<hbm>>) target(%arg9 : memref<128x128xf32, #tpu.memory_space<vmem>>) offsets(%dma_start3A_327 : memref<128xi32, #tpu.memory_space<vmem>>) semaphore(%arg11 : memref<!tpu.dma_semaphore, #tpu.memory_space<semaphore_mem>>)
      } else {
      }
      %parallel_loop3A_187 = arith.constant 0 : i32
      %parallel_loop3A_188 = arith.constant 128 : i32
      %parallel_loop3A_189 = arith.constant 1 : i32
      scf.for %parallel_loop3A_309 = %parallel_loop3A_187 to %parallel_loop3A_188 step %parallel_loop3A_189  : i32 {
        %parallel_loop3A_310 = arith.constant 2 : i32
        %parallel_loop3A_311 = vector.broadcast %parallel_loop3A_310 : i32 to vector<16xi32>
        %parallel_loop3A_312 = vector.broadcast %parallel_loop3A_309 : i32 to vector<16xi32>
        %parallel_loop3A_313 = tpu.vector_load_idx %arg7[%parallel_loop3A_311, %parallel_loop3A_312] : memref<4x128xi32, #tpu.memory_space<vmem>>[vector<16xi32>, vector<16xi32>], vector<16xi32>,
        %parallel_loop3A_314 = vector.bitcast %parallel_loop3A_313 : vector<16xi32> to vector<16xf32>
        %parallel_loop3A_315 = arith.index_cast %parallel_loop3A_309 : i32 to index
        %parallel_loop3A_316 = arith.constant 0 : index
        %parallel_loop3A_317 = tpu.vector_load %arg8[%parallel_loop3A_315, %parallel_loop3A_316] {strides = array<i32>} : memref<128x128xf32, #tpu.memory_space<vmem>>, vector<16xf32>,
        %parallel_loop3A_318 = arith.mulf %parallel_loop3A_317, %parallel_loop3A_314 : vector<16xf32>
        %parallel_loop3A_319 = arith.index_cast %parallel_loop3A_309 : i32 to index
        %parallel_loop3A_320 = arith.constant 0 : index
        %parallel_loop3A_321 = tpu.vector_load %arg8[%parallel_loop3A_319, %parallel_loop3A_320] {strides = array<i32>} : memref<128x128xf32, #tpu.memory_space<vmem>>, vector<16xf32>,
        tpu.vector_store %arg8[%parallel_loop3A_319, %parallel_loop3A_320], %parallel_loop3A_318 {strides = array<i32>} : memref<128x128xf32, #tpu.memory_space<vmem>>, vector<16xf32>,
        %parallel_loop3A_322 = arith.index_cast %parallel_loop3A_309 : i32 to index
        %parallel_loop3A_323 = arith.constant 16 : index
        %parallel_loop3A_324 = tpu.vector_load %arg8[%parallel_loop3A_322, %parallel_loop3A_323] {strides = array<i32>} : memref<128x128xf32, #tpu.memory_space<vmem>>, vector<16xf32>,
        %parallel_loop3A_325 = arith.mulf %parallel_loop3A_324, %parallel_loop3A_314 : vector<16xf32>
        %parallel_loop3A_326 = arith.index_cast %parallel_loop3A_309 : i32 to index
        %parallel_loop3A_327 = arith.constant 16 : index
        %parallel_loop3A_328 = tpu.vector_load %arg8[%parallel_loop3A_326, %parallel_loop3A_327] {strides = array<i32>} : memref<128x128xf32, #tpu.memory_space<vmem>>, vector<16xf32>,
        tpu.vector_store %arg8[%parallel_loop3A_326, %parallel_loop3A_327], %parallel_loop3A_325 {strides = array<i32>} : memref<128x128xf32, #tpu.memory_space<vmem>>, vector<16xf32>,
        %parallel_loop3A_329 = arith.index_cast %parallel_loop3A_309 : i32 to index
        %parallel_loop3A_330 = arith.constant 32 : index
        %parallel_loop3A_331 = tpu.vector_load %arg8[%parallel_loop3A_329, %parallel_loop3A_330] {strides = array<i32>} : memref<128x128xf32, #tpu.memory_space<vmem>>, vector<16xf32>,
        %parallel_loop3A_332 = arith.mulf %parallel_loop3A_331, %parallel_loop3A_314 : vector<16xf32>
        %parallel_loop3A_333 = arith.index_cast %parallel_loop3A_309 : i32 to index
        %parallel_loop3A_334 = arith.constant 32 : index
        %parallel_loop3A_335 = tpu.vector_load %arg8[%parallel_loop3A_333, %parallel_loop3A_334] {strides = array<i32>} : memref<128x128xf32, #tpu.memory_space<vmem>>, vector<16xf32>,
        tpu.vector_store %arg8[%parallel_loop3A_333, %parallel_loop3A_334], %parallel_loop3A_332 {strides = array<i32>} : memref<128x128xf32, #tpu.memory_space<vmem>>, vector<16xf32>,
        %parallel_loop3A_336 = arith.index_cast %parallel_loop3A_309 : i32 to index
        %parallel_loop3A_337 = arith.constant 48 : index
        %parallel_loop3A_338 = tpu.vector_load %arg8[%parallel_loop3A_336, %parallel_loop3A_337] {strides = array<i32>} : memref<128x128xf32, #tpu.memory_space<vmem>>, vector<16xf32>,
        %parallel_loop3A_339 = arith.mulf %parallel_loop3A_338, %parallel_loop3A_314 : vector<16xf32>
        %parallel_loop3A_340 = arith.index_cast %parallel_loop3A_309 : i32 to index
        %parallel_loop3A_341 = arith.constant 48 : index
        %parallel_loop3A_342 = tpu.vector_load %arg8[%parallel_loop3A_340, %parallel_loop3A_341] {strides = array<i32>} : memref<128x128xf32, #tpu.memory_space<vmem>>, vector<16xf32>,
        tpu.vector_store %arg8[%parallel_loop3A_340, %parallel_loop3A_341], %parallel_loop3A_339 {strides = array<i32>} : memref<128x128xf32, #tpu.memory_space<vmem>>, vector<16xf32>,
        %parallel_loop3A_343 = arith.index_cast %parallel_loop3A_309 : i32 to index
        %parallel_loop3A_344 = arith.constant 64 : index
        %parallel_loop3A_345 = tpu.vector_load %arg8[%parallel_loop3A_343, %parallel_loop3A_344] {strides = array<i32>} : memref<128x128xf32, #tpu.memory_space<vmem>>, vector<16xf32>,
        %parallel_loop3A_346 = arith.mulf %parallel_loop3A_345, %parallel_loop3A_314 : vector<16xf32>
        %parallel_loop3A_347 = arith.index_cast %parallel_loop3A_309 : i32 to index
        %parallel_loop3A_348 = arith.constant 64 : index
        %parallel_loop3A_349 = tpu.vector_load %arg8[%parallel_loop3A_347, %parallel_loop3A_348] {strides = array<i32>} : memref<128x128xf32, #tpu.memory_space<vmem>>, vector<16xf32>,
        tpu.vector_store %arg8[%parallel_loop3A_347, %parallel_loop3A_348], %parallel_loop3A_346 {strides = array<i32>} : memref<128x128xf32, #tpu.memory_space<vmem>>, vector<16xf32>,
        %parallel_loop3A_350 = arith.index_cast %parallel_loop3A_309 : i32 to index
        %parallel_loop3A_351 = arith.constant 80 : index
        %parallel_loop3A_352 = tpu.vector_load %arg8[%parallel_loop3A_350, %parallel_loop3A_351] {strides = array<i32>} : memref<128x128xf32, #tpu.memory_space<vmem>>, vector<16xf32>,
        %parallel_loop3A_353 = arith.mulf %parallel_loop3A_352, %parallel_loop3A_314 : vector<16xf32>
        %parallel_loop3A_354 = arith.index_cast %parallel_loop3A_309 : i32 to index
        %parallel_loop3A_355 = arith.constant 80 : index
        %parallel_loop3A_356 = tpu.vector_load %arg8[%parallel_loop3A_354, %parallel_loop3A_355] {strides = array<i32>} : memref<128x128xf32, #tpu.memory_space<vmem>>, vector<16xf32>,
        tpu.vector_store %arg8[%parallel_loop3A_354, %parallel_loop3A_355], %parallel_loop3A_353 {strides = array<i32>} : memref<128x128xf32, #tpu.memory_space<vmem>>, vector<16xf32>,
        %parallel_loop3A_357 = arith.index_cast %parallel_loop3A_309 : i32 to index
        %parallel_loop3A_358 = arith.constant 96 : index
        %parallel_loop3A_359 = tpu.vector_load %arg8[%parallel_loop3A_357, %parallel_loop3A_358] {strides = array<i32>} : memref<128x128xf32, #tpu.memory_space<vmem>>, vector<16xf32>,
        %parallel_loop3A_360 = arith.mulf %parallel_loop3A_359, %parallel_loop3A_314 : vector<16xf32>
        %parallel_loop3A_361 = arith.index_cast %parallel_loop3A_309 : i32 to index
        %parallel_loop3A_362 = arith.constant 96 : index
        %parallel_loop3A_363 = tpu.vector_load %arg8[%parallel_loop3A_361, %parallel_loop3A_362] {strides = array<i32>} : memref<128x128xf32, #tpu.memory_space<vmem>>, vector<16xf32>,
        tpu.vector_store %arg8[%parallel_loop3A_361, %parallel_loop3A_362], %parallel_loop3A_360 {strides = array<i32>} : memref<128x128xf32, #tpu.memory_space<vmem>>, vector<16xf32>,
        %parallel_loop3A_364 = arith.index_cast %parallel_loop3A_309 : i32 to index
        %parallel_loop3A_365 = arith.constant 112 : index
        %parallel_loop3A_366 = tpu.vector_load %arg8[%parallel_loop3A_364, %parallel_loop3A_365] {strides = array<i32>} : memref<128x128xf32, #tpu.memory_space<vmem>>, vector<16xf32>,
        %parallel_loop3A_367 = arith.mulf %parallel_loop3A_366, %parallel_loop3A_314 : vector<16xf32>
        %parallel_loop3A_368 = arith.index_cast %parallel_loop3A_309 : i32 to index
        %parallel_loop3A_369 = arith.constant 112 : index
        %parallel_loop3A_370 = tpu.vector_load %arg8[%parallel_loop3A_368, %parallel_loop3A_369] {strides = array<i32>} : memref<128x128xf32, #tpu.memory_space<vmem>>, vector<16xf32>,
        tpu.vector_store %arg8[%parallel_loop3A_368, %parallel_loop3A_369], %parallel_loop3A_367 {strides = array<i32>} : memref<128x128xf32, #tpu.memory_space<vmem>>, vector<16xf32>,
      } {sc.loop_unroll_factor = 4 : i64, sc.parallel_access}
      %dma_start3A_190 = arith.constant 0 : i32
      %dma_start3A_191 = arith.constant 0 : i32
      %dma_start3A_192 = tpu.memref_slice %arg7[%dma_start3A_190, %dma_start3A_191] : memref<4x128xi32, #tpu.memory_space<vmem>> -> memref<1x128xi32, #tpu.memory_space<vmem>>
      %dma_start3A_193 = tpu.memref_squeeze %dma_start3A_192 : memref<1x128xi32, #tpu.memory_space<vmem>> -> memref<128xi32, #tpu.memory_space<vmem>>
      %dma_start3A_194 = arith.constant 0 : i32
      %dma_start3A_195 = arith.constant 0 : i32
      %dma_start3A_196 = tpu.memref_slice %arg17[%dma_start3A_194, %dma_start3A_195] : memref<10240x128xf32, #tpu.memory_space<vmem_shared>> -> memref<10240x128xf32, #tpu.memory_space<vmem_shared>>
      tpu.enqueue_indirect_dma source(%arg8 : memref<128x128xf32, #tpu.memory_space<vmem>>) target(%dma_start3A_196 : memref<10240x128xf32, #tpu.memory_space<vmem_shared>>) offsets(%dma_start3A_193 : memref<128xi32, #tpu.memory_space<vmem>>) semaphore(%arg15 : memref<!tpu.dma_semaphore, #tpu.memory_space<semaphore_mem>>) {add = true}
      %add3A_197 = arith.constant 2 : i32
      %add3A_198 = arith.addi %add3A_172, %add3A_197 : i32
      %lt3A_199 = arith.constant 156 : i32
      %lt3A_200 = arith.cmpi slt, %add3A_198, %lt3A_199 : i32
      %convert_element_type3A_201 = arith.extui %lt3A_200 : i1 to i32
      %cond3A_202 = arith.constant 0 : i32
      %cond3A_203 = arith.cmpi ne, %convert_element_type3A_201, %cond3A_202 : i32
      scf.if %cond3A_203 {
        %add3A_309 = arith.constant 2 : i32
        %add3A_310 = arith.addi %add3A_172, %add3A_309 : i32
        %add3A_311 = arith.addi %add3A_18, %add3A_310 : i32
        %dma_start3A_312 = arith.constant 0 : i32
        %dma_start3A_313 = arith.constant 0 : i32
        %dma_start3A_314 = tpu.memref_slice %arg3[%add3A_311, %dma_start3A_312, %dma_start3A_313] : memref<5000x4x128xi32, #tpu.memory_space<hbm>> -> memref<1x4x128xi32, #tpu.memory_space<hbm>>
        %dma_start3A_315 = tpu.memref_squeeze %dma_start3A_314 : memref<1x4x128xi32, #tpu.memory_space<hbm>> -> memref<4x128xi32, #tpu.memory_space<hbm>>
        %dma_start3A_316 = arith.constant 0 : i32
        %dma_start3A_317 = arith.constant 0 : i32
        %dma_start3A_318 = tpu.memref_slice %arg3[%add3A_311, %dma_start3A_316, %dma_start3A_317] : memref<5000x4x128xi32, #tpu.memory_space<hbm>> -> memref<1x4x128xi32, #tpu.memory_space<hbm>>
        %dma_start3A_319 = tpu.memref_squeeze %dma_start3A_318 : memref<1x4x128xi32, #tpu.memory_space<hbm>> -> memref<4x128xi32, #tpu.memory_space<hbm>>
        tpu.enqueue_dma source(%dma_start3A_319 : memref<4x128xi32, #tpu.memory_space<hbm>>) target(%arg6 : memref<4x128xi32, #tpu.memory_space<vmem>>) target_semaphore(%arg13 : memref<!tpu.dma_semaphore, #tpu.memory_space<semaphore_mem>>)
      } else {
      }
      %mul3A_204 = arith.constant 6 : i32
      %mul3A_205 = arith.muli %mul3A_204, %add3A_100 : i32
      %add3A_206 = arith.constant 3 : i32
      %add3A_207 = arith.addi %mul3A_205, %add3A_206 : i32
      %dma_wait3A_208 = arith.constant 1 : i32
      %dma_wait3A_209 = arith.constant 0 : i32
      %dma_wait3A_210 = tpu.memref_slice %arg5[%dma_wait3A_208, %dma_wait3A_209] : memref<4x128xi32, #tpu.memory_space<vmem>> -> memref<1x128xi32, #tpu.memory_space<vmem>>
      %dma_wait3A_211 = tpu.memref_squeeze %dma_wait3A_210 : memref<1x128xi32, #tpu.memory_space<vmem>> -> memref<128xi32, #tpu.memory_space<vmem>>
      %dma_wait3A_212 = arith.constant 0 : i32
      %dma_wait3A_213 = arith.constant 0 : i32
      %dma_wait3A_214 = tpu.memref_slice %arg2[%dma_wait3A_212, %dma_wait3A_213] : memref<20480x128xf32, #tpu.memory_space<hbm>> -> memref<20480x128xf32, #tpu.memory_space<hbm>>
      tpu.wait_indirect_dma semaphore(%arg11 : memref<!tpu.dma_semaphore, #tpu.memory_space<semaphore_mem>>) src(%dma_wait3A_214 : memref<20480x128xf32, #tpu.memory_space<hbm>>) dst(%arg9 : memref<128x128xf32, #tpu.memory_space<vmem>>)
      %add3A_215 = arith.constant 1 : i32
      %add3A_216 = arith.addi %add3A_207, %add3A_215 : i32
      %lt3A_217 = arith.constant 156 : i32
      %lt3A_218 = arith.cmpi slt, %add3A_216, %lt3A_217 : i32
      %convert_element_type3A_219 = arith.extui %lt3A_218 : i1 to i32
      %cond3A_220 = arith.constant 0 : i32
      %cond3A_221 = arith.cmpi ne, %convert_element_type3A_219, %cond3A_220 : i32
      scf.if %cond3A_221 {
        %add3A_309 = arith.constant 1 : i32
        %add3A_310 = arith.addi %add3A_207, %add3A_309 : i32
        %add3A_311 = arith.addi %add3A_18, %add3A_310 : i32
        %dma_wait3A_312 = arith.constant 0 : i32
        %dma_wait3A_313 = arith.constant 0 : i32
        %dma_wait3A_314 = tpu.memref_slice %arg3[%add3A_311, %dma_wait3A_312, %dma_wait3A_313] : memref<5000x4x128xi32, #tpu.memory_space<hbm>> -> memref<1x4x128xi32, #tpu.memory_space<hbm>>
        %dma_wait3A_315 = tpu.memref_squeeze %dma_wait3A_314 : memref<1x4x128xi32, #tpu.memory_space<hbm>> -> memref<4x128xi32, #tpu.memory_space<hbm>>
        %dma_wait3A_316 = arith.constant 0 : i32
        %dma_wait3A_317 = arith.constant 0 : i32
        %dma_wait3A_318 = tpu.memref_slice %arg3[%add3A_311, %dma_wait3A_316, %dma_wait3A_317] : memref<5000x4x128xi32, #tpu.memory_space<hbm>> -> memref<1x4x128xi32, #tpu.memory_space<hbm>>
        %dma_wait3A_319 = tpu.memref_squeeze %dma_wait3A_318 : memref<1x4x128xi32, #tpu.memory_space<hbm>> -> memref<4x128xi32, #tpu.memory_space<hbm>>
        tpu.wait_dma2 semaphore(%arg13 : memref<!tpu.dma_semaphore, #tpu.memory_space<semaphore_mem>>) src(%dma_wait3A_319 : memref<4x128xi32, #tpu.memory_space<hbm>>) dst(%arg6 : memref<4x128xi32, #tpu.memory_space<vmem>>)
        %ge3A = arith.constant 1 : i32
        %ge3A_320 = arith.cmpi sge, %add3A_207, %ge3A : i32
        %convert_element_type3A_321 = arith.extui %ge3A_320 : i1 to i32
        %cond3A_322 = arith.constant 0 : i32
        %cond3A_323 = arith.cmpi ne, %convert_element_type3A_321, %cond3A_322 : i32
        scf.if %cond3A_323 {
          %dma_wait3A_331 = arith.constant 0 : i32
          %dma_wait3A_332 = arith.constant 0 : i32
          %dma_wait3A_333 = tpu.memref_slice %arg7[%dma_wait3A_331, %dma_wait3A_332] : memref<4x128xi32, #tpu.memory_space<vmem>> -> memref<1x128xi32, #tpu.memory_space<vmem>>
          %dma_wait3A_334 = tpu.memref_squeeze %dma_wait3A_333 : memref<1x128xi32, #tpu.memory_space<vmem>> -> memref<128xi32, #tpu.memory_space<vmem>>
          %dma_wait3A_335 = arith.constant 0 : i32
          %dma_wait3A_336 = arith.constant 0 : i32
          %dma_wait3A_337 = tpu.memref_slice %arg17[%dma_wait3A_335, %dma_wait3A_336] : memref<10240x128xf32, #tpu.memory_space<vmem_shared>> -> memref<10240x128xf32, #tpu.memory_space<vmem_shared>>
          tpu.wait_indirect_dma semaphore(%arg15 : memref<!tpu.dma_semaphore, #tpu.memory_space<semaphore_mem>>) src(%arg8 : memref<128x128xf32, #tpu.memory_space<vmem>>) dst(%dma_wait3A_337 : memref<10240x128xf32, #tpu.memory_space<vmem_shared>>)
        } else {
        }
        %dma_start3A_324 = arith.constant 1 : i32
        %dma_start3A_325 = arith.constant 0 : i32
        %dma_start3A_326 = tpu.memref_slice %arg6[%dma_start3A_324, %dma_start3A_325] : memref<4x128xi32, #tpu.memory_space<vmem>> -> memref<1x128xi32, #tpu.memory_space<vmem>>
        %dma_start3A_327 = tpu.memref_squeeze %dma_start3A_326 : memref<1x128xi32, #tpu.memory_space<vmem>> -> memref<128xi32, #tpu.memory_space<vmem>>
        %dma_start3A_328 = arith.constant 0 : i32
        %dma_start3A_329 = arith.constant 0 : i32
        %dma_start3A_330 = tpu.memref_slice %arg2[%dma_start3A_328, %dma_start3A_329] : memref<20480x128xf32, #tpu.memory_space<hbm>> -> memref<20480x128xf32, #tpu.memory_space<hbm>>
        tpu.enqueue_indirect_dma source(%dma_start3A_330 : memref<20480x128xf32, #tpu.memory_space<hbm>>) target(%arg8 : memref<128x128xf32, #tpu.memory_space<vmem>>) offsets(%dma_start3A_327 : memref<128xi32, #tpu.memory_space<vmem>>) semaphore(%arg10 : memref<!tpu.dma_semaphore, #tpu.memory_space<semaphore_mem>>)
      } else {
      }
      %parallel_loop3A_222 = arith.constant 0 : i32
      %parallel_loop3A_223 = arith.constant 128 : i32
      %parallel_loop3A_224 = arith.constant 1 : i32
      scf.for %parallel_loop3A_309 = %parallel_loop3A_222 to %parallel_loop3A_223 step %parallel_loop3A_224  : i32 {
        %parallel_loop3A_310 = arith.constant 2 : i32
        %parallel_loop3A_311 = vector.broadcast %parallel_loop3A_310 : i32 to vector<16xi32>
        %parallel_loop3A_312 = vector.broadcast %parallel_loop3A_309 : i32 to vector<16xi32>
        %parallel_loop3A_313 = tpu.vector_load_idx %arg5[%parallel_loop3A_311, %parallel_loop3A_312] : memref<4x128xi32, #tpu.memory_space<vmem>>[vector<16xi32>, vector<16xi32>], vector<16xi32>,
        %parallel_loop3A_314 = vector.bitcast %parallel_loop3A_313 : vector<16xi32> to vector<16xf32>
        %parallel_loop3A_315 = arith.index_cast %parallel_loop3A_309 : i32 to index
        %parallel_loop3A_316 = arith.constant 0 : index
        %parallel_loop3A_317 = tpu.vector_load %arg9[%parallel_loop3A_315, %parallel_loop3A_316] {strides = array<i32>} : memref<128x128xf32, #tpu.memory_space<vmem>>, vector<16xf32>,
        %parallel_loop3A_318 = arith.mulf %parallel_loop3A_317, %parallel_loop3A_314 : vector<16xf32>
        %parallel_loop3A_319 = arith.index_cast %parallel_loop3A_309 : i32 to index
        %parallel_loop3A_320 = arith.constant 0 : index
        %parallel_loop3A_321 = tpu.vector_load %arg9[%parallel_loop3A_319, %parallel_loop3A_320] {strides = array<i32>} : memref<128x128xf32, #tpu.memory_space<vmem>>, vector<16xf32>,
        tpu.vector_store %arg9[%parallel_loop3A_319, %parallel_loop3A_320], %parallel_loop3A_318 {strides = array<i32>} : memref<128x128xf32, #tpu.memory_space<vmem>>, vector<16xf32>,
        %parallel_loop3A_322 = arith.index_cast %parallel_loop3A_309 : i32 to index
        %parallel_loop3A_323 = arith.constant 16 : index
        %parallel_loop3A_324 = tpu.vector_load %arg9[%parallel_loop3A_322, %parallel_loop3A_323] {strides = array<i32>} : memref<128x128xf32, #tpu.memory_space<vmem>>, vector<16xf32>,
        %parallel_loop3A_325 = arith.mulf %parallel_loop3A_324, %parallel_loop3A_314 : vector<16xf32>
        %parallel_loop3A_326 = arith.index_cast %parallel_loop3A_309 : i32 to index
        %parallel_loop3A_327 = arith.constant 16 : index
        %parallel_loop3A_328 = tpu.vector_load %arg9[%parallel_loop3A_326, %parallel_loop3A_327] {strides = array<i32>} : memref<128x128xf32, #tpu.memory_space<vmem>>, vector<16xf32>,
        tpu.vector_store %arg9[%parallel_loop3A_326, %parallel_loop3A_327], %parallel_loop3A_325 {strides = array<i32>} : memref<128x128xf32, #tpu.memory_space<vmem>>, vector<16xf32>,
        %parallel_loop3A_329 = arith.index_cast %parallel_loop3A_309 : i32 to index
        %parallel_loop3A_330 = arith.constant 32 : index
        %parallel_loop3A_331 = tpu.vector_load %arg9[%parallel_loop3A_329, %parallel_loop3A_330] {strides = array<i32>} : memref<128x128xf32, #tpu.memory_space<vmem>>, vector<16xf32>,
        %parallel_loop3A_332 = arith.mulf %parallel_loop3A_331, %parallel_loop3A_314 : vector<16xf32>
        %parallel_loop3A_333 = arith.index_cast %parallel_loop3A_309 : i32 to index
        %parallel_loop3A_334 = arith.constant 32 : index
        %parallel_loop3A_335 = tpu.vector_load %arg9[%parallel_loop3A_333, %parallel_loop3A_334] {strides = array<i32>} : memref<128x128xf32, #tpu.memory_space<vmem>>, vector<16xf32>,
        tpu.vector_store %arg9[%parallel_loop3A_333, %parallel_loop3A_334], %parallel_loop3A_332 {strides = array<i32>} : memref<128x128xf32, #tpu.memory_space<vmem>>, vector<16xf32>,
        %parallel_loop3A_336 = arith.index_cast %parallel_loop3A_309 : i32 to index
        %parallel_loop3A_337 = arith.constant 48 : index
        %parallel_loop3A_338 = tpu.vector_load %arg9[%parallel_loop3A_336, %parallel_loop3A_337] {strides = array<i32>} : memref<128x128xf32, #tpu.memory_space<vmem>>, vector<16xf32>,
        %parallel_loop3A_339 = arith.mulf %parallel_loop3A_338, %parallel_loop3A_314 : vector<16xf32>
        %parallel_loop3A_340 = arith.index_cast %parallel_loop3A_309 : i32 to index
        %parallel_loop3A_341 = arith.constant 48 : index
        %parallel_loop3A_342 = tpu.vector_load %arg9[%parallel_loop3A_340, %parallel_loop3A_341] {strides = array<i32>} : memref<128x128xf32, #tpu.memory_space<vmem>>, vector<16xf32>,
        tpu.vector_store %arg9[%parallel_loop3A_340, %parallel_loop3A_341], %parallel_loop3A_339 {strides = array<i32>} : memref<128x128xf32, #tpu.memory_space<vmem>>, vector<16xf32>,
        %parallel_loop3A_343 = arith.index_cast %parallel_loop3A_309 : i32 to index
        %parallel_loop3A_344 = arith.constant 64 : index
        %parallel_loop3A_345 = tpu.vector_load %arg9[%parallel_loop3A_343, %parallel_loop3A_344] {strides = array<i32>} : memref<128x128xf32, #tpu.memory_space<vmem>>, vector<16xf32>,
        %parallel_loop3A_346 = arith.mulf %parallel_loop3A_345, %parallel_loop3A_314 : vector<16xf32>
        %parallel_loop3A_347 = arith.index_cast %parallel_loop3A_309 : i32 to index
        %parallel_loop3A_348 = arith.constant 64 : index
        %parallel_loop3A_349 = tpu.vector_load %arg9[%parallel_loop3A_347, %parallel_loop3A_348] {strides = array<i32>} : memref<128x128xf32, #tpu.memory_space<vmem>>, vector<16xf32>,
        tpu.vector_store %arg9[%parallel_loop3A_347, %parallel_loop3A_348], %parallel_loop3A_346 {strides = array<i32>} : memref<128x128xf32, #tpu.memory_space<vmem>>, vector<16xf32>,
        %parallel_loop3A_350 = arith.index_cast %parallel_loop3A_309 : i32 to index
        %parallel_loop3A_351 = arith.constant 80 : index
        %parallel_loop3A_352 = tpu.vector_load %arg9[%parallel_loop3A_350, %parallel_loop3A_351] {strides = array<i32>} : memref<128x128xf32, #tpu.memory_space<vmem>>, vector<16xf32>,
        %parallel_loop3A_353 = arith.mulf %parallel_loop3A_352, %parallel_loop3A_314 : vector<16xf32>
        %parallel_loop3A_354 = arith.index_cast %parallel_loop3A_309 : i32 to index
        %parallel_loop3A_355 = arith.constant 80 : index
        %parallel_loop3A_356 = tpu.vector_load %arg9[%parallel_loop3A_354, %parallel_loop3A_355] {strides = array<i32>} : memref<128x128xf32, #tpu.memory_space<vmem>>, vector<16xf32>,
        tpu.vector_store %arg9[%parallel_loop3A_354, %parallel_loop3A_355], %parallel_loop3A_353 {strides = array<i32>} : memref<128x128xf32, #tpu.memory_space<vmem>>, vector<16xf32>,
        %parallel_loop3A_357 = arith.index_cast %parallel_loop3A_309 : i32 to index
        %parallel_loop3A_358 = arith.constant 96 : index
        %parallel_loop3A_359 = tpu.vector_load %arg9[%parallel_loop3A_357, %parallel_loop3A_358] {strides = array<i32>} : memref<128x128xf32, #tpu.memory_space<vmem>>, vector<16xf32>,
        %parallel_loop3A_360 = arith.mulf %parallel_loop3A_359, %parallel_loop3A_314 : vector<16xf32>
        %parallel_loop3A_361 = arith.index_cast %parallel_loop3A_309 : i32 to index
        %parallel_loop3A_362 = arith.constant 96 : index
        %parallel_loop3A_363 = tpu.vector_load %arg9[%parallel_loop3A_361, %parallel_loop3A_362] {strides = array<i32>} : memref<128x128xf32, #tpu.memory_space<vmem>>, vector<16xf32>,
        tpu.vector_store %arg9[%parallel_loop3A_361, %parallel_loop3A_362], %parallel_loop3A_360 {strides = array<i32>} : memref<128x128xf32, #tpu.memory_space<vmem>>, vector<16xf32>,
        %parallel_loop3A_364 = arith.index_cast %parallel_loop3A_309 : i32 to index
        %parallel_loop3A_365 = arith.constant 112 : index
        %parallel_loop3A_366 = tpu.vector_load %arg9[%parallel_loop3A_364, %parallel_loop3A_365] {strides = array<i32>} : memref<128x128xf32, #tpu.memory_space<vmem>>, vector<16xf32>,
        %parallel_loop3A_367 = arith.mulf %parallel_loop3A_366, %parallel_loop3A_314 : vector<16xf32>
        %parallel_loop3A_368 = arith.index_cast %parallel_loop3A_309 : i32 to index
        %parallel_loop3A_369 = arith.constant 112 : index
        %parallel_loop3A_370 = tpu.vector_load %arg9[%parallel_loop3A_368, %parallel_loop3A_369] {strides = array<i32>} : memref<128x128xf32, #tpu.memory_space<vmem>>, vector<16xf32>,
        tpu.vector_store %arg9[%parallel_loop3A_368, %parallel_loop3A_369], %parallel_loop3A_367 {strides = array<i32>} : memref<128x128xf32, #tpu.memory_space<vmem>>, vector<16xf32>,
      } {sc.loop_unroll_factor = 4 : i64, sc.parallel_access}
      %dma_start3A_225 = arith.constant 0 : i32
      %dma_start3A_226 = arith.constant 0 : i32
      %dma_start3A_227 = tpu.memref_slice %arg5[%dma_start3A_225, %dma_start3A_226] : memref<4x128xi32, #tpu.memory_space<vmem>> -> memref<1x128xi32, #tpu.memory_space<vmem>>
      %dma_start3A_228 = tpu.memref_squeeze %dma_start3A_227 : memref<1x128xi32, #tpu.memory_space<vmem>> -> memref<128xi32, #tpu.memory_space<vmem>>
      %dma_start3A_229 = arith.constant 0 : i32
      %dma_start3A_230 = arith.constant 0 : i32
      %dma_start3A_231 = tpu.memref_slice %arg17[%dma_start3A_229, %dma_start3A_230] : memref<10240x128xf32, #tpu.memory_space<vmem_shared>> -> memref<10240x128xf32, #tpu.memory_space<vmem_shared>>
      tpu.enqueue_indirect_dma source(%arg9 : memref<128x128xf32, #tpu.memory_space<vmem>>) target(%dma_start3A_231 : memref<10240x128xf32, #tpu.memory_space<vmem_shared>>) offsets(%dma_start3A_228 : memref<128xi32, #tpu.memory_space<vmem>>) semaphore(%arg16 : memref<!tpu.dma_semaphore, #tpu.memory_space<semaphore_mem>>) {add = true}
      %add3A_232 = arith.constant 2 : i32
      %add3A_233 = arith.addi %add3A_207, %add3A_232 : i32
      %lt3A_234 = arith.constant 156 : i32
      %lt3A_235 = arith.cmpi slt, %add3A_233, %lt3A_234 : i32
      %convert_element_type3A_236 = arith.extui %lt3A_235 : i1 to i32
      %cond3A_237 = arith.constant 0 : i32
      %cond3A_238 = arith.cmpi ne, %convert_element_type3A_236, %cond3A_237 : i32
      scf.if %cond3A_238 {
        %add3A_309 = arith.constant 2 : i32
        %add3A_310 = arith.addi %add3A_207, %add3A_309 : i32
        %add3A_311 = arith.addi %add3A_18, %add3A_310 : i32
        %dma_start3A_312 = arith.constant 0 : i32
        %dma_start3A_313 = arith.constant 0 : i32
        %dma_start3A_314 = tpu.memref_slice %arg3[%add3A_311, %dma_start3A_312, %dma_start3A_313] : memref<5000x4x128xi32, #tpu.memory_space<hbm>> -> memref<1x4x128xi32, #tpu.memory_space<hbm>>
        %dma_start3A_315 = tpu.memref_squeeze %dma_start3A_314 : memref<1x4x128xi32, #tpu.memory_space<hbm>> -> memref<4x128xi32, #tpu.memory_space<hbm>>
        %dma_start3A_316 = arith.constant 0 : i32
        %dma_start3A_317 = arith.constant 0 : i32
        %dma_start3A_318 = tpu.memref_slice %arg3[%add3A_311, %dma_start3A_316, %dma_start3A_317] : memref<5000x4x128xi32, #tpu.memory_space<hbm>> -> memref<1x4x128xi32, #tpu.memory_space<hbm>>
        %dma_start3A_319 = tpu.memref_squeeze %dma_start3A_318 : memref<1x4x128xi32, #tpu.memory_space<hbm>> -> memref<4x128xi32, #tpu.memory_space<hbm>>
        tpu.enqueue_dma source(%dma_start3A_319 : memref<4x128xi32, #tpu.memory_space<hbm>>) target(%arg7 : memref<4x128xi32, #tpu.memory_space<vmem>>) target_semaphore(%arg14 : memref<!tpu.dma_semaphore, #tpu.memory_space<semaphore_mem>>)
      } else {
      }
      %mul3A_239 = arith.constant 6 : i32
      %mul3A_240 = arith.muli %mul3A_239, %add3A_100 : i32
      %add3A_241 = arith.constant 4 : i32
      %add3A_242 = arith.addi %mul3A_240, %add3A_241 : i32
      %dma_wait3A_243 = arith.constant 1 : i32
      %dma_wait3A_244 = arith.constant 0 : i32
      %dma_wait3A_245 = tpu.memref_slice %arg6[%dma_wait3A_243, %dma_wait3A_244] : memref<4x128xi32, #tpu.memory_space<vmem>> -> memref<1x128xi32, #tpu.memory_space<vmem>>
      %dma_wait3A_246 = tpu.memref_squeeze %dma_wait3A_245 : memref<1x128xi32, #tpu.memory_space<vmem>> -> memref<128xi32, #tpu.memory_space<vmem>>
      %dma_wait3A_247 = arith.constant 0 : i32
      %dma_wait3A_248 = arith.constant 0 : i32
      %dma_wait3A_249 = tpu.memref_slice %arg2[%dma_wait3A_247, %dma_wait3A_248] : memref<20480x128xf32, #tpu.memory_space<hbm>> -> memref<20480x128xf32, #tpu.memory_space<hbm>>
      tpu.wait_indirect_dma semaphore(%arg10 : memref<!tpu.dma_semaphore, #tpu.memory_space<semaphore_mem>>) src(%dma_wait3A_249 : memref<20480x128xf32, #tpu.memory_space<hbm>>) dst(%arg8 : memref<128x128xf32, #tpu.memory_space<vmem>>)
      %add3A_250 = arith.constant 1 : i32
      %add3A_251 = arith.addi %add3A_242, %add3A_250 : i32
      %lt3A_252 = arith.constant 156 : i32
      %lt3A_253 = arith.cmpi slt, %add3A_251, %lt3A_252 : i32
      %convert_element_type3A_254 = arith.extui %lt3A_253 : i1 to i32
      %cond3A_255 = arith.constant 0 : i32
      %cond3A_256 = arith.cmpi ne, %convert_element_type3A_254, %cond3A_255 : i32
      scf.if %cond3A_256 {
        %add3A_309 = arith.constant 1 : i32
        %add3A_310 = arith.addi %add3A_242, %add3A_309 : i32
        %add3A_311 = arith.addi %add3A_18, %add3A_310 : i32
        %dma_wait3A_312 = arith.constant 0 : i32
        %dma_wait3A_313 = arith.constant 0 : i32
        %dma_wait3A_314 = tpu.memref_slice %arg3[%add3A_311, %dma_wait3A_312, %dma_wait3A_313] : memref<5000x4x128xi32, #tpu.memory_space<hbm>> -> memref<1x4x128xi32, #tpu.memory_space<hbm>>
        %dma_wait3A_315 = tpu.memref_squeeze %dma_wait3A_314 : memref<1x4x128xi32, #tpu.memory_space<hbm>> -> memref<4x128xi32, #tpu.memory_space<hbm>>
        %dma_wait3A_316 = arith.constant 0 : i32
        %dma_wait3A_317 = arith.constant 0 : i32
        %dma_wait3A_318 = tpu.memref_slice %arg3[%add3A_311, %dma_wait3A_316, %dma_wait3A_317] : memref<5000x4x128xi32, #tpu.memory_space<hbm>> -> memref<1x4x128xi32, #tpu.memory_space<hbm>>
        %dma_wait3A_319 = tpu.memref_squeeze %dma_wait3A_318 : memref<1x4x128xi32, #tpu.memory_space<hbm>> -> memref<4x128xi32, #tpu.memory_space<hbm>>
        tpu.wait_dma2 semaphore(%arg14 : memref<!tpu.dma_semaphore, #tpu.memory_space<semaphore_mem>>) src(%dma_wait3A_319 : memref<4x128xi32, #tpu.memory_space<hbm>>) dst(%arg7 : memref<4x128xi32, #tpu.memory_space<vmem>>)
        %ge3A = arith.constant 1 : i32
        %ge3A_320 = arith.cmpi sge, %add3A_242, %ge3A : i32
        %convert_element_type3A_321 = arith.extui %ge3A_320 : i1 to i32
        %cond3A_322 = arith.constant 0 : i32
        %cond3A_323 = arith.cmpi ne, %convert_element_type3A_321, %cond3A_322 : i32
        scf.if %cond3A_323 {
          %dma_wait3A_331 = arith.constant 0 : i32
          %dma_wait3A_332 = arith.constant 0 : i32
          %dma_wait3A_333 = tpu.memref_slice %arg5[%dma_wait3A_331, %dma_wait3A_332] : memref<4x128xi32, #tpu.memory_space<vmem>> -> memref<1x128xi32, #tpu.memory_space<vmem>>
          %dma_wait3A_334 = tpu.memref_squeeze %dma_wait3A_333 : memref<1x128xi32, #tpu.memory_space<vmem>> -> memref<128xi32, #tpu.memory_space<vmem>>
          %dma_wait3A_335 = arith.constant 0 : i32
          %dma_wait3A_336 = arith.constant 0 : i32
          %dma_wait3A_337 = tpu.memref_slice %arg17[%dma_wait3A_335, %dma_wait3A_336] : memref<10240x128xf32, #tpu.memory_space<vmem_shared>> -> memref<10240x128xf32, #tpu.memory_space<vmem_shared>>
          tpu.wait_indirect_dma semaphore(%arg16 : memref<!tpu.dma_semaphore, #tpu.memory_space<semaphore_mem>>) src(%arg9 : memref<128x128xf32, #tpu.memory_space<vmem>>) dst(%dma_wait3A_337 : memref<10240x128xf32, #tpu.memory_space<vmem_shared>>)
        } else {
        }
        %dma_start3A_324 = arith.constant 1 : i32
        %dma_start3A_325 = arith.constant 0 : i32
        %dma_start3A_326 = tpu.memref_slice %arg7[%dma_start3A_324, %dma_start3A_325] : memref<4x128xi32, #tpu.memory_space<vmem>> -> memref<1x128xi32, #tpu.memory_space<vmem>>
        %dma_start3A_327 = tpu.memref_squeeze %dma_start3A_326 : memref<1x128xi32, #tpu.memory_space<vmem>> -> memref<128xi32, #tpu.memory_space<vmem>>
        %dma_start3A_328 = arith.constant 0 : i32
        %dma_start3A_329 = arith.constant 0 : i32
        %dma_start3A_330 = tpu.memref_slice %arg2[%dma_start3A_328, %dma_start3A_329] : memref<20480x128xf32, #tpu.memory_space<hbm>> -> memref<20480x128xf32, #tpu.memory_space<hbm>>
        tpu.enqueue_indirect_dma source(%dma_start3A_330 : memref<20480x128xf32, #tpu.memory_space<hbm>>) target(%arg9 : memref<128x128xf32, #tpu.memory_space<vmem>>) offsets(%dma_start3A_327 : memref<128xi32, #tpu.memory_space<vmem>>) semaphore(%arg11 : memref<!tpu.dma_semaphore, #tpu.memory_space<semaphore_mem>>)
      } else {
      }
      %parallel_loop3A_257 = arith.constant 0 : i32
      %parallel_loop3A_258 = arith.constant 128 : i32
      %parallel_loop3A_259 = arith.constant 1 : i32
      scf.for %parallel_loop3A_309 = %parallel_loop3A_257 to %parallel_loop3A_258 step %parallel_loop3A_259  : i32 {
        %parallel_loop3A_310 = arith.constant 2 : i32
        %parallel_loop3A_311 = vector.broadcast %parallel_loop3A_310 : i32 to vector<16xi32>
        %parallel_loop3A_312 = vector.broadcast %parallel_loop3A_309 : i32 to vector<16xi32>
        %parallel_loop3A_313 = tpu.vector_load_idx %arg6[%parallel_loop3A_311, %parallel_loop3A_312] : memref<4x128xi32, #tpu.memory_space<vmem>>[vector<16xi32>, vector<16xi32>], vector<16xi32>,
        %parallel_loop3A_314 = vector.bitcast %parallel_loop3A_313 : vector<16xi32> to vector<16xf32>
        %parallel_loop3A_315 = arith.index_cast %parallel_loop3A_309 : i32 to index
        %parallel_loop3A_316 = arith.constant 0 : index
        %parallel_loop3A_317 = tpu.vector_load %arg8[%parallel_loop3A_315, %parallel_loop3A_316] {strides = array<i32>} : memref<128x128xf32, #tpu.memory_space<vmem>>, vector<16xf32>,
        %parallel_loop3A_318 = arith.mulf %parallel_loop3A_317, %parallel_loop3A_314 : vector<16xf32>
        %parallel_loop3A_319 = arith.index_cast %parallel_loop3A_309 : i32 to index
        %parallel_loop3A_320 = arith.constant 0 : index
        %parallel_loop3A_321 = tpu.vector_load %arg8[%parallel_loop3A_319, %parallel_loop3A_320] {strides = array<i32>} : memref<128x128xf32, #tpu.memory_space<vmem>>, vector<16xf32>,
        tpu.vector_store %arg8[%parallel_loop3A_319, %parallel_loop3A_320], %parallel_loop3A_318 {strides = array<i32>} : memref<128x128xf32, #tpu.memory_space<vmem>>, vector<16xf32>,
        %parallel_loop3A_322 = arith.index_cast %parallel_loop3A_309 : i32 to index
        %parallel_loop3A_323 = arith.constant 16 : index
        %parallel_loop3A_324 = tpu.vector_load %arg8[%parallel_loop3A_322, %parallel_loop3A_323] {strides = array<i32>} : memref<128x128xf32, #tpu.memory_space<vmem>>, vector<16xf32>,
        %parallel_loop3A_325 = arith.mulf %parallel_loop3A_324, %parallel_loop3A_314 : vector<16xf32>
        %parallel_loop3A_326 = arith.index_cast %parallel_loop3A_309 : i32 to index
        %parallel_loop3A_327 = arith.constant 16 : index
        %parallel_loop3A_328 = tpu.vector_load %arg8[%parallel_loop3A_326, %parallel_loop3A_327] {strides = array<i32>} : memref<128x128xf32, #tpu.memory_space<vmem>>, vector<16xf32>,
        tpu.vector_store %arg8[%parallel_loop3A_326, %parallel_loop3A_327], %parallel_loop3A_325 {strides = array<i32>} : memref<128x128xf32, #tpu.memory_space<vmem>>, vector<16xf32>,
        %parallel_loop3A_329 = arith.index_cast %parallel_loop3A_309 : i32 to index
        %parallel_loop3A_330 = arith.constant 32 : index
        %parallel_loop3A_331 = tpu.vector_load %arg8[%parallel_loop3A_329, %parallel_loop3A_330] {strides = array<i32>} : memref<128x128xf32, #tpu.memory_space<vmem>>, vector<16xf32>,
        %parallel_loop3A_332 = arith.mulf %parallel_loop3A_331, %parallel_loop3A_314 : vector<16xf32>
        %parallel_loop3A_333 = arith.index_cast %parallel_loop3A_309 : i32 to index
        %parallel_loop3A_334 = arith.constant 32 : index
        %parallel_loop3A_335 = tpu.vector_load %arg8[%parallel_loop3A_333, %parallel_loop3A_334] {strides = array<i32>} : memref<128x128xf32, #tpu.memory_space<vmem>>, vector<16xf32>,
        tpu.vector_store %arg8[%parallel_loop3A_333, %parallel_loop3A_334], %parallel_loop3A_332 {strides = array<i32>} : memref<128x128xf32, #tpu.memory_space<vmem>>, vector<16xf32>,
        %parallel_loop3A_336 = arith.index_cast %parallel_loop3A_309 : i32 to index
        %parallel_loop3A_337 = arith.constant 48 : index
        %parallel_loop3A_338 = tpu.vector_load %arg8[%parallel_loop3A_336, %parallel_loop3A_337] {strides = array<i32>} : memref<128x128xf32, #tpu.memory_space<vmem>>, vector<16xf32>,
        %parallel_loop3A_339 = arith.mulf %parallel_loop3A_338, %parallel_loop3A_314 : vector<16xf32>
        %parallel_loop3A_340 = arith.index_cast %parallel_loop3A_309 : i32 to index
        %parallel_loop3A_341 = arith.constant 48 : index
        %parallel_loop3A_342 = tpu.vector_load %arg8[%parallel_loop3A_340, %parallel_loop3A_341] {strides = array<i32>} : memref<128x128xf32, #tpu.memory_space<vmem>>, vector<16xf32>,
        tpu.vector_store %arg8[%parallel_loop3A_340, %parallel_loop3A_341], %parallel_loop3A_339 {strides = array<i32>} : memref<128x128xf32, #tpu.memory_space<vmem>>, vector<16xf32>,
        %parallel_loop3A_343 = arith.index_cast %parallel_loop3A_309 : i32 to index
        %parallel_loop3A_344 = arith.constant 64 : index
        %parallel_loop3A_345 = tpu.vector_load %arg8[%parallel_loop3A_343, %parallel_loop3A_344] {strides = array<i32>} : memref<128x128xf32, #tpu.memory_space<vmem>>, vector<16xf32>,
        %parallel_loop3A_346 = arith.mulf %parallel_loop3A_345, %parallel_loop3A_314 : vector<16xf32>
        %parallel_loop3A_347 = arith.index_cast %parallel_loop3A_309 : i32 to index
        %parallel_loop3A_348 = arith.constant 64 : index
        %parallel_loop3A_349 = tpu.vector_load %arg8[%parallel_loop3A_347, %parallel_loop3A_348] {strides = array<i32>} : memref<128x128xf32, #tpu.memory_space<vmem>>, vector<16xf32>,
        tpu.vector_store %arg8[%parallel_loop3A_347, %parallel_loop3A_348], %parallel_loop3A_346 {strides = array<i32>} : memref<128x128xf32, #tpu.memory_space<vmem>>, vector<16xf32>,
        %parallel_loop3A_350 = arith.index_cast %parallel_loop3A_309 : i32 to index
        %parallel_loop3A_351 = arith.constant 80 : index
        %parallel_loop3A_352 = tpu.vector_load %arg8[%parallel_loop3A_350, %parallel_loop3A_351] {strides = array<i32>} : memref<128x128xf32, #tpu.memory_space<vmem>>, vector<16xf32>,
        %parallel_loop3A_353 = arith.mulf %parallel_loop3A_352, %parallel_loop3A_314 : vector<16xf32>
        %parallel_loop3A_354 = arith.index_cast %parallel_loop3A_309 : i32 to index
        %parallel_loop3A_355 = arith.constant 80 : index
        %parallel_loop3A_356 = tpu.vector_load %arg8[%parallel_loop3A_354, %parallel_loop3A_355] {strides = array<i32>} : memref<128x128xf32, #tpu.memory_space<vmem>>, vector<16xf32>,
        tpu.vector_store %arg8[%parallel_loop3A_354, %parallel_loop3A_355], %parallel_loop3A_353 {strides = array<i32>} : memref<128x128xf32, #tpu.memory_space<vmem>>, vector<16xf32>,
        %parallel_loop3A_357 = arith.index_cast %parallel_loop3A_309 : i32 to index
        %parallel_loop3A_358 = arith.constant 96 : index
        %parallel_loop3A_359 = tpu.vector_load %arg8[%parallel_loop3A_357, %parallel_loop3A_358] {strides = array<i32>} : memref<128x128xf32, #tpu.memory_space<vmem>>, vector<16xf32>,
        %parallel_loop3A_360 = arith.mulf %parallel_loop3A_359, %parallel_loop3A_314 : vector<16xf32>
        %parallel_loop3A_361 = arith.index_cast %parallel_loop3A_309 : i32 to index
        %parallel_loop3A_362 = arith.constant 96 : index
        %parallel_loop3A_363 = tpu.vector_load %arg8[%parallel_loop3A_361, %parallel_loop3A_362] {strides = array<i32>} : memref<128x128xf32, #tpu.memory_space<vmem>>, vector<16xf32>,
        tpu.vector_store %arg8[%parallel_loop3A_361, %parallel_loop3A_362], %parallel_loop3A_360 {strides = array<i32>} : memref<128x128xf32, #tpu.memory_space<vmem>>, vector<16xf32>,
        %parallel_loop3A_364 = arith.index_cast %parallel_loop3A_309 : i32 to index
        %parallel_loop3A_365 = arith.constant 112 : index
        %parallel_loop3A_366 = tpu.vector_load %arg8[%parallel_loop3A_364, %parallel_loop3A_365] {strides = array<i32>} : memref<128x128xf32, #tpu.memory_space<vmem>>, vector<16xf32>,
        %parallel_loop3A_367 = arith.mulf %parallel_loop3A_366, %parallel_loop3A_314 : vector<16xf32>
        %parallel_loop3A_368 = arith.index_cast %parallel_loop3A_309 : i32 to index
        %parallel_loop3A_369 = arith.constant 112 : index
        %parallel_loop3A_370 = tpu.vector_load %arg8[%parallel_loop3A_368, %parallel_loop3A_369] {strides = array<i32>} : memref<128x128xf32, #tpu.memory_space<vmem>>, vector<16xf32>,
        tpu.vector_store %arg8[%parallel_loop3A_368, %parallel_loop3A_369], %parallel_loop3A_367 {strides = array<i32>} : memref<128x128xf32, #tpu.memory_space<vmem>>, vector<16xf32>,
      } {sc.loop_unroll_factor = 4 : i64, sc.parallel_access}
      %dma_start3A_260 = arith.constant 0 : i32
      %dma_start3A_261 = arith.constant 0 : i32
      %dma_start3A_262 = tpu.memref_slice %arg6[%dma_start3A_260, %dma_start3A_261] : memref<4x128xi32, #tpu.memory_space<vmem>> -> memref<1x128xi32, #tpu.memory_space<vmem>>
      %dma_start3A_263 = tpu.memref_squeeze %dma_start3A_262 : memref<1x128xi32, #tpu.memory_space<vmem>> -> memref<128xi32, #tpu.memory_space<vmem>>
      %dma_start3A_264 = arith.constant 0 : i32
      %dma_start3A_265 = arith.constant 0 : i32
      %dma_start3A_266 = tpu.memref_slice %arg17[%dma_start3A_264, %dma_start3A_265] : memref<10240x128xf32, #tpu.memory_space<vmem_shared>> -> memref<10240x128xf32, #tpu.memory_space<vmem_shared>>
      tpu.enqueue_indirect_dma source(%arg8 : memref<128x128xf32, #tpu.memory_space<vmem>>) target(%dma_start3A_266 : memref<10240x128xf32, #tpu.memory_space<vmem_shared>>) offsets(%dma_start3A_263 : memref<128xi32, #tpu.memory_space<vmem>>) semaphore(%arg15 : memref<!tpu.dma_semaphore, #tpu.memory_space<semaphore_mem>>) {add = true}
      %add3A_267 = arith.constant 2 : i32
      %add3A_268 = arith.addi %add3A_242, %add3A_267 : i32
      %lt3A_269 = arith.constant 156 : i32
      %lt3A_270 = arith.cmpi slt, %add3A_268, %lt3A_269 : i32
      %convert_element_type3A_271 = arith.extui %lt3A_270 : i1 to i32
      %cond3A_272 = arith.constant 0 : i32
      %cond3A_273 = arith.cmpi ne, %convert_element_type3A_271, %cond3A_272 : i32
      scf.if %cond3A_273 {
        %add3A_309 = arith.constant 2 : i32
        %add3A_310 = arith.addi %add3A_242, %add3A_309 : i32
        %add3A_311 = arith.addi %add3A_18, %add3A_310 : i32
        %dma_start3A_312 = arith.constant 0 : i32
        %dma_start3A_313 = arith.constant 0 : i32
        %dma_start3A_314 = tpu.memref_slice %arg3[%add3A_311, %dma_start3A_312, %dma_start3A_313] : memref<5000x4x128xi32, #tpu.memory_space<hbm>> -> memref<1x4x128xi32, #tpu.memory_space<hbm>>
        %dma_start3A_315 = tpu.memref_squeeze %dma_start3A_314 : memref<1x4x128xi32, #tpu.memory_space<hbm>> -> memref<4x128xi32, #tpu.memory_space<hbm>>
        %dma_start3A_316 = arith.constant 0 : i32
        %dma_start3A_317 = arith.constant 0 : i32
        %dma_start3A_318 = tpu.memref_slice %arg3[%add3A_311, %dma_start3A_316, %dma_start3A_317] : memref<5000x4x128xi32, #tpu.memory_space<hbm>> -> memref<1x4x128xi32, #tpu.memory_space<hbm>>
        %dma_start3A_319 = tpu.memref_squeeze %dma_start3A_318 : memref<1x4x128xi32, #tpu.memory_space<hbm>> -> memref<4x128xi32, #tpu.memory_space<hbm>>
        tpu.enqueue_dma source(%dma_start3A_319 : memref<4x128xi32, #tpu.memory_space<hbm>>) target(%arg5 : memref<4x128xi32, #tpu.memory_space<vmem>>) target_semaphore(%arg12 : memref<!tpu.dma_semaphore, #tpu.memory_space<semaphore_mem>>)
      } else {
      }
      %mul3A_274 = arith.constant 6 : i32
      %mul3A_275 = arith.muli %mul3A_274, %add3A_100 : i32
      %add3A_276 = arith.constant 5 : i32
      %add3A_277 = arith.addi %mul3A_275, %add3A_276 : i32
      %dma_wait3A_278 = arith.constant 1 : i32
      %dma_wait3A_279 = arith.constant 0 : i32
      %dma_wait3A_280 = tpu.memref_slice %arg7[%dma_wait3A_278, %dma_wait3A_279] : memref<4x128xi32, #tpu.memory_space<vmem>> -> memref<1x128xi32, #tpu.memory_space<vmem>>
      %dma_wait3A_281 = tpu.memref_squeeze %dma_wait3A_280 : memref<1x128xi32, #tpu.memory_space<vmem>> -> memref<128xi32, #tpu.memory_space<vmem>>
      %dma_wait3A_282 = arith.constant 0 : i32
      %dma_wait3A_283 = arith.constant 0 : i32
      %dma_wait3A_284 = tpu.memref_slice %arg2[%dma_wait3A_282, %dma_wait3A_283] : memref<20480x128xf32, #tpu.memory_space<hbm>> -> memref<20480x128xf32, #tpu.memory_space<hbm>>
      tpu.wait_indirect_dma semaphore(%arg11 : memref<!tpu.dma_semaphore, #tpu.memory_space<semaphore_mem>>) src(%dma_wait3A_284 : memref<20480x128xf32, #tpu.memory_space<hbm>>) dst(%arg9 : memref<128x128xf32, #tpu.memory_space<vmem>>)
      %add3A_285 = arith.constant 1 : i32
      %add3A_286 = arith.addi %add3A_277, %add3A_285 : i32
      %lt3A_287 = arith.constant 156 : i32
      %lt3A_288 = arith.cmpi slt, %add3A_286, %lt3A_287 : i32
      %convert_element_type3A_289 = arith.extui %lt3A_288 : i1 to i32
      %cond3A_290 = arith.constant 0 : i32
      %cond3A_291 = arith.cmpi ne, %convert_element_type3A_289, %cond3A_290 : i32
      scf.if %cond3A_291 {
        %add3A_309 = arith.constant 1 : i32
        %add3A_310 = arith.addi %add3A_277, %add3A_309 : i32
        %add3A_311 = arith.addi %add3A_18, %add3A_310 : i32
        %dma_wait3A_312 = arith.constant 0 : i32
        %dma_wait3A_313 = arith.constant 0 : i32
        %dma_wait3A_314 = tpu.memref_slice %arg3[%add3A_311, %dma_wait3A_312, %dma_wait3A_313] : memref<5000x4x128xi32, #tpu.memory_space<hbm>> -> memref<1x4x128xi32, #tpu.memory_space<hbm>>
        %dma_wait3A_315 = tpu.memref_squeeze %dma_wait3A_314 : memref<1x4x128xi32, #tpu.memory_space<hbm>> -> memref<4x128xi32, #tpu.memory_space<hbm>>
        %dma_wait3A_316 = arith.constant 0 : i32
        %dma_wait3A_317 = arith.constant 0 : i32
        %dma_wait3A_318 = tpu.memref_slice %arg3[%add3A_311, %dma_wait3A_316, %dma_wait3A_317] : memref<5000x4x128xi32, #tpu.memory_space<hbm>> -> memref<1x4x128xi32, #tpu.memory_space<hbm>>
        %dma_wait3A_319 = tpu.memref_squeeze %dma_wait3A_318 : memref<1x4x128xi32, #tpu.memory_space<hbm>> -> memref<4x128xi32, #tpu.memory_space<hbm>>
        tpu.wait_dma2 semaphore(%arg12 : memref<!tpu.dma_semaphore, #tpu.memory_space<semaphore_mem>>) src(%dma_wait3A_319 : memref<4x128xi32, #tpu.memory_space<hbm>>) dst(%arg5 : memref<4x128xi32, #tpu.memory_space<vmem>>)
        %ge3A = arith.constant 1 : i32
        %ge3A_320 = arith.cmpi sge, %add3A_277, %ge3A : i32
        %convert_element_type3A_321 = arith.extui %ge3A_320 : i1 to i32
        %cond3A_322 = arith.constant 0 : i32
        %cond3A_323 = arith.cmpi ne, %convert_element_type3A_321, %cond3A_322 : i32
        scf.if %cond3A_323 {
          %dma_wait3A_331 = arith.constant 0 : i32
          %dma_wait3A_332 = arith.constant 0 : i32
          %dma_wait3A_333 = tpu.memref_slice %arg6[%dma_wait3A_331, %dma_wait3A_332] : memref<4x128xi32, #tpu.memory_space<vmem>> -> memref<1x128xi32, #tpu.memory_space<vmem>>
          %dma_wait3A_334 = tpu.memref_squeeze %dma_wait3A_333 : memref<1x128xi32, #tpu.memory_space<vmem>> -> memref<128xi32, #tpu.memory_space<vmem>>
          %dma_wait3A_335 = arith.constant 0 : i32
          %dma_wait3A_336 = arith.constant 0 : i32
          %dma_wait3A_337 = tpu.memref_slice %arg17[%dma_wait3A_335, %dma_wait3A_336] : memref<10240x128xf32, #tpu.memory_space<vmem_shared>> -> memref<10240x128xf32, #tpu.memory_space<vmem_shared>>
          tpu.wait_indirect_dma semaphore(%arg15 : memref<!tpu.dma_semaphore, #tpu.memory_space<semaphore_mem>>) src(%arg8 : memref<128x128xf32, #tpu.memory_space<vmem>>) dst(%dma_wait3A_337 : memref<10240x128xf32, #tpu.memory_space<vmem_shared>>)
        } else {
        }
        %dma_start3A_324 = arith.constant 1 : i32
        %dma_start3A_325 = arith.constant 0 : i32
        %dma_start3A_326 = tpu.memref_slice %arg5[%dma_start3A_324, %dma_start3A_325] : memref<4x128xi32, #tpu.memory_space<vmem>> -> memref<1x128xi32, #tpu.memory_space<vmem>>
        %dma_start3A_327 = tpu.memref_squeeze %dma_start3A_326 : memref<1x128xi32, #tpu.memory_space<vmem>> -> memref<128xi32, #tpu.memory_space<vmem>>
        %dma_start3A_328 = arith.constant 0 : i32
        %dma_start3A_329 = arith.constant 0 : i32
        %dma_start3A_330 = tpu.memref_slice %arg2[%dma_start3A_328, %dma_start3A_329] : memref<20480x128xf32, #tpu.memory_space<hbm>> -> memref<20480x128xf32, #tpu.memory_space<hbm>>
        tpu.enqueue_indirect_dma source(%dma_start3A_330 : memref<20480x128xf32, #tpu.memory_space<hbm>>) target(%arg8 : memref<128x128xf32, #tpu.memory_space<vmem>>) offsets(%dma_start3A_327 : memref<128xi32, #tpu.memory_space<vmem>>) semaphore(%arg10 : memref<!tpu.dma_semaphore, #tpu.memory_space<semaphore_mem>>)
      } else {
      }
      %parallel_loop3A_292 = arith.constant 0 : i32
      %parallel_loop3A_293 = arith.constant 128 : i32
      %parallel_loop3A_294 = arith.constant 1 : i32
      scf.for %parallel_loop3A_309 = %parallel_loop3A_292 to %parallel_loop3A_293 step %parallel_loop3A_294  : i32 {
        %parallel_loop3A_310 = arith.constant 2 : i32
        %parallel_loop3A_311 = vector.broadcast %parallel_loop3A_310 : i32 to vector<16xi32>
        %parallel_loop3A_312 = vector.broadcast %parallel_loop3A_309 : i32 to vector<16xi32>
        %parallel_loop3A_313 = tpu.vector_load_idx %arg7[%parallel_loop3A_311, %parallel_loop3A_312] : memref<4x128xi32, #tpu.memory_space<vmem>>[vector<16xi32>, vector<16xi32>], vector<16xi32>,
        %parallel_loop3A_314 = vector.bitcast %parallel_loop3A_313 : vector<16xi32> to vector<16xf32>
        %parallel_loop3A_315 = arith.index_cast %parallel_loop3A_309 : i32 to index
        %parallel_loop3A_316 = arith.constant 0 : index
        %parallel_loop3A_317 = tpu.vector_load %arg9[%parallel_loop3A_315, %parallel_loop3A_316] {strides = array<i32>} : memref<128x128xf32, #tpu.memory_space<vmem>>, vector<16xf32>,
        %parallel_loop3A_318 = arith.mulf %parallel_loop3A_317, %parallel_loop3A_314 : vector<16xf32>
        %parallel_loop3A_319 = arith.index_cast %parallel_loop3A_309 : i32 to index
        %parallel_loop3A_320 = arith.constant 0 : index
        %parallel_loop3A_321 = tpu.vector_load %arg9[%parallel_loop3A_319, %parallel_loop3A_320] {strides = array<i32>} : memref<128x128xf32, #tpu.memory_space<vmem>>, vector<16xf32>,
        tpu.vector_store %arg9[%parallel_loop3A_319, %parallel_loop3A_320], %parallel_loop3A_318 {strides = array<i32>} : memref<128x128xf32, #tpu.memory_space<vmem>>, vector<16xf32>,
        %parallel_loop3A_322 = arith.index_cast %parallel_loop3A_309 : i32 to index
        %parallel_loop3A_323 = arith.constant 16 : index
        %parallel_loop3A_324 = tpu.vector_load %arg9[%parallel_loop3A_322, %parallel_loop3A_323] {strides = array<i32>} : memref<128x128xf32, #tpu.memory_space<vmem>>, vector<16xf32>,
        %parallel_loop3A_325 = arith.mulf %parallel_loop3A_324, %parallel_loop3A_314 : vector<16xf32>
        %parallel_loop3A_326 = arith.index_cast %parallel_loop3A_309 : i32 to index
        %parallel_loop3A_327 = arith.constant 16 : index
        %parallel_loop3A_328 = tpu.vector_load %arg9[%parallel_loop3A_326, %parallel_loop3A_327] {strides = array<i32>} : memref<128x128xf32, #tpu.memory_space<vmem>>, vector<16xf32>,
        tpu.vector_store %arg9[%parallel_loop3A_326, %parallel_loop3A_327], %parallel_loop3A_325 {strides = array<i32>} : memref<128x128xf32, #tpu.memory_space<vmem>>, vector<16xf32>,
        %parallel_loop3A_329 = arith.index_cast %parallel_loop3A_309 : i32 to index
        %parallel_loop3A_330 = arith.constant 32 : index
        %parallel_loop3A_331 = tpu.vector_load %arg9[%parallel_loop3A_329, %parallel_loop3A_330] {strides = array<i32>} : memref<128x128xf32, #tpu.memory_space<vmem>>, vector<16xf32>,
        %parallel_loop3A_332 = arith.mulf %parallel_loop3A_331, %parallel_loop3A_314 : vector<16xf32>
        %parallel_loop3A_333 = arith.index_cast %parallel_loop3A_309 : i32 to index
        %parallel_loop3A_334 = arith.constant 32 : index
        %parallel_loop3A_335 = tpu.vector_load %arg9[%parallel_loop3A_333, %parallel_loop3A_334] {strides = array<i32>} : memref<128x128xf32, #tpu.memory_space<vmem>>, vector<16xf32>,
        tpu.vector_store %arg9[%parallel_loop3A_333, %parallel_loop3A_334], %parallel_loop3A_332 {strides = array<i32>} : memref<128x128xf32, #tpu.memory_space<vmem>>, vector<16xf32>,
        %parallel_loop3A_336 = arith.index_cast %parallel_loop3A_309 : i32 to index
        %parallel_loop3A_337 = arith.constant 48 : index
        %parallel_loop3A_338 = tpu.vector_load %arg9[%parallel_loop3A_336, %parallel_loop3A_337] {strides = array<i32>} : memref<128x128xf32, #tpu.memory_space<vmem>>, vector<16xf32>,
        %parallel_loop3A_339 = arith.mulf %parallel_loop3A_338, %parallel_loop3A_314 : vector<16xf32>
        %parallel_loop3A_340 = arith.index_cast %parallel_loop3A_309 : i32 to index
        %parallel_loop3A_341 = arith.constant 48 : index
        %parallel_loop3A_342 = tpu.vector_load %arg9[%parallel_loop3A_340, %parallel_loop3A_341] {strides = array<i32>} : memref<128x128xf32, #tpu.memory_space<vmem>>, vector<16xf32>,
        tpu.vector_store %arg9[%parallel_loop3A_340, %parallel_loop3A_341], %parallel_loop3A_339 {strides = array<i32>} : memref<128x128xf32, #tpu.memory_space<vmem>>, vector<16xf32>,
        %parallel_loop3A_343 = arith.index_cast %parallel_loop3A_309 : i32 to index
        %parallel_loop3A_344 = arith.constant 64 : index
        %parallel_loop3A_345 = tpu.vector_load %arg9[%parallel_loop3A_343, %parallel_loop3A_344] {strides = array<i32>} : memref<128x128xf32, #tpu.memory_space<vmem>>, vector<16xf32>,
        %parallel_loop3A_346 = arith.mulf %parallel_loop3A_345, %parallel_loop3A_314 : vector<16xf32>
        %parallel_loop3A_347 = arith.index_cast %parallel_loop3A_309 : i32 to index
        %parallel_loop3A_348 = arith.constant 64 : index
        %parallel_loop3A_349 = tpu.vector_load %arg9[%parallel_loop3A_347, %parallel_loop3A_348] {strides = array<i32>} : memref<128x128xf32, #tpu.memory_space<vmem>>, vector<16xf32>,
        tpu.vector_store %arg9[%parallel_loop3A_347, %parallel_loop3A_348], %parallel_loop3A_346 {strides = array<i32>} : memref<128x128xf32, #tpu.memory_space<vmem>>, vector<16xf32>,
        %parallel_loop3A_350 = arith.index_cast %parallel_loop3A_309 : i32 to index
        %parallel_loop3A_351 = arith.constant 80 : index
        %parallel_loop3A_352 = tpu.vector_load %arg9[%parallel_loop3A_350, %parallel_loop3A_351] {strides = array<i32>} : memref<128x128xf32, #tpu.memory_space<vmem>>, vector<16xf32>,
        %parallel_loop3A_353 = arith.mulf %parallel_loop3A_352, %parallel_loop3A_314 : vector<16xf32>
        %parallel_loop3A_354 = arith.index_cast %parallel_loop3A_309 : i32 to index
        %parallel_loop3A_355 = arith.constant 80 : index
        %parallel_loop3A_356 = tpu.vector_load %arg9[%parallel_loop3A_354, %parallel_loop3A_355] {strides = array<i32>} : memref<128x128xf32, #tpu.memory_space<vmem>>, vector<16xf32>,
        tpu.vector_store %arg9[%parallel_loop3A_354, %parallel_loop3A_355], %parallel_loop3A_353 {strides = array<i32>} : memref<128x128xf32, #tpu.memory_space<vmem>>, vector<16xf32>,
        %parallel_loop3A_357 = arith.index_cast %parallel_loop3A_309 : i32 to index
        %parallel_loop3A_358 = arith.constant 96 : index
        %parallel_loop3A_359 = tpu.vector_load %arg9[%parallel_loop3A_357, %parallel_loop3A_358] {strides = array<i32>} : memref<128x128xf32, #tpu.memory_space<vmem>>, vector<16xf32>,
        %parallel_loop3A_360 = arith.mulf %parallel_loop3A_359, %parallel_loop3A_314 : vector<16xf32>
        %parallel_loop3A_361 = arith.index_cast %parallel_loop3A_309 : i32 to index
        %parallel_loop3A_362 = arith.constant 96 : index
        %parallel_loop3A_363 = tpu.vector_load %arg9[%parallel_loop3A_361, %parallel_loop3A_362] {strides = array<i32>} : memref<128x128xf32, #tpu.memory_space<vmem>>, vector<16xf32>,
        tpu.vector_store %arg9[%parallel_loop3A_361, %parallel_loop3A_362], %parallel_loop3A_360 {strides = array<i32>} : memref<128x128xf32, #tpu.memory_space<vmem>>, vector<16xf32>,
        %parallel_loop3A_364 = arith.index_cast %parallel_loop3A_309 : i32 to index
        %parallel_loop3A_365 = arith.constant 112 : index
        %parallel_loop3A_366 = tpu.vector_load %arg9[%parallel_loop3A_364, %parallel_loop3A_365] {strides = array<i32>} : memref<128x128xf32, #tpu.memory_space<vmem>>, vector<16xf32>,
        %parallel_loop3A_367 = arith.mulf %parallel_loop3A_366, %parallel_loop3A_314 : vector<16xf32>
        %parallel_loop3A_368 = arith.index_cast %parallel_loop3A_309 : i32 to index
        %parallel_loop3A_369 = arith.constant 112 : index
        %parallel_loop3A_370 = tpu.vector_load %arg9[%parallel_loop3A_368, %parallel_loop3A_369] {strides = array<i32>} : memref<128x128xf32, #tpu.memory_space<vmem>>, vector<16xf32>,
        tpu.vector_store %arg9[%parallel_loop3A_368, %parallel_loop3A_369], %parallel_loop3A_367 {strides = array<i32>} : memref<128x128xf32, #tpu.memory_space<vmem>>, vector<16xf32>,
      } {sc.loop_unroll_factor = 4 : i64, sc.parallel_access}
      %dma_start3A_295 = arith.constant 0 : i32
      %dma_start3A_296 = arith.constant 0 : i32
      %dma_start3A_297 = tpu.memref_slice %arg7[%dma_start3A_295, %dma_start3A_296] : memref<4x128xi32, #tpu.memory_space<vmem>> -> memref<1x128xi32, #tpu.memory_space<vmem>>
      %dma_start3A_298 = tpu.memref_squeeze %dma_start3A_297 : memref<1x128xi32, #tpu.memory_space<vmem>> -> memref<128xi32, #tpu.memory_space<vmem>>
      %dma_start3A_299 = arith.constant 0 : i32
      %dma_start3A_300 = arith.constant 0 : i32
      %dma_start3A_301 = tpu.memref_slice %arg17[%dma_start3A_299, %dma_start3A_300] : memref<10240x128xf32, #tpu.memory_space<vmem_shared>> -> memref<10240x128xf32, #tpu.memory_space<vmem_shared>>
      tpu.enqueue_indirect_dma source(%arg9 : memref<128x128xf32, #tpu.memory_space<vmem>>) target(%dma_start3A_301 : memref<10240x128xf32, #tpu.memory_space<vmem_shared>>) offsets(%dma_start3A_298 : memref<128xi32, #tpu.memory_space<vmem>>) semaphore(%arg16 : memref<!tpu.dma_semaphore, #tpu.memory_space<semaphore_mem>>) {add = true}
      %add3A_302 = arith.constant 2 : i32
      %add3A_303 = arith.addi %add3A_277, %add3A_302 : i32
      %lt3A_304 = arith.constant 156 : i32
      %lt3A_305 = arith.cmpi slt, %add3A_303, %lt3A_304 : i32
      %convert_element_type3A_306 = arith.extui %lt3A_305 : i1 to i32
      %cond3A_307 = arith.constant 0 : i32
      %cond3A_308 = arith.cmpi ne, %convert_element_type3A_306, %cond3A_307 : i32
      scf.if %cond3A_308 {
        %add3A_309 = arith.constant 2 : i32
        %add3A_310 = arith.addi %add3A_277, %add3A_309 : i32
        %add3A_311 = arith.addi %add3A_18, %add3A_310 : i32
        %dma_start3A_312 = arith.constant 0 : i32
        %dma_start3A_313 = arith.constant 0 : i32
        %dma_start3A_314 = tpu.memref_slice %arg3[%add3A_311, %dma_start3A_312, %dma_start3A_313] : memref<5000x4x128xi32, #tpu.memory_space<hbm>> -> memref<1x4x128xi32, #tpu.memory_space<hbm>>
        %dma_start3A_315 = tpu.memref_squeeze %dma_start3A_314 : memref<1x4x128xi32, #tpu.memory_space<hbm>> -> memref<4x128xi32, #tpu.memory_space<hbm>>
        %dma_start3A_316 = arith.constant 0 : i32
        %dma_start3A_317 = arith.constant 0 : i32
        %dma_start3A_318 = tpu.memref_slice %arg3[%add3A_311, %dma_start3A_316, %dma_start3A_317] : memref<5000x4x128xi32, #tpu.memory_space<hbm>> -> memref<1x4x128xi32, #tpu.memory_space<hbm>>
        %dma_start3A_319 = tpu.memref_squeeze %dma_start3A_318 : memref<1x4x128xi32, #tpu.memory_space<hbm>> -> memref<4x128xi32, #tpu.memory_space<hbm>>
        tpu.enqueue_dma source(%dma_start3A_319 : memref<4x128xi32, #tpu.memory_space<hbm>>) target(%arg6 : memref<4x128xi32, #tpu.memory_space<vmem>>) target_semaphore(%arg13 : memref<!tpu.dma_semaphore, #tpu.memory_space<semaphore_mem>>)
      } else {
      }
    }
    %scan3A_58 = arith.constant 26 : i32
    %dma_wait3A_59 = arith.constant 0 : i32
    %dma_wait3A_60 = arith.constant 0 : i32
    %dma_wait3A_61 = tpu.memref_slice %arg6[%dma_wait3A_59, %dma_wait3A_60] : memref<4x128xi32, #tpu.memory_space<vmem>> -> memref<1x128xi32, #tpu.memory_space<vmem>>
    %dma_wait3A_62 = tpu.memref_squeeze %dma_wait3A_61 : memref<1x128xi32, #tpu.memory_space<vmem>> -> memref<128xi32, #tpu.memory_space<vmem>>
    %dma_wait3A_63 = arith.constant 0 : i32
    %dma_wait3A_64 = arith.constant 0 : i32
    %dma_wait3A_65 = tpu.memref_slice %arg17[%dma_wait3A_63, %dma_wait3A_64] : memref<10240x128xf32, #tpu.memory_space<vmem_shared>> -> memref<10240x128xf32, #tpu.memory_space<vmem_shared>>
    tpu.wait_indirect_dma semaphore(%arg15 : memref<!tpu.dma_semaphore, #tpu.memory_space<semaphore_mem>>) src(%arg8 : memref<128x128xf32, #tpu.memory_space<vmem>>) dst(%dma_wait3A_65 : memref<10240x128xf32, #tpu.memory_space<vmem_shared>>)
    %dma_wait3A_66 = arith.constant 0 : i32
    %dma_wait3A_67 = arith.constant 0 : i32
    %dma_wait3A_68 = tpu.memref_slice %arg7[%dma_wait3A_66, %dma_wait3A_67] : memref<4x128xi32, #tpu.memory_space<vmem>> -> memref<1x128xi32, #tpu.memory_space<vmem>>
    %dma_wait3A_69 = tpu.memref_squeeze %dma_wait3A_68 : memref<1x128xi32, #tpu.memory_space<vmem>> -> memref<128xi32, #tpu.memory_space<vmem>>
    %dma_wait3A_70 = arith.constant 0 : i32
    %dma_wait3A_71 = arith.constant 0 : i32
    %dma_wait3A_72 = tpu.memref_slice %arg17[%dma_wait3A_70, %dma_wait3A_71] : memref<10240x128xf32, #tpu.memory_space<vmem_shared>> -> memref<10240x128xf32, #tpu.memory_space<vmem_shared>>
    tpu.wait_indirect_dma semaphore(%arg16 : memref<!tpu.dma_semaphore, #tpu.memory_space<semaphore_mem>>) src(%arg9 : memref<128x128xf32, #tpu.memory_space<vmem>>) dst(%dma_wait3A_72 : memref<10240x128xf32, #tpu.memory_space<vmem_shared>>)
    %eq3A = arith.constant 15 : i32
    %eq3A_73 = arith.cmpi eq, %arg1, %eq3A : i32
    %convert_element_type3A = arith.extui %eq3A_73 : i1 to i32
    %cond3A = arith.constant 0 : i32
    %cond3A_74 = arith.cmpi ne, %convert_element_type3A, %cond3A : i32
    scf.if %cond3A_74 {
      %scan3A_96 = arith.constant 0 : i32
      %scan3A_97 = arith.constant 4 : i32
      %scan3A_98 = arith.addi %scan3A_96, %scan3A_97 : i32
      %scan3A_99 = arith.constant 1 : i32
      scf.for %scan3A_101 = %scan3A_96 to %scan3A_98 step %scan3A_99  : i32 {
        %mul3A_102 = arith.constant 1 : i32
        %mul3A_103 = arith.muli %scan3A_101, %mul3A_102 : i32
        %add3A_104 = arith.constant 0 : i32
        %add3A_105 = arith.addi %add3A_104, %mul3A_103 : i32
        %mul3A_106 = arith.constant 2500 : i32
        %mul3A_107 = arith.muli %arg0, %mul3A_106 : i32
        %add3A_108 = arith.constant 2496 : i32
        %add3A_109 = arith.addi %mul3A_107, %add3A_108 : i32
        %add3A_110 = arith.addi %add3A_109, %add3A_105 : i32
        %dma_start3A_111 = arith.constant 0 : i32
        %dma_start3A_112 = arith.constant 0 : i32
        %dma_start3A_113 = tpu.memref_slice %arg3[%add3A_110, %dma_start3A_111, %dma_start3A_112] : memref<5000x4x128xi32, #tpu.memory_space<hbm>> -> memref<1x4x128xi32, #tpu.memory_space<hbm>>
        %dma_start3A_114 = tpu.memref_squeeze %dma_start3A_113 : memref<1x4x128xi32, #tpu.memory_space<hbm>> -> memref<4x128xi32, #tpu.memory_space<hbm>>
        %dma_start3A_115 = arith.constant 0 : i32
        %dma_start3A_116 = arith.constant 0 : i32
        %dma_start3A_117 = tpu.memref_slice %arg3[%add3A_110, %dma_start3A_115, %dma_start3A_116] : memref<5000x4x128xi32, #tpu.memory_space<hbm>> -> memref<1x4x128xi32, #tpu.memory_space<hbm>>
        %dma_start3A_118 = tpu.memref_squeeze %dma_start3A_117 : memref<1x4x128xi32, #tpu.memory_space<hbm>> -> memref<4x128xi32, #tpu.memory_space<hbm>>
        tpu.enqueue_dma source(%dma_start3A_118 : memref<4x128xi32, #tpu.memory_space<hbm>>) target(%arg5 : memref<4x128xi32, #tpu.memory_space<vmem>>) target_semaphore(%arg12 : memref<!tpu.dma_semaphore, #tpu.memory_space<semaphore_mem>>)
        %dma_wait3A_119 = arith.constant 0 : i32
        %dma_wait3A_120 = arith.constant 0 : i32
        %dma_wait3A_121 = tpu.memref_slice %arg3[%add3A_110, %dma_wait3A_119, %dma_wait3A_120] : memref<5000x4x128xi32, #tpu.memory_space<hbm>> -> memref<1x4x128xi32, #tpu.memory_space<hbm>>
        %dma_wait3A_122 = tpu.memref_squeeze %dma_wait3A_121 : memref<1x4x128xi32, #tpu.memory_space<hbm>> -> memref<4x128xi32, #tpu.memory_space<hbm>>
        %dma_wait3A_123 = arith.constant 0 : i32
        %dma_wait3A_124 = arith.constant 0 : i32
        %dma_wait3A_125 = tpu.memref_slice %arg3[%add3A_110, %dma_wait3A_123, %dma_wait3A_124] : memref<5000x4x128xi32, #tpu.memory_space<hbm>> -> memref<1x4x128xi32, #tpu.memory_space<hbm>>
        %dma_wait3A_126 = tpu.memref_squeeze %dma_wait3A_125 : memref<1x4x128xi32, #tpu.memory_space<hbm>> -> memref<4x128xi32, #tpu.memory_space<hbm>>
        tpu.wait_dma2 semaphore(%arg12 : memref<!tpu.dma_semaphore, #tpu.memory_space<semaphore_mem>>) src(%dma_wait3A_126 : memref<4x128xi32, #tpu.memory_space<hbm>>) dst(%arg5 : memref<4x128xi32, #tpu.memory_space<vmem>>)
        %dma_start3A_127 = arith.constant 1 : i32
        %dma_start3A_128 = arith.constant 0 : i32
        %dma_start3A_129 = tpu.memref_slice %arg5[%dma_start3A_127, %dma_start3A_128] : memref<4x128xi32, #tpu.memory_space<vmem>> -> memref<1x128xi32, #tpu.memory_space<vmem>>
        %dma_start3A_130 = tpu.memref_squeeze %dma_start3A_129 : memref<1x128xi32, #tpu.memory_space<vmem>> -> memref<128xi32, #tpu.memory_space<vmem>>
        %dma_start3A_131 = arith.constant 0 : i32
        %dma_start3A_132 = arith.constant 0 : i32
        %dma_start3A_133 = tpu.memref_slice %arg2[%dma_start3A_131, %dma_start3A_132] : memref<20480x128xf32, #tpu.memory_space<hbm>> -> memref<20480x128xf32, #tpu.memory_space<hbm>>
        tpu.enqueue_indirect_dma source(%dma_start3A_133 : memref<20480x128xf32, #tpu.memory_space<hbm>>) target(%arg8 : memref<128x128xf32, #tpu.memory_space<vmem>>) offsets(%dma_start3A_130 : memref<128xi32, #tpu.memory_space<vmem>>) semaphore(%arg10 : memref<!tpu.dma_semaphore, #tpu.memory_space<semaphore_mem>>)
        %dma_wait3A_134 = arith.constant 1 : i32
        %dma_wait3A_135 = arith.constant 0 : i32
        %dma_wait3A_136 = tpu.memref_slice %arg5[%dma_wait3A_134, %dma_wait3A_135] : memref<4x128xi32, #tpu.memory_space<vmem>> -> memref<1x128xi32, #tpu.memory_space<vmem>>
        %dma_wait3A_137 = tpu.memref_squeeze %dma_wait3A_136 : memref<1x128xi32, #tpu.memory_space<vmem>> -> memref<128xi32, #tpu.memory_space<vmem>>
        %dma_wait3A_138 = arith.constant 0 : i32
        %dma_wait3A_139 = arith.constant 0 : i32
        %dma_wait3A_140 = tpu.memref_slice %arg2[%dma_wait3A_138, %dma_wait3A_139] : memref<20480x128xf32, #tpu.memory_space<hbm>> -> memref<20480x128xf32, #tpu.memory_space<hbm>>
        tpu.wait_indirect_dma semaphore(%arg10 : memref<!tpu.dma_semaphore, #tpu.memory_space<semaphore_mem>>) src(%dma_wait3A_140 : memref<20480x128xf32, #tpu.memory_space<hbm>>) dst(%arg8 : memref<128x128xf32, #tpu.memory_space<vmem>>)
        %parallel_loop3A = arith.constant 0 : i32
        %parallel_loop3A_141 = arith.constant 128 : i32
        %parallel_loop3A_142 = arith.constant 1 : i32
        scf.for %parallel_loop3A_157 = %parallel_loop3A to %parallel_loop3A_141 step %parallel_loop3A_142  : i32 {
          %parallel_loop3A_158 = arith.constant 2 : i32
          %parallel_loop3A_159 = vector.broadcast %parallel_loop3A_158 : i32 to vector<16xi32>
          %parallel_loop3A_160 = vector.broadcast %parallel_loop3A_157 : i32 to vector<16xi32>
          %parallel_loop3A_161 = tpu.vector_load_idx %arg5[%parallel_loop3A_159, %parallel_loop3A_160] : memref<4x128xi32, #tpu.memory_space<vmem>>[vector<16xi32>, vector<16xi32>], vector<16xi32>,
          %parallel_loop3A_162 = vector.bitcast %parallel_loop3A_161 : vector<16xi32> to vector<16xf32>
          %parallel_loop3A_163 = arith.index_cast %parallel_loop3A_157 : i32 to index
          %parallel_loop3A_164 = arith.constant 0 : index
          %parallel_loop3A_165 = tpu.vector_load %arg8[%parallel_loop3A_163, %parallel_loop3A_164] {strides = array<i32>} : memref<128x128xf32, #tpu.memory_space<vmem>>, vector<16xf32>,
          %parallel_loop3A_166 = arith.mulf %parallel_loop3A_165, %parallel_loop3A_162 : vector<16xf32>
          %parallel_loop3A_167 = arith.index_cast %parallel_loop3A_157 : i32 to index
          %parallel_loop3A_168 = arith.constant 0 : index
          %parallel_loop3A_169 = tpu.vector_load %arg8[%parallel_loop3A_167, %parallel_loop3A_168] {strides = array<i32>} : memref<128x128xf32, #tpu.memory_space<vmem>>, vector<16xf32>,
          tpu.vector_store %arg8[%parallel_loop3A_167, %parallel_loop3A_168], %parallel_loop3A_166 {strides = array<i32>} : memref<128x128xf32, #tpu.memory_space<vmem>>, vector<16xf32>,
          %parallel_loop3A_170 = arith.index_cast %parallel_loop3A_157 : i32 to index
          %parallel_loop3A_171 = arith.constant 16 : index
          %parallel_loop3A_172 = tpu.vector_load %arg8[%parallel_loop3A_170, %parallel_loop3A_171] {strides = array<i32>} : memref<128x128xf32, #tpu.memory_space<vmem>>, vector<16xf32>,
          %parallel_loop3A_173 = arith.mulf %parallel_loop3A_172, %parallel_loop3A_162 : vector<16xf32>
          %parallel_loop3A_174 = arith.index_cast %parallel_loop3A_157 : i32 to index
          %parallel_loop3A_175 = arith.constant 16 : index
          %parallel_loop3A_176 = tpu.vector_load %arg8[%parallel_loop3A_174, %parallel_loop3A_175] {strides = array<i32>} : memref<128x128xf32, #tpu.memory_space<vmem>>, vector<16xf32>,
          tpu.vector_store %arg8[%parallel_loop3A_174, %parallel_loop3A_175], %parallel_loop3A_173 {strides = array<i32>} : memref<128x128xf32, #tpu.memory_space<vmem>>, vector<16xf32>,
          %parallel_loop3A_177 = arith.index_cast %parallel_loop3A_157 : i32 to index
          %parallel_loop3A_178 = arith.constant 32 : index
          %parallel_loop3A_179 = tpu.vector_load %arg8[%parallel_loop3A_177, %parallel_loop3A_178] {strides = array<i32>} : memref<128x128xf32, #tpu.memory_space<vmem>>, vector<16xf32>,
          %parallel_loop3A_180 = arith.mulf %parallel_loop3A_179, %parallel_loop3A_162 : vector<16xf32>
          %parallel_loop3A_181 = arith.index_cast %parallel_loop3A_157 : i32 to index
          %parallel_loop3A_182 = arith.constant 32 : index
          %parallel_loop3A_183 = tpu.vector_load %arg8[%parallel_loop3A_181, %parallel_loop3A_182] {strides = array<i32>} : memref<128x128xf32, #tpu.memory_space<vmem>>, vector<16xf32>,
          tpu.vector_store %arg8[%parallel_loop3A_181, %parallel_loop3A_182], %parallel_loop3A_180 {strides = array<i32>} : memref<128x128xf32, #tpu.memory_space<vmem>>, vector<16xf32>,
          %parallel_loop3A_184 = arith.index_cast %parallel_loop3A_157 : i32 to index
          %parallel_loop3A_185 = arith.constant 48 : index
          %parallel_loop3A_186 = tpu.vector_load %arg8[%parallel_loop3A_184, %parallel_loop3A_185] {strides = array<i32>} : memref<128x128xf32, #tpu.memory_space<vmem>>, vector<16xf32>,
          %parallel_loop3A_187 = arith.mulf %parallel_loop3A_186, %parallel_loop3A_162 : vector<16xf32>
          %parallel_loop3A_188 = arith.index_cast %parallel_loop3A_157 : i32 to index
          %parallel_loop3A_189 = arith.constant 48 : index
          %parallel_loop3A_190 = tpu.vector_load %arg8[%parallel_loop3A_188, %parallel_loop3A_189] {strides = array<i32>} : memref<128x128xf32, #tpu.memory_space<vmem>>, vector<16xf32>,
          tpu.vector_store %arg8[%parallel_loop3A_188, %parallel_loop3A_189], %parallel_loop3A_187 {strides = array<i32>} : memref<128x128xf32, #tpu.memory_space<vmem>>, vector<16xf32>,
          %parallel_loop3A_191 = arith.index_cast %parallel_loop3A_157 : i32 to index
          %parallel_loop3A_192 = arith.constant 64 : index
          %parallel_loop3A_193 = tpu.vector_load %arg8[%parallel_loop3A_191, %parallel_loop3A_192] {strides = array<i32>} : memref<128x128xf32, #tpu.memory_space<vmem>>, vector<16xf32>,
          %parallel_loop3A_194 = arith.mulf %parallel_loop3A_193, %parallel_loop3A_162 : vector<16xf32>
          %parallel_loop3A_195 = arith.index_cast %parallel_loop3A_157 : i32 to index
          %parallel_loop3A_196 = arith.constant 64 : index
          %parallel_loop3A_197 = tpu.vector_load %arg8[%parallel_loop3A_195, %parallel_loop3A_196] {strides = array<i32>} : memref<128x128xf32, #tpu.memory_space<vmem>>, vector<16xf32>,
          tpu.vector_store %arg8[%parallel_loop3A_195, %parallel_loop3A_196], %parallel_loop3A_194 {strides = array<i32>} : memref<128x128xf32, #tpu.memory_space<vmem>>, vector<16xf32>,
          %parallel_loop3A_198 = arith.index_cast %parallel_loop3A_157 : i32 to index
          %parallel_loop3A_199 = arith.constant 80 : index
          %parallel_loop3A_200 = tpu.vector_load %arg8[%parallel_loop3A_198, %parallel_loop3A_199] {strides = array<i32>} : memref<128x128xf32, #tpu.memory_space<vmem>>, vector<16xf32>,
          %parallel_loop3A_201 = arith.mulf %parallel_loop3A_200, %parallel_loop3A_162 : vector<16xf32>
          %parallel_loop3A_202 = arith.index_cast %parallel_loop3A_157 : i32 to index
          %parallel_loop3A_203 = arith.constant 80 : index
          %parallel_loop3A_204 = tpu.vector_load %arg8[%parallel_loop3A_202, %parallel_loop3A_203] {strides = array<i32>} : memref<128x128xf32, #tpu.memory_space<vmem>>, vector<16xf32>,
          tpu.vector_store %arg8[%parallel_loop3A_202, %parallel_loop3A_203], %parallel_loop3A_201 {strides = array<i32>} : memref<128x128xf32, #tpu.memory_space<vmem>>, vector<16xf32>,
          %parallel_loop3A_205 = arith.index_cast %parallel_loop3A_157 : i32 to index
          %parallel_loop3A_206 = arith.constant 96 : index
          %parallel_loop3A_207 = tpu.vector_load %arg8[%parallel_loop3A_205, %parallel_loop3A_206] {strides = array<i32>} : memref<128x128xf32, #tpu.memory_space<vmem>>, vector<16xf32>,
          %parallel_loop3A_208 = arith.mulf %parallel_loop3A_207, %parallel_loop3A_162 : vector<16xf32>
          %parallel_loop3A_209 = arith.index_cast %parallel_loop3A_157 : i32 to index
          %parallel_loop3A_210 = arith.constant 96 : index
          %parallel_loop3A_211 = tpu.vector_load %arg8[%parallel_loop3A_209, %parallel_loop3A_210] {strides = array<i32>} : memref<128x128xf32, #tpu.memory_space<vmem>>, vector<16xf32>,
          tpu.vector_store %arg8[%parallel_loop3A_209, %parallel_loop3A_210], %parallel_loop3A_208 {strides = array<i32>} : memref<128x128xf32, #tpu.memory_space<vmem>>, vector<16xf32>,
          %parallel_loop3A_212 = arith.index_cast %parallel_loop3A_157 : i32 to index
          %parallel_loop3A_213 = arith.constant 112 : index
          %parallel_loop3A_214 = tpu.vector_load %arg8[%parallel_loop3A_212, %parallel_loop3A_213] {strides = array<i32>} : memref<128x128xf32, #tpu.memory_space<vmem>>, vector<16xf32>,
          %parallel_loop3A_215 = arith.mulf %parallel_loop3A_214, %parallel_loop3A_162 : vector<16xf32>
          %parallel_loop3A_216 = arith.index_cast %parallel_loop3A_157 : i32 to index
          %parallel_loop3A_217 = arith.constant 112 : index
          %parallel_loop3A_218 = tpu.vector_load %arg8[%parallel_loop3A_216, %parallel_loop3A_217] {strides = array<i32>} : memref<128x128xf32, #tpu.memory_space<vmem>>, vector<16xf32>,
          tpu.vector_store %arg8[%parallel_loop3A_216, %parallel_loop3A_217], %parallel_loop3A_215 {strides = array<i32>} : memref<128x128xf32, #tpu.memory_space<vmem>>, vector<16xf32>,
        } {sc.loop_unroll_factor = 4 : i64, sc.parallel_access}
        %dma_start3A_143 = arith.constant 0 : i32
        %dma_start3A_144 = arith.constant 0 : i32
        %dma_start3A_145 = tpu.memref_slice %arg5[%dma_start3A_143, %dma_start3A_144] : memref<4x128xi32, #tpu.memory_space<vmem>> -> memref<1x128xi32, #tpu.memory_space<vmem>>
        %dma_start3A_146 = tpu.memref_squeeze %dma_start3A_145 : memref<1x128xi32, #tpu.memory_space<vmem>> -> memref<128xi32, #tpu.memory_space<vmem>>
        %dma_start3A_147 = arith.constant 0 : i32
        %dma_start3A_148 = arith.constant 0 : i32
        %dma_start3A_149 = tpu.memref_slice %arg17[%dma_start3A_147, %dma_start3A_148] : memref<10240x128xf32, #tpu.memory_space<vmem_shared>> -> memref<10240x128xf32, #tpu.memory_space<vmem_shared>>
        tpu.enqueue_indirect_dma source(%arg8 : memref<128x128xf32, #tpu.memory_space<vmem>>) target(%dma_start3A_149 : memref<10240x128xf32, #tpu.memory_space<vmem_shared>>) offsets(%dma_start3A_146 : memref<128xi32, #tpu.memory_space<vmem>>) semaphore(%arg15 : memref<!tpu.dma_semaphore, #tpu.memory_space<semaphore_mem>>) {add = true}
        %dma_wait3A_150 = arith.constant 0 : i32
        %dma_wait3A_151 = arith.constant 0 : i32
        %dma_wait3A_152 = tpu.memref_slice %arg5[%dma_wait3A_150, %dma_wait3A_151] : memref<4x128xi32, #tpu.memory_space<vmem>> -> memref<1x128xi32, #tpu.memory_space<vmem>>
        %dma_wait3A_153 = tpu.memref_squeeze %dma_wait3A_152 : memref<1x128xi32, #tpu.memory_space<vmem>> -> memref<128xi32, #tpu.memory_space<vmem>>
        %dma_wait3A_154 = arith.constant 0 : i32
        %dma_wait3A_155 = arith.constant 0 : i32
        %dma_wait3A_156 = tpu.memref_slice %arg17[%dma_wait3A_154, %dma_wait3A_155] : memref<10240x128xf32, #tpu.memory_space<vmem_shared>> -> memref<10240x128xf32, #tpu.memory_space<vmem_shared>>
        tpu.wait_indirect_dma semaphore(%arg15 : memref<!tpu.dma_semaphore, #tpu.memory_space<semaphore_mem>>) src(%arg8 : memref<128x128xf32, #tpu.memory_space<vmem>>) dst(%dma_wait3A_156 : memref<10240x128xf32, #tpu.memory_space<vmem_shared>>)
      }
      %scan3A_100 = arith.constant 4 : i32
    } else {
    }
    %barrier3A_75 = arith.constant 0 : index
    tpu.barrier barrier_id(%barrier3A_75)
    %add3A_76 = arith.constant 0 : i32
    %add3A_77 = arith.addi %mul3A_4, %add3A_76 : i32
    "tpu.region"() ({
      %run_scoped3A = tpu.sem_alloc : memref<!tpu.dma_semaphore, #tpu.memory_space<semaphore_mem>>
      %dma_start3A_96 = arith.constant 0 : i32
      %dma_start3A_97 = tpu.memref_slice %arg17[%add3A_77, %dma_start3A_96] : memref<10240x128xf32, #tpu.memory_space<vmem_shared>> -> memref<128x128xf32, #tpu.memory_space<vmem_shared>>
      %dma_start3A_98 = arith.constant 0 : i32
      %dma_start3A_99 = tpu.memref_slice %arg17[%add3A_77, %dma_start3A_98] : memref<10240x128xf32, #tpu.memory_space<vmem_shared>> -> memref<128x128xf32, #tpu.memory_space<vmem_shared>>
      tpu.enqueue_dma source(%dma_start3A_99 : memref<128x128xf32, #tpu.memory_space<vmem_shared>>) target(%arg8 : memref<128x128xf32, #tpu.memory_space<vmem>>) target_semaphore(%run_scoped3A : memref<!tpu.dma_semaphore, #tpu.memory_space<semaphore_mem>>)
      %dma_wait3A_100 = arith.constant 0 : i32
      %dma_wait3A_101 = tpu.memref_slice %arg17[%add3A_77, %dma_wait3A_100] : memref<10240x128xf32, #tpu.memory_space<vmem_shared>> -> memref<128x128xf32, #tpu.memory_space<vmem_shared>>
      %dma_wait3A_102 = arith.constant 0 : i32
      %dma_wait3A_103 = tpu.memref_slice %arg17[%add3A_77, %dma_wait3A_102] : memref<10240x128xf32, #tpu.memory_space<vmem_shared>> -> memref<128x128xf32, #tpu.memory_space<vmem_shared>>
      tpu.wait_dma2 semaphore(%run_scoped3A : memref<!tpu.dma_semaphore, #tpu.memory_space<semaphore_mem>>) src(%dma_wait3A_103 : memref<128x128xf32, #tpu.memory_space<vmem_shared>>) dst(%arg8 : memref<128x128xf32, #tpu.memory_space<vmem>>)
      tpu.yield
    }) : () -> ()
    %add3A_78 = arith.constant 0 : i32
    %add3A_79 = arith.addi %mul3A_4, %add3A_78 : i32
    "tpu.region"() ({
      %run_scoped3A = tpu.sem_alloc : memref<!tpu.dma_semaphore, #tpu.memory_space<semaphore_mem>>
      %dma_start3A_96 = arith.constant 0 : i32
      %dma_start3A_97 = tpu.memref_slice %arg4[%arg0, %add3A_79, %dma_start3A_96] : memref<2x10240x128xf32, #tpu.memory_space<hbm>> -> memref<1x128x128xf32, #tpu.memory_space<hbm>>
      %dma_start3A_98 = tpu.memref_squeeze %dma_start3A_97 : memref<1x128x128xf32, #tpu.memory_space<hbm>> -> memref<128x128xf32, #tpu.memory_space<hbm>>
      %dma_start3A_99 = arith.constant 0 : i32
      %dma_start3A_100 = tpu.memref_slice %arg4[%arg0, %add3A_79, %dma_start3A_99] : memref<2x10240x128xf32, #tpu.memory_space<hbm>> -> memref<1x128x128xf32, #tpu.memory_space<hbm>>
      %dma_start3A_101 = tpu.memref_squeeze %dma_start3A_100 : memref<1x128x128xf32, #tpu.memory_space<hbm>> -> memref<128x128xf32, #tpu.memory_space<hbm>>
      tpu.enqueue_dma source(%arg8 : memref<128x128xf32, #tpu.memory_space<vmem>>) target(%dma_start3A_101 : memref<128x128xf32, #tpu.memory_space<hbm>>) target_semaphore(%run_scoped3A : memref<!tpu.dma_semaphore, #tpu.memory_space<semaphore_mem>>)
      %dma_wait3A_102 = arith.constant 0 : i32
      %dma_wait3A_103 = tpu.memref_slice %arg4[%arg0, %add3A_79, %dma_wait3A_102] : memref<2x10240x128xf32, #tpu.memory_space<hbm>> -> memref<1x128x128xf32, #tpu.memory_space<hbm>>
      %dma_wait3A_104 = tpu.memref_squeeze %dma_wait3A_103 : memref<1x128x128xf32, #tpu.memory_space<hbm>> -> memref<128x128xf32, #tpu.memory_space<hbm>>
      %dma_wait3A_105 = arith.constant 0 : i32
      %dma_wait3A_106 = tpu.memref_slice %arg4[%arg0, %add3A_79, %dma_wait3A_105] : memref<2x10240x128xf32, #tpu.memory_space<hbm>> -> memref<1x128x128xf32, #tpu.memory_space<hbm>>
      %dma_wait3A_107 = tpu.memref_squeeze %dma_wait3A_106 : memref<1x128x128xf32, #tpu.memory_space<hbm>> -> memref<128x128xf32, #tpu.memory_space<hbm>>
      tpu.wait_dma2 semaphore(%run_scoped3A : memref<!tpu.dma_semaphore, #tpu.memory_space<semaphore_mem>>) src(%arg8 : memref<128x128xf32, #tpu.memory_space<vmem>>) dst(%dma_wait3A_107 : memref<128x128xf32, #tpu.memory_space<hbm>>)
      tpu.yield
    }) : () -> ()
    %add3A_80 = arith.constant 128 : i32
    %add3A_81 = arith.addi %mul3A_4, %add3A_80 : i32
    "tpu.region"() ({
      %run_scoped3A = tpu.sem_alloc : memref<!tpu.dma_semaphore, #tpu.memory_space<semaphore_mem>>
      %dma_start3A_96 = arith.constant 0 : i32
      %dma_start3A_97 = tpu.memref_slice %arg17[%add3A_81, %dma_start3A_96] : memref<10240x128xf32, #tpu.memory_space<vmem_shared>> -> memref<128x128xf32, #tpu.memory_space<vmem_shared>>
      %dma_start3A_98 = arith.constant 0 : i32
      %dma_start3A_99 = tpu.memref_slice %arg17[%add3A_81, %dma_start3A_98] : memref<10240x128xf32, #tpu.memory_space<vmem_shared>> -> memref<128x128xf32, #tpu.memory_space<vmem_shared>>
      tpu.enqueue_dma source(%dma_start3A_99 : memref<128x128xf32, #tpu.memory_space<vmem_shared>>) target(%arg8 : memref<128x128xf32, #tpu.memory_space<vmem>>) target_semaphore(%run_scoped3A : memref<!tpu.dma_semaphore, #tpu.memory_space<semaphore_mem>>)
      %dma_wait3A_100 = arith.constant 0 : i32
      %dma_wait3A_101 = tpu.memref_slice %arg17[%add3A_81, %dma_wait3A_100] : memref<10240x128xf32, #tpu.memory_space<vmem_shared>> -> memref<128x128xf32, #tpu.memory_space<vmem_shared>>
      %dma_wait3A_102 = arith.constant 0 : i32
      %dma_wait3A_103 = tpu.memref_slice %arg17[%add3A_81, %dma_wait3A_102] : memref<10240x128xf32, #tpu.memory_space<vmem_shared>> -> memref<128x128xf32, #tpu.memory_space<vmem_shared>>
      tpu.wait_dma2 semaphore(%run_scoped3A : memref<!tpu.dma_semaphore, #tpu.memory_space<semaphore_mem>>) src(%dma_wait3A_103 : memref<128x128xf32, #tpu.memory_space<vmem_shared>>) dst(%arg8 : memref<128x128xf32, #tpu.memory_space<vmem>>)
      tpu.yield
    }) : () -> ()
    %add3A_82 = arith.constant 128 : i32
    %add3A_83 = arith.addi %mul3A_4, %add3A_82 : i32
    "tpu.region"() ({
      %run_scoped3A = tpu.sem_alloc : memref<!tpu.dma_semaphore, #tpu.memory_space<semaphore_mem>>
      %dma_start3A_96 = arith.constant 0 : i32
      %dma_start3A_97 = tpu.memref_slice %arg4[%arg0, %add3A_83, %dma_start3A_96] : memref<2x10240x128xf32, #tpu.memory_space<hbm>> -> memref<1x128x128xf32, #tpu.memory_space<hbm>>
      %dma_start3A_98 = tpu.memref_squeeze %dma_start3A_97 : memref<1x128x128xf32, #tpu.memory_space<hbm>> -> memref<128x128xf32, #tpu.memory_space<hbm>>
      %dma_start3A_99 = arith.constant 0 : i32
      %dma_start3A_100 = tpu.memref_slice %arg4[%arg0, %add3A_83, %dma_start3A_99] : memref<2x10240x128xf32, #tpu.memory_space<hbm>> -> memref<1x128x128xf32, #tpu.memory_space<hbm>>
      %dma_start3A_101 = tpu.memref_squeeze %dma_start3A_100 : memref<1x128x128xf32, #tpu.memory_space<hbm>> -> memref<128x128xf32, #tpu.memory_space<hbm>>
      tpu.enqueue_dma source(%arg8 : memref<128x128xf32, #tpu.memory_space<vmem>>) target(%dma_start3A_101 : memref<128x128xf32, #tpu.memory_space<hbm>>) target_semaphore(%run_scoped3A : memref<!tpu.dma_semaphore, #tpu.memory_space<semaphore_mem>>)
      %dma_wait3A_102 = arith.constant 0 : i32
      %dma_wait3A_103 = tpu.memref_slice %arg4[%arg0, %add3A_83, %dma_wait3A_102] : memref<2x10240x128xf32, #tpu.memory_space<hbm>> -> memref<1x128x128xf32, #tpu.memory_space<hbm>>
      %dma_wait3A_104 = tpu.memref_squeeze %dma_wait3A_103 : memref<1x128x128xf32, #tpu.memory_space<hbm>> -> memref<128x128xf32, #tpu.memory_space<hbm>>
      %dma_wait3A_105 = arith.constant 0 : i32
      %dma_wait3A_106 = tpu.memref_slice %arg4[%arg0, %add3A_83, %dma_wait3A_105] : memref<2x10240x128xf32, #tpu.memory_space<hbm>> -> memref<1x128x128xf32, #tpu.memory_space<hbm>>
      %dma_wait3A_107 = tpu.memref_squeeze %dma_wait3A_106 : memref<1x128x128xf32, #tpu.memory_space<hbm>> -> memref<128x128xf32, #tpu.memory_space<hbm>>
      tpu.wait_dma2 semaphore(%run_scoped3A : memref<!tpu.dma_semaphore, #tpu.memory_space<semaphore_mem>>) src(%arg8 : memref<128x128xf32, #tpu.memory_space<vmem>>) dst(%dma_wait3A_107 : memref<128x128xf32, #tpu.memory_space<hbm>>)
      tpu.yield
    }) : () -> ()
    %add3A_84 = arith.constant 256 : i32
    %add3A_85 = arith.addi %mul3A_4, %add3A_84 : i32
    "tpu.region"() ({
      %run_scoped3A = tpu.sem_alloc : memref<!tpu.dma_semaphore, #tpu.memory_space<semaphore_mem>>
      %dma_start3A_96 = arith.constant 0 : i32
      %dma_start3A_97 = tpu.memref_slice %arg17[%add3A_85, %dma_start3A_96] : memref<10240x128xf32, #tpu.memory_space<vmem_shared>> -> memref<128x128xf32, #tpu.memory_space<vmem_shared>>
      %dma_start3A_98 = arith.constant 0 : i32
      %dma_start3A_99 = tpu.memref_slice %arg17[%add3A_85, %dma_start3A_98] : memref<10240x128xf32, #tpu.memory_space<vmem_shared>> -> memref<128x128xf32, #tpu.memory_space<vmem_shared>>
      tpu.enqueue_dma source(%dma_start3A_99 : memref<128x128xf32, #tpu.memory_space<vmem_shared>>) target(%arg8 : memref<128x128xf32, #tpu.memory_space<vmem>>) target_semaphore(%run_scoped3A : memref<!tpu.dma_semaphore, #tpu.memory_space<semaphore_mem>>)
      %dma_wait3A_100 = arith.constant 0 : i32
      %dma_wait3A_101 = tpu.memref_slice %arg17[%add3A_85, %dma_wait3A_100] : memref<10240x128xf32, #tpu.memory_space<vmem_shared>> -> memref<128x128xf32, #tpu.memory_space<vmem_shared>>
      %dma_wait3A_102 = arith.constant 0 : i32
      %dma_wait3A_103 = tpu.memref_slice %arg17[%add3A_85, %dma_wait3A_102] : memref<10240x128xf32, #tpu.memory_space<vmem_shared>> -> memref<128x128xf32, #tpu.memory_space<vmem_shared>>
      tpu.wait_dma2 semaphore(%run_scoped3A : memref<!tpu.dma_semaphore, #tpu.memory_space<semaphore_mem>>) src(%dma_wait3A_103 : memref<128x128xf32, #tpu.memory_space<vmem_shared>>) dst(%arg8 : memref<128x128xf32, #tpu.memory_space<vmem>>)
      tpu.yield
    }) : () -> ()
    %add3A_86 = arith.constant 256 : i32
    %add3A_87 = arith.addi %mul3A_4, %add3A_86 : i32
    "tpu.region"() ({
      %run_scoped3A = tpu.sem_alloc : memref<!tpu.dma_semaphore, #tpu.memory_space<semaphore_mem>>
      %dma_start3A_96 = arith.constant 0 : i32
      %dma_start3A_97 = tpu.memref_slice %arg4[%arg0, %add3A_87, %dma_start3A_96] : memref<2x10240x128xf32, #tpu.memory_space<hbm>> -> memref<1x128x128xf32, #tpu.memory_space<hbm>>
      %dma_start3A_98 = tpu.memref_squeeze %dma_start3A_97 : memref<1x128x128xf32, #tpu.memory_space<hbm>> -> memref<128x128xf32, #tpu.memory_space<hbm>>
      %dma_start3A_99 = arith.constant 0 : i32
      %dma_start3A_100 = tpu.memref_slice %arg4[%arg0, %add3A_87, %dma_start3A_99] : memref<2x10240x128xf32, #tpu.memory_space<hbm>> -> memref<1x128x128xf32, #tpu.memory_space<hbm>>
      %dma_start3A_101 = tpu.memref_squeeze %dma_start3A_100 : memref<1x128x128xf32, #tpu.memory_space<hbm>> -> memref<128x128xf32, #tpu.memory_space<hbm>>
      tpu.enqueue_dma source(%arg8 : memref<128x128xf32, #tpu.memory_space<vmem>>) target(%dma_start3A_101 : memref<128x128xf32, #tpu.memory_space<hbm>>) target_semaphore(%run_scoped3A : memref<!tpu.dma_semaphore, #tpu.memory_space<semaphore_mem>>)
      %dma_wait3A_102 = arith.constant 0 : i32
      %dma_wait3A_103 = tpu.memref_slice %arg4[%arg0, %add3A_87, %dma_wait3A_102] : memref<2x10240x128xf32, #tpu.memory_space<hbm>> -> memref<1x128x128xf32, #tpu.memory_space<hbm>>
      %dma_wait3A_104 = tpu.memref_squeeze %dma_wait3A_103 : memref<1x128x128xf32, #tpu.memory_space<hbm>> -> memref<128x128xf32, #tpu.memory_space<hbm>>
      %dma_wait3A_105 = arith.constant 0 : i32
      %dma_wait3A_106 = tpu.memref_slice %arg4[%arg0, %add3A_87, %dma_wait3A_105] : memref<2x10240x128xf32, #tpu.memory_space<hbm>> -> memref<1x128x128xf32, #tpu.memory_space<hbm>>
      %dma_wait3A_107 = tpu.memref_squeeze %dma_wait3A_106 : memref<1x128x128xf32, #tpu.memory_space<hbm>> -> memref<128x128xf32, #tpu.memory_space<hbm>>
      tpu.wait_dma2 semaphore(%run_scoped3A : memref<!tpu.dma_semaphore, #tpu.memory_space<semaphore_mem>>) src(%arg8 : memref<128x128xf32, #tpu.memory_space<vmem>>) dst(%dma_wait3A_107 : memref<128x128xf32, #tpu.memory_space<hbm>>)
      tpu.yield
    }) : () -> ()
    %add3A_88 = arith.constant 384 : i32
    %add3A_89 = arith.addi %mul3A_4, %add3A_88 : i32
    "tpu.region"() ({
      %run_scoped3A = tpu.sem_alloc : memref<!tpu.dma_semaphore, #tpu.memory_space<semaphore_mem>>
      %dma_start3A_96 = arith.constant 0 : i32
      %dma_start3A_97 = tpu.memref_slice %arg17[%add3A_89, %dma_start3A_96] : memref<10240x128xf32, #tpu.memory_space<vmem_shared>> -> memref<128x128xf32, #tpu.memory_space<vmem_shared>>
      %dma_start3A_98 = arith.constant 0 : i32
      %dma_start3A_99 = tpu.memref_slice %arg17[%add3A_89, %dma_start3A_98] : memref<10240x128xf32, #tpu.memory_space<vmem_shared>> -> memref<128x128xf32, #tpu.memory_space<vmem_shared>>
      tpu.enqueue_dma source(%dma_start3A_99 : memref<128x128xf32, #tpu.memory_space<vmem_shared>>) target(%arg8 : memref<128x128xf32, #tpu.memory_space<vmem>>) target_semaphore(%run_scoped3A : memref<!tpu.dma_semaphore, #tpu.memory_space<semaphore_mem>>)
      %dma_wait3A_100 = arith.constant 0 : i32
      %dma_wait3A_101 = tpu.memref_slice %arg17[%add3A_89, %dma_wait3A_100] : memref<10240x128xf32, #tpu.memory_space<vmem_shared>> -> memref<128x128xf32, #tpu.memory_space<vmem_shared>>
      %dma_wait3A_102 = arith.constant 0 : i32
      %dma_wait3A_103 = tpu.memref_slice %arg17[%add3A_89, %dma_wait3A_102] : memref<10240x128xf32, #tpu.memory_space<vmem_shared>> -> memref<128x128xf32, #tpu.memory_space<vmem_shared>>
      tpu.wait_dma2 semaphore(%run_scoped3A : memref<!tpu.dma_semaphore, #tpu.memory_space<semaphore_mem>>) src(%dma_wait3A_103 : memref<128x128xf32, #tpu.memory_space<vmem_shared>>) dst(%arg8 : memref<128x128xf32, #tpu.memory_space<vmem>>)
      tpu.yield
    }) : () -> ()
    %add3A_90 = arith.constant 384 : i32
    %add3A_91 = arith.addi %mul3A_4, %add3A_90 : i32
    "tpu.region"() ({
      %run_scoped3A = tpu.sem_alloc : memref<!tpu.dma_semaphore, #tpu.memory_space<semaphore_mem>>
      %dma_start3A_96 = arith.constant 0 : i32
      %dma_start3A_97 = tpu.memref_slice %arg4[%arg0, %add3A_91, %dma_start3A_96] : memref<2x10240x128xf32, #tpu.memory_space<hbm>> -> memref<1x128x128xf32, #tpu.memory_space<hbm>>
      %dma_start3A_98 = tpu.memref_squeeze %dma_start3A_97 : memref<1x128x128xf32, #tpu.memory_space<hbm>> -> memref<128x128xf32, #tpu.memory_space<hbm>>
      %dma_start3A_99 = arith.constant 0 : i32
      %dma_start3A_100 = tpu.memref_slice %arg4[%arg0, %add3A_91, %dma_start3A_99] : memref<2x10240x128xf32, #tpu.memory_space<hbm>> -> memref<1x128x128xf32, #tpu.memory_space<hbm>>
      %dma_start3A_101 = tpu.memref_squeeze %dma_start3A_100 : memref<1x128x128xf32, #tpu.memory_space<hbm>> -> memref<128x128xf32, #tpu.memory_space<hbm>>
      tpu.enqueue_dma source(%arg8 : memref<128x128xf32, #tpu.memory_space<vmem>>) target(%dma_start3A_101 : memref<128x128xf32, #tpu.memory_space<hbm>>) target_semaphore(%run_scoped3A : memref<!tpu.dma_semaphore, #tpu.memory_space<semaphore_mem>>)
      %dma_wait3A_102 = arith.constant 0 : i32
      %dma_wait3A_103 = tpu.memref_slice %arg4[%arg0, %add3A_91, %dma_wait3A_102] : memref<2x10240x128xf32, #tpu.memory_space<hbm>> -> memref<1x128x128xf32, #tpu.memory_space<hbm>>
      %dma_wait3A_104 = tpu.memref_squeeze %dma_wait3A_103 : memref<1x128x128xf32, #tpu.memory_space<hbm>> -> memref<128x128xf32, #tpu.memory_space<hbm>>
      %dma_wait3A_105 = arith.constant 0 : i32
      %dma_wait3A_106 = tpu.memref_slice %arg4[%arg0, %add3A_91, %dma_wait3A_105] : memref<2x10240x128xf32, #tpu.memory_space<hbm>> -> memref<1x128x128xf32, #tpu.memory_space<hbm>>
      %dma_wait3A_107 = tpu.memref_squeeze %dma_wait3A_106 : memref<1x128x128xf32, #tpu.memory_space<hbm>> -> memref<128x128xf32, #tpu.memory_space<hbm>>
      tpu.wait_dma2 semaphore(%run_scoped3A : memref<!tpu.dma_semaphore, #tpu.memory_space<semaphore_mem>>) src(%arg8 : memref<128x128xf32, #tpu.memory_space<vmem>>) dst(%dma_wait3A_107 : memref<128x128xf32, #tpu.memory_space<hbm>>)
      tpu.yield
    }) : () -> ()
    %add3A_92 = arith.constant 512 : i32
    %add3A_93 = arith.addi %mul3A_4, %add3A_92 : i32
    "tpu.region"() ({
      %run_scoped3A = tpu.sem_alloc : memref<!tpu.dma_semaphore, #tpu.memory_space<semaphore_mem>>
      %dma_start3A_96 = arith.constant 0 : i32
      %dma_start3A_97 = tpu.memref_slice %arg17[%add3A_93, %dma_start3A_96] : memref<10240x128xf32, #tpu.memory_space<vmem_shared>> -> memref<128x128xf32, #tpu.memory_space<vmem_shared>>
      %dma_start3A_98 = arith.constant 0 : i32
      %dma_start3A_99 = tpu.memref_slice %arg17[%add3A_93, %dma_start3A_98] : memref<10240x128xf32, #tpu.memory_space<vmem_shared>> -> memref<128x128xf32, #tpu.memory_space<vmem_shared>>
      tpu.enqueue_dma source(%dma_start3A_99 : memref<128x128xf32, #tpu.memory_space<vmem_shared>>) target(%arg8 : memref<128x128xf32, #tpu.memory_space<vmem>>) target_semaphore(%run_scoped3A : memref<!tpu.dma_semaphore, #tpu.memory_space<semaphore_mem>>)
      %dma_wait3A_100 = arith.constant 0 : i32
      %dma_wait3A_101 = tpu.memref_slice %arg17[%add3A_93, %dma_wait3A_100] : memref<10240x128xf32, #tpu.memory_space<vmem_shared>> -> memref<128x128xf32, #tpu.memory_space<vmem_shared>>
      %dma_wait3A_102 = arith.constant 0 : i32
      %dma_wait3A_103 = tpu.memref_slice %arg17[%add3A_93, %dma_wait3A_102] : memref<10240x128xf32, #tpu.memory_space<vmem_shared>> -> memref<128x128xf32, #tpu.memory_space<vmem_shared>>
      tpu.wait_dma2 semaphore(%run_scoped3A : memref<!tpu.dma_semaphore, #tpu.memory_space<semaphore_mem>>) src(%dma_wait3A_103 : memref<128x128xf32, #tpu.memory_space<vmem_shared>>) dst(%arg8 : memref<128x128xf32, #tpu.memory_space<vmem>>)
      tpu.yield
    }) : () -> ()
    %add3A_94 = arith.constant 512 : i32
    %add3A_95 = arith.addi %mul3A_4, %add3A_94 : i32
    "tpu.region"() ({
      %run_scoped3A = tpu.sem_alloc : memref<!tpu.dma_semaphore, #tpu.memory_space<semaphore_mem>>
      %dma_start3A_96 = arith.constant 0 : i32
      %dma_start3A_97 = tpu.memref_slice %arg4[%arg0, %add3A_95, %dma_start3A_96] : memref<2x10240x128xf32, #tpu.memory_space<hbm>> -> memref<1x128x128xf32, #tpu.memory_space<hbm>>
      %dma_start3A_98 = tpu.memref_squeeze %dma_start3A_97 : memref<1x128x128xf32, #tpu.memory_space<hbm>> -> memref<128x128xf32, #tpu.memory_space<hbm>>
      %dma_start3A_99 = arith.constant 0 : i32
      %dma_start3A_100 = tpu.memref_slice %arg4[%arg0, %add3A_95, %dma_start3A_99] : memref<2x10240x128xf32, #tpu.memory_space<hbm>> -> memref<1x128x128xf32, #tpu.memory_space<hbm>>
      %dma_start3A_101 = tpu.memref_squeeze %dma_start3A_100 : memref<1x128x128xf32, #tpu.memory_space<hbm>> -> memref<128x128xf32, #tpu.memory_space<hbm>>
      tpu.enqueue_dma source(%arg8 : memref<128x128xf32, #tpu.memory_space<vmem>>) target(%dma_start3A_101 : memref<128x128xf32, #tpu.memory_space<hbm>>) target_semaphore(%run_scoped3A : memref<!tpu.dma_semaphore, #tpu.memory_space<semaphore_mem>>)
      %dma_wait3A_102 = arith.constant 0 : i32
      %dma_wait3A_103 = tpu.memref_slice %arg4[%arg0, %add3A_95, %dma_wait3A_102] : memref<2x10240x128xf32, #tpu.memory_space<hbm>> -> memref<1x128x128xf32, #tpu.memory_space<hbm>>
      %dma_wait3A_104 = tpu.memref_squeeze %dma_wait3A_103 : memref<1x128x128xf32, #tpu.memory_space<hbm>> -> memref<128x128xf32, #tpu.memory_space<hbm>>
      %dma_wait3A_105 = arith.constant 0 : i32
      %dma_wait3A_106 = tpu.memref_slice %arg4[%arg0, %add3A_95, %dma_wait3A_105] : memref<2x10240x128xf32, #tpu.memory_space<hbm>> -> memref<1x128x128xf32, #tpu.memory_space<hbm>>
      %dma_wait3A_107 = tpu.memref_squeeze %dma_wait3A_106 : memref<1x128x128xf32, #tpu.memory_space<hbm>> -> memref<128x128xf32, #tpu.memory_space<hbm>>
      tpu.wait_dma2 semaphore(%run_scoped3A : memref<!tpu.dma_semaphore, #tpu.memory_space<semaphore_mem>>) src(%arg8 : memref<128x128xf32, #tpu.memory_space<vmem>>) dst(%dma_wait3A_107 : memref<128x128xf32, #tpu.memory_space<hbm>>)
      tpu.yield
    }) : () -> ()
    return
  }
}

#map = affine_map<(d0, d1) -> (0, 0)>
#map1 = affine_map<(d0, d1) -> (0)>
module attributes {stable_mosaic.version = 14 : i64} {
  func.func @_gather_body(%arg0: i32, %arg1: i32, %arg2: memref<10240x128xf32, #tpu.memory_space<hbm>>, %arg3: memref<204800xi32, #tpu.memory_space<hbm>>, %arg4: memref<204800x128xf32, #tpu.memory_space<hbm>>, %arg5: memref<6400xi32, #tpu.memory_space<vmem>>, %arg6: memref<128x128xf32, #tpu.memory_space<vmem>>, %arg7: memref<128x128xf32, #tpu.memory_space<vmem>>, %arg8: memref<!tpu.dma_semaphore, #tpu.memory_space<semaphore_mem>>, %arg9: memref<!tpu.dma_semaphore, #tpu.memory_space<semaphore_mem>>, %arg10: memref<!tpu.dma_semaphore, #tpu.memory_space<semaphore_mem>>, %arg11: memref<!tpu.dma_semaphore, #tpu.memory_space<semaphore_mem>>) attributes {dimension_semantics = [#tpu.dimension_semantics<core_parallel>, #tpu.dimension_semantics<subcore_parallel>], iteration_bounds = array<i64: 2, 16>, scalar_prefetch = 0 : i64, scratch_operands = 7 : i64, tpu.core_type = #tpu.core_type<sc_vector_subcore>, window_params = [{transform_indices = #map}, {transform_indices = #map1}, {transform_indices = #map}]} {
    %mul3A = arith.constant 2 : i32
    %mul3A_0 = arith.muli %arg1, %mul3A : i32
    %add3A = arith.addi %mul3A_0, %arg0 : i32
    %mul3A_1 = arith.constant 6400 : i32
    %mul3A_2 = arith.muli %add3A, %mul3A_1 : i32
    "tpu.region"() ({
      %run_scoped3A = tpu.sem_alloc : memref<!tpu.dma_semaphore, #tpu.memory_space<semaphore_mem>>
      %dma_start3A_22 = tpu.memref_slice %arg3[%mul3A_2] : memref<204800xi32, #tpu.memory_space<hbm>> -> memref<6400xi32, #tpu.memory_space<hbm>>
      %dma_start3A_23 = tpu.memref_slice %arg3[%mul3A_2] : memref<204800xi32, #tpu.memory_space<hbm>> -> memref<6400xi32, #tpu.memory_space<hbm>>
      tpu.enqueue_dma source(%dma_start3A_23 : memref<6400xi32, #tpu.memory_space<hbm>>) target(%arg5 : memref<6400xi32, #tpu.memory_space<vmem>>) target_semaphore(%run_scoped3A : memref<!tpu.dma_semaphore, #tpu.memory_space<semaphore_mem>>)
      %dma_wait3A_24 = tpu.memref_slice %arg3[%mul3A_2] : memref<204800xi32, #tpu.memory_space<hbm>> -> memref<6400xi32, #tpu.memory_space<hbm>>
      %dma_wait3A_25 = tpu.memref_slice %arg3[%mul3A_2] : memref<204800xi32, #tpu.memory_space<hbm>> -> memref<6400xi32, #tpu.memory_space<hbm>>
      tpu.wait_dma2 semaphore(%run_scoped3A : memref<!tpu.dma_semaphore, #tpu.memory_space<semaphore_mem>>) src(%dma_wait3A_25 : memref<6400xi32, #tpu.memory_space<hbm>>) dst(%arg5 : memref<6400xi32, #tpu.memory_space<vmem>>)
      tpu.yield
    }) : () -> ()
    %dma_start3A = arith.constant 0 : i32
    %dma_start3A_3 = tpu.memref_slice %arg5[%dma_start3A] : memref<6400xi32, #tpu.memory_space<vmem>> -> memref<128xi32, #tpu.memory_space<vmem>>
    %dma_start3A_4 = arith.constant 0 : i32
    %dma_start3A_5 = arith.constant 0 : i32
    %dma_start3A_6 = tpu.memref_slice %arg2[%dma_start3A_4, %dma_start3A_5] : memref<10240x128xf32, #tpu.memory_space<hbm>> -> memref<10240x128xf32, #tpu.memory_space<hbm>>
    tpu.enqueue_indirect_dma source(%dma_start3A_6 : memref<10240x128xf32, #tpu.memory_space<hbm>>) target(%arg6 : memref<128x128xf32, #tpu.memory_space<vmem>>) offsets(%dma_start3A_3 : memref<128xi32, #tpu.memory_space<vmem>>) semaphore(%arg8 : memref<!tpu.dma_semaphore, #tpu.memory_space<semaphore_mem>>)
    %scan3A = arith.constant 0 : i32
    %scan3A_7 = arith.constant 25 : i32
    %scan3A_8 = arith.addi %scan3A, %scan3A_7 : i32
    %scan3A_9 = arith.constant 1 : i32
    scf.for %scan3A_22 = %scan3A to %scan3A_8 step %scan3A_9  : i32 {
      %mul3A_23 = arith.constant 1 : i32
      %mul3A_24 = arith.muli %scan3A_22, %mul3A_23 : i32
      %add3A_25 = arith.constant 0 : i32
      %add3A_26 = arith.addi %add3A_25, %mul3A_24 : i32
      %mul3A_27 = arith.constant 2 : i32
      %mul3A_28 = arith.muli %mul3A_27, %add3A_26 : i32
      %add3A_29 = arith.constant 0 : i32
      %add3A_30 = arith.addi %mul3A_28, %add3A_29 : i32
      %mul3A_31 = arith.constant 128 : i32
      %mul3A_32 = arith.muli %add3A_30, %mul3A_31 : i32
      %dma_wait3A_33 = tpu.memref_slice %arg5[%mul3A_32] : memref<6400xi32, #tpu.memory_space<vmem>> -> memref<128xi32, #tpu.memory_space<vmem>>
      %dma_wait3A_34 = arith.constant 0 : i32
      %dma_wait3A_35 = arith.constant 0 : i32
      %dma_wait3A_36 = tpu.memref_slice %arg2[%dma_wait3A_34, %dma_wait3A_35] : memref<10240x128xf32, #tpu.memory_space<hbm>> -> memref<10240x128xf32, #tpu.memory_space<hbm>>
      tpu.wait_indirect_dma semaphore(%arg8 : memref<!tpu.dma_semaphore, #tpu.memory_space<semaphore_mem>>) src(%dma_wait3A_36 : memref<10240x128xf32, #tpu.memory_space<hbm>>) dst(%arg6 : memref<128x128xf32, #tpu.memory_space<vmem>>)
      %add3A_37 = arith.constant 1 : i32
      %add3A_38 = arith.addi %add3A_30, %add3A_37 : i32
      %lt3A = arith.constant 50 : i32
      %lt3A_39 = arith.cmpi slt, %add3A_38, %lt3A : i32
      %convert_element_type3A = arith.extui %lt3A_39 : i1 to i32
      %cond3A = arith.constant 0 : i32
      %cond3A_40 = arith.cmpi ne, %convert_element_type3A, %cond3A : i32
      scf.if %cond3A_40 {
        %ge3A = arith.constant 1 : i32
        %ge3A_72 = arith.cmpi sge, %add3A_30, %ge3A : i32
        %convert_element_type3A_73 = arith.extui %ge3A_72 : i1 to i32
        %cond3A_74 = arith.constant 0 : i32
        %cond3A_75 = arith.cmpi ne, %convert_element_type3A_73, %cond3A_74 : i32
        scf.if %cond3A_75 {
          %sub3A = arith.constant 1 : i32
          %sub3A_84 = arith.subi %add3A_30, %sub3A : i32
          %mul3A_85 = arith.constant 128 : i32
          %mul3A_86 = arith.muli %sub3A_84, %mul3A_85 : i32
          %add3A_87 = arith.addi %mul3A_2, %mul3A_86 : i32
          %dma_wait3A_88 = arith.constant 0 : i32
          %dma_wait3A_89 = tpu.memref_slice %arg4[%add3A_87, %dma_wait3A_88] : memref<204800x128xf32, #tpu.memory_space<hbm>> -> memref<128x128xf32, #tpu.memory_space<hbm>>
          %dma_wait3A_90 = arith.constant 0 : i32
          %dma_wait3A_91 = tpu.memref_slice %arg4[%add3A_87, %dma_wait3A_90] : memref<204800x128xf32, #tpu.memory_space<hbm>> -> memref<128x128xf32, #tpu.memory_space<hbm>>
          tpu.wait_dma2 semaphore(%arg11 : memref<!tpu.dma_semaphore, #tpu.memory_space<semaphore_mem>>) src(%arg7 : memref<128x128xf32, #tpu.memory_space<vmem>>) dst(%dma_wait3A_91 : memref<128x128xf32, #tpu.memory_space<hbm>>)
        } else {
        }
        %add3A_76 = arith.constant 1 : i32
        %add3A_77 = arith.addi %add3A_30, %add3A_76 : i32
        %mul3A_78 = arith.constant 128 : i32
        %mul3A_79 = arith.muli %add3A_77, %mul3A_78 : i32
        %dma_start3A_80 = tpu.memref_slice %arg5[%mul3A_79] : memref<6400xi32, #tpu.memory_space<vmem>> -> memref<128xi32, #tpu.memory_space<vmem>>
        %dma_start3A_81 = arith.constant 0 : i32
        %dma_start3A_82 = arith.constant 0 : i32
        %dma_start3A_83 = tpu.memref_slice %arg2[%dma_start3A_81, %dma_start3A_82] : memref<10240x128xf32, #tpu.memory_space<hbm>> -> memref<10240x128xf32, #tpu.memory_space<hbm>>
        tpu.enqueue_indirect_dma source(%dma_start3A_83 : memref<10240x128xf32, #tpu.memory_space<hbm>>) target(%arg7 : memref<128x128xf32, #tpu.memory_space<vmem>>) offsets(%dma_start3A_80 : memref<128xi32, #tpu.memory_space<vmem>>) semaphore(%arg9 : memref<!tpu.dma_semaphore, #tpu.memory_space<semaphore_mem>>)
      } else {
      }
      %mul3A_41 = arith.constant 128 : i32
      %mul3A_42 = arith.muli %add3A_30, %mul3A_41 : i32
      %add3A_43 = arith.addi %mul3A_2, %mul3A_42 : i32
      %dma_start3A_44 = arith.constant 0 : i32
      %dma_start3A_45 = tpu.memref_slice %arg4[%add3A_43, %dma_start3A_44] : memref<204800x128xf32, #tpu.memory_space<hbm>> -> memref<128x128xf32, #tpu.memory_space<hbm>>
      %dma_start3A_46 = arith.constant 0 : i32
      %dma_start3A_47 = tpu.memref_slice %arg4[%add3A_43, %dma_start3A_46] : memref<204800x128xf32, #tpu.memory_space<hbm>> -> memref<128x128xf32, #tpu.memory_space<hbm>>
      tpu.enqueue_dma source(%arg6 : memref<128x128xf32, #tpu.memory_space<vmem>>) target(%dma_start3A_47 : memref<128x128xf32, #tpu.memory_space<hbm>>) target_semaphore(%arg10 : memref<!tpu.dma_semaphore, #tpu.memory_space<semaphore_mem>>)
      %mul3A_48 = arith.constant 2 : i32
      %mul3A_49 = arith.muli %mul3A_48, %add3A_26 : i32
      %add3A_50 = arith.constant 1 : i32
      %add3A_51 = arith.addi %mul3A_49, %add3A_50 : i32
      %mul3A_52 = arith.constant 128 : i32
      %mul3A_53 = arith.muli %add3A_51, %mul3A_52 : i32
      %dma_wait3A_54 = tpu.memref_slice %arg5[%mul3A_53] : memref<6400xi32, #tpu.memory_space<vmem>> -> memref<128xi32, #tpu.memory_space<vmem>>
      %dma_wait3A_55 = arith.constant 0 : i32
      %dma_wait3A_56 = arith.constant 0 : i32
      %dma_wait3A_57 = tpu.memref_slice %arg2[%dma_wait3A_55, %dma_wait3A_56] : memref<10240x128xf32, #tpu.memory_space<hbm>> -> memref<10240x128xf32, #tpu.memory_space<hbm>>
      tpu.wait_indirect_dma semaphore(%arg9 : memref<!tpu.dma_semaphore, #tpu.memory_space<semaphore_mem>>) src(%dma_wait3A_57 : memref<10240x128xf32, #tpu.memory_space<hbm>>) dst(%arg7 : memref<128x128xf32, #tpu.memory_space<vmem>>)
      %add3A_58 = arith.constant 1 : i32
      %add3A_59 = arith.addi %add3A_51, %add3A_58 : i32
      %lt3A_60 = arith.constant 50 : i32
      %lt3A_61 = arith.cmpi slt, %add3A_59, %lt3A_60 : i32
      %convert_element_type3A_62 = arith.extui %lt3A_61 : i1 to i32
      %cond3A_63 = arith.constant 0 : i32
      %cond3A_64 = arith.cmpi ne, %convert_element_type3A_62, %cond3A_63 : i32
      scf.if %cond3A_64 {
        %ge3A = arith.constant 1 : i32
        %ge3A_72 = arith.cmpi sge, %add3A_51, %ge3A : i32
        %convert_element_type3A_73 = arith.extui %ge3A_72 : i1 to i32
        %cond3A_74 = arith.constant 0 : i32
        %cond3A_75 = arith.cmpi ne, %convert_element_type3A_73, %cond3A_74 : i32
        scf.if %cond3A_75 {
          %sub3A = arith.constant 1 : i32
          %sub3A_84 = arith.subi %add3A_51, %sub3A : i32
          %mul3A_85 = arith.constant 128 : i32
          %mul3A_86 = arith.muli %sub3A_84, %mul3A_85 : i32
          %add3A_87 = arith.addi %mul3A_2, %mul3A_86 : i32
          %dma_wait3A_88 = arith.constant 0 : i32
          %dma_wait3A_89 = tpu.memref_slice %arg4[%add3A_87, %dma_wait3A_88] : memref<204800x128xf32, #tpu.memory_space<hbm>> -> memref<128x128xf32, #tpu.memory_space<hbm>>
          %dma_wait3A_90 = arith.constant 0 : i32
          %dma_wait3A_91 = tpu.memref_slice %arg4[%add3A_87, %dma_wait3A_90] : memref<204800x128xf32, #tpu.memory_space<hbm>> -> memref<128x128xf32, #tpu.memory_space<hbm>>
          tpu.wait_dma2 semaphore(%arg10 : memref<!tpu.dma_semaphore, #tpu.memory_space<semaphore_mem>>) src(%arg6 : memref<128x128xf32, #tpu.memory_space<vmem>>) dst(%dma_wait3A_91 : memref<128x128xf32, #tpu.memory_space<hbm>>)
        } else {
        }
        %add3A_76 = arith.constant 1 : i32
        %add3A_77 = arith.addi %add3A_51, %add3A_76 : i32
        %mul3A_78 = arith.constant 128 : i32
        %mul3A_79 = arith.muli %add3A_77, %mul3A_78 : i32
        %dma_start3A_80 = tpu.memref_slice %arg5[%mul3A_79] : memref<6400xi32, #tpu.memory_space<vmem>> -> memref<128xi32, #tpu.memory_space<vmem>>
        %dma_start3A_81 = arith.constant 0 : i32
        %dma_start3A_82 = arith.constant 0 : i32
        %dma_start3A_83 = tpu.memref_slice %arg2[%dma_start3A_81, %dma_start3A_82] : memref<10240x128xf32, #tpu.memory_space<hbm>> -> memref<10240x128xf32, #tpu.memory_space<hbm>>
        tpu.enqueue_indirect_dma source(%dma_start3A_83 : memref<10240x128xf32, #tpu.memory_space<hbm>>) target(%arg6 : memref<128x128xf32, #tpu.memory_space<vmem>>) offsets(%dma_start3A_80 : memref<128xi32, #tpu.memory_space<vmem>>) semaphore(%arg8 : memref<!tpu.dma_semaphore, #tpu.memory_space<semaphore_mem>>)
      } else {
      }
      %mul3A_65 = arith.constant 128 : i32
      %mul3A_66 = arith.muli %add3A_51, %mul3A_65 : i32
      %add3A_67 = arith.addi %mul3A_2, %mul3A_66 : i32
      %dma_start3A_68 = arith.constant 0 : i32
      %dma_start3A_69 = tpu.memref_slice %arg4[%add3A_67, %dma_start3A_68] : memref<204800x128xf32, #tpu.memory_space<hbm>> -> memref<128x128xf32, #tpu.memory_space<hbm>>
      %dma_start3A_70 = arith.constant 0 : i32
      %dma_start3A_71 = tpu.memref_slice %arg4[%add3A_67, %dma_start3A_70] : memref<204800x128xf32, #tpu.memory_space<hbm>> -> memref<128x128xf32, #tpu.memory_space<hbm>>
      tpu.enqueue_dma source(%arg7 : memref<128x128xf32, #tpu.memory_space<vmem>>) target(%dma_start3A_71 : memref<128x128xf32, #tpu.memory_space<hbm>>) target_semaphore(%arg11 : memref<!tpu.dma_semaphore, #tpu.memory_space<semaphore_mem>>)
    }
    %scan3A_10 = arith.constant 25 : i32
    %add3A_11 = arith.constant 6144 : i32
    %add3A_12 = arith.addi %mul3A_2, %add3A_11 : i32
    %dma_wait3A = arith.constant 0 : i32
    %dma_wait3A_13 = tpu.memref_slice %arg4[%add3A_12, %dma_wait3A] : memref<204800x128xf32, #tpu.memory_space<hbm>> -> memref<128x128xf32, #tpu.memory_space<hbm>>
    %dma_wait3A_14 = arith.constant 0 : i32
    %dma_wait3A_15 = tpu.memref_slice %arg4[%add3A_12, %dma_wait3A_14] : memref<204800x128xf32, #tpu.memory_space<hbm>> -> memref<128x128xf32, #tpu.memory_space<hbm>>
    tpu.wait_dma2 semaphore(%arg10 : memref<!tpu.dma_semaphore, #tpu.memory_space<semaphore_mem>>) src(%arg6 : memref<128x128xf32, #tpu.memory_space<vmem>>) dst(%dma_wait3A_15 : memref<128x128xf32, #tpu.memory_space<hbm>>)
    %add3A_16 = arith.constant 6272 : i32
    %add3A_17 = arith.addi %mul3A_2, %add3A_16 : i32
    %dma_wait3A_18 = arith.constant 0 : i32
    %dma_wait3A_19 = tpu.memref_slice %arg4[%add3A_17, %dma_wait3A_18] : memref<204800x128xf32, #tpu.memory_space<hbm>> -> memref<128x128xf32, #tpu.memory_space<hbm>>
    %dma_wait3A_20 = arith.constant 0 : i32
    %dma_wait3A_21 = tpu.memref_slice %arg4[%add3A_17, %dma_wait3A_20] : memref<204800x128xf32, #tpu.memory_space<hbm>> -> memref<128x128xf32, #tpu.memory_space<hbm>>
    tpu.wait_dma2 semaphore(%arg11 : memref<!tpu.dma_semaphore, #tpu.memory_space<semaphore_mem>>) src(%arg7 : memref<128x128xf32, #tpu.memory_space<vmem>>) dst(%dma_wait3A_21 : memref<128x128xf32, #tpu.memory_space<hbm>>)
    return
  }
}

module attributes {stable_mosaic.version = 14 : i64} {
  func.func @_gated_body(%arg0: i32, %arg1: memref<2048x128xf32, #tpu.memory_space<vmem>>, %arg2: memref<128x128xf32, #tpu.memory_space<vmem>>, %arg3: memref<1x128xf32, #tpu.memory_space<vmem>>, %arg4: memref<128x128xf32, #tpu.memory_space<vmem>>, %arg5: memref<1x128xf32, #tpu.memory_space<vmem>>, %arg6: memref<2x2048x128xf32, #tpu.memory_space<vmem>>) attributes {dimension_semantics = [#tpu.dimension_semantics<arbitrary>], iteration_bounds = array<i64: 5>, scalar_prefetch = 0 : i64, scratch_operands = 0 : i64, tpu.core_type = #tpu.core_type<tc>, window_params = [{transform_indices = @transform_0, window_bounds = array<i64: 2048, 128>}, {pipeline_mode = #tpu.pipeline_mode<synchronous>, transform_indices = @transform_1, window_bounds = array<i64: 128, 128>}, {pipeline_mode = #tpu.pipeline_mode<synchronous>, transform_indices = @transform_2, window_bounds = array<i64: 1, 128>}, {pipeline_mode = #tpu.pipeline_mode<synchronous>, transform_indices = @transform_3, window_bounds = array<i64: 128, 128>}, {pipeline_mode = #tpu.pipeline_mode<synchronous>, transform_indices = @transform_4, window_bounds = array<i64: 1, 128>}, {transform_indices = @transform_5, window_bounds = array<i64: 2, 2048, 128>}]} {
    %get3A = arith.constant 0 : index
    %get3A_0 = arith.constant 0 : index
    %get3A_1 = vector.load %arg1[%get3A, %get3A_0] : memref<2048x128xf32, #tpu.memory_space<vmem>>, vector<2048x128xf32>
    %get3A_2 = arith.constant 0 : index
    %get3A_3 = arith.constant 0 : index
    %get3A_4 = vector.load %arg2[%get3A_2, %get3A_3] : memref<128x128xf32, #tpu.memory_space<vmem>>, vector<128x128xf32>
    %dot_general3A = arith.constant dense<0.000000e+00> : vector<2048x128xf32>
    %dot_general3A_5 = tpu.matmul %get3A_1, %get3A_4, %dot_general3A {dimension_numbers = #tpu.dot_dimension_numbers<[1], [0], [0], [1], [0, 0, 1, 1], [], []>, transpose_lhs_hint = false} : vector<2048x128xf32>, vector<128x128xf32>, vector<2048x128xf32> -> vector<2048x128xf32>
    %get3A_6 = arith.constant 0 : index
    %get3A_7 = arith.constant 0 : index
    %get3A_8 = vector.load %arg3[%get3A_6, %get3A_7] : memref<1x128xf32, #tpu.memory_space<vmem>>, vector<1x128xf32>
    %add3A = vector.broadcast %get3A_8 : vector<1x128xf32> to vector<2048x128xf32>
    %add3A_9 = arith.addf %dot_general3A_5, %add3A : vector<2048x128xf32>
    %logistic3A = arith.negf %add3A_9 : vector<2048x128xf32>
    %logistic3A_10 = math.exp %logistic3A : vector<2048x128xf32>
    %logistic3A_11 = arith.constant 1.000000e+00 : f32
    %logistic3A_12 = vector.broadcast %logistic3A_11 : f32 to vector<2048x128xf32>
    %logistic3A_13 = arith.addf %logistic3A_12, %logistic3A_10 : vector<2048x128xf32>
    %logistic3A_14 = arith.divf %logistic3A_12, %logistic3A_13 : vector<2048x128xf32>
    %get3A_15 = arith.constant 0 : index
    %get3A_16 = arith.constant 0 : index
    %get3A_17 = vector.load %arg4[%get3A_15, %get3A_16] : memref<128x128xf32, #tpu.memory_space<vmem>>, vector<128x128xf32>
    %dot_general3A_18 = arith.constant dense<0.000000e+00> : vector<2048x128xf32>
    %dot_general3A_19 = tpu.matmul %get3A_1, %get3A_17, %dot_general3A_18 {dimension_numbers = #tpu.dot_dimension_numbers<[1], [0], [0], [1], [0, 0, 1, 1], [], []>, transpose_lhs_hint = false} : vector<2048x128xf32>, vector<128x128xf32>, vector<2048x128xf32> -> vector<2048x128xf32>
    %get3A_20 = arith.constant 0 : index
    %get3A_21 = arith.constant 0 : index
    %get3A_22 = vector.load %arg5[%get3A_20, %get3A_21] : memref<1x128xf32, #tpu.memory_space<vmem>>, vector<1x128xf32>
    %add3A_23 = vector.broadcast %get3A_22 : vector<1x128xf32> to vector<2048x128xf32>
    %add3A_24 = arith.addf %dot_general3A_19, %add3A_23 : vector<2048x128xf32>
    %logistic3A_25 = arith.negf %add3A_24 : vector<2048x128xf32>
    %logistic3A_26 = math.exp %logistic3A_25 : vector<2048x128xf32>
    %logistic3A_27 = arith.constant 1.000000e+00 : f32
    %logistic3A_28 = vector.broadcast %logistic3A_27 : f32 to vector<2048x128xf32>
    %logistic3A_29 = arith.addf %logistic3A_28, %logistic3A_26 : vector<2048x128xf32>
    %logistic3A_30 = arith.divf %logistic3A_28, %logistic3A_29 : vector<2048x128xf32>
    %mul3A = arith.mulf %get3A_1, %logistic3A_14 : vector<2048x128xf32>
    %swap3A = arith.constant 0 : index
    %swap3A_31 = arith.constant 0 : index
    %swap3A_32 = arith.constant 0 : index
    %swap3A_33 = vector.load %arg6[%swap3A, %swap3A_31, %swap3A_32] : memref<2x2048x128xf32, #tpu.memory_space<vmem>>, vector<1x2048x128xf32>
    %swap3A_34 = vector.shape_cast %swap3A_33 : vector<1x2048x128xf32> to vector<2048x128xf32>
    %swap3A_35 = vector.shape_cast %mul3A : vector<2048x128xf32> to vector<1x2048x128xf32>
    tpu.vector_store %arg6[%swap3A, %swap3A_31, %swap3A_32], %swap3A_35 {strides = array<i32>} : memref<2x2048x128xf32, #tpu.memory_space<vmem>>, vector<1x2048x128xf32>,
    %mul3A_36 = arith.mulf %get3A_1, %logistic3A_30 : vector<2048x128xf32>
    %swap3A_37 = arith.constant 1 : index
    %swap3A_38 = arith.constant 0 : index
    %swap3A_39 = arith.constant 0 : index
    %swap3A_40 = vector.load %arg6[%swap3A_37, %swap3A_38, %swap3A_39] : memref<2x2048x128xf32, #tpu.memory_space<vmem>>, vector<1x2048x128xf32>
    %swap3A_41 = vector.shape_cast %swap3A_40 : vector<1x2048x128xf32> to vector<2048x128xf32>
    %swap3A_42 = vector.shape_cast %mul3A_36 : vector<2048x128xf32> to vector<1x2048x128xf32>
    tpu.vector_store %arg6[%swap3A_37, %swap3A_38, %swap3A_39], %swap3A_42 {strides = array<i32>} : memref<2x2048x128xf32, #tpu.memory_space<vmem>>, vector<1x2048x128xf32>,
    return
  }
  func.func @transform_0(%arg0: i32) -> (i32, i32) {
    %c0_i32 = arith.constant 0 : i32
    %c0_i32_0 = arith.constant 0 : i32
    return %arg0, %c0_i32 : i32, i32
  }
  func.func @transform_1(%arg0: i32) -> (i32, i32) {
    %c0_i32 = arith.constant 0 : i32
    %c0_i32_0 = arith.constant 0 : i32
    %c0_i32_1 = arith.constant 0 : i32
    return %c0_i32, %c0_i32_0 : i32, i32
  }
  func.func @transform_2(%arg0: i32) -> (i32, i32) {
    %c0_i32 = arith.constant 0 : i32
    %c0_i32_0 = arith.constant 0 : i32
    %c0_i32_1 = arith.constant 0 : i32
    return %c0_i32, %c0_i32_0 : i32, i32
  }
  func.func @transform_3(%arg0: i32) -> (i32, i32) {
    %c0_i32 = arith.constant 0 : i32
    %c0_i32_0 = arith.constant 0 : i32
    %c0_i32_1 = arith.constant 0 : i32
    return %c0_i32, %c0_i32_0 : i32, i32
  }
  func.func @transform_4(%arg0: i32) -> (i32, i32) {
    %c0_i32 = arith.constant 0 : i32
    %c0_i32_0 = arith.constant 0 : i32
    %c0_i32_1 = arith.constant 0 : i32
    return %c0_i32, %c0_i32_0 : i32, i32
  }
  func.func @transform_5(%arg0: i32) -> (i32, i32, i32) {
    %c0_i32 = arith.constant 0 : i32
    %c0_i32_0 = arith.constant 0 : i32
    %c0_i32_1 = arith.constant 0 : i32
    return %c0_i32, %arg0, %c0_i32_0 : i32, i32, i32
  }
}

module attributes {stable_mosaic.version = 14 : i64} {
  func.func @_norm_acc_body(%arg0: i32, %arg1: memref<2x2048x128xf32, #tpu.memory_space<vmem>>, %arg2: memref<2x2048x128xf32, #tpu.memory_space<vmem>>, %arg3: memref<2x2048x128xf32, #tpu.memory_space<vmem>>) attributes {dimension_semantics = [#tpu.dimension_semantics<arbitrary>], iteration_bounds = array<i64: 5>, scalar_prefetch = 0 : i64, scratch_operands = 0 : i64, tpu.core_type = #tpu.core_type<tc>, window_params = [{transform_indices = @transform_0, window_bounds = array<i64: 2, 2048, 128>}, {transform_indices = @transform_1, window_bounds = array<i64: 2, 2048, 128>}, {transform_indices = @transform_2, window_bounds = array<i64: 2, 2048, 128>}]} {
    %get3A = arith.constant 0 : index
    %get3A_0 = arith.constant 0 : index
    %get3A_1 = arith.constant 0 : index
    %get3A_2 = vector.load %arg2[%get3A, %get3A_0, %get3A_1] : memref<2x2048x128xf32, #tpu.memory_space<vmem>>, vector<2x2048x128xf32>
    %mul3A = arith.mulf %get3A_2, %get3A_2 : vector<2x2048x128xf32>
    %reduce_sum3A = arith.constant dense<0.000000e+00> : vector<2x2048xf32>
    %reduce_sum3A_3 = vector.multi_reduction <add>, %mul3A, %reduce_sum3A [2] : vector<2x2048x128xf32> to vector<2x2048xf32>
    %broadcast_in_dim3A = vector.shape_cast %reduce_sum3A_3 : vector<2x2048xf32> to vector<2x2048x1xf32>
    %sqrt3A = math.sqrt %broadcast_in_dim3A : vector<2x2048x1xf32>
    %get3A_4 = arith.constant 0 : index
    %get3A_5 = arith.constant 0 : index
    %get3A_6 = arith.constant 0 : index
    %get3A_7 = vector.load %arg1[%get3A_4, %get3A_5, %get3A_6] : memref<2x2048x128xf32, #tpu.memory_space<vmem>>, vector<2x2048x128xf32>
    %max3A = arith.constant 9.99999996E-13 : f32
    %max3A_8 = vector.broadcast %max3A : f32 to vector<2x2048x1xf32>
    %max3A_9 = arith.maximumf %sqrt3A, %max3A_8 : vector<2x2048x1xf32>
    %div3A = vector.broadcast %max3A_9 : vector<2x2048x1xf32> to vector<2x2048x128xf32>
    %div3A_10 = arith.divf %get3A_2, %div3A : vector<2x2048x128xf32>
    %add3A = arith.addf %get3A_7, %div3A_10 : vector<2x2048x128xf32>
    %swap3A = arith.constant 0 : index
    %swap3A_11 = arith.constant 0 : index
    %swap3A_12 = arith.constant 0 : index
    %swap3A_13 = vector.load %arg3[%swap3A, %swap3A_11, %swap3A_12] : memref<2x2048x128xf32, #tpu.memory_space<vmem>>, vector<2x2048x128xf32>
    tpu.vector_store %arg3[%swap3A, %swap3A_11, %swap3A_12], %add3A {strides = array<i32>} : memref<2x2048x128xf32, #tpu.memory_space<vmem>>, vector<2x2048x128xf32>,
    return
  }
  func.func @transform_0(%arg0: i32) -> (i32, i32, i32) {
    %c0_i32 = arith.constant 0 : i32
    %c0_i32_0 = arith.constant 0 : i32
    %c0_i32_1 = arith.constant 0 : i32
    return %c0_i32, %arg0, %c0_i32_0 : i32, i32, i32
  }
  func.func @transform_1(%arg0: i32) -> (i32, i32, i32) {
    %c0_i32 = arith.constant 0 : i32
    %c0_i32_0 = arith.constant 0 : i32
    %c0_i32_1 = arith.constant 0 : i32
    return %c0_i32, %arg0, %c0_i32_0 : i32, i32, i32
  }
  func.func @transform_2(%arg0: i32) -> (i32, i32, i32) {
    %c0_i32 = arith.constant 0 : i32
    %c0_i32_0 = arith.constant 0 : i32
    %c0_i32_1 = arith.constant 0 : i32
    return %c0_i32, %arg0, %c0_i32_0 : i32, i32, i32
  }
}

module attributes {stable_mosaic.version = 14 : i64} {
  func.func @_combine_body(%arg0: i32, %arg1: memref<2x2048x128xf32, #tpu.memory_space<vmem>>, %arg2: memref<1x128xf32, #tpu.memory_space<vmem>>, %arg3: memref<128x128xf32, #tpu.memory_space<vmem>>, %arg4: memref<2048x128xf32, #tpu.memory_space<vmem>>) attributes {dimension_semantics = [#tpu.dimension_semantics<arbitrary>], iteration_bounds = array<i64: 5>, scalar_prefetch = 0 : i64, scratch_operands = 0 : i64, tpu.core_type = #tpu.core_type<tc>, window_params = [{transform_indices = @transform_0, window_bounds = array<i64: 2, 2048, 128>}, {pipeline_mode = #tpu.pipeline_mode<synchronous>, transform_indices = @transform_1, window_bounds = array<i64: 1, 128>}, {pipeline_mode = #tpu.pipeline_mode<synchronous>, transform_indices = @transform_2, window_bounds = array<i64: 128, 128>}, {transform_indices = @transform_3, window_bounds = array<i64: 2048, 128>}]} {
    %get3A = arith.constant 0 : index
    %get3A_0 = arith.constant 0 : index
    %get3A_1 = arith.constant 0 : index
    %get3A_2 = vector.load %arg1[%get3A, %get3A_0, %get3A_1] : memref<2x2048x128xf32, #tpu.memory_space<vmem>>, vector<1x2048x128xf32>
    %get3A_3 = vector.shape_cast %get3A_2 : vector<1x2048x128xf32> to vector<2048x128xf32>
    %get3A_4 = arith.constant 1 : index
    %get3A_5 = arith.constant 0 : index
    %get3A_6 = arith.constant 0 : index
    %get3A_7 = vector.load %arg1[%get3A_4, %get3A_5, %get3A_6] : memref<2x2048x128xf32, #tpu.memory_space<vmem>>, vector<1x2048x128xf32>
    %get3A_8 = vector.shape_cast %get3A_7 : vector<1x2048x128xf32> to vector<2048x128xf32>
    %get3A_9 = arith.constant 0 : index
    %get3A_10 = arith.constant 0 : index
    %get3A_11 = vector.load %arg2[%get3A_9, %get3A_10] : memref<1x128xf32, #tpu.memory_space<vmem>>, vector<1x128xf32>
    %get3A_12 = arith.constant 0 : index
    %get3A_13 = arith.constant 0 : index
    %get3A_14 = vector.load %arg3[%get3A_12, %get3A_13] : memref<128x128xf32, #tpu.memory_space<vmem>>, vector<128x128xf32>
    %dot_general3A = arith.constant dense<0.000000e+00> : vector<2048x128xf32>
    %dot_general3A_15 = tpu.matmul %get3A_3, %get3A_14, %dot_general3A {dimension_numbers = #tpu.dot_dimension_numbers<[1], [0], [0], [1], [0, 0, 1, 1], [], []>, transpose_lhs_hint = false} : vector<2048x128xf32>, vector<128x128xf32>, vector<2048x128xf32> -> vector<2048x128xf32>
    %mul3A = vector.broadcast %get3A_11 : vector<1x128xf32> to vector<2048x128xf32>
    %mul3A_16 = arith.mulf %mul3A, %dot_general3A_15 : vector<2048x128xf32>
    %reduce_sum3A = arith.constant dense<0.000000e+00> : vector<2048xf32>
    %reduce_sum3A_17 = vector.multi_reduction <add>, %mul3A_16, %reduce_sum3A [1] : vector<2048x128xf32> to vector<2048xf32>
    %broadcast_in_dim3A = vector.shape_cast %reduce_sum3A_17 : vector<2048xf32> to vector<2048x1xf32>
    %dot_general3A_18 = arith.constant dense<0.000000e+00> : vector<2048x128xf32>
    %dot_general3A_19 = tpu.matmul %get3A_8, %get3A_14, %dot_general3A_18 {dimension_numbers = #tpu.dot_dimension_numbers<[1], [0], [0], [1], [0, 0, 1, 1], [], []>, transpose_lhs_hint = false} : vector<2048x128xf32>, vector<128x128xf32>, vector<2048x128xf32> -> vector<2048x128xf32>
    %mul3A_20 = vector.broadcast %get3A_11 : vector<1x128xf32> to vector<2048x128xf32>
    %mul3A_21 = arith.mulf %mul3A_20, %dot_general3A_19 : vector<2048x128xf32>
    %reduce_sum3A_22 = arith.constant dense<0.000000e+00> : vector<2048xf32>
    %reduce_sum3A_23 = vector.multi_reduction <add>, %mul3A_21, %reduce_sum3A_22 [1] : vector<2048x128xf32> to vector<2048xf32>
    %broadcast_in_dim3A_24 = vector.shape_cast %reduce_sum3A_23 : vector<2048xf32> to vector<2048x1xf32>
    %max3A = arith.maximumf %broadcast_in_dim3A, %broadcast_in_dim3A_24 : vector<2048x1xf32>
    %sub3A = arith.subf %broadcast_in_dim3A, %max3A : vector<2048x1xf32>
    %exp3A = math.exp %sub3A : vector<2048x1xf32>
    %sub3A_25 = arith.subf %broadcast_in_dim3A_24, %max3A : vector<2048x1xf32>
    %exp3A_26 = math.exp %sub3A_25 : vector<2048x1xf32>
    %add3A = arith.addf %exp3A, %exp3A_26 : vector<2048x1xf32>
    %div3A = arith.constant 1.000000e+00 : f32
    %div3A_27 = vector.broadcast %div3A : f32 to vector<2048x1xf32>
    %div3A_28 = arith.divf %div3A_27, %add3A : vector<2048x1xf32>
    %mul3A_29 = arith.mulf %exp3A, %div3A_28 : vector<2048x1xf32>
    %mul3A_30 = vector.broadcast %mul3A_29 : vector<2048x1xf32> to vector<2048x128xf32>
    %mul3A_31 = arith.mulf %mul3A_30, %get3A_3 : vector<2048x128xf32>
    %mul3A_32 = arith.mulf %exp3A_26, %div3A_28 : vector<2048x1xf32>
    %mul3A_33 = vector.broadcast %mul3A_32 : vector<2048x1xf32> to vector<2048x128xf32>
    %mul3A_34 = arith.mulf %mul3A_33, %get3A_8 : vector<2048x128xf32>
    %add3A_35 = arith.addf %mul3A_31, %mul3A_34 : vector<2048x128xf32>
    %swap3A = arith.constant 0 : index
    %swap3A_36 = arith.constant 0 : index
    %swap3A_37 = vector.load %arg4[%swap3A, %swap3A_36] : memref<2048x128xf32, #tpu.memory_space<vmem>>, vector<2048x128xf32>
    tpu.vector_store %arg4[%swap3A, %swap3A_36], %add3A_35 {strides = array<i32>} : memref<2048x128xf32, #tpu.memory_space<vmem>>, vector<2048x128xf32>,
    return
  }
  func.func @transform_0(%arg0: i32) -> (i32, i32, i32) {
    %c0_i32 = arith.constant 0 : i32
    %c0_i32_0 = arith.constant 0 : i32
    %c0_i32_1 = arith.constant 0 : i32
    return %c0_i32, %arg0, %c0_i32_0 : i32, i32, i32
  }
  func.func @transform_1(%arg0: i32) -> (i32, i32) {
    %c0_i32 = arith.constant 0 : i32
    %c0_i32_0 = arith.constant 0 : i32
    %c0_i32_1 = arith.constant 0 : i32
    return %c0_i32, %c0_i32_0 : i32, i32
  }
  func.func @transform_2(%arg0: i32) -> (i32, i32) {
    %c0_i32 = arith.constant 0 : i32
    %c0_i32_0 = arith.constant 0 : i32
    %c0_i32_1 = arith.constant 0 : i32
    return %c0_i32, %c0_i32_0 : i32, i32
  }
  func.func @transform_3(%arg0: i32) -> (i32, i32) {
    %c0_i32 = arith.constant 0 : i32
    %c0_i32_0 = arith.constant 0 : i32
    return %arg0, %c0_i32 : i32, i32
  }
}

module attributes {stable_mosaic.version = 14 : i64} {
  func.func @_cascade_att_body(%arg0: i32, %arg1: memref<16x200xi32, #tpu.memory_space<vmem>>, %arg2: memref<16x200x128xf32, #tpu.memory_space<vmem>>, %arg3: memref<16x200x128xf32, #tpu.memory_space<vmem>>) attributes {dimension_semantics = [#tpu.dimension_semantics<arbitrary>], iteration_bounds = array<i64: 64>, scalar_prefetch = 0 : i64, scratch_operands = 0 : i64, tpu.core_type = #tpu.core_type<tc>, window_params = [{transform_indices = @transform_0, window_bounds = array<i64: 16, 200>}, {transform_indices = @transform_1, window_bounds = array<i64: 16, 200, 128>}, {transform_indices = @transform_2, window_bounds = array<i64: 16, 200, 128>}]} {
    %get3A = arith.constant 0 : index
    %get3A_0 = arith.constant 0 : index
    %get3A_1 = arith.constant 0 : index
    %get3A_2 = vector.load %arg2[%get3A, %get3A_0, %get3A_1] : memref<16x200x128xf32, #tpu.memory_space<vmem>>, vector<16x200x128xf32>
    %get3A_3 = arith.constant 0 : index
    %get3A_4 = arith.constant 0 : index
    %get3A_5 = vector.load %arg1[%get3A_3, %get3A_4] : memref<16x200xi32, #tpu.memory_space<vmem>>, vector<16x200xi32>
    %slice3A = vector.extract_strided_slice %get3A_2 {offsets = [0, 0, 0], sizes = [16, 1, 128], strides = [1, 1, 1]} : vector<16x200x128xf32> to vector<16x1x128xf32>
    %mul3A = vector.broadcast %slice3A : vector<16x1x128xf32> to vector<16x200x128xf32>
    %mul3A_6 = arith.mulf %get3A_2, %mul3A : vector<16x200x128xf32>
    %reduce_sum3A = arith.constant dense<0.000000e+00> : vector<16x200xf32>
    %reduce_sum3A_7 = vector.multi_reduction <add>, %mul3A_6, %reduce_sum3A [2] : vector<16x200x128xf32> to vector<16x200xf32>
    %sqrt3A = arith.constant 1.280000e+02 : f32
    %sqrt3A_8 = math.sqrt %sqrt3A : f32
    %div3A = arith.constant 1.000000e+00 : f32
    %div3A_9 = arith.divf %div3A, %sqrt3A_8 : f32
    %mul3A_10 = vector.broadcast %div3A_9 : f32 to vector<16x200xf32>
    %mul3A_11 = arith.mulf %reduce_sum3A_7, %mul3A_10 : vector<16x200xf32>
    %eq3A = arith.constant 0 : i32
    %eq3A_12 = vector.broadcast %eq3A : i32 to vector<16x200xi32>
    %eq3A_13 = arith.cmpi eq, %get3A_5, %eq3A_12 : vector<16x200xi32>
    %jit3A = arith.constant -1.000000e+09 : f32
    %broadcast_in_dim3A = vector.broadcast %jit3A : f32 to vector<16x200xf32>
    %select_n3A = arith.select %eq3A_13, %broadcast_in_dim3A, %mul3A_11 : vector<16x200xi1>, vector<16x200xf32>
    %reduce_max3A = arith.constant dense<0xFF800000> : vector<16xf32>
    %reduce_max3A_14 = vector.multi_reduction <maximumf>, %select_n3A, %reduce_max3A [1] : vector<16x200xf32> to vector<16xf32>
    %broadcast_in_dim3A_15 = vector.shape_cast %reduce_max3A_14 : vector<16xf32> to vector<16x1xf32>
    %sub3A = vector.broadcast %broadcast_in_dim3A_15 : vector<16x1xf32> to vector<16x200xf32>
    %sub3A_16 = arith.subf %select_n3A, %sub3A : vector<16x200xf32>
    %exp3A = math.exp %sub3A_16 : vector<16x200xf32>
    %reduce_sum3A_17 = arith.constant dense<0.000000e+00> : vector<16xf32>
    %reduce_sum3A_18 = vector.multi_reduction <add>, %exp3A, %reduce_sum3A_17 [1] : vector<16x200xf32> to vector<16xf32>
    %broadcast_in_dim3A_19 = vector.shape_cast %reduce_sum3A_18 : vector<16xf32> to vector<16x1xf32>
    %div3A_20 = vector.broadcast %broadcast_in_dim3A_19 : vector<16x1xf32> to vector<16x200xf32>
    %div3A_21 = arith.divf %exp3A, %div3A_20 : vector<16x200xf32>
    %broadcast_in_dim3A_22 = vector.shape_cast %div3A_21 : vector<16x200xf32> to vector<16x200x1xf32>
    %mul3A_23 = vector.broadcast %broadcast_in_dim3A_22 : vector<16x200x1xf32> to vector<16x200x128xf32>
    %mul3A_24 = arith.mulf %mul3A_23, %get3A_2 : vector<16x200x128xf32>
    %reduce_sum3A_25 = arith.constant dense<0.000000e+00> : vector<16x128xf32>
    %reduce_sum3A_26 = vector.multi_reduction <add>, %mul3A_24, %reduce_sum3A_25 [1] : vector<16x200x128xf32> to vector<16x128xf32>
    %broadcast_in_dim3A_27 = vector.shape_cast %reduce_sum3A_26 : vector<16x128xf32> to vector<16x1x128xf32>
    %add3A = vector.broadcast %broadcast_in_dim3A_27 : vector<16x1x128xf32> to vector<16x200x128xf32>
    %add3A_28 = arith.addf %get3A_2, %add3A : vector<16x200x128xf32>
    %swap3A = arith.constant 0 : index
    %swap3A_29 = arith.constant 0 : index
    %swap3A_30 = arith.constant 0 : index
    %swap3A_31 = vector.load %arg3[%swap3A, %swap3A_29, %swap3A_30] : memref<16x200x128xf32, #tpu.memory_space<vmem>>, vector<16x200x128xf32>
    tpu.vector_store %arg3[%swap3A, %swap3A_29, %swap3A_30], %add3A_28 {strides = array<i32>} : memref<16x200x128xf32, #tpu.memory_space<vmem>>, vector<16x200x128xf32>,
    return
  }
  func.func @transform_0(%arg0: i32) -> (i32, i32) {
    %c0_i32 = arith.constant 0 : i32
    %c0_i32_0 = arith.constant 0 : i32
    return %arg0, %c0_i32 : i32, i32
  }
  func.func @transform_1(%arg0: i32) -> (i32, i32, i32) {
    %c0_i32 = arith.constant 0 : i32
    %c0_i32_0 = arith.constant 0 : i32
    %c0_i32_1 = arith.constant 0 : i32
    return %arg0, %c0_i32, %c0_i32_0 : i32, i32, i32
  }
  func.func @transform_2(%arg0: i32) -> (i32, i32, i32) {
    %c0_i32 = arith.constant 0 : i32
    %c0_i32_0 = arith.constant 0 : i32
    %c0_i32_1 = arith.constant 0 : i32
    return %arg0, %c0_i32, %c0_i32_0 : i32, i32, i32
  }
}

</mosaic_0001>

<sc_bundles>
// kernel: closed_call.11.cloned.1.call-start
scs
__scs_entry_jumppad:
0x0: {  	(pc) =	sbr.rel $0x88, $3  }
0x1: {  	(tag) =	ssettag $0x0;
	lr =	simm.s32 $0x1  }
0x2: {  	[smem:$0x3F95] =	sst lr;
	_ =	strace $0xD0000000  }
0x3: {  	_ = 	snop  }
0x4: {  	_ = 	snop  }
0x5: {  	_ = 	snop  }
0x6: {  	_ = 	snop  }
0x7: {  	_ = 	snop  }
__scs_overlays_trampoline_lowered:
0x8: {  	[smem:$0x3FA4] =	sst s0  }
0x9: {  	[smem:$0x3FA5] =	sst s1  }
0xa: {  	[smem:$0x3FA6] =	sst s2  }
0xb: {  	[smem:$0x3FA7] =	sst s3  }
0xc: {  	[smem:$0x3FA8] =	sst s4  }
0xd: {  	[smem:$0x3FA9] =	sst s5  }
0xe: {  	[smem:$0x3FAA] =	sst s6  }
0xf: {  	[smem:$0x3FAB] =	sst s7  }
0x10: {  	[smem:$0x3FAC] =	sst s8  }
0x11: {  	[smem:$0x3FAD] =	sst s9;
	s0 =	simm.s32 @!p0 $0x0  }
0x12: {  	s1 =	sld [smem:$0x3F93];
	s0 =	simm.s32 @p0 $0x1  }
0x13: {  	[smem:$0x3FAE] =	sst s0;
	s0 =	simm.s32 @!p1 $0x0  }
0x14: {  	s2 =	sld [smem:$0x3F92];
	s0 =	simm.s32 @p1 $0x1  }
0x15: {  	[smem:$0x3FAF] =	sst s0;
	s0 =	simm.s32 @!p2 $0x0  }
0x16: {  	s3 =	sld [smem:$0x3FDB];
	s0 =	simm.s32 @p2 $0x1  }
0x17: {  	s4 =	simm.s32 $0x1BF5;
	[smem:$0x3FB1] =	sst s0  }
0x18: {  	s0 =	sld [smem:$0x3F94];
	_ =	swait.ge [sflag:s4], $0x0  }
0x19: {  	s7 =	sld [smem:$0x3F95]  }
0x1a: {  	s8 =	sadd.s32 $0xFFFFE003, lr  }
0x1b: {  	s9 =	sadd.s32 $0xFFFFFEF7, lr;
	s5 =	simm.s32 $0xFFFFFFFF;
	p2 =	slt.u32 s8, $0xFFFFF086  }
0x1c: {  	p1 =	slt.u32 s9, $0xF7A;
	s5 =	simm.s32 @!p2 $0x0  }
0x1d: {  	s5 =	simm.s32 @p1 $0x1;
	p0 =	seq.s32 s7, s2  }
0x1e: {  	s7 =	smul.u32 @!p0 $0xF7A, s2;
	p2 =	seq.s32 @!p0 s5, $0x0  }
0x1f: {  	s9 =	smul.u32 $0xF7A, s1;
	s8 =	simm.s32 @!p0 $0x1BF5;
	p2 =	por !p2, p0  }
0x20: {  	[sflag:s8] =	ssyncset.s32 @!p0 $0xFFFFF086;
	s6 =	sadd.s32 @!p0 s3, s7;
	s7 =	simm.s32 @!p0 $0x108  }
0x21: {  	s3 =	sadd.s32 s3, s9;
	s6 =	sadd.s32 @!p0 $0x88, s6;
	s7 =	simm.s32 @p2 $0x1082  }
0x22: {  	[simem:s7], [sflag:s8] =	dma.local @!p0 [hbm:s6], $0xF7A  }
0x23: {  	s9 =	sor.u32 $0xD0000000, s2;
	s6 =	simm.s32 $0x108;
	_ =	swait.ge @!p0 [sflag:s8], $0x0  }
0x24: {  	s3 =	sadd.s32 $0x88, s3;
	s6 =	simm.s32 @!p1 $0x1082;
	[sflag:s4] =	ssyncset.s32 $0xFFFFF086  }
0x25: {  	[simem:s6], [sflag:s4] =	dma.local [hbm:s3], $0xF7A  }
0x26: {  	[smem:$0x3F95] =	sst s1;
	(tag) =	ssettag s2;
	_ =	strace s9  }
0x27: {  	s1 =	sld [smem:$0x3FA5]  }
0x28: {  	s2 =	sld [smem:$0x3FA6]  }
0x29: {  	s4 =	sld [smem:$0x3FA8]  }
0x2a: {  	p0 =	seq.s32 s5, $0x0;
	s5 =	sld [smem:$0x3FA9]  }
0x2b: {  	s6 =	sld [smem:$0x3FAA]  }
0x2c: {  	s7 =	sld [smem:$0x3FAB]  }
0x2d: {  	s3 =	simm.s32 $0x108;
	s8 =	sld [smem:$0x3FAC]  }
0x2e: {  	s3 =	simm.s32 @!p0 $0x1082;
	s9 =	sld [smem:$0x3FAD]  }
0x2f: {  	lr =	sadd.s32 s0, s3;
	s0 =	sld [smem:$0x3FA4]  }
0x30: {  	s3 =	sld [smem:$0x3FA7]  }
0x31: {  	[smem:$0x3FB0] =	sst s10  }
0x32: {  	s10 =	sld [smem:$0x3FAE];
	_ =	sdelay $0x3  }
0x33: {  	p0 =	seq.s32 s10, $0x1;
	s10 =	sld [smem:$0x3FB0];
	_ =	sdelay $0x3  }
0x34: {  	[smem:$0x3FB0] =	sst s10  }
0x35: {  	s10 =	sld [smem:$0x3FAF];
	_ =	sdelay $0x3  }
0x36: {  	p1 =	seq.s32 s10, $0x1;
	s10 =	sld [smem:$0x3FB0];
	_ =	sdelay $0x3  }
0x37: {  	[smem:$0x3FB0] =	sst s10  }
0x38: {  	s10 =	sld [smem:$0x3FB1]  }
0x39: {  	_ = 	snop;
	(pc) =	sbr.ind lr, $3  }
0x3a: {  	_ = 	snop  }
0x3b: {  	_ = 	snop  }
0x3c: {  	p2 =	seq.s32 s10, $0x1;
	s10 =	sld [smem:$0x3FB0]  }
0x3d: {  	_ =	shalt  }
0x3e: {  	_ =	shalt  }
0x3f: {  	_ =	shalt  }
0x40: {  	_ =	shalt  }
0x41: {  	_ =	shalt  }
0x42: {  	_ =	shalt  }
0x43: {  	_ =	shalt  }
0x44: {  	_ =	shalt  }
0x45: {  	_ =	shalt  }
0x46: {  	_ =	shalt  }
0x47: {  	_ =	shalt  }
0x48: {  	_ =	shalt  }
0x49: {  	_ =	shalt  }
0x4a: {  	_ =	shalt  }
0x4b: {  	_ =	shalt  }
0x4c: {  	_ =	shalt  }
0x4d: {  	_ =	shalt  }
0x4e: {  	_ =	shalt  }
0x4f: {  	_ =	shalt  }
0x50: {  	_ =	shalt  }
0x51: {  	_ =	shalt  }
0x52: {  	_ =	shalt  }
0x53: {  	_ =	shalt  }
0x54: {  	_ =	shalt  }
0x55: {  	_ =	shalt  }
0x56: {  	_ =	shalt  }
0x57: {  	_ =	shalt  }
0x58: {  	_ =	shalt  }
0x59: {  	_ =	shalt  }
0x5a: {  	_ =	shalt  }
0x5b: {  	_ =	shalt  }
0x5c: {  	_ =	shalt  }
0x5d: {  	_ =	shalt  }
0x5e: {  	_ =	shalt  }
0x5f: {  	_ =	shalt  }
0x60: {  	_ =	shalt  }
0x61: {  	_ =	shalt  }
0x62: {  	_ =	shalt  }
0x63: {  	_ =	shalt  }
0x64: {  	_ =	shalt  }
0x65: {  	_ =	shalt  }
0x66: {  	_ =	shalt  }
0x67: {  	_ =	shalt  }
0x68: {  	_ =	shalt  }
0x69: {  	_ =	shalt  }
0x6a: {  	_ =	shalt  }
0x6b: {  	_ =	shalt  }
0x6c: {  	_ =	shalt  }
0x6d: {  	_ =	shalt  }
0x6e: {  	_ =	shalt  }
0x6f: {  	_ =	shalt  }
0x70: {  	_ =	shalt  }
0x71: {  	_ =	shalt  }
0x72: {  	_ =	shalt  }
0x73: {  	_ =	shalt  }
0x74: {  	_ =	shalt  }
0x75: {  	_ =	shalt  }
0x76: {  	_ =	shalt  }
0x77: {  	_ =	shalt  }
0x78: {  	_ =	shalt  }
0x79: {  	_ =	shalt  }
0x7a: {  	_ =	shalt  }
0x7b: {  	_ =	shalt  }
0x7c: {  	_ =	shalt  }
0x7d: {  	_ =	shalt  }
0x7e: {  	_ =	shalt  }
0x7f: {  	_ =	shalt  }
0x80: {  	_ =	shalt  }
0x81: {  	_ =	shalt  }
0x82: {  	_ =	shalt  }
0x83: {  	_ =	shalt  }
0x84: {  	_ =	shalt  }
0x85: {  	_ =	shalt  }
0x86: {  	_ =	shalt  }
0x87: {  	_ =	shalt  }
.Lfunc_end0:
.L_simem_size_0:
called_computation_lowered:
.L_overlay_start_0:
0x88: {  	s2 =	sld [smem:$0x3FD9]  }
0x89: {  	s3 =	sld [smem:$0x3FFE];
	_ =	sdelay $0x1  }
0x8a: {  	s1 =	srdreg.scid  }
0x8b: {  	s0 =	sand.u32 $0x1, s1  }
0x8c: {  	s14 =	sshll.u32 s0, $0xA;
	s2 =	sadd.s32 s3, s2  }
0x8d: {  	s2 =	sadd.s32 s2, s14  }
0x8e: {  	[smem:$0x3FBC] =	sst s2  }
0x8f: {  	_ = 	snop  }
0x90: {  	s2 =	sld [smem:$0x3FD0];
	_ =	sdelay $0x2  }
0x91: {  	s15 =	simm.s32 $0xA;
	s4 =	simm.s32 $0x10  }
0x92: {  	[smem:s4], [sflag:s15] =	dma.local [hbm:s2], $0x1  }
0x93: {  	_ =	swait.eq [sflag:s15], $0x1  }
0x94: {  	[sflag:s15] =	ssyncset.done $0x0  }
0x95: {  	[sflag:s15] =	ssyncadd.s32 $0xFFFFFFFF  }
0x96: {  	s16 =	sld [smem:$0x10];
	(tm) =	ssettm $0x1  }
0x97: {  	s17 =	sld [smem:$0x3FFB];
	_ =	sdelay $0x3  }
0x98: {  	_ =	strace s17  }
0x99: {  	s3 =	sld [smem:$0x3FFC];
	_ =	sdelay $0x3  }
0x9a: {  	_ =	strace s3  }
0x9b: {  	s3 =	sld [smem:$0x3FFD];
	_ =	sdelay $0x3  }
0x9c: {  	_ =	strace s3  }
0x9d: {  	_ =	strace $0x8FFFFFFF  }
0x9e: {  	s18 =	sld [smem:$0x3FDB];
	_ =	sdelay $0x1  }
0x9f: {  	s19 =	simm.s32 $_scs_section_size  }
0xa0: {  	s5 =	simm.s32 $_size__tile_overlayer_lowered;
	s6 =	simm.s32 $_tile_overlayer_lowered  }
0xa1: {  	s22 =	simm.s32 $0x1BFF;
	s21 =	sshll.u32 s6, $0x1;
	s3 =	sadd.s32 s19, s18  }
0xa2: {  	s7 =	simm.s32 $0x0;
	s20 =	sshll.u32 s5, $0x1;
	s5 =	sadd.s32 s21, s3  }
0xa3: {  	[timem:s7], [sflag:s22] =	dma.local [hbm:s5], s20  }
0xa4: {  	_ =	swait.ge [sflag:s22], s20  }
0xa5: {  	s4 =	ssub.s32 $0x0, s20;
	[sflag:s22] =	ssyncset.done $0x0  }
0xa6: {  	[sflag:s22] =	ssyncadd.s32 s4;
	_ =	sdelay $0x1  }
0xa7: {  	s23 =	simm.s32 $0x1B8B  }
0xa8: {  	_ =	swait.ge [sflag:s23], $0x1  }
0xa9: {  	[sflag:s23] =	ssyncset.done $0x0  }
0xaa: {  	s25 =	simm.s32 $0x1B8E;
	s24 =	sld [smem:$0x3FFE];
	[sflag:s23] =	ssyncadd.s32 $0xFFFFFFFF  }
0xab: {  	s26 =	simm.s32 $execute0_lowered;
	[smem:$0x3FD2] =	sst s25  }
0xac: {  	s5 =	sshll.u32 s26, $0x1;
	_ =	strace $0x80000049;
	[dreg:$0x1] =	wrdreg $0xFFFFFFFF  }
0xad: {  	s28 =	simm.s32 $_size_execute0_lowered;
	s3 =	sadd.s32 s3, s5;
	[dreg:$0x0] =	wrdreg $0x0  }
0xae: {  	s5 =	sshll.u32 s28, $0x1;
	[dreg:$0x2] =	wrdreg s3  }
0xaf: {  	[dreg:$0x3] =	wrdreg s5  }
0xb0: {  	[dreg:$0x4] =	wrdreg $0xC0  }
0xb1: {  	_ =	task [dreg:s7], $0x5FFFF  }
0xb2: {  	[dreg:$0x1] =	wrdreg $0xFFFFFFFF  }
0xb3: {  	[dreg:$0x0] =	wrdreg $0x60  }
0xb4: {  	[dreg:$0x2] =	wrdreg s16  }
0xb5: {  	[dreg:$0x3] =	wrdreg s24  }
0xb6: {  	[dreg:$0x4] =	wrdreg $0x86000  }
0xb7: {  	[dreg:$0x5] =	wrdreg $0x9  }
0xb8: {  	_ =	task.clear_ibuf [dreg:s7], $0x6FFFF;
	_ =	strace $0x90000049  }
0xb9: {  	s29 =	simm.s32 $0x9;
	_ =	strace $0x8000004B  }
0xba: {  	_ =	swait.ge [sflag:s29], $0x1  }
0xbb: {  	[sflag:s29] =	ssyncadd.s32 $0xFFFFFFFF  }
0xbc: {  	_ =	strace $0x9000004B  }
0xbd: {  	_ =	sfence  }
0xbe: {  	s30 =	sld [smem:$0x0];
	_ =	sdelay $0x2  }
0xbf: {  	s31 =	sshll.u32 s1, $0xD;
	s1 =	sshrl.u32 s1, $0x2  }
0xc0: {  	s3 =	sand.u32 $0x4000, s31;
	s1 =	sadd.s32 s1, s30  }
0xc1: {  	s0 =	sor.u32 s3, s0;
	s1 =	sshll.u32 s1, $0x11  }
0xc2: {  	s0 =	sor.u32 s1, s0  }
0xc3: {  	s0 =	sadd.s32 $0x8F2B, s0  }
0xc4: {  	[sflag:s0] =	ssyncadd.remote.s32 $0x1  }
0xc5: {  	_ =	sfence.sel $0xFFFF  }
0xc6: {  	[dreg:$0x0] =	wrdreg $0xFFFFFFFF;
	(pc) =	sbr.abs _section_cstart, $3  }
0xc7: {  	[dreg:$0x1] =	wrdreg $0xFFFFFFFF  }
0xc8: {  	_ =	task.clear_ibuf [dreg:s7], $0x2FFFF;
	_ =	strace $0x9FFFFFFF  }
0xc9: {  	(tm) =	ssettm $0x7FFFFFFF  }
tec
execute0_lowered:
.L_overlay_start_1:
0x0: {  	(tag) =	ssettag $0x1  }
0x1: {  	s1 =	rddreg [dreg:$0x0]  }
0x2: {  	s0 =	rddreg [dreg:$0x1]  }
0x3: {  	s2 =	rddreg [dreg:$0x2];
	s4 =	simm.s32 $0x0  }
0x4: {  	s3 =	srdreg.scid;
	s17 =	stileid.u32;
	s28 =	simm.s32 $0x8  }
0x5: {  	s29 =	simm.s32 $0x3;
	s30 =	simm.s32 $0x80;
	s31 =	simm.s32 $0x200  }
0x6: {  	[smem:$0x7FF] =	sst s4;
	s3 =	sand.u32 $0x1, s3;
	s6 =	smul.u32 $0x50000, s17  }
0x7: {  	s5 =	sadd.s32 $0x12000, s0;
	s8 =	smul.u32 $0x14000, s17;
	s0 =	sadd.s32 $0x60200, s0  }
0x8: {  	s12 =	smul.u32 $0x9C, s17;
	p0 =	sne.s32 s17, $0xF;
	s17 =	simm.s32 $0x4600  }
0x9: {  	_ =	strace $0x8000004A;
	s7 =	ssub.s32 $0x2, s3;
	s10 =	smul.u32 $0x9C4, s3  }
0xa: {  	s3 =	smul.u32 $0x140000, s3;
	s9 =	sshrl.u32 s7, $0x1;
	s6 =	sshrl.u32 s6, $0x2  }
0xb: {  	s11 =	sadd.s32 $0x4000, s8;
	s18 =	sadd.s32 $0xC000, s8;
	s16 =	sadd.s32 $0x10000, s8  }
0xc: {  	s7 =	ssub.s32 s7, s9;
	s24 =	sadd.s32 s6, s2;
	s26 =	sadd.s32 s11, s2  }
0xd: {  	s9 =	sadd.s32 $0x8000, s8;
	s12 =	sadd.s32 s12, s10;
	s19 =	sadd.s32 s18, s2  }
0xe: {  	s14 =	sadd.s32 s16, s2;
	s8 =	sadd.s32 s8, s3;
	s11 =	sadd.s32 s3, s11  }
0xf: {  	s25 =	sadd.s32 $0x9C0, s10;
	s10 =	simm.s32 $0x7;
	[dreg:$0x5] =	wrdreg s26  }
0x10: {  	s13 =	sadd.s32 s9, s2;
	[dreg:$0x7] =	wrdreg s19;
	s20 =	sshll.u32 s12, $0x6  }
0x11: {  	[dreg:$0x9] =	wrdreg s14;
	s14 =	sor.u32 $0x3, s12;
	s15 =	sadd.s32 $0x4, s12  }
0x12: {  	s8 =	sshrl.u32 s8, $0x3;
	s11 =	sshrl.u32 s11, $0x3;
	s6 =	sadd.s32 s3, s9  }
0x13: {  	s9 =	sadd.s32 s3, s18;
	s3 =	sadd.s32 s3, s16;
	s16 =	sadd.s32 $0x5, s12  }
0x14: {  	[dreg:$0x10] =	wrdreg s25;
	s26 =	smax.u32 s7, $0x1;
	s18 =	simm.s32 $0x400  }
0x15: {  	s19 =	simm.s32 $0x2;
	s25 =	simm.s32 $0x480;
	[dreg:$0x4] =	wrdreg s24  }
0x16: {  	s7 =	simm.s32 $0x0;
	[dreg:$0x6] =	wrdreg s13;
	s13 =	sadd.s32 s5, s20  }
0x17: {  	s8 =	sadd.s32 s0, s8;
	s21 =	sadd.s32 s0, s11;
	[dreg:$0x11] =	wrdreg s26  }
0x18: {  	s6 =	sshrl.u32 s6, $0x3;
	s22 =	sshrl.u32 s9, $0x3;
	[dreg:$0x8] =	wrdreg s13  }
0x19: {  	s3 =	sshrl.u32 s3, $0x3;
	s26 =	simm.s32 $0x600;
	[dreg:$0xb] =	wrdreg s8  }
0x1a: {  	s20 =	simm.s32 $0x5;
	s13 =	sadd.s32 $0x40, s13;
	[dreg:$0xc] =	wrdreg s21  }
.Ltmp0:
0x1b: {  	s6 =	sadd.s32 s0, s6;
	[dreg:$0xa] =	wrdreg s13;
	(pc) =	sbr.rel .LBB2_1-.Ltmp0, $4  }
0x1c: {  	s23 =	sadd.s32 s0, s22;
	s0 =	sadd.s32 s0, s3;
	[dreg:$0xd] =	wrdreg s6  }
0x1d: {  	s22 =	sadd.s32 $0x6, s12;
	s3 =	simm.s32 $0x4;
	[dreg:$0xe] =	wrdreg s23  }
0x1e: {  	s21 =	simm.s32 $0x6;
	s13 =	sor.u32 $0x2, s12;
	[dreg:$0xf] =	wrdreg s0  }
0x1f: {  	v0 =	vimm.f32 $0.0e+00;
	s23 =	sadd.s32 $0x7, s12;
	s0 =	simm.s32 $0x1;
	s12 =	simm.s32 $0x280  }
.LBB2_22:
0x20: {  	[bflag:$0x0] =	sbarrier.arrive $0xFFFF  }
0x21: {  	s24 =	rddreg [dreg:$0x4]  }
0x22: {  	[tilespmem:s26], [sflag:$0x8] =	stream.linear.gather [spmem:s24], $0x4000, $0x38;
	[tilespmem:$0x1C600] =	vst v63  }
0x23: {  	_ =	swait.ge [sflag:s28], $0x4000  }
0x24: {  	[sflag:s28] =	ssyncset.done $0x0  }
0x25: {  	s6 =	rddreg [dreg:$0xb];
	[sflag:s28] =	ssyncadd.s32 $0xFFFFC000  }
0x26: {  	[hbm4b:s6+s4] =	stream.linear.scatter [tilespmem:s26], [sflag:$0x8], $0x4000, $0x38;
	[tilespmem:$0x1C600] =	vst v63  }
0x27: {  	_ =	swait.ge [sflag:s28], $0x4000  }
0x28: {  	[sflag:s28] =	ssyncset.done $0x0  }
0x29: {  	s11 =	rddreg [dreg:$0x5];
	[sflag:s28] =	ssyncadd.s32 $0xFFFFC000  }
0x2a: {  	[tilespmem:s26], [sflag:$0x8] =	stream.linear.gather [spmem:s11], $0x4000, $0x38;
	[tilespmem:$0x1C600] =	vst v63  }
0x2b: {  	_ =	swait.ge [sflag:s28], $0x4000  }
0x2c: {  	[sflag:s28] =	ssyncset.done $0x0  }
0x2d: {  	s7 =	rddreg [dreg:$0xc];
	[sflag:s28] =	ssyncadd.s32 $0xFFFFC000  }
0x2e: {  	[hbm4b:s7+s4] =	stream.linear.scatter [tilespmem:s26], [sflag:$0x8], $0x4000, $0x38;
	[tilespmem:$0x1C600] =	vst v63  }
0x2f: {  	_ =	swait.ge [sflag:s28], $0x4000  }
0x30: {  	[sflag:s28] =	ssyncset.done $0x0  }
0x31: {  	s8 =	rddreg [dreg:$0x6];
	[sflag:s28] =	ssyncadd.s32 $0xFFFFC000  }
0x32: {  	[tilespmem:s26], [sflag:$0x8] =	stream.linear.gather [spmem:s8], $0x4000, $0x38;
	[tilespmem:$0x1C600] =	vst v63  }
0x33: {  	_ =	swait.ge [sflag:s28], $0x4000  }
0x34: {  	[sflag:s28] =	ssyncset.done $0x0  }
0x35: {  	s9 =	rddreg [dreg:$0xd];
	[sflag:s28] =	ssyncadd.s32 $0xFFFFC000  }
0x36: {  	[hbm4b:s9+s4] =	stream.linear.scatter [tilespmem:s26], [sflag:$0x8], $0x4000, $0x38;
	[tilespmem:$0x1C600] =	vst v63  }
0x37: {  	_ =	swait.ge [sflag:s28], $0x4000  }
0x38: {  	[sflag:s28] =	ssyncset.done $0x0  }
0x39: {  	s11 =	rddreg [dreg:$0x7];
	[sflag:s28] =	ssyncadd.s32 $0xFFFFC000  }
0x3a: {  	[tilespmem:s26], [sflag:$0x8] =	stream.linear.gather [spmem:s11], $0x4000, $0x38;
	[tilespmem:$0x1C600] =	vst v63  }
0x3b: {  	_ =	swait.ge [sflag:s28], $0x4000  }
0x3c: {  	[sflag:s28] =	ssyncset.done $0x0  }
0x3d: {  	s7 =	rddreg [dreg:$0xe];
	[sflag:s28] =	ssyncadd.s32 $0xFFFFC000  }
0x3e: {  	[hbm4b:s7+s4] =	stream.linear.scatter [tilespmem:s26], [sflag:$0x8], $0x4000, $0x38;
	[tilespmem:$0x1C600] =	vst v63  }
0x3f: {  	_ =	swait.ge [sflag:s28], $0x4000  }
0x40: {  	[sflag:s28] =	ssyncset.done $0x0  }
0x41: {  	s8 =	rddreg [dreg:$0x9];
	[sflag:s28] =	ssyncadd.s32 $0xFFFFC000  }
0x42: {  	[tilespmem:s26], [sflag:$0x8] =	stream.linear.gather [spmem:s8], $0x4000, $0x38;
	[tilespmem:$0x1C600] =	vst v63  }
0x43: {  	_ =	swait.ge [sflag:s28], $0x4000  }
0x44: {  	[sflag:s28] =	ssyncset.done $0x0  }
0x45: {  	s9 =	rddreg [dreg:$0xf];
	[sflag:s28] =	ssyncadd.s32 $0xFFFFC000  }
0x46: {  	[hbm4b:s9+s4] =	stream.linear.scatter [tilespmem:s26], [sflag:$0x8], $0x4000, $0x38;
	[tilespmem:$0x1C600] =	vst v63  }
0x47: {  	_ =	swait.ge [sflag:s28], $0x4000  }
0x48: {  	s7 =	rddreg [dreg:$0x12]  }
0x49: {  	s11 =	rddreg [dreg:$0x11];
	s7 =	sadd.s32 $0x1, s7  }
0x4a: {  	p1 =	sne.s32 s7, s11  }
.Ltmp1:
0x4b: {  	_ = 	snop;
	(pc) =	sbr.rel @!p1 .LBB2_23-.Ltmp1, $3  }
0x4c: {  	_ =	sdelay $0x1  }
0x4d: {  	[sflag:s28] =	ssyncset.done $0x0  }
0x4e: {  	[sflag:s28] =	ssyncadd.s32 $0xFFFFC000  }
.LBB2_1:
0x4f: {  	[dreg:$0x12] =	wrdreg s7;
	s6 =	simm.s32 $0x0;
	s7 =	simm.s32 $0x200  }
.LBB2_2:
0x50: {  	p1 =	sne.s32 s7, $0xFE00;
	[tilespmem:s6+$0x670] =	vst v0  }
0x51: {  	[tilespmem:s6+$0x600] =	vst v0  }
0x52: {  	[tilespmem:s6+$0x610] =	vst v0  }
.Ltmp2:
0x53: {  	[tilespmem:s6+$0x620] =	vst v0;
	(pc) =	sbr.rel @p1 .LBB2_2-.Ltmp2, $4  }
0x54: {  	[tilespmem:s6+$0x630] =	vst v0  }
0x55: {  	[tilespmem:s6+$0x640] =	vst v0  }
0x56: {  	[tilespmem:s6+$0x650] =	vst v0  }
0x57: {  	[tilespmem:s6+$0x660] =	vst v0;
	s6 =	sshra.s32 s7, $0x2;
	s7 =	sadd.s32 $0x200, s7  }
0x58: {  	[tilespmem:s6+$0x670] =	vst v0  }
0x59: {  	[tilespmem:s6+$0x600] =	vst v0  }
0x5a: {  	[tilespmem:s6+$0x610] =	vst v0  }
0x5b: {  	[tilespmem:s6+$0x620] =	vst v0  }
0x5c: {  	[tilespmem:s6+$0x630] =	vst v0  }
0x5d: {  	[tilespmem:s6+$0x640] =	vst v0  }
0x5e: {  	[tilespmem:s6+$0x650] =	vst v0  }
0x5f: {  	[tilespmem:s6+$0x660] =	vst v0  }
0x60: {  	[spmem:s24] =	stream.linear.scatter [tilespmem:s26], [sflag:$0x8], $0x4000, $0x38;
	[tilespmem:$0x1C600] =	vst v63  }
0x61: {  	_ =	swait.ge [sflag:s28], $0x4000  }
0x62: {  	[sflag:s28] =	ssyncset.done $0x0  }
0x63: {  	s24 =	rddreg [dreg:$0x5];
	[sflag:s28] =	ssyncadd.s32 $0xFFFFC000  }
0x64: {  	[spmem:s24] =	stream.linear.scatter [tilespmem:s26], [sflag:$0x8], $0x4000, $0x38;
	[tilespmem:$0x1C600] =	vst v63  }
0x65: {  	_ =	swait.ge [sflag:s28], $0x4000  }
0x66: {  	[sflag:s28] =	ssyncset.done $0x0  }
0x67: {  	s7 =	rddreg [dreg:$0x6];
	[sflag:s28] =	ssyncadd.s32 $0xFFFFC000  }
0x68: {  	[spmem:s7] =	stream.linear.scatter [tilespmem:s26], [sflag:$0x8], $0x4000, $0x38;
	[tilespmem:$0x1C600] =	vst v63  }
0x69: {  	_ =	swait.ge [sflag:s28], $0x4000  }
0x6a: {  	[sflag:s28] =	ssyncset.done $0x0  }
0x6b: {  	s8 =	rddreg [dreg:$0x7];
	[sflag:s28] =	ssyncadd.s32 $0xFFFFC000  }
0x6c: {  	[spmem:s8] =	stream.linear.scatter [tilespmem:s26], [sflag:$0x8], $0x4000, $0x38;
	[tilespmem:$0x1C600] =	vst v63  }
0x6d: {  	_ =	swait.ge [sflag:s28], $0x4000  }
0x6e: {  	[sflag:s28] =	ssyncset.done $0x0  }
0x6f: {  	s9 =	rddreg [dreg:$0x9];
	[sflag:s28] =	ssyncadd.s32 $0xFFFFC000  }
0x70: {  	[spmem:s9] =	stream.linear.scatter [tilespmem:s26], [sflag:$0x8], $0x4000, $0x38;
	[tilespmem:$0x1C600] =	vst v63  }
0x71: {  	_ =	swait.ge [sflag:s28], $0x4000  }
0x72: {  	[sflag:s28] =	ssyncset.done $0x0  }
0x73: {  	[sflag:s28] =	ssyncadd.s32 $0xFFFFC000  }
0x74: {  	[bflag:$0x0] =	sbarrier.arrive $0xFFFF  }
0x75: {  	s7 =	simm.s32 $0x0;
	s11 =	rddreg [dreg:$0x8]  }
0x76: {  	[tilespmem:s7], [sflag:$0x3] =	stream.linear.gather [hbm4b:s11+s7], $0x200, $0x38;
	[tilespmem:$0x1C600] =	vst v63  }
0x77: {  	_ =	swait.ge [sflag:s29], $0x200  }
0x78: {  	[sflag:s29] =	ssyncset.done $0x0  }
0x79: {  	[sflag:s29] =	ssyncadd.s32 $0xFFFFFE00  }
0x7a: {  	[tilespmem:s26], [sflag:$0x1] =	stream.indirect.gather [hbm4b:s1+s30], $0x80, s30, s30, $0xb8;
	[tilespmem:$0x1C600] =	vst v63  }
0x7b: {  	s8 =	simm.s32 $0x0;
	s24 =	rddreg [dreg:$0xa]  }
0x7c: {  	[tilespmem:s31], [sflag:$0x4] =	stream.linear.gather [hbm4b:s24+s7], $0x200, $0x38;
	[tilespmem:$0x1C600] =	vst v63  }
.LBB2_4:
0x7d: {  	_ =	swait.ge [sflag:s0], $0x4000;
	s6 =	simm.s32 $0x0  }
0x7e: {  	s7 =	simm.s32 $0x3;
	[sflag:s0] =	ssyncset.done $0x0;
	v1 =	vmov s6  }
0x7f: {  	v2 =	vmov s7;
	[sflag:s0] =	ssyncadd.s32 $0xFFFFC000;
	v1 =	vand.u32 $0x7C, v1  }
0x80: {  	v2 =	vand.u32 $0x7F, v2;
	_ =	swait.ge [sflag:s3], $0x200;
	v1 =	vor.u32 $0x100, v1  }
0x81: {  	p1 =	seq.s32 s8, $0x0;
	v2 =	vor.u32 $0x100, v2;
	[sflag:s3] =	ssyncset.done $0x0;
	v1 =	vbroadcast v1, $0x0  }
0x82: {  	s6 =	simm.s32 @!p1 $0x7;
	v2 =	vbroadcast v2, $0x0;
	[sflag:s3] =	ssyncadd.s32 $0xFFFFFE00  }
0x83: {  	_ =	swait.ge @!p1 [sflag:s6], $0x4000  }
0x84: {  	[sflag:s6] =	ssyncset.done @!p1 $0x0  }
0x85: {  	[sflag:s6] =	ssyncadd.s32 @!p1 $0xFFFFC000  }
0x86: {  	[tilespmem:s17], [sflag:$0x2] =	stream.indirect.gather [hbm4b:s1+s30], $0x80, s12, s30, $0xb8;
	[tilespmem:$0x1C600] =	vst v63  }
0x87: {  	s9 =	simm.s32 $0x1;
	v3 =	vld.idx.msk [tilespmem:v1+s4+$0x0], $0xffff  }
0x88: {  	s11 =	simm.s32 $0x700;
	v4 =	vmov s9;
	v1 =	vld.idx.msk [tilespmem:v2+s4+$0x0], $0xffff  }
0x89: {  	v2 =	vand.u32 $0x7D, v4;
	v4 =	vld [tilespmem:s11+$0xF0]  }
0x8a: {  	v5 =	vld [tilespmem:s11+$0xFFFFFF00]  }
0x8b: {  	v6 =	vld [tilespmem:s11+$0xFFFFFF10];
	v2 =	vor.u32 $0x100, v2  }
0x8c: {  	v7 =	vld [tilespmem:s11+$0xFFFFFF20];
	v2 =	vbroadcast v2, $0x0  }
0x8d: {  	v8 =	vld [tilespmem:s11+$0xFFFFFF30]  }
0x8e: {  	v9 =	vld [tilespmem:s11+$0xFFFFFF40]  }
0x8f: {  	v10 =	vld [tilespmem:s11+$0xFFFFFF50];
	v5 =	vmul.f32 v3, v5  }
0x90: {  	v11 =	vld [tilespmem:s11+$0xFFFFFF60]  }
0x91: {  	s24 =	simm.s32 $0x2;
	v4 =	vmul.f32 v1, v4;
	[tilespmem:s11+$0xFFFFFF00] =	vst v5;
	v5 =	vld [tilespmem:s11+$0xFFFFFF70]  }
0x92: {  	v12 =	vmov s24;
	v6 =	vmul.f32 v3, v6;
	v13 =	vld.idx.msk [tilespmem:v2+s4+$0x0], $0xffff  }
0x93: {  	[tilespmem:s11+$0xF0] =	vst v4;
	v4 =	vmul.f32 v3, v7;
	v2 =	vand.u32 $0x7E, v12;
	v12 =	vld [tilespmem:s11+$0xFFFFFF80]  }
0x94: {  	v7 =	vld [tilespmem:s11+$0xFFFFFF90];
	[tilespmem:s11+$0xFFFFFF10] =	vst v6;
	v6 =	vmul.f32 v3, v8;
	v2 =	vor.u32 $0x100, v2  }
0x95: {  	v8 =	vld [tilespmem:s11+$0xFFFFFFA0];
	[tilespmem:s11+$0xFFFFFF20] =	vst v4;
	v4 =	vmul.f32 v3, v9;
	v2 =	vbroadcast v2, $0x0  }
0x96: {  	v9 =	vld [tilespmem:s11+$0xFFFFFFB0];
	[tilespmem:s11+$0xFFFFFF30] =	vst v6;
	v6 =	vmul.f32 v3, v10  }
0x97: {  	v11 =	vmul.f32 v3, v11;
	v10 =	vld [tilespmem:s11+$0xFFFFFFC0];
	[tilespmem:s11+$0xFFFFFF40] =	vst v4;
	v3 =	vmul.f32 v3, v5  }
0x98: {  	[tilespmem:s11+$0xFFFFFF50] =	vst v6;
	v6 =	vld [tilespmem:s11+$0xFFFFFFE0];
	v4 =	vmul.f32 v13, v12  }
0x99: {  	v12 =	vld [tilespmem:s11+$0xFFFFFFD0];
	[tilespmem:s11+$0xFFFFFF70] =	vst v3  }
0x9a: {  	v3 =	vmul.f32 v13, v8;
	[tilespmem:s11+$0xFFFFFF80] =	vst v4;
	v4 =	vmul.f32 v13, v7;
	v7 =	vld [tilespmem:s11+$0x0]  }
0x9b: {  	[tilespmem:s11+$0xFFFFFF60] =	vst v11;
	v2 =	vld.idx.msk [tilespmem:v2+s4+$0x0], $0xffff  }
0x9c: {  	v5 =	vld [tilespmem:s11+$0xFFFFFFF0];
	[tilespmem:s11+$0xFFFFFFA0] =	vst v3;
	v3 =	vmul.f32 v13, v10  }
0x9d: {  	v8 =	vld [tilespmem:s11+$0x10];
	[tilespmem:s11+$0xFFFFFF90] =	vst v4;
	v4 =	vmul.f32 v13, v9  }
0x9e: {  	s7 =	simm.s32 $0x4;
	v6 =	vmul.f32 v13, v6;
	v9 =	vld [tilespmem:s11+$0x20];
	[tilespmem:s11+$0xFFFFFFC0] =	vst v3  }
0x9f: {  	v11 =	vmov s7;
	v10 =	vld [tilespmem:s11+$0x30];
	[tilespmem:s11+$0xFFFFFFB0] =	vst v4;
	v4 =	vmul.f32 v13, v12  }
0xa0: {  	v11 =	vand.u32 $0x7C, v11;
	v3 =	vld [tilespmem:s11+$0x40];
	[tilespmem:s11+$0xFFFFFFE0] =	vst v6;
	v7 =	vmul.f32 v2, v7  }
0xa1: {  	s9 =	simm.s32 $0x5;
	s24 =	simm.s32 $0x6;
	v6 =	vor.u32 $0x100, v11;
	v12 =	vmul.f32 v13, v5;
	[tilespmem:s11+$0xFFFFFFD0] =	vst v4;
	v4 =	vld [tilespmem:s11+$0x50]  }
0xa2: {  	v13 =	vmov s9;
	v5 =	vld [tilespmem:s11+$0x60];
	v8 =	vmul.f32 v2, v8;
	[tilespmem:s11+$0x0] =	vst v7;
	v7 =	vmov s24  }
0xa3: {  	s6 =	simm.s32 $0x700;
	[tilespmem:s11+$0xFFFFFFF0] =	vst v12;
	v12 =	vand.u32 $0x7D, v13;
	v9 =	vmul.f32 v2, v9;
	v11 =	vand.u32 $0x7E, v7;
	v7 =	vld [tilespmem:s11+$0x70]  }
0xa4: {  	s7 =	simm.s32 $0x7;
	s9 =	smul.u32 $0x6, s8;
	v6 =	vbroadcast v6, $0x0;
	v10 =	vmul.f32 v2, v10;
	v12 =	vor.u32 $0x100, v12;
	s24 =	simm.s32 $0x8;
	[tilespmem:s11+$0x10] =	vst v8;
	v8 =	vld [tilespmem:s11+$0x80]  }
.LBB2_5:
0xa5: {  	p1 =	slt.u32 s24, $0x7C;
	v11 =	vor.u32 $0x100, v11;
	v13 =	vmov s7;
	[tilespmem:s11+$0x20] =	vst v9;
	v3 =	vmul.f32 v2, v3;
	v9 =	vld [tilespmem:s11+$0x90]  }
0xa6: {  	v12 =	vbroadcast v12, $0x0;
	v13 =	vand.u32 $0x7F, v13;
	[tilespmem:s11+$0x30] =	vst v10;
	v4 =	vmul.f32 v2, v4;
	v10 =	vld [tilespmem:s11+$0xA0]  }
0xa7: {  	v11 =	vbroadcast v11, $0x0;
	v13 =	vor.u32 $0x100, v13;
	[tilespmem:s11+$0x40] =	vst v3;
	v3 =	vmul.f32 v2, v5;
	v5 =	vld [tilespmem:s11+$0xB0]  }
0xa8: {  	v13 =	vbroadcast v13, $0x0;
	[tilespmem:s11+$0x50] =	vst v4;
	v2 =	vmul.f32 v2, v7;
	v4 =	vld [tilespmem:s11+$0xC0]  }
0xa9: {  	[tilespmem:s11+$0x60] =	vst v3;
	v3 =	vmul.f32 v1, v8;
	v7 =	vld [tilespmem:s11+$0xD0]  }
0xaa: {  	[tilespmem:s11+$0x70] =	vst v2;
	v2 =	vmul.f32 v1, v9;
	v8 =	vld [tilespmem:s11+$0xE0]  }
0xab: {  	v6 =	vld.idx.msk [tilespmem:v6+s4+$0x0], $0xffff;
	[tilespmem:s11+$0x80] =	vst v3;
	v3 =	vmul.f32 v1, v10  }
0xac: {  	v9 =	vld.idx.msk [tilespmem:v12+s4+$0x0], $0xffff;
	[tilespmem:s11+$0x90] =	vst v2;
	v5 =	vmul.f32 v1, v5  }
0xad: {  	v2 =	vld.idx.msk [tilespmem:v11+s4+$0x0], $0xffff;
	[tilespmem:s11+$0xA0] =	vst v3;
	v3 =	vmul.f32 v1, v4  }
0xae: {  	s11 =	sadd.s32 $0x200, s11;
	v4 =	vld.idx.msk [tilespmem:v13+s4+$0x0], $0xffff;
	[tilespmem:s6+$0xB0] =	vst v5;
	v5 =	vmul.f32 v1, v7  }
0xaf: {  	v7 =	vld [tilespmem:s11+$0xF0];
	[tilespmem:s6+$0xC0] =	vst v3;
	v1 =	vmul.f32 v1, v8  }
0xb0: {  	v3 =	vld [tilespmem:s11+$0xFFFFFF00];
	[tilespmem:s6+$0xD0] =	vst v5  }
0xb1: {  	v5 =	vld [tilespmem:s11+$0xFFFFFF10];
	[tilespmem:s6+$0xE0] =	vst v1;
	s6 =	smov.u32 s11  }
0xb2: {  	v8 =	vld [tilespmem:s11+$0xFFFFFF20]  }
0xb3: {  	v10 =	vld [tilespmem:s11+$0xFFFFFF30]  }
0xb4: {  	v1 =	vmov v4;
	v11 =	vld [tilespmem:s11+$0xFFFFFF40];
	v7 =	vmul.f32 v4, v7  }
0xb5: {  	v3 =	vmul.f32 v6, v3;
	v4 =	vld [tilespmem:s11+$0xFFFFFF50]  }
0xb6: {  	v5 =	vmul.f32 v6, v5;
	v12 =	vld [tilespmem:s11+$0xFFFFFF60];
	[tilespmem:s11+$0xF0] =	vst v7  }
0xb7: {  	[tilespmem:s11+$0xFFFFFF00] =	vst v3;
	v3 =	vmul.f32 v6, v8;
	v7 =	vld [tilespmem:s11+$0xFFFFFF70]  }
0xb8: {  	[tilespmem:s11+$0xFFFFFF10] =	vst v5;
	v5 =	vmul.f32 v6, v10;
	v8 =	vld [tilespmem:s11+$0xFFFFFF80]  }
0xb9: {  	[tilespmem:s11+$0xFFFFFF20] =	vst v3;
	v3 =	vmul.f32 v6, v11;
	v10 =	vld [tilespmem:s11+$0xFFFFFF90]  }
0xba: {  	[tilespmem:s11+$0xFFFFFF30] =	vst v5;
	v4 =	vmul.f32 v6, v4;
	v5 =	vld [tilespmem:s11+$0xFFFFFFA0]  }
0xbb: {  	[tilespmem:s11+$0xFFFFFF40] =	vst v3;
	v3 =	vmul.f32 v6, v12;
	v11 =	vld [tilespmem:s11+$0xFFFFFFB0]  }
0xbc: {  	[tilespmem:s11+$0xFFFFFF50] =	vst v4;
	v4 =	vmul.f32 v6, v7;
	v6 =	vld [tilespmem:s11+$0xFFFFFFC0]  }
0xbd: {  	[tilespmem:s11+$0xFFFFFF60] =	vst v3;
	v3 =	vmul.f32 v9, v8;
	v7 =	vld [tilespmem:s11+$0xFFFFFFD0]  }
0xbe: {  	[tilespmem:s11+$0xFFFFFF70] =	vst v4;
	v4 =	vmul.f32 v9, v10;
	v8 =	vld [tilespmem:s11+$0xFFFFFFE0]  }
0xbf: {  	[tilespmem:s11+$0xFFFFFF80] =	vst v3;
	v3 =	vmul.f32 v9, v5;
	v5 =	vld [tilespmem:s11+$0xFFFFFFF0]  }
0xc0: {  	[tilespmem:s11+$0xFFFFFF90] =	vst v4;
	v4 =	vmul.f32 v9, v11;
	v10 =	vld [tilespmem:s11+$0x0]  }
0xc1: {  	[tilespmem:s11+$0xFFFFFFA0] =	vst v3;
	v3 =	vmul.f32 v9, v6;
	v6 =	vld [tilespmem:s11+$0x10]  }
0xc2: {  	[tilespmem:s11+$0xFFFFFFB0] =	vst v4;
	v4 =	vmul.f32 v9, v7;
	v7 =	vld [tilespmem:s11+$0x20]  }
0xc3: {  	[tilespmem:s11+$0xFFFFFFC0] =	vst v3;
	v8 =	vmul.f32 v9, v8;
	v13 =	vld [tilespmem:s11+$0x30]  }
.Ltmp3:
0xc4: {  	s7 =	sadd.s32 $0x1, s24;
	v11 =	vmov s24;
	[tilespmem:s11+$0xFFFFFFD0] =	vst v4;
	v5 =	vmul.f32 v9, v5;
	v3 =	vld [tilespmem:s11+$0x40];
	(pc) =	sbr.rel @p1 .LBB2_5-.Ltmp3, $4  }
0xc5: {  	v9 =	vand.u32 $0x7C, v11;
	v11 =	vmov s7;
	s7 =	sadd.s32 $0x2, s24;
	[tilespmem:s11+$0xFFFFFFE0] =	vst v8;
	v8 =	vmul.f32 v2, v10;
	v4 =	vld [tilespmem:s11+$0x50]  }
0xc6: {  	v10 =	vor.u32 $0x100, v9;
	v9 =	vmov s7;
	[tilespmem:s11+$0xFFFFFFF0] =	vst v5;
	v14 =	vmul.f32 v2, v6;
	v5 =	vld [tilespmem:s11+$0x60]  }
0xc7: {  	v12 =	vand.u32 $0x7D, v11;
	v11 =	vand.u32 $0x7E, v9;
	[tilespmem:s11+$0x0] =	vst v8;
	v9 =	vmul.f32 v2, v7;
	v7 =	vld [tilespmem:s11+$0x70]  }
0xc8: {  	s7 =	sadd.s32 $0x3, s24;
	s24 =	sadd.s32 $0x4, s24;
	v6 =	vbroadcast v10, $0x0;
	v12 =	vor.u32 $0x100, v12;
	[tilespmem:s11+$0x10] =	vst v14;
	v10 =	vmul.f32 v2, v13;
	v8 =	vld [tilespmem:s11+$0x80]  }
0xc9: {  	v14 =	vld [tilespmem:s11+$0x90]  }
0xca: {  	v15 =	vld [tilespmem:s11+$0xA0]  }
0xcb: {  	v13 =	vmov s7;
	v11 =	vor.u32 $0x100, v11;
	v12 =	vbroadcast v12, $0x0;
	v16 =	vld [tilespmem:s11+$0xB0]  }
0xcc: {  	v17 =	vld [tilespmem:s11+$0xC0];
	[tilespmem:s11+$0x20] =	vst v9;
	v3 =	vmul.f32 v2, v3;
	v13 =	vand.u32 $0x7F, v13;
	v11 =	vbroadcast v11, $0x0  }
0xcd: {  	v9 =	vld [tilespmem:s11+$0xD0];
	[tilespmem:s11+$0x30] =	vst v10;
	v4 =	vmul.f32 v2, v4;
	v13 =	vor.u32 $0x100, v13  }
0xce: {  	v10 =	vld [tilespmem:s11+$0xE0];
	[tilespmem:s11+$0x40] =	vst v3;
	v3 =	vmul.f32 v2, v5;
	v13 =	vbroadcast v13, $0x0  }
0xcf: {  	s24 =	sadd.s32 $0x200, s11;
	v5 =	vld.idx.msk [tilespmem:v6+s4+$0x0], $0xffff;
	[tilespmem:s11+$0x50] =	vst v4;
	v2 =	vmul.f32 v2, v7  }
0xd0: {  	[tilespmem:s11+$0x60] =	vst v3;
	v3 =	vmul.f32 v1, v8;
	v8 =	vld [tilespmem:s24+$0xF0]  }
0xd1: {  	[tilespmem:s11+$0x70] =	vst v2;
	v2 =	vmul.f32 v1, v14;
	v4 =	vld.idx.msk [tilespmem:v12+s4+$0x0], $0xffff  }
0xd2: {  	[tilespmem:s11+$0x80] =	vst v3;
	v3 =	vmul.f32 v1, v15;
	v6 =	vld.idx.msk [tilespmem:v11+s4+$0x0], $0xffff  }
0xd3: {  	[tilespmem:s11+$0x90] =	vst v2;
	v2 =	vmul.f32 v1, v16;
	v11 =	vld [tilespmem:s24+$0xFFFFFF00]  }
0xd4: {  	[tilespmem:s11+$0xA0] =	vst v3;
	v3 =	vmul.f32 v1, v17;
	v7 =	vld.idx.msk [tilespmem:v13+s4+$0x0], $0xffff  }
0xd5: {  	v12 =	vld [tilespmem:s24+$0xFFFFFF10];
	[tilespmem:s6+$0xB0] =	vst v2;
	v2 =	vmul.f32 v1, v9  }
0xd6: {  	v9 =	vld [tilespmem:s24+$0xFFFFFF20];
	v1 =	vmul.f32 v1, v10;
	[tilespmem:s6+$0xC0] =	vst v3  }
0xd7: {  	v3 =	vld [tilespmem:s24+$0xFFFFFF30];
	[tilespmem:s6+$0xD0] =	vst v2  }
0xd8: {  	v2 =	vld [tilespmem:s24+$0xFFFFFF40];
	[tilespmem:s6+$0xE0] =	vst v1;
	v1 =	vmul.f32 v5, v11  }
0xd9: {  	v10 =	vld [tilespmem:s24+$0xFFFFFF50];
	v8 =	vmul.f32 v7, v8  }
0xda: {  	v11 =	vmul.f32 v5, v12;
	v12 =	vld [tilespmem:s24+$0xFFFFFF60];
	[tilespmem:s24+$0xFFFFFF00] =	vst v1  }
0xdb: {  	v1 =	vmul.f32 v5, v9;
	[tilespmem:s24+$0xF0] =	vst v8;
	v8 =	vld [tilespmem:s24+$0xFFFFFF70]  }
0xdc: {  	[tilespmem:s24+$0xFFFFFF10] =	vst v11;
	v9 =	vld [tilespmem:s24+$0xFFFFFF80];
	v3 =	vmul.f32 v5, v3  }
0xdd: {  	[tilespmem:s24+$0xFFFFFF20] =	vst v1;
	v1 =	vmul.f32 v5, v2;
	v2 =	vld [tilespmem:s24+$0xFFFFFF90]  }
0xde: {  	[tilespmem:s24+$0xFFFFFF30] =	vst v3;
	v3 =	vmul.f32 v5, v10;
	v10 =	vld [tilespmem:s24+$0xFFFFFFA0]  }
0xdf: {  	v11 =	vld [tilespmem:s24+$0xFFFFFFB0];
	[tilespmem:s24+$0xFFFFFF40] =	vst v1;
	v1 =	vmul.f32 v5, v12  }
0xe0: {  	[tilespmem:s24+$0xFFFFFF50] =	vst v3;
	v3 =	vmul.f32 v5, v8;
	v5 =	vld [tilespmem:s24+$0xFFFFFFC0]  }
0xe1: {  	[tilespmem:s24+$0xFFFFFF60] =	vst v1;
	v1 =	vmul.f32 v4, v9;
	v8 =	vld [tilespmem:s24+$0xFFFFFFD0]  }
0xe2: {  	v2 =	vmul.f32 v4, v2;
	[tilespmem:s24+$0xFFFFFF70] =	vst v3;
	v3 =	vld [tilespmem:s24+$0xFFFFFFE0]  }
0xe3: {  	v9 =	vld [tilespmem:s24+$0xFFFFFFF0];
	[tilespmem:s24+$0xFFFFFF80] =	vst v1;
	v1 =	vmul.f32 v4, v10  }
0xe4: {  	v10 =	vld [tilespmem:s24+$0x0];
	[tilespmem:s24+$0xFFFFFF90] =	vst v2;
	v2 =	vmul.f32 v4, v11  }
0xe5: {  	[tilespmem:s24+$0xFFFFFFA0] =	vst v1;
	v1 =	vmul.f32 v4, v5;
	v5 =	vld [tilespmem:s24+$0x10]  }
0xe6: {  	[tilespmem:s24+$0xFFFFFFB0] =	vst v2;
	v2 =	vmul.f32 v4, v8;
	v8 =	vld [tilespmem:s24+$0x20]  }
0xe7: {  	[tilespmem:s24+$0xFFFFFFC0] =	vst v1;
	v1 =	vmul.f32 v4, v3;
	v3 =	vld [tilespmem:s24+$0x30]  }
0xe8: {  	[tilespmem:s24+$0xFFFFFFD0] =	vst v2;
	v2 =	vmul.f32 v4, v9;
	v4 =	vld [tilespmem:s24+$0x40]  }
0xe9: {  	v9 =	vld [tilespmem:s24+$0x50];
	[tilespmem:s24+$0xFFFFFFE0] =	vst v1;
	v1 =	vmul.f32 v6, v10  }
0xea: {  	[tilespmem:s24+$0xFFFFFFF0] =	vst v2;
	v2 =	vmul.f32 v6, v5;
	v5 =	vld [tilespmem:s24+$0x60]  }
0xeb: {  	[tilespmem:s24+$0x0] =	vst v1;
	v1 =	vmul.f32 v6, v8;
	v8 =	vld [tilespmem:s24+$0x70]  }
0xec: {  	[tilespmem:s24+$0x10] =	vst v2;
	v2 =	vmul.f32 v6, v3;
	v3 =	vld [tilespmem:s24+$0x80]  }
0xed: {  	[tilespmem:s24+$0x20] =	vst v1;
	v1 =	vmul.f32 v6, v4;
	v4 =	vld [tilespmem:s24+$0x90]  }
0xee: {  	[tilespmem:s24+$0x30] =	vst v2;
	v2 =	vmul.f32 v6, v9;
	v9 =	vld [tilespmem:s24+$0xA0]  }
0xef: {  	[tilespmem:s24+$0x40] =	vst v1;
	v1 =	vmul.f32 v6, v5;
	v5 =	vld [tilespmem:s24+$0xB0]  }
0xf0: {  	[tilespmem:s24+$0x50] =	vst v2;
	v2 =	vmul.f32 v6, v8;
	v6 =	vld [tilespmem:s24+$0xC0]  }
0xf1: {  	[tilespmem:s24+$0x60] =	vst v1;
	v1 =	vmul.f32 v7, v3;
	v3 =	vld [tilespmem:s24+$0xD0]  }
0xf2: {  	[tilespmem:s24+$0x70] =	vst v2;
	v2 =	vmul.f32 v7, v4;
	v4 =	vld [tilespmem:s24+$0xE0]  }
0xf3: {  	[tilespmem:s24+$0x80] =	vst v1;
	v1 =	vmul.f32 v7, v9  }
0xf4: {  	[tilespmem:s24+$0x90] =	vst v2;
	v2 =	vmul.f32 v7, v5  }
0xf5: {  	[tilespmem:s24+$0xA0] =	vst v1;
	v1 =	vmul.f32 v7, v6  }
0xf6: {  	[tilespmem:s24+$0xB0] =	vst v2;
	v2 =	vmul.f32 v7, v3  }
0xf7: {  	[tilespmem:s24+$0xC0] =	vst v1;
	v1 =	vmul.f32 v7, v4  }
0xf8: {  	[tilespmem:s24+$0xD0] =	vst v2  }
0xf9: {  	s11 =	simm.s32 $0x0;
	[tilespmem:s24+$0xE0] =	vst v1;
	s24 =	sadd.s32 s9, s13  }
0xfa: {  	[spmem:s2] =	stream.indirect.scatter.add.f32 [tilespmem:s26], [sflag:$0x6], $0x80, s11, s30, $0xb8;
	[tilespmem:$0x1C600] =	vst v63  }
0xfb: {  	s7 =	sshll.u32 s24, $0x6  }
0xfc: {  	s7 =	sadd.s32 s5, s7  }
0xfd: {  	[tilespmem:s18], [sflag:$0x5] =	stream.linear.gather [hbm4b:s7+s11], $0x200, $0x38;
	[tilespmem:$0x1C600] =	vst v63  }
0xfe: {  	_ =	swait.ge [sflag:s19], $0x4000  }
0xff: {  	v1 =	vmov s11;
	s11 =	simm.s32 $0x3;
	[sflag:s19] =	ssyncset.done $0x0  }
0x100: {  	v1 =	vand.u32 $0x7C, v1;
	v2 =	vmov s11;
	[sflag:s19] =	ssyncadd.s32 $0xFFFFC000  }
0x101: {  	v1 =	vor.u32 $0x100, v1;
	v2 =	vand.u32 $0x7F, v2;
	_ =	swait.ge [sflag:s20], $0x200  }
0x102: {  	v1 =	vbroadcast v1, $0x0;
	v2 =	vor.u32 $0x100, v2;
	[sflag:s20] =	ssyncset.done $0x0  }
0x103: {  	v2 =	vbroadcast v2, $0x0;
	[sflag:s20] =	ssyncadd.s32 $0xFFFFFE00  }
0x104: {  	_ =	swait.ge [sflag:s21], $0x4000  }
0x105: {  	[sflag:s21] =	ssyncset.done $0x0  }
0x106: {  	[sflag:s21] =	ssyncadd.s32 $0xFFFFC000  }
0x107: {  	[tilespmem:s26], [sflag:$0x1] =	stream.indirect.gather [hbm4b:s1+s30], $0x80, s25, s30, $0xb8;
	[tilespmem:$0x1C600] =	vst v63  }
0x108: {  	s24 =	simm.s32 $0x1;
	v3 =	vld.idx.msk [tilespmem:v1+s31+$0x0], $0xffff  }
0x109: {  	v4 =	vmov s24;
	s11 =	simm.s32 $0x4700;
	v1 =	vld.idx.msk [tilespmem:v2+s31+$0x0], $0xffff  }
0x10a: {  	v2 =	vand.u32 $0x7D, v4;
	v4 =	vld [tilespmem:s11+$0xF0]  }
0x10b: {  	v5 =	vld [tilespmem:s11+$0xFFFFFF00]  }
0x10c: {  	v6 =	vld [tilespmem:s11+$0xFFFFFF10]  }
0x10d: {  	v7 =	vld [tilespmem:s11+$0xFFFFFF20];
	v2 =	vor.u32 $0x100, v2  }
0x10e: {  	v8 =	vld [tilespmem:s11+$0xFFFFFF30];
	v2 =	vbroadcast v2, $0x0  }
0x10f: {  	v9 =	vld [tilespmem:s11+$0xFFFFFF40]  }
0x110: {  	v10 =	vld [tilespmem:s11+$0xFFFFFF50];
	v5 =	vmul.f32 v3, v5  }
0x111: {  	v11 =	vld [tilespmem:s11+$0xFFFFFF60];
	v4 =	vmul.f32 v1, v4  }
0x112: {  	[tilespmem:s11+$0xFFFFFF00] =	vst v5;
	v5 =	vld [tilespmem:s11+$0xFFFFFF70]  }
0x113: {  	s7 =	simm.s32 $0x2;
	v6 =	vmul.f32 v3, v6;
	[tilespmem:s11+$0xF0] =	vst v4;
	v4 =	vmul.f32 v3, v7;
	v7 =	vld [tilespmem:s11+$0xFFFFFF90]  }
0x114: {  	v12 =	vmov s7;
	v13 =	vld.idx.msk [tilespmem:v2+s31+$0x0], $0xffff  }
0x115: {  	[tilespmem:s11+$0xFFFFFF10] =	vst v6;
	v6 =	vmul.f32 v3, v8;
	v2 =	vand.u32 $0x7E, v12;
	v12 =	vld [tilespmem:s11+$0xFFFFFF80]  }
0x116: {  	v11 =	vmul.f32 v3, v11;
	v8 =	vld [tilespmem:s11+$0xFFFFFFA0];
	v2 =	vor.u32 $0x100, v2;
	[tilespmem:s11+$0xFFFFFF20] =	vst v4;
	v4 =	vmul.f32 v3, v9  }
0x117: {  	v9 =	vld [tilespmem:s11+$0xFFFFFFB0];
	[tilespmem:s11+$0xFFFFFF30] =	vst v6;
	v6 =	vmul.f32 v3, v10;
	v2 =	vbroadcast v2, $0x0  }
0x118: {  	[tilespmem:s11+$0xFFFFFF60] =	vst v11;
	v10 =	vld [tilespmem:s11+$0xFFFFFFC0]  }
0x119: {  	[tilespmem:s11+$0xFFFFFF50] =	vst v6;
	v6 =	vld [tilespmem:s11+$0xFFFFFFE0];
	v3 =	vmul.f32 v3, v5  }
0x11a: {  	[tilespmem:s11+$0xFFFFFF40] =	vst v4;
	v5 =	vld [tilespmem:s11+$0xFFFFFFF0];
	v4 =	vmul.f32 v13, v12  }
0x11b: {  	v12 =	vld [tilespmem:s11+$0xFFFFFFD0];
	[tilespmem:s11+$0xFFFFFF70] =	vst v3;
	v3 =	vmul.f32 v13, v8  }
0x11c: {  	[tilespmem:s11+$0xFFFFFF80] =	vst v4;
	v4 =	vmul.f32 v13, v7;
	v7 =	vld [tilespmem:s11+$0x0]  }
0x11d: {  	v2 =	vld.idx.msk [tilespmem:v2+s31+$0x0], $0xffff;
	[tilespmem:s11+$0xFFFFFFA0] =	vst v3;
	v3 =	vmul.f32 v13, v10  }
0x11e: {  	v8 =	vld [tilespmem:s11+$0x10];
	[tilespmem:s11+$0xFFFFFF90] =	vst v4;
	v4 =	vmul.f32 v13, v9  }
0x11f: {  	s24 =	simm.s32 $0x4;
	v6 =	vmul.f32 v13, v6;
	v9 =	vld [tilespmem:s11+$0x20];
	[tilespmem:s11+$0xFFFFFFC0] =	vst v3  }
0x120: {  	v11 =	vmov s24;
	v10 =	vld [tilespmem:s11+$0x30];
	[tilespmem:s11+$0xFFFFFFB0] =	vst v4;
	v4 =	vmul.f32 v13, v12  }
0x121: {  	v11 =	vand.u32 $0x7C, v11;
	v3 =	vld [tilespmem:s11+$0x40];
	[tilespmem:s11+$0xFFFFFFE0] =	vst v6;
	v12 =	vmul.f32 v13, v5  }
0x122: {  	s7 =	simm.s32 $0x5;
	s24 =	simm.s32 $0x6;
	v6 =	vor.u32 $0x100, v11;
	[tilespmem:s11+$0xFFFFFFD0] =	vst v4;
	v7 =	vmul.f32 v2, v7;
	v4 =	vld [tilespmem:s11+$0x50]  }
0x123: {  	v11 =	vmov s24;
	v13 =	vmov s7;
	v5 =	vld [tilespmem:s11+$0x60];
	v8 =	vmul.f32 v2, v8;
	[tilespmem:s11+$0xFFFFFFF0] =	vst v12  }
0x124: {  	v11 =	vand.u32 $0x7E, v11;
	v12 =	vand.u32 $0x7D, v13;
	v9 =	vmul.f32 v2, v9;
	[tilespmem:s11+$0x0] =	vst v7;
	v7 =	vld [tilespmem:s11+$0x70]  }
0x125: {  	s6 =	simm.s32 $0x4700;
	s24 =	simm.s32 $0x8;
	v6 =	vbroadcast v6, $0x0;
	s7 =	simm.s32 $0x7;
	v10 =	vmul.f32 v2, v10;
	v12 =	vor.u32 $0x100, v12;
	[tilespmem:s11+$0x10] =	vst v8;
	v8 =	vld [tilespmem:s11+$0x80]  }
.LBB2_7:
0x126: {  	p1 =	slt.u32 s24, $0x7C;
	v11 =	vor.u32 $0x100, v11;
	v13 =	vmov s7;
	[tilespmem:s11+$0x20] =	vst v9;
	v3 =	vmul.f32 v2, v3;
	v9 =	vld [tilespmem:s11+$0x90]  }
0x127: {  	v12 =	vbroadcast v12, $0x0;
	v13 =	vand.u32 $0x7F, v13;
	[tilespmem:s11+$0x30] =	vst v10;
	v4 =	vmul.f32 v2, v4;
	v10 =	vld [tilespmem:s11+$0xA0]  }
0x128: {  	v11 =	vbroadcast v11, $0x0;
	v13 =	vor.u32 $0x100, v13;
	[tilespmem:s11+$0x40] =	vst v3;
	v3 =	vmul.f32 v2, v5;
	v5 =	vld [tilespmem:s11+$0xB0]  }
0x129: {  	v13 =	vbroadcast v13, $0x0;
	[tilespmem:s11+$0x50] =	vst v4;
	v2 =	vmul.f32 v2, v7;
	v4 =	vld [tilespmem:s11+$0xC0]  }
0x12a: {  	[tilespmem:s11+$0x60] =	vst v3;
	v3 =	vmul.f32 v1, v8;
	v7 =	vld [tilespmem:s11+$0xD0]  }
0x12b: {  	[tilespmem:s11+$0x70] =	vst v2;
	v2 =	vmul.f32 v1, v9;
	v8 =	vld [tilespmem:s11+$0xE0]  }
0x12c: {  	v6 =	vld.idx.msk [tilespmem:v6+s31+$0x0], $0xffff;
	[tilespmem:s11+$0x80] =	vst v3;
	v3 =	vmul.f32 v1, v10  }
0x12d: {  	v9 =	vld.idx.msk [tilespmem:v12+s31+$0x0], $0xffff;
	[tilespmem:s11+$0x90] =	vst v2;
	v5 =	vmul.f32 v1, v5  }
0x12e: {  	v2 =	vld.idx.msk [tilespmem:v11+s31+$0x0], $0xffff;
	[tilespmem:s11+$0xA0] =	vst v3;
	v3 =	vmul.f32 v1, v4  }
0x12f: {  	s11 =	sadd.s32 $0x200, s11;
	v4 =	vld.idx.msk [tilespmem:v13+s31+$0x0], $0xffff;
	[tilespmem:s6+$0xB0] =	vst v5;
	v5 =	vmul.f32 v1, v7  }
0x130: {  	v7 =	vld [tilespmem:s11+$0xF0];
	[tilespmem:s6+$0xC0] =	vst v3;
	v1 =	vmul.f32 v1, v8  }
0x131: {  	v3 =	vld [tilespmem:s11+$0xFFFFFF00];
	[tilespmem:s6+$0xD0] =	vst v5  }
0x132: {  	v5 =	vld [tilespmem:s11+$0xFFFFFF10];
	[tilespmem:s6+$0xE0] =	vst v1;
	s6 =	smov.u32 s11  }
0x133: {  	v8 =	vld [tilespmem:s11+$0xFFFFFF20]  }
0x134: {  	v10 =	vld [tilespmem:s11+$0xFFFFFF30]  }
0x135: {  	v1 =	vmov v4;
	v11 =	vld [tilespmem:s11+$0xFFFFFF40];
	v7 =	vmul.f32 v4, v7  }
0x136: {  	v3 =	vmul.f32 v6, v3;
	v4 =	vld [tilespmem:s11+$0xFFFFFF50]  }
0x137: {  	v5 =	vmul.f32 v6, v5;
	v12 =	vld [tilespmem:s11+$0xFFFFFF60];
	[tilespmem:s11+$0xF0] =	vst v7  }
0x138: {  	[tilespmem:s11+$0xFFFFFF00] =	vst v3;
	v3 =	vmul.f32 v6, v8;
	v7 =	vld [tilespmem:s11+$0xFFFFFF70]  }
0x139: {  	[tilespmem:s11+$0xFFFFFF10] =	vst v5;
	v5 =	vmul.f32 v6, v10;
	v8 =	vld [tilespmem:s11+$0xFFFFFF80]  }
0x13a: {  	[tilespmem:s11+$0xFFFFFF20] =	vst v3;
	v3 =	vmul.f32 v6, v11;
	v10 =	vld [tilespmem:s11+$0xFFFFFF90]  }
0x13b: {  	[tilespmem:s11+$0xFFFFFF30] =	vst v5;
	v4 =	vmul.f32 v6, v4;
	v5 =	vld [tilespmem:s11+$0xFFFFFFA0]  }
0x13c: {  	[tilespmem:s11+$0xFFFFFF40] =	vst v3;
	v3 =	vmul.f32 v6, v12;
	v11 =	vld [tilespmem:s11+$0xFFFFFFB0]  }
0x13d: {  	[tilespmem:s11+$0xFFFFFF50] =	vst v4;
	v4 =	vmul.f32 v6, v7;
	v6 =	vld [tilespmem:s11+$0xFFFFFFC0]  }
0x13e: {  	[tilespmem:s11+$0xFFFFFF60] =	vst v3;
	v3 =	vmul.f32 v9, v8;
	v7 =	vld [tilespmem:s11+$0xFFFFFFD0]  }
0x13f: {  	[tilespmem:s11+$0xFFFFFF70] =	vst v4;
	v4 =	vmul.f32 v9, v10;
	v8 =	vld [tilespmem:s11+$0xFFFFFFE0]  }
0x140: {  	[tilespmem:s11+$0xFFFFFF80] =	vst v3;
	v3 =	vmul.f32 v9, v5;
	v5 =	vld [tilespmem:s11+$0xFFFFFFF0]  }
0x141: {  	[tilespmem:s11+$0xFFFFFF90] =	vst v4;
	v4 =	vmul.f32 v9, v11;
	v10 =	vld [tilespmem:s11+$0x0]  }
0x142: {  	[tilespmem:s11+$0xFFFFFFA0] =	vst v3;
	v3 =	vmul.f32 v9, v6;
	v6 =	vld [tilespmem:s11+$0x10]  }
0x143: {  	[tilespmem:s11+$0xFFFFFFB0] =	vst v4;
	v4 =	vmul.f32 v9, v7;
	v7 =	vld [tilespmem:s11+$0x20]  }
0x144: {  	[tilespmem:s11+$0xFFFFFFC0] =	vst v3;
	v8 =	vmul.f32 v9, v8;
	v13 =	vld [tilespmem:s11+$0x30]  }
.Ltmp4:
0x145: {  	s7 =	sadd.s32 $0x1, s24;
	v11 =	vmov s24;
	[tilespmem:s11+$0xFFFFFFD0] =	vst v4;
	v5 =	vmul.f32 v9, v5;
	v3 =	vld [tilespmem:s11+$0x40];
	(pc) =	sbr.rel @p1 .LBB2_7-.Ltmp4, $4  }
0x146: {  	v9 =	vand.u32 $0x7C, v11;
	v11 =	vmov s7;
	s7 =	sadd.s32 $0x2, s24;
	[tilespmem:s11+$0xFFFFFFE0] =	vst v8;
	v8 =	vmul.f32 v2, v10;
	v4 =	vld [tilespmem:s11+$0x50]  }
0x147: {  	v10 =	vor.u32 $0x100, v9;
	v9 =	vmov s7;
	[tilespmem:s11+$0xFFFFFFF0] =	vst v5;
	v14 =	vmul.f32 v2, v6;
	v5 =	vld [tilespmem:s11+$0x60]  }
0x148: {  	v12 =	vand.u32 $0x7D, v11;
	v11 =	vand.u32 $0x7E, v9;
	[tilespmem:s11+$0x0] =	vst v8;
	v9 =	vmul.f32 v2, v7;
	v7 =	vld [tilespmem:s11+$0x70]  }
0x149: {  	s7 =	sadd.s32 $0x3, s24;
	s24 =	sadd.s32 $0x4, s24;
	v6 =	vbroadcast v10, $0x0;
	v12 =	vor.u32 $0x100, v12;
	[tilespmem:s11+$0x10] =	vst v14;
	v10 =	vmul.f32 v2, v13;
	v8 =	vld [tilespmem:s11+$0x80]  }
0x14a: {  	v14 =	vld [tilespmem:s11+$0x90]  }
0x14b: {  	v15 =	vld [tilespmem:s11+$0xA0]  }
0x14c: {  	v13 =	vmov s7;
	v11 =	vor.u32 $0x100, v11;
	v12 =	vbroadcast v12, $0x0;
	v16 =	vld [tilespmem:s11+$0xB0]  }
0x14d: {  	v17 =	vld [tilespmem:s11+$0xC0];
	[tilespmem:s11+$0x20] =	vst v9;
	v3 =	vmul.f32 v2, v3;
	v13 =	vand.u32 $0x7F, v13;
	v11 =	vbroadcast v11, $0x0  }
0x14e: {  	v9 =	vld [tilespmem:s11+$0xD0];
	[tilespmem:s11+$0x30] =	vst v10;
	v4 =	vmul.f32 v2, v4;
	v13 =	vor.u32 $0x100, v13  }
0x14f: {  	v10 =	vld [tilespmem:s11+$0xE0];
	[tilespmem:s11+$0x40] =	vst v3;
	v3 =	vmul.f32 v2, v5;
	v13 =	vbroadcast v13, $0x0  }
0x150: {  	s24 =	sadd.s32 $0x200, s11;
	v5 =	vld.idx.msk [tilespmem:v6+s31+$0x0], $0xffff;
	[tilespmem:s11+$0x50] =	vst v4;
	v2 =	vmul.f32 v2, v7  }
0x151: {  	[tilespmem:s11+$0x60] =	vst v3;
	v3 =	vmul.f32 v1, v8;
	v8 =	vld [tilespmem:s24+$0xF0]  }
0x152: {  	[tilespmem:s11+$0x70] =	vst v2;
	v2 =	vmul.f32 v1, v14;
	v4 =	vld.idx.msk [tilespmem:v12+s31+$0x0], $0xffff  }
0x153: {  	[tilespmem:s11+$0x80] =	vst v3;
	v3 =	vmul.f32 v1, v15;
	v6 =	vld.idx.msk [tilespmem:v11+s31+$0x0], $0xffff  }
0x154: {  	[tilespmem:s11+$0x90] =	vst v2;
	v2 =	vmul.f32 v1, v16;
	v11 =	vld [tilespmem:s24+$0xFFFFFF00]  }
0x155: {  	[tilespmem:s11+$0xA0] =	vst v3;
	v3 =	vmul.f32 v1, v17;
	v7 =	vld.idx.msk [tilespmem:v13+s31+$0x0], $0xffff  }
0x156: {  	v12 =	vld [tilespmem:s24+$0xFFFFFF10];
	[tilespmem:s6+$0xB0] =	vst v2;
	v2 =	vmul.f32 v1, v9  }
0x157: {  	v9 =	vld [tilespmem:s24+$0xFFFFFF20];
	v1 =	vmul.f32 v1, v10;
	[tilespmem:s6+$0xC0] =	vst v3  }
0x158: {  	v3 =	vld [tilespmem:s24+$0xFFFFFF30];
	[tilespmem:s6+$0xD0] =	vst v2  }
0x159: {  	v2 =	vld [tilespmem:s24+$0xFFFFFF40];
	[tilespmem:s6+$0xE0] =	vst v1;
	v1 =	vmul.f32 v5, v11  }
0x15a: {  	v10 =	vld [tilespmem:s24+$0xFFFFFF50];
	v8 =	vmul.f32 v7, v8  }
0x15b: {  	v11 =	vmul.f32 v5, v12;
	v12 =	vld [tilespmem:s24+$0xFFFFFF60];
	[tilespmem:s24+$0xFFFFFF00] =	vst v1  }
0x15c: {  	v1 =	vmul.f32 v5, v9;
	[tilespmem:s24+$0xF0] =	vst v8;
	v8 =	vld [tilespmem:s24+$0xFFFFFF70]  }
0x15d: {  	[tilespmem:s24+$0xFFFFFF10] =	vst v11;
	v9 =	vld [tilespmem:s24+$0xFFFFFF80];
	v3 =	vmul.f32 v5, v3  }
0x15e: {  	[tilespmem:s24+$0xFFFFFF20] =	vst v1;
	v1 =	vmul.f32 v5, v2;
	v2 =	vld [tilespmem:s24+$0xFFFFFF90]  }
0x15f: {  	[tilespmem:s24+$0xFFFFFF30] =	vst v3;
	v3 =	vmul.f32 v5, v10;
	v10 =	vld [tilespmem:s24+$0xFFFFFFA0]  }
0x160: {  	v11 =	vld [tilespmem:s24+$0xFFFFFFB0];
	[tilespmem:s24+$0xFFFFFF40] =	vst v1;
	v1 =	vmul.f32 v5, v12  }
0x161: {  	[tilespmem:s24+$0xFFFFFF50] =	vst v3;
	v3 =	vmul.f32 v5, v8;
	v5 =	vld [tilespmem:s24+$0xFFFFFFC0]  }
0x162: {  	[tilespmem:s24+$0xFFFFFF60] =	vst v1;
	v1 =	vmul.f32 v4, v9;
	v8 =	vld [tilespmem:s24+$0xFFFFFFD0]  }
0x163: {  	v2 =	vmul.f32 v4, v2;
	[tilespmem:s24+$0xFFFFFF70] =	vst v3;
	v3 =	vld [tilespmem:s24+$0xFFFFFFE0]  }
0x164: {  	v9 =	vld [tilespmem:s24+$0xFFFFFFF0];
	[tilespmem:s24+$0xFFFFFF80] =	vst v1;
	v1 =	vmul.f32 v4, v10  }
0x165: {  	v10 =	vld [tilespmem:s24+$0x0];
	[tilespmem:s24+$0xFFFFFF90] =	vst v2;
	v2 =	vmul.f32 v4, v11  }
0x166: {  	[tilespmem:s24+$0xFFFFFFA0] =	vst v1;
	v1 =	vmul.f32 v4, v5;
	v5 =	vld [tilespmem:s24+$0x10]  }
0x167: {  	[tilespmem:s24+$0xFFFFFFB0] =	vst v2;
	v2 =	vmul.f32 v4, v8;
	v8 =	vld [tilespmem:s24+$0x20]  }
0x168: {  	[tilespmem:s24+$0xFFFFFFC0] =	vst v1;
	v1 =	vmul.f32 v4, v3;
	v3 =	vld [tilespmem:s24+$0x30]  }
0x169: {  	[tilespmem:s24+$0xFFFFFFD0] =	vst v2;
	v2 =	vmul.f32 v4, v9;
	v4 =	vld [tilespmem:s24+$0x40]  }
0x16a: {  	v9 =	vld [tilespmem:s24+$0x50];
	[tilespmem:s24+$0xFFFFFFE0] =	vst v1;
	v1 =	vmul.f32 v6, v10  }
0x16b: {  	[tilespmem:s24+$0xFFFFFFF0] =	vst v2;
	v2 =	vmul.f32 v6, v5;
	v5 =	vld [tilespmem:s24+$0x60]  }
0x16c: {  	[tilespmem:s24+$0x0] =	vst v1;
	v1 =	vmul.f32 v6, v8;
	v8 =	vld [tilespmem:s24+$0x70]  }
0x16d: {  	[tilespmem:s24+$0x10] =	vst v2;
	v2 =	vmul.f32 v6, v3;
	v3 =	vld [tilespmem:s24+$0x80]  }
0x16e: {  	[tilespmem:s24+$0x20] =	vst v1;
	v1 =	vmul.f32 v6, v4;
	v4 =	vld [tilespmem:s24+$0x90]  }
0x16f: {  	[tilespmem:s24+$0x30] =	vst v2;
	v2 =	vmul.f32 v6, v9;
	v9 =	vld [tilespmem:s24+$0xA0]  }
0x170: {  	[tilespmem:s24+$0x40] =	vst v1;
	v1 =	vmul.f32 v6, v5;
	v5 =	vld [tilespmem:s24+$0xB0]  }
0x171: {  	[tilespmem:s24+$0x50] =	vst v2;
	v2 =	vmul.f32 v6, v8;
	v6 =	vld [tilespmem:s24+$0xC0]  }
0x172: {  	[tilespmem:s24+$0x60] =	vst v1;
	v1 =	vmul.f32 v7, v3;
	v3 =	vld [tilespmem:s24+$0xD0]  }
0x173: {  	[tilespmem:s24+$0x70] =	vst v2;
	v2 =	vmul.f32 v7, v4;
	v4 =	vld [tilespmem:s24+$0xE0]  }
0x174: {  	[tilespmem:s24+$0x80] =	vst v1;
	v1 =	vmul.f32 v7, v9  }
0x175: {  	[tilespmem:s24+$0x90] =	vst v2;
	v2 =	vmul.f32 v7, v5  }
0x176: {  	[tilespmem:s24+$0xA0] =	vst v1;
	v1 =	vmul.f32 v7, v6  }
0x177: {  	[tilespmem:s24+$0xB0] =	vst v2;
	v2 =	vmul.f32 v7, v3  }
0x178: {  	[tilespmem:s24+$0xC0] =	vst v1;
	v1 =	vmul.f32 v7, v4  }
0x179: {  	s11 =	sadd.s32 s9, s14;
	[tilespmem:s24+$0xD0] =	vst v2  }
0x17a: {  	s6 =	sshll.u32 s11, $0x6;
	[tilespmem:s24+$0xE0] =	vst v1  }
0x17b: {  	[spmem:s2] =	stream.indirect.scatter.add.f32 [tilespmem:s17], [sflag:$0x7], $0x80, s31, s30, $0xb8;
	[tilespmem:$0x1C600] =	vst v63  }
0x17c: {  	s6 =	sadd.s32 s5, s6;
	s24 =	simm.s32 $0x0  }
0x17d: {  	[tilespmem:s24], [sflag:$0x3] =	stream.linear.gather [hbm4b:s6+s24], $0x200, $0x38;
	[tilespmem:$0x1C600] =	vst v63  }
0x17e: {  	_ =	swait.ge [sflag:s0], $0x4000  }
0x17f: {  	s11 =	simm.s32 $0x3;
	v1 =	vmov s24;
	[sflag:s0] =	ssyncset.done $0x0  }
0x180: {  	v2 =	vmov s11;
	v1 =	vand.u32 $0x7C, v1;
	[sflag:s0] =	ssyncadd.s32 $0xFFFFC000  }
0x181: {  	v2 =	vand.u32 $0x7F, v2;
	v1 =	vor.u32 $0x100, v1;
	_ =	swait.ge [sflag:s29], $0x200  }
0x182: {  	v2 =	vor.u32 $0x100, v2;
	v1 =	vbroadcast v1, $0x0;
	[sflag:s29] =	ssyncset.done $0x0  }
0x183: {  	v2 =	vbroadcast v2, $0x0;
	[sflag:s29] =	ssyncadd.s32 $0xFFFFFE00  }
0x184: {  	_ =	swait.ge [sflag:s10], $0x4000  }
0x185: {  	[sflag:s10] =	ssyncset.done $0x0  }
0x186: {  	[sflag:s10] =	ssyncadd.s32 $0xFFFFC000  }
0x187: {  	[tilespmem:s17], [sflag:$0x2] =	stream.indirect.gather [hbm4b:s1+s30], $0x80, s30, s30, $0xb8;
	[tilespmem:$0x1C600] =	vst v63  }
0x188: {  	s24 =	simm.s32 $0x1;
	v3 =	vld.idx.msk [tilespmem:v1+s18+$0x0], $0xffff  }
0x189: {  	s11 =	simm.s32 $0x700;
	v4 =	vmov s24;
	v1 =	vld.idx.msk [tilespmem:v2+s18+$0x0], $0xffff  }
0x18a: {  	v2 =	vand.u32 $0x7D, v4;
	v4 =	vld [tilespmem:s11+$0xF0]  }
0x18b: {  	v5 =	vld [tilespmem:s11+$0xFFFFFF00]  }
0x18c: {  	v6 =	vld [tilespmem:s11+$0xFFFFFF10]  }
0x18d: {  	v7 =	vld [tilespmem:s11+$0xFFFFFF20];
	v2 =	vor.u32 $0x100, v2  }
0x18e: {  	v8 =	vld [tilespmem:s11+$0xFFFFFF30];
	v2 =	vbroadcast v2, $0x0  }
0x18f: {  	v9 =	vld [tilespmem:s11+$0xFFFFFF40]  }
0x190: {  	v10 =	vld [tilespmem:s11+$0xFFFFFF50];
	v5 =	vmul.f32 v3, v5  }
0x191: {  	v11 =	vld [tilespmem:s11+$0xFFFFFF60];
	v4 =	vmul.f32 v1, v4  }
0x192: {  	[tilespmem:s11+$0xFFFFFF00] =	vst v5;
	v5 =	vld [tilespmem:s11+$0xFFFFFF70]  }
0x193: {  	s7 =	simm.s32 $0x2;
	v6 =	vmul.f32 v3, v6;
	[tilespmem:s11+$0xF0] =	vst v4;
	v4 =	vmul.f32 v3, v7;
	v7 =	vld [tilespmem:s11+$0xFFFFFF90]  }
0x194: {  	v12 =	vmov s7;
	v13 =	vld.idx.msk [tilespmem:v2+s18+$0x0], $0xffff  }
0x195: {  	[tilespmem:s11+$0xFFFFFF10] =	vst v6;
	v6 =	vmul.f32 v3, v8;
	v2 =	vand.u32 $0x7E, v12;
	v12 =	vld [tilespmem:s11+$0xFFFFFF80]  }
0x196: {  	v11 =	vmul.f32 v3, v11;
	v8 =	vld [tilespmem:s11+$0xFFFFFFA0];
	v2 =	vor.u32 $0x100, v2;
	[tilespmem:s11+$0xFFFFFF20] =	vst v4;
	v4 =	vmul.f32 v3, v9  }
0x197: {  	v9 =	vld [tilespmem:s11+$0xFFFFFFB0];
	[tilespmem:s11+$0xFFFFFF30] =	vst v6;
	v6 =	vmul.f32 v3, v10;
	v2 =	vbroadcast v2, $0x0  }
0x198: {  	[tilespmem:s11+$0xFFFFFF60] =	vst v11;
	v10 =	vld [tilespmem:s11+$0xFFFFFFC0]  }
0x199: {  	[tilespmem:s11+$0xFFFFFF50] =	vst v6;
	v6 =	vld [tilespmem:s11+$0xFFFFFFE0];
	v3 =	vmul.f32 v3, v5  }
0x19a: {  	[tilespmem:s11+$0xFFFFFF40] =	vst v4;
	v5 =	vld [tilespmem:s11+$0xFFFFFFF0];
	v4 =	vmul.f32 v13, v12  }
0x19b: {  	v12 =	vld [tilespmem:s11+$0xFFFFFFD0];
	[tilespmem:s11+$0xFFFFFF70] =	vst v3;
	v3 =	vmul.f32 v13, v8  }
0x19c: {  	[tilespmem:s11+$0xFFFFFF80] =	vst v4;
	v4 =	vmul.f32 v13, v7;
	v7 =	vld [tilespmem:s11+$0x0]  }
0x19d: {  	v2 =	vld.idx.msk [tilespmem:v2+s18+$0x0], $0xffff;
	[tilespmem:s11+$0xFFFFFFA0] =	vst v3;
	v3 =	vmul.f32 v13, v10  }
0x19e: {  	v8 =	vld [tilespmem:s11+$0x10];
	[tilespmem:s11+$0xFFFFFF90] =	vst v4;
	v4 =	vmul.f32 v13, v9  }
0x19f: {  	s24 =	simm.s32 $0x4;
	v6 =	vmul.f32 v13, v6;
	v9 =	vld [tilespmem:s11+$0x20];
	[tilespmem:s11+$0xFFFFFFC0] =	vst v3  }
0x1a0: {  	v11 =	vmov s24;
	v10 =	vld [tilespmem:s11+$0x30];
	[tilespmem:s11+$0xFFFFFFB0] =	vst v4;
	v4 =	vmul.f32 v13, v12  }
0x1a1: {  	v11 =	vand.u32 $0x7C, v11;
	v3 =	vld [tilespmem:s11+$0x40];
	[tilespmem:s11+$0xFFFFFFE0] =	vst v6;
	v12 =	vmul.f32 v13, v5  }
0x1a2: {  	s7 =	simm.s32 $0x5;
	s24 =	simm.s32 $0x6;
	v6 =	vor.u32 $0x100, v11;
	[tilespmem:s11+$0xFFFFFFD0] =	vst v4;
	v7 =	vmul.f32 v2, v7;
	v4 =	vld [tilespmem:s11+$0x50]  }
0x1a3: {  	v11 =	vmov s24;
	v13 =	vmov s7;
	v5 =	vld [tilespmem:s11+$0x60];
	v8 =	vmul.f32 v2, v8;
	[tilespmem:s11+$0xFFFFFFF0] =	vst v12  }
0x1a4: {  	v11 =	vand.u32 $0x7E, v11;
	v12 =	vand.u32 $0x7D, v13;
	v9 =	vmul.f32 v2, v9;
	[tilespmem:s11+$0x0] =	vst v7;
	v7 =	vld [tilespmem:s11+$0x70]  }
0x1a5: {  	s6 =	simm.s32 $0x700;
	s24 =	simm.s32 $0x8;
	v6 =	vbroadcast v6, $0x0;
	s7 =	simm.s32 $0x7;
	v10 =	vmul.f32 v2, v10;
	v12 =	vor.u32 $0x100, v12;
	[tilespmem:s11+$0x10] =	vst v8;
	v8 =	vld [tilespmem:s11+$0x80]  }
.LBB2_9:
0x1a6: {  	p1 =	slt.u32 s24, $0x7C;
	v11 =	vor.u32 $0x100, v11;
	v13 =	vmov s7;
	[tilespmem:s11+$0x20] =	vst v9;
	v3 =	vmul.f32 v2, v3;
	v9 =	vld [tilespmem:s11+$0x90]  }
0x1a7: {  	v12 =	vbroadcast v12, $0x0;
	v13 =	vand.u32 $0x7F, v13;
	[tilespmem:s11+$0x30] =	vst v10;
	v4 =	vmul.f32 v2, v4;
	v10 =	vld [tilespmem:s11+$0xA0]  }
0x1a8: {  	v11 =	vbroadcast v11, $0x0;
	v13 =	vor.u32 $0x100, v13;
	[tilespmem:s11+$0x40] =	vst v3;
	v3 =	vmul.f32 v2, v5;
	v5 =	vld [tilespmem:s11+$0xB0]  }
0x1a9: {  	v13 =	vbroadcast v13, $0x0;
	[tilespmem:s11+$0x50] =	vst v4;
	v2 =	vmul.f32 v2, v7;
	v4 =	vld [tilespmem:s11+$0xC0]  }
0x1aa: {  	[tilespmem:s11+$0x60] =	vst v3;
	v3 =	vmul.f32 v1, v8;
	v7 =	vld [tilespmem:s11+$0xD0]  }
0x1ab: {  	[tilespmem:s11+$0x70] =	vst v2;
	v2 =	vmul.f32 v1, v9;
	v8 =	vld [tilespmem:s11+$0xE0]  }
0x1ac: {  	v6 =	vld.idx.msk [tilespmem:v6+s18+$0x0], $0xffff;
	[tilespmem:s11+$0x80] =	vst v3;
	v3 =	vmul.f32 v1, v10  }
0x1ad: {  	v9 =	vld.idx.msk [tilespmem:v12+s18+$0x0], $0xffff;
	[tilespmem:s11+$0x90] =	vst v2;
	v5 =	vmul.f32 v1, v5  }
0x1ae: {  	v2 =	vld.idx.msk [tilespmem:v11+s18+$0x0], $0xffff;
	[tilespmem:s11+$0xA0] =	vst v3;
	v3 =	vmul.f32 v1, v4  }
0x1af: {  	s11 =	sadd.s32 $0x200, s11;
	v4 =	vld.idx.msk [tilespmem:v13+s18+$0x0], $0xffff;
	[tilespmem:s6+$0xB0] =	vst v5;
	v5 =	vmul.f32 v1, v7  }
0x1b0: {  	v7 =	vld [tilespmem:s11+$0xF0];
	[tilespmem:s6+$0xC0] =	vst v3;
	v1 =	vmul.f32 v1, v8  }
0x1b1: {  	v3 =	vld [tilespmem:s11+$0xFFFFFF00];
	[tilespmem:s6+$0xD0] =	vst v5  }
0x1b2: {  	v5 =	vld [tilespmem:s11+$0xFFFFFF10];
	[tilespmem:s6+$0xE0] =	vst v1;
	s6 =	smov.u32 s11  }
0x1b3: {  	v8 =	vld [tilespmem:s11+$0xFFFFFF20]  }
0x1b4: {  	v10 =	vld [tilespmem:s11+$0xFFFFFF30]  }
0x1b5: {  	v1 =	vmov v4;
	v11 =	vld [tilespmem:s11+$0xFFFFFF40];
	v7 =	vmul.f32 v4, v7  }
0x1b6: {  	v3 =	vmul.f32 v6, v3;
	v4 =	vld [tilespmem:s11+$0xFFFFFF50]  }
0x1b7: {  	v5 =	vmul.f32 v6, v5;
	v12 =	vld [tilespmem:s11+$0xFFFFFF60];
	[tilespmem:s11+$0xF0] =	vst v7  }
0x1b8: {  	[tilespmem:s11+$0xFFFFFF00] =	vst v3;
	v3 =	vmul.f32 v6, v8;
	v7 =	vld [tilespmem:s11+$0xFFFFFF70]  }
0x1b9: {  	[tilespmem:s11+$0xFFFFFF10] =	vst v5;
	v5 =	vmul.f32 v6, v10;
	v8 =	vld [tilespmem:s11+$0xFFFFFF80]  }
0x1ba: {  	[tilespmem:s11+$0xFFFFFF20] =	vst v3;
	v3 =	vmul.f32 v6, v11;
	v10 =	vld [tilespmem:s11+$0xFFFFFF90]  }
0x1bb: {  	[tilespmem:s11+$0xFFFFFF30] =	vst v5;
	v4 =	vmul.f32 v6, v4;
	v5 =	vld [tilespmem:s11+$0xFFFFFFA0]  }
0x1bc: {  	[tilespmem:s11+$0xFFFFFF40] =	vst v3;
	v3 =	vmul.f32 v6, v12;
	v11 =	vld [tilespmem:s11+$0xFFFFFFB0]  }
0x1bd: {  	[tilespmem:s11+$0xFFFFFF50] =	vst v4;
	v4 =	vmul.f32 v6, v7;
	v6 =	vld [tilespmem:s11+$0xFFFFFFC0]  }
0x1be: {  	[tilespmem:s11+$0xFFFFFF60] =	vst v3;
	v3 =	vmul.f32 v9, v8;
	v7 =	vld [tilespmem:s11+$0xFFFFFFD0]  }
0x1bf: {  	[tilespmem:s11+$0xFFFFFF70] =	vst v4;
	v4 =	vmul.f32 v9, v10;
	v8 =	vld [tilespmem:s11+$0xFFFFFFE0]  }
0x1c0: {  	[tilespmem:s11+$0xFFFFFF80] =	vst v3;
	v3 =	vmul.f32 v9, v5;
	v5 =	vld [tilespmem:s11+$0xFFFFFFF0]  }
0x1c1: {  	[tilespmem:s11+$0xFFFFFF90] =	vst v4;
	v4 =	vmul.f32 v9, v11;
	v10 =	vld [tilespmem:s11+$0x0]  }
0x1c2: {  	[tilespmem:s11+$0xFFFFFFA0] =	vst v3;
	v3 =	vmul.f32 v9, v6;
	v6 =	vld [tilespmem:s11+$0x10]  }
0x1c3: {  	[tilespmem:s11+$0xFFFFFFB0] =	vst v4;
	v4 =	vmul.f32 v9, v7;
	v7 =	vld [tilespmem:s11+$0x20]  }
0x1c4: {  	[tilespmem:s11+$0xFFFFFFC0] =	vst v3;
	v8 =	vmul.f32 v9, v8;
	v13 =	vld [tilespmem:s11+$0x30]  }
.Ltmp5:
0x1c5: {  	s7 =	sadd.s32 $0x1, s24;
	v11 =	vmov s24;
	[tilespmem:s11+$0xFFFFFFD0] =	vst v4;
	v5 =	vmul.f32 v9, v5;
	v3 =	vld [tilespmem:s11+$0x40];
	(pc) =	sbr.rel @p1 .LBB2_9-.Ltmp5, $4  }
0x1c6: {  	v9 =	vand.u32 $0x7C, v11;
	v11 =	vmov s7;
	s7 =	sadd.s32 $0x2, s24;
	[tilespmem:s11+$0xFFFFFFE0] =	vst v8;
	v8 =	vmul.f32 v2, v10;
	v4 =	vld [tilespmem:s11+$0x50]  }
0x1c7: {  	v10 =	vor.u32 $0x100, v9;
	v9 =	vmov s7;
	[tilespmem:s11+$0xFFFFFFF0] =	vst v5;
	v14 =	vmul.f32 v2, v6;
	v5 =	vld [tilespmem:s11+$0x60]  }
0x1c8: {  	v12 =	vand.u32 $0x7D, v11;
	v11 =	vand.u32 $0x7E, v9;
	[tilespmem:s11+$0x0] =	vst v8;
	v9 =	vmul.f32 v2, v7;
	v7 =	vld [tilespmem:s11+$0x70]  }
0x1c9: {  	s7 =	sadd.s32 $0x3, s24;
	s24 =	sadd.s32 $0x4, s24;
	v6 =	vbroadcast v10, $0x0;
	v12 =	vor.u32 $0x100, v12;
	[tilespmem:s11+$0x10] =	vst v14;
	v10 =	vmul.f32 v2, v13;
	v8 =	vld [tilespmem:s11+$0x80]  }
0x1ca: {  	v14 =	vld [tilespmem:s11+$0x90]  }
0x1cb: {  	v15 =	vld [tilespmem:s11+$0xA0]  }
0x1cc: {  	v13 =	vmov s7;
	v11 =	vor.u32 $0x100, v11;
	v12 =	vbroadcast v12, $0x0;
	v16 =	vld [tilespmem:s11+$0xB0]  }
0x1cd: {  	v17 =	vld [tilespmem:s11+$0xC0];
	[tilespmem:s11+$0x20] =	vst v9;
	v3 =	vmul.f32 v2, v3;
	v13 =	vand.u32 $0x7F, v13;
	v11 =	vbroadcast v11, $0x0  }
0x1ce: {  	v9 =	vld [tilespmem:s11+$0xD0];
	[tilespmem:s11+$0x30] =	vst v10;
	v4 =	vmul.f32 v2, v4;
	v13 =	vor.u32 $0x100, v13  }
0x1cf: {  	v10 =	vld [tilespmem:s11+$0xE0];
	[tilespmem:s11+$0x40] =	vst v3;
	v3 =	vmul.f32 v2, v5;
	v13 =	vbroadcast v13, $0x0  }
0x1d0: {  	s24 =	sadd.s32 $0x200, s11;
	v5 =	vld.idx.msk [tilespmem:v6+s18+$0x0], $0xffff;
	[tilespmem:s11+$0x50] =	vst v4;
	v2 =	vmul.f32 v2, v7  }
0x1d1: {  	[tilespmem:s11+$0x60] =	vst v3;
	v3 =	vmul.f32 v1, v8;
	v8 =	vld [tilespmem:s24+$0xF0]  }
0x1d2: {  	[tilespmem:s11+$0x70] =	vst v2;
	v2 =	vmul.f32 v1, v14;
	v4 =	vld.idx.msk [tilespmem:v12+s18+$0x0], $0xffff  }
0x1d3: {  	[tilespmem:s11+$0x80] =	vst v3;
	v3 =	vmul.f32 v1, v15;
	v6 =	vld.idx.msk [tilespmem:v11+s18+$0x0], $0xffff  }
0x1d4: {  	[tilespmem:s11+$0x90] =	vst v2;
	v2 =	vmul.f32 v1, v16;
	v11 =	vld [tilespmem:s24+$0xFFFFFF00]  }
0x1d5: {  	[tilespmem:s11+$0xA0] =	vst v3;
	v3 =	vmul.f32 v1, v17;
	v7 =	vld.idx.msk [tilespmem:v13+s18+$0x0], $0xffff  }
0x1d6: {  	v12 =	vld [tilespmem:s24+$0xFFFFFF10];
	[tilespmem:s6+$0xB0] =	vst v2;
	v2 =	vmul.f32 v1, v9  }
0x1d7: {  	v9 =	vld [tilespmem:s24+$0xFFFFFF20];
	v1 =	vmul.f32 v1, v10;
	[tilespmem:s6+$0xC0] =	vst v3  }
0x1d8: {  	v3 =	vld [tilespmem:s24+$0xFFFFFF30];
	[tilespmem:s6+$0xD0] =	vst v2  }
0x1d9: {  	v2 =	vld [tilespmem:s24+$0xFFFFFF40];
	[tilespmem:s6+$0xE0] =	vst v1;
	v1 =	vmul.f32 v5, v11  }
0x1da: {  	v10 =	vld [tilespmem:s24+$0xFFFFFF50];
	v8 =	vmul.f32 v7, v8  }
0x1db: {  	v11 =	vmul.f32 v5, v12;
	v12 =	vld [tilespmem:s24+$0xFFFFFF60];
	[tilespmem:s24+$0xFFFFFF00] =	vst v1  }
0x1dc: {  	v1 =	vmul.f32 v5, v9;
	[tilespmem:s24+$0xF0] =	vst v8;
	v8 =	vld [tilespmem:s24+$0xFFFFFF70]  }
0x1dd: {  	[tilespmem:s24+$0xFFFFFF10] =	vst v11;
	v9 =	vld [tilespmem:s24+$0xFFFFFF80];
	v3 =	vmul.f32 v5, v3  }
0x1de: {  	[tilespmem:s24+$0xFFFFFF20] =	vst v1;
	v1 =	vmul.f32 v5, v2;
	v2 =	vld [tilespmem:s24+$0xFFFFFF90]  }
0x1df: {  	[tilespmem:s24+$0xFFFFFF30] =	vst v3;
	v3 =	vmul.f32 v5, v10;
	v10 =	vld [tilespmem:s24+$0xFFFFFFA0]  }
0x1e0: {  	v11 =	vld [tilespmem:s24+$0xFFFFFFB0];
	[tilespmem:s24+$0xFFFFFF40] =	vst v1;
	v1 =	vmul.f32 v5, v12  }
0x1e1: {  	[tilespmem:s24+$0xFFFFFF50] =	vst v3;
	v3 =	vmul.f32 v5, v8;
	v5 =	vld [tilespmem:s24+$0xFFFFFFC0]  }
0x1e2: {  	[tilespmem:s24+$0xFFFFFF60] =	vst v1;
	v1 =	vmul.f32 v4, v9;
	v8 =	vld [tilespmem:s24+$0xFFFFFFD0]  }
0x1e3: {  	v2 =	vmul.f32 v4, v2;
	[tilespmem:s24+$0xFFFFFF70] =	vst v3;
	v3 =	vld [tilespmem:s24+$0xFFFFFFE0]  }
0x1e4: {  	v9 =	vld [tilespmem:s24+$0xFFFFFFF0];
	[tilespmem:s24+$0xFFFFFF80] =	vst v1;
	v1 =	vmul.f32 v4, v10  }
0x1e5: {  	v10 =	vld [tilespmem:s24+$0x0];
	[tilespmem:s24+$0xFFFFFF90] =	vst v2;
	v2 =	vmul.f32 v4, v11  }
0x1e6: {  	[tilespmem:s24+$0xFFFFFFA0] =	vst v1;
	v1 =	vmul.f32 v4, v5;
	v5 =	vld [tilespmem:s24+$0x10]  }
0x1e7: {  	[tilespmem:s24+$0xFFFFFFB0] =	vst v2;
	v2 =	vmul.f32 v4, v8;
	v8 =	vld [tilespmem:s24+$0x20]  }
0x1e8: {  	[tilespmem:s24+$0xFFFFFFC0] =	vst v1;
	v1 =	vmul.f32 v4, v3;
	v3 =	vld [tilespmem:s24+$0x30]  }
0x1e9: {  	[tilespmem:s24+$0xFFFFFFD0] =	vst v2;
	v2 =	vmul.f32 v4, v9;
	v4 =	vld [tilespmem:s24+$0x40]  }
0x1ea: {  	v9 =	vld [tilespmem:s24+$0x50];
	[tilespmem:s24+$0xFFFFFFE0] =	vst v1;
	v1 =	vmul.f32 v6, v10  }
0x1eb: {  	[tilespmem:s24+$0xFFFFFFF0] =	vst v2;
	v2 =	vmul.f32 v6, v5;
	v5 =	vld [tilespmem:s24+$0x60]  }
0x1ec: {  	[tilespmem:s24+$0x0] =	vst v1;
	v1 =	vmul.f32 v6, v8;
	v8 =	vld [tilespmem:s24+$0x70]  }
0x1ed: {  	[tilespmem:s24+$0x10] =	vst v2;
	v2 =	vmul.f32 v6, v3;
	v3 =	vld [tilespmem:s24+$0x80]  }
0x1ee: {  	[tilespmem:s24+$0x20] =	vst v1;
	v1 =	vmul.f32 v6, v4;
	v4 =	vld [tilespmem:s24+$0x90]  }
0x1ef: {  	[tilespmem:s24+$0x30] =	vst v2;
	v2 =	vmul.f32 v6, v9;
	v9 =	vld [tilespmem:s24+$0xA0]  }
0x1f0: {  	[tilespmem:s24+$0x40] =	vst v1;
	v1 =	vmul.f32 v6, v5;
	v5 =	vld [tilespmem:s24+$0xB0]  }
0x1f1: {  	[tilespmem:s24+$0x50] =	vst v2;
	v2 =	vmul.f32 v6, v8;
	v6 =	vld [tilespmem:s24+$0xC0]  }
0x1f2: {  	[tilespmem:s24+$0x60] =	vst v1;
	v1 =	vmul.f32 v7, v3;
	v3 =	vld [tilespmem:s24+$0xD0]  }
0x1f3: {  	[tilespmem:s24+$0x70] =	vst v2;
	v2 =	vmul.f32 v7, v4;
	v4 =	vld [tilespmem:s24+$0xE0]  }
0x1f4: {  	[tilespmem:s24+$0x80] =	vst v1;
	v1 =	vmul.f32 v7, v9  }
0x1f5: {  	[tilespmem:s24+$0x90] =	vst v2;
	v2 =	vmul.f32 v7, v5  }
0x1f6: {  	[tilespmem:s24+$0xA0] =	vst v1;
	v1 =	vmul.f32 v7, v6  }
0x1f7: {  	[tilespmem:s24+$0xB0] =	vst v2;
	v2 =	vmul.f32 v7, v3  }
0x1f8: {  	[tilespmem:s24+$0xC0] =	vst v1;
	v1 =	vmul.f32 v7, v4  }
0x1f9: {  	s11 =	sadd.s32 s9, s15;
	[tilespmem:s24+$0xD0] =	vst v2  }
0x1fa: {  	s6 =	sshll.u32 s11, $0x6;
	[tilespmem:s24+$0xE0] =	vst v1  }
0x1fb: {  	[spmem:s2] =	stream.indirect.scatter.add.f32 [tilespmem:s26], [sflag:$0x6], $0x80, s18, s30, $0xb8;
	[tilespmem:$0x1C600] =	vst v63  }
0x1fc: {  	s6 =	sadd.s32 s5, s6;
	s24 =	simm.s32 $0x0  }
0x1fd: {  	[tilespmem:s31], [sflag:$0x4] =	stream.linear.gather [hbm4b:s6+s24], $0x200, $0x38;
	[tilespmem:$0x1C600] =	vst v63  }
0x1fe: {  	_ =	swait.ge [sflag:s19], $0x4000  }
0x1ff: {  	s11 =	simm.s32 $0x3;
	v1 =	vmov s24;
	[sflag:s19] =	ssyncset.done $0x0  }
0x200: {  	v2 =	vmov s11;
	v1 =	vand.u32 $0x7C, v1;
	[sflag:s19] =	ssyncadd.s32 $0xFFFFC000  }
0x201: {  	v2 =	vand.u32 $0x7F, v2;
	v1 =	vor.u32 $0x100, v1;
	_ =	swait.ge [sflag:s3], $0x200  }
0x202: {  	v2 =	vor.u32 $0x100, v2;
	v1 =	vbroadcast v1, $0x0;
	[sflag:s3] =	ssyncset.done $0x0  }
0x203: {  	v2 =	vbroadcast v2, $0x0;
	[sflag:s3] =	ssyncadd.s32 $0xFFFFFE00  }
0x204: {  	_ =	swait.ge [sflag:s21], $0x4000  }
0x205: {  	[sflag:s21] =	ssyncset.done $0x0  }
0x206: {  	[sflag:s21] =	ssyncadd.s32 $0xFFFFC000  }
0x207: {  	[tilespmem:s26], [sflag:$0x1] =	stream.indirect.gather [hbm4b:s1+s30], $0x80, s12, s30, $0xb8;
	[tilespmem:$0x1C600] =	vst v63  }
0x208: {  	s24 =	simm.s32 $0x1;
	v3 =	vld.idx.msk [tilespmem:v1+s4+$0x0], $0xffff  }
0x209: {  	s11 =	simm.s32 $0x4700;
	v4 =	vmov s24;
	v1 =	vld.idx.msk [tilespmem:v2+s4+$0x0], $0xffff  }
0x20a: {  	v2 =	vand.u32 $0x7D, v4;
	v4 =	vld [tilespmem:s11+$0xF0]  }
0x20b: {  	v5 =	vld [tilespmem:s11+$0xFFFFFF00]  }
0x20c: {  	v6 =	vld [tilespmem:s11+$0xFFFFFF10]  }
0x20d: {  	v7 =	vld [tilespmem:s11+$0xFFFFFF20];
	v2 =	vor.u32 $0x100, v2  }
0x20e: {  	v8 =	vld [tilespmem:s11+$0xFFFFFF30];
	v2 =	vbroadcast v2, $0x0  }
0x20f: {  	v9 =	vld [tilespmem:s11+$0xFFFFFF40]  }
0x210: {  	v10 =	vld [tilespmem:s11+$0xFFFFFF50];
	v5 =	vmul.f32 v3, v5  }
0x211: {  	v11 =	vld [tilespmem:s11+$0xFFFFFF60];
	v4 =	vmul.f32 v1, v4  }
0x212: {  	[tilespmem:s11+$0xFFFFFF00] =	vst v5;
	v5 =	vld [tilespmem:s11+$0xFFFFFF70]  }
0x213: {  	s7 =	simm.s32 $0x2;
	v6 =	vmul.f32 v3, v6;
	[tilespmem:s11+$0xF0] =	vst v4;
	v4 =	vmul.f32 v3, v7;
	v7 =	vld [tilespmem:s11+$0xFFFFFF90]  }
0x214: {  	v12 =	vmov s7;
	v13 =	vld.idx.msk [tilespmem:v2+s4+$0x0], $0xffff  }
0x215: {  	[tilespmem:s11+$0xFFFFFF10] =	vst v6;
	v6 =	vmul.f32 v3, v8;
	v2 =	vand.u32 $0x7E, v12;
	v12 =	vld [tilespmem:s11+$0xFFFFFF80]  }
0x216: {  	v11 =	vmul.f32 v3, v11;
	v8 =	vld [tilespmem:s11+$0xFFFFFFA0];
	v2 =	vor.u32 $0x100, v2;
	[tilespmem:s11+$0xFFFFFF20] =	vst v4;
	v4 =	vmul.f32 v3, v9  }
0x217: {  	v9 =	vld [tilespmem:s11+$0xFFFFFFB0];
	[tilespmem:s11+$0xFFFFFF30] =	vst v6;
	v6 =	vmul.f32 v3, v10;
	v2 =	vbroadcast v2, $0x0  }
0x218: {  	[tilespmem:s11+$0xFFFFFF60] =	vst v11;
	v10 =	vld [tilespmem:s11+$0xFFFFFFC0]  }
0x219: {  	[tilespmem:s11+$0xFFFFFF50] =	vst v6;
	v6 =	vld [tilespmem:s11+$0xFFFFFFE0];
	v3 =	vmul.f32 v3, v5  }
0x21a: {  	[tilespmem:s11+$0xFFFFFF40] =	vst v4;
	v5 =	vld [tilespmem:s11+$0xFFFFFFF0];
	v4 =	vmul.f32 v13, v12  }
0x21b: {  	v12 =	vld [tilespmem:s11+$0xFFFFFFD0];
	[tilespmem:s11+$0xFFFFFF70] =	vst v3;
	v3 =	vmul.f32 v13, v8  }
0x21c: {  	[tilespmem:s11+$0xFFFFFF80] =	vst v4;
	v4 =	vmul.f32 v13, v7;
	v7 =	vld [tilespmem:s11+$0x0]  }
0x21d: {  	v2 =	vld.idx.msk [tilespmem:v2+s4+$0x0], $0xffff;
	[tilespmem:s11+$0xFFFFFFA0] =	vst v3;
	v3 =	vmul.f32 v13, v10  }
0x21e: {  	v8 =	vld [tilespmem:s11+$0x10];
	[tilespmem:s11+$0xFFFFFF90] =	vst v4;
	v4 =	vmul.f32 v13, v9  }
0x21f: {  	s24 =	simm.s32 $0x4;
	v6 =	vmul.f32 v13, v6;
	v9 =	vld [tilespmem:s11+$0x20];
	[tilespmem:s11+$0xFFFFFFC0] =	vst v3  }
0x220: {  	v11 =	vmov s24;
	v10 =	vld [tilespmem:s11+$0x30];
	[tilespmem:s11+$0xFFFFFFB0] =	vst v4;
	v4 =	vmul.f32 v13, v12  }
0x221: {  	v11 =	vand.u32 $0x7C, v11;
	v3 =	vld [tilespmem:s11+$0x40];
	[tilespmem:s11+$0xFFFFFFE0] =	vst v6;
	v12 =	vmul.f32 v13, v5  }
0x222: {  	s7 =	simm.s32 $0x5;
	s24 =	simm.s32 $0x6;
	v6 =	vor.u32 $0x100, v11;
	[tilespmem:s11+$0xFFFFFFD0] =	vst v4;
	v7 =	vmul.f32 v2, v7;
	v4 =	vld [tilespmem:s11+$0x50]  }
0x223: {  	v11 =	vmov s24;
	v13 =	vmov s7;
	v5 =	vld [tilespmem:s11+$0x60];
	v8 =	vmul.f32 v2, v8;
	[tilespmem:s11+$0xFFFFFFF0] =	vst v12  }
0x224: {  	v11 =	vand.u32 $0x7E, v11;
	v12 =	vand.u32 $0x7D, v13;
	v9 =	vmul.f32 v2, v9;
	[tilespmem:s11+$0x0] =	vst v7;
	v7 =	vld [tilespmem:s11+$0x70]  }
0x225: {  	s6 =	simm.s32 $0x4700;
	s24 =	simm.s32 $0x8;
	v6 =	vbroadcast v6, $0x0;
	s7 =	simm.s32 $0x7;
	v10 =	vmul.f32 v2, v10;
	v12 =	vor.u32 $0x100, v12;
	[tilespmem:s11+$0x10] =	vst v8;
	v8 =	vld [tilespmem:s11+$0x80]  }
.LBB2_11:
0x226: {  	p1 =	slt.u32 s24, $0x7C;
	v11 =	vor.u32 $0x100, v11;
	v13 =	vmov s7;
	[tilespmem:s11+$0x20] =	vst v9;
	v3 =	vmul.f32 v2, v3;
	v9 =	vld [tilespmem:s11+$0x90]  }
0x227: {  	v12 =	vbroadcast v12, $0x0;
	v13 =	vand.u32 $0x7F, v13;
	[tilespmem:s11+$0x30] =	vst v10;
	v4 =	vmul.f32 v2, v4;
	v10 =	vld [tilespmem:s11+$0xA0]  }
0x228: {  	v11 =	vbroadcast v11, $0x0;
	v13 =	vor.u32 $0x100, v13;
	[tilespmem:s11+$0x40] =	vst v3;
	v3 =	vmul.f32 v2, v5;
	v5 =	vld [tilespmem:s11+$0xB0]  }
0x229: {  	v13 =	vbroadcast v13, $0x0;
	[tilespmem:s11+$0x50] =	vst v4;
	v2 =	vmul.f32 v2, v7;
	v4 =	vld [tilespmem:s11+$0xC0]  }
0x22a: {  	[tilespmem:s11+$0x60] =	vst v3;
	v3 =	vmul.f32 v1, v8;
	v7 =	vld [tilespmem:s11+$0xD0]  }
0x22b: {  	[tilespmem:s11+$0x70] =	vst v2;
	v2 =	vmul.f32 v1, v9;
	v8 =	vld [tilespmem:s11+$0xE0]  }
0x22c: {  	v6 =	vld.idx.msk [tilespmem:v6+s4+$0x0], $0xffff;
	[tilespmem:s11+$0x80] =	vst v3;
	v3 =	vmul.f32 v1, v10  }
0x22d: {  	v9 =	vld.idx.msk [tilespmem:v12+s4+$0x0], $0xffff;
	[tilespmem:s11+$0x90] =	vst v2;
	v5 =	vmul.f32 v1, v5  }
0x22e: {  	v2 =	vld.idx.msk [tilespmem:v11+s4+$0x0], $0xffff;
	[tilespmem:s11+$0xA0] =	vst v3;
	v3 =	vmul.f32 v1, v4  }
0x22f: {  	s11 =	sadd.s32 $0x200, s11;
	v4 =	vld.idx.msk [tilespmem:v13+s4+$0x0], $0xffff;
	[tilespmem:s6+$0xB0] =	vst v5;
	v5 =	vmul.f32 v1, v7  }
0x230: {  	v7 =	vld [tilespmem:s11+$0xF0];
	[tilespmem:s6+$0xC0] =	vst v3;
	v1 =	vmul.f32 v1, v8  }
0x231: {  	v3 =	vld [tilespmem:s11+$0xFFFFFF00];
	[tilespmem:s6+$0xD0] =	vst v5  }
0x232: {  	v5 =	vld [tilespmem:s11+$0xFFFFFF10];
	[tilespmem:s6+$0xE0] =	vst v1;
	s6 =	smov.u32 s11  }
0x233: {  	v8 =	vld [tilespmem:s11+$0xFFFFFF20]  }
0x234: {  	v10 =	vld [tilespmem:s11+$0xFFFFFF30]  }
0x235: {  	v1 =	vmov v4;
	v11 =	vld [tilespmem:s11+$0xFFFFFF40];
	v7 =	vmul.f32 v4, v7  }
0x236: {  	v3 =	vmul.f32 v6, v3;
	v4 =	vld [tilespmem:s11+$0xFFFFFF50]  }
0x237: {  	v5 =	vmul.f32 v6, v5;
	v12 =	vld [tilespmem:s11+$0xFFFFFF60];
	[tilespmem:s11+$0xF0] =	vst v7  }
0x238: {  	[tilespmem:s11+$0xFFFFFF00] =	vst v3;
	v3 =	vmul.f32 v6, v8;
	v7 =	vld [tilespmem:s11+$0xFFFFFF70]  }
0x239: {  	[tilespmem:s11+$0xFFFFFF10] =	vst v5;
	v5 =	vmul.f32 v6, v10;
	v8 =	vld [tilespmem:s11+$0xFFFFFF80]  }
0x23a: {  	[tilespmem:s11+$0xFFFFFF20] =	vst v3;
	v3 =	vmul.f32 v6, v11;
	v10 =	vld [tilespmem:s11+$0xFFFFFF90]  }
0x23b: {  	[tilespmem:s11+$0xFFFFFF30] =	vst v5;
	v4 =	vmul.f32 v6, v4;
	v5 =	vld [tilespmem:s11+$0xFFFFFFA0]  }
0x23c: {  	[tilespmem:s11+$0xFFFFFF40] =	vst v3;
	v3 =	vmul.f32 v6, v12;
	v11 =	vld [tilespmem:s11+$0xFFFFFFB0]  }
0x23d: {  	[tilespmem:s11+$0xFFFFFF50] =	vst v4;
	v4 =	vmul.f32 v6, v7;
	v6 =	vld [tilespmem:s11+$0xFFFFFFC0]  }
0x23e: {  	[tilespmem:s11+$0xFFFFFF60] =	vst v3;
	v3 =	vmul.f32 v9, v8;
	v7 =	vld [tilespmem:s11+$0xFFFFFFD0]  }
0x23f: {  	[tilespmem:s11+$0xFFFFFF70] =	vst v4;
	v4 =	vmul.f32 v9, v10;
	v8 =	vld [tilespmem:s11+$0xFFFFFFE0]  }
0x240: {  	[tilespmem:s11+$0xFFFFFF80] =	vst v3;
	v3 =	vmul.f32 v9, v5;
	v5 =	vld [tilespmem:s11+$0xFFFFFFF0]  }
0x241: {  	[tilespmem:s11+$0xFFFFFF90] =	vst v4;
	v4 =	vmul.f32 v9, v11;
	v10 =	vld [tilespmem:s11+$0x0]  }
0x242: {  	[tilespmem:s11+$0xFFFFFFA0] =	vst v3;
	v3 =	vmul.f32 v9, v6;
	v6 =	vld [tilespmem:s11+$0x10]  }
0x243: {  	[tilespmem:s11+$0xFFFFFFB0] =	vst v4;
	v4 =	vmul.f32 v9, v7;
	v7 =	vld [tilespmem:s11+$0x20]  }
0x244: {  	[tilespmem:s11+$0xFFFFFFC0] =	vst v3;
	v8 =	vmul.f32 v9, v8;
	v13 =	vld [tilespmem:s11+$0x30]  }
.Ltmp6:
0x245: {  	s7 =	sadd.s32 $0x1, s24;
	v11 =	vmov s24;
	[tilespmem:s11+$0xFFFFFFD0] =	vst v4;
	v5 =	vmul.f32 v9, v5;
	v3 =	vld [tilespmem:s11+$0x40];
	(pc) =	sbr.rel @p1 .LBB2_11-.Ltmp6, $4  }
0x246: {  	v9 =	vand.u32 $0x7C, v11;
	v11 =	vmov s7;
	s7 =	sadd.s32 $0x2, s24;
	[tilespmem:s11+$0xFFFFFFE0] =	vst v8;
	v8 =	vmul.f32 v2, v10;
	v4 =	vld [tilespmem:s11+$0x50]  }
0x247: {  	v10 =	vor.u32 $0x100, v9;
	v9 =	vmov s7;
	[tilespmem:s11+$0xFFFFFFF0] =	vst v5;
	v14 =	vmul.f32 v2, v6;
	v5 =	vld [tilespmem:s11+$0x60]  }
0x248: {  	v12 =	vand.u32 $0x7D, v11;
	v11 =	vand.u32 $0x7E, v9;
	[tilespmem:s11+$0x0] =	vst v8;
	v9 =	vmul.f32 v2, v7;
	v7 =	vld [tilespmem:s11+$0x70]  }
0x249: {  	s7 =	sadd.s32 $0x3, s24;
	s24 =	sadd.s32 $0x4, s24;
	v6 =	vbroadcast v10, $0x0;
	v12 =	vor.u32 $0x100, v12;
	[tilespmem:s11+$0x10] =	vst v14;
	v10 =	vmul.f32 v2, v13;
	v8 =	vld [tilespmem:s11+$0x80]  }
0x24a: {  	v14 =	vld [tilespmem:s11+$0x90]  }
0x24b: {  	v15 =	vld [tilespmem:s11+$0xA0]  }
0x24c: {  	v13 =	vmov s7;
	v11 =	vor.u32 $0x100, v11;
	v12 =	vbroadcast v12, $0x0;
	v16 =	vld [tilespmem:s11+$0xB0]  }
0x24d: {  	v17 =	vld [tilespmem:s11+$0xC0];
	[tilespmem:s11+$0x20] =	vst v9;
	v3 =	vmul.f32 v2, v3;
	v13 =	vand.u32 $0x7F, v13;
	v11 =	vbroadcast v11, $0x0  }
0x24e: {  	v9 =	vld [tilespmem:s11+$0xD0];
	[tilespmem:s11+$0x30] =	vst v10;
	v4 =	vmul.f32 v2, v4;
	v13 =	vor.u32 $0x100, v13  }
0x24f: {  	v10 =	vld [tilespmem:s11+$0xE0];
	[tilespmem:s11+$0x40] =	vst v3;
	v3 =	vmul.f32 v2, v5;
	v13 =	vbroadcast v13, $0x0  }
0x250: {  	s24 =	sadd.s32 $0x200, s11;
	v5 =	vld.idx.msk [tilespmem:v6+s4+$0x0], $0xffff;
	[tilespmem:s11+$0x50] =	vst v4;
	v2 =	vmul.f32 v2, v7  }
0x251: {  	[tilespmem:s11+$0x60] =	vst v3;
	v3 =	vmul.f32 v1, v8;
	v8 =	vld [tilespmem:s24+$0xF0]  }
0x252: {  	[tilespmem:s11+$0x70] =	vst v2;
	v2 =	vmul.f32 v1, v14;
	v4 =	vld.idx.msk [tilespmem:v12+s4+$0x0], $0xffff  }
0x253: {  	[tilespmem:s11+$0x80] =	vst v3;
	v3 =	vmul.f32 v1, v15;
	v6 =	vld.idx.msk [tilespmem:v11+s4+$0x0], $0xffff  }
0x254: {  	[tilespmem:s11+$0x90] =	vst v2;
	v2 =	vmul.f32 v1, v16;
	v11 =	vld [tilespmem:s24+$0xFFFFFF00]  }
0x255: {  	[tilespmem:s11+$0xA0] =	vst v3;
	v3 =	vmul.f32 v1, v17;
	v7 =	vld.idx.msk [tilespmem:v13+s4+$0x0], $0xffff  }
0x256: {  	v12 =	vld [tilespmem:s24+$0xFFFFFF10];
	[tilespmem:s6+$0xB0] =	vst v2;
	v2 =	vmul.f32 v1, v9  }
0x257: {  	v9 =	vld [tilespmem:s24+$0xFFFFFF20];
	v1 =	vmul.f32 v1, v10;
	[tilespmem:s6+$0xC0] =	vst v3  }
0x258: {  	v3 =	vld [tilespmem:s24+$0xFFFFFF30];
	[tilespmem:s6+$0xD0] =	vst v2  }
0x259: {  	v2 =	vld [tilespmem:s24+$0xFFFFFF40];
	[tilespmem:s6+$0xE0] =	vst v1;
	v1 =	vmul.f32 v5, v11  }
0x25a: {  	v10 =	vld [tilespmem:s24+$0xFFFFFF50];
	v8 =	vmul.f32 v7, v8  }
0x25b: {  	v11 =	vmul.f32 v5, v12;
	v12 =	vld [tilespmem:s24+$0xFFFFFF60];
	[tilespmem:s24+$0xFFFFFF00] =	vst v1  }
0x25c: {  	v1 =	vmul.f32 v5, v9;
	[tilespmem:s24+$0xF0] =	vst v8;
	v8 =	vld [tilespmem:s24+$0xFFFFFF70]  }
0x25d: {  	[tilespmem:s24+$0xFFFFFF10] =	vst v11;
	v9 =	vld [tilespmem:s24+$0xFFFFFF80];
	v3 =	vmul.f32 v5, v3  }
0x25e: {  	[tilespmem:s24+$0xFFFFFF20] =	vst v1;
	v1 =	vmul.f32 v5, v2;
	v2 =	vld [tilespmem:s24+$0xFFFFFF90]  }
0x25f: {  	[tilespmem:s24+$0xFFFFFF30] =	vst v3;
	v3 =	vmul.f32 v5, v10;
	v10 =	vld [tilespmem:s24+$0xFFFFFFA0]  }
0x260: {  	v11 =	vld [tilespmem:s24+$0xFFFFFFB0];
	[tilespmem:s24+$0xFFFFFF40] =	vst v1;
	v1 =	vmul.f32 v5, v12  }
0x261: {  	[tilespmem:s24+$0xFFFFFF50] =	vst v3;
	v3 =	vmul.f32 v5, v8;
	v5 =	vld [tilespmem:s24+$0xFFFFFFC0]  }
0x262: {  	[tilespmem:s24+$0xFFFFFF60] =	vst v1;
	v1 =	vmul.f32 v4, v9;
	v8 =	vld [tilespmem:s24+$0xFFFFFFD0]  }
0x263: {  	v2 =	vmul.f32 v4, v2;
	[tilespmem:s24+$0xFFFFFF70] =	vst v3;
	v3 =	vld [tilespmem:s24+$0xFFFFFFE0]  }
0x264: {  	v9 =	vld [tilespmem:s24+$0xFFFFFFF0];
	[tilespmem:s24+$0xFFFFFF80] =	vst v1;
	v1 =	vmul.f32 v4, v10  }
0x265: {  	v10 =	vld [tilespmem:s24+$0x0];
	[tilespmem:s24+$0xFFFFFF90] =	vst v2;
	v2 =	vmul.f32 v4, v11  }
0x266: {  	[tilespmem:s24+$0xFFFFFFA0] =	vst v1;
	v1 =	vmul.f32 v4, v5;
	v5 =	vld [tilespmem:s24+$0x10]  }
0x267: {  	[tilespmem:s24+$0xFFFFFFB0] =	vst v2;
	v2 =	vmul.f32 v4, v8;
	v8 =	vld [tilespmem:s24+$0x20]  }
0x268: {  	[tilespmem:s24+$0xFFFFFFC0] =	vst v1;
	v1 =	vmul.f32 v4, v3;
	v3 =	vld [tilespmem:s24+$0x30]  }
0x269: {  	[tilespmem:s24+$0xFFFFFFD0] =	vst v2;
	v2 =	vmul.f32 v4, v9;
	v4 =	vld [tilespmem:s24+$0x40]  }
0x26a: {  	v9 =	vld [tilespmem:s24+$0x50];
	[tilespmem:s24+$0xFFFFFFE0] =	vst v1;
	v1 =	vmul.f32 v6, v10  }
0x26b: {  	[tilespmem:s24+$0xFFFFFFF0] =	vst v2;
	v2 =	vmul.f32 v6, v5;
	v5 =	vld [tilespmem:s24+$0x60]  }
0x26c: {  	[tilespmem:s24+$0x0] =	vst v1;
	v1 =	vmul.f32 v6, v8;
	v8 =	vld [tilespmem:s24+$0x70]  }
0x26d: {  	[tilespmem:s24+$0x10] =	vst v2;
	v2 =	vmul.f32 v6, v3;
	v3 =	vld [tilespmem:s24+$0x80]  }
0x26e: {  	[tilespmem:s24+$0x20] =	vst v1;
	v1 =	vmul.f32 v6, v4;
	v4 =	vld [tilespmem:s24+$0x90]  }
0x26f: {  	[tilespmem:s24+$0x30] =	vst v2;
	v2 =	vmul.f32 v6, v9;
	v9 =	vld [tilespmem:s24+$0xA0]  }
0x270: {  	[tilespmem:s24+$0x40] =	vst v1;
	v1 =	vmul.f32 v6, v5;
	v5 =	vld [tilespmem:s24+$0xB0]  }
0x271: {  	[tilespmem:s24+$0x50] =	vst v2;
	v2 =	vmul.f32 v6, v8;
	v6 =	vld [tilespmem:s24+$0xC0]  }
0x272: {  	[tilespmem:s24+$0x60] =	vst v1;
	v1 =	vmul.f32 v7, v3;
	v3 =	vld [tilespmem:s24+$0xD0]  }
0x273: {  	[tilespmem:s24+$0x70] =	vst v2;
	v2 =	vmul.f32 v7, v4;
	v4 =	vld [tilespmem:s24+$0xE0]  }
0x274: {  	[tilespmem:s24+$0x80] =	vst v1;
	v1 =	vmul.f32 v7, v9  }
0x275: {  	[tilespmem:s24+$0x90] =	vst v2;
	v2 =	vmul.f32 v7, v5  }
0x276: {  	[tilespmem:s24+$0xA0] =	vst v1;
	v1 =	vmul.f32 v7, v6  }
0x277: {  	[tilespmem:s24+$0xB0] =	vst v2;
	v2 =	vmul.f32 v7, v3  }
0x278: {  	[tilespmem:s24+$0xC0] =	vst v1;
	v1 =	vmul.f32 v7, v4  }
0x279: {  	[tilespmem:s24+$0xD0] =	vst v2  }
0x27a: {  	s11 =	simm.s32 $0x0;
	[tilespmem:s24+$0xE0] =	vst v1;
	s24 =	sadd.s32 s9, s16  }
0x27b: {  	[spmem:s2] =	stream.indirect.scatter.add.f32 [tilespmem:s17], [sflag:$0x7], $0x80, s11, s30, $0xb8;
	[tilespmem:$0x1C600] =	vst v63  }
0x27c: {  	s7 =	sshll.u32 s24, $0x6  }
0x27d: {  	s7 =	sadd.s32 s5, s7  }
0x27e: {  	[tilespmem:s18], [sflag:$0x5] =	stream.linear.gather [hbm4b:s7+s11], $0x200, $0x38;
	[tilespmem:$0x1C600] =	vst v63  }
0x27f: {  	_ =	swait.ge [sflag:s0], $0x4000  }
0x280: {  	v1 =	vmov s11;
	s11 =	simm.s32 $0x3;
	[sflag:s0] =	ssyncset.done $0x0  }
0x281: {  	v1 =	vand.u32 $0x7C, v1;
	v2 =	vmov s11;
	[sflag:s0] =	ssyncadd.s32 $0xFFFFC000  }
0x282: {  	v1 =	vor.u32 $0x100, v1;
	v2 =	vand.u32 $0x7F, v2;
	_ =	swait.ge [sflag:s20], $0x200  }
0x283: {  	v1 =	vbroadcast v1, $0x0;
	v2 =	vor.u32 $0x100, v2;
	[sflag:s20] =	ssyncset.done $0x0  }
0x284: {  	v2 =	vbroadcast v2, $0x0;
	[sflag:s20] =	ssyncadd.s32 $0xFFFFFE00  }
0x285: {  	_ =	swait.ge [sflag:s10], $0x4000  }
0x286: {  	[sflag:s10] =	ssyncset.done $0x0  }
0x287: {  	[sflag:s10] =	ssyncadd.s32 $0xFFFFC000  }
0x288: {  	[tilespmem:s17], [sflag:$0x2] =	stream.indirect.gather [hbm4b:s1+s30], $0x80, s25, s30, $0xb8;
	[tilespmem:$0x1C600] =	vst v63  }
0x289: {  	s24 =	simm.s32 $0x1;
	v3 =	vld.idx.msk [tilespmem:v1+s31+$0x0], $0xffff  }
0x28a: {  	v4 =	vmov s24;
	s11 =	simm.s32 $0x700;
	v1 =	vld.idx.msk [tilespmem:v2+s31+$0x0], $0xffff  }
0x28b: {  	v2 =	vand.u32 $0x7D, v4;
	v4 =	vld [tilespmem:s11+$0xF0]  }
0x28c: {  	v5 =	vld [tilespmem:s11+$0xFFFFFF00]  }
0x28d: {  	v6 =	vld [tilespmem:s11+$0xFFFFFF10]  }
0x28e: {  	v7 =	vld [tilespmem:s11+$0xFFFFFF20];
	v2 =	vor.u32 $0x100, v2  }
0x28f: {  	v8 =	vld [tilespmem:s11+$0xFFFFFF30];
	v2 =	vbroadcast v2, $0x0  }
0x290: {  	v9 =	vld [tilespmem:s11+$0xFFFFFF40]  }
0x291: {  	v10 =	vld [tilespmem:s11+$0xFFFFFF50];
	v5 =	vmul.f32 v3, v5  }
0x292: {  	v11 =	vld [tilespmem:s11+$0xFFFFFF60];
	v4 =	vmul.f32 v1, v4  }
0x293: {  	[tilespmem:s11+$0xFFFFFF00] =	vst v5;
	v5 =	vld [tilespmem:s11+$0xFFFFFF70]  }
0x294: {  	s7 =	simm.s32 $0x2;
	v6 =	vmul.f32 v3, v6;
	[tilespmem:s11+$0xF0] =	vst v4;
	v4 =	vmul.f32 v3, v7;
	v7 =	vld [tilespmem:s11+$0xFFFFFF90]  }
0x295: {  	v12 =	vmov s7;
	v13 =	vld.idx.msk [tilespmem:v2+s31+$0x0], $0xffff  }
0x296: {  	[tilespmem:s11+$0xFFFFFF10] =	vst v6;
	v6 =	vmul.f32 v3, v8;
	v2 =	vand.u32 $0x7E, v12;
	v12 =	vld [tilespmem:s11+$0xFFFFFF80]  }
0x297: {  	v11 =	vmul.f32 v3, v11;
	v8 =	vld [tilespmem:s11+$0xFFFFFFA0];
	v2 =	vor.u32 $0x100, v2;
	[tilespmem:s11+$0xFFFFFF20] =	vst v4;
	v4 =	vmul.f32 v3, v9  }
0x298: {  	v9 =	vld [tilespmem:s11+$0xFFFFFFB0];
	[tilespmem:s11+$0xFFFFFF30] =	vst v6;
	v6 =	vmul.f32 v3, v10;
	v2 =	vbroadcast v2, $0x0  }
0x299: {  	[tilespmem:s11+$0xFFFFFF60] =	vst v11;
	v10 =	vld [tilespmem:s11+$0xFFFFFFC0]  }
0x29a: {  	[tilespmem:s11+$0xFFFFFF50] =	vst v6;
	v6 =	vld [tilespmem:s11+$0xFFFFFFE0];
	v3 =	vmul.f32 v3, v5  }
0x29b: {  	[tilespmem:s11+$0xFFFFFF40] =	vst v4;
	v5 =	vld [tilespmem:s11+$0xFFFFFFF0];
	v4 =	vmul.f32 v13, v12  }
0x29c: {  	v12 =	vld [tilespmem:s11+$0xFFFFFFD0];
	[tilespmem:s11+$0xFFFFFF70] =	vst v3;
	v3 =	vmul.f32 v13, v8  }
0x29d: {  	[tilespmem:s11+$0xFFFFFF80] =	vst v4;
	v4 =	vmul.f32 v13, v7;
	v7 =	vld [tilespmem:s11+$0x0]  }
0x29e: {  	v2 =	vld.idx.msk [tilespmem:v2+s31+$0x0], $0xffff;
	[tilespmem:s11+$0xFFFFFFA0] =	vst v3;
	v3 =	vmul.f32 v13, v10  }
0x29f: {  	v8 =	vld [tilespmem:s11+$0x10];
	[tilespmem:s11+$0xFFFFFF90] =	vst v4;
	v4 =	vmul.f32 v13, v9  }
0x2a0: {  	s24 =	simm.s32 $0x4;
	v6 =	vmul.f32 v13, v6;
	v9 =	vld [tilespmem:s11+$0x20];
	[tilespmem:s11+$0xFFFFFFC0] =	vst v3  }
0x2a1: {  	v11 =	vmov s24;
	v10 =	vld [tilespmem:s11+$0x30];
	[tilespmem:s11+$0xFFFFFFB0] =	vst v4;
	v4 =	vmul.f32 v13, v12  }
0x2a2: {  	v11 =	vand.u32 $0x7C, v11;
	v3 =	vld [tilespmem:s11+$0x40];
	[tilespmem:s11+$0xFFFFFFE0] =	vst v6;
	v12 =	vmul.f32 v13, v5  }
0x2a3: {  	s7 =	simm.s32 $0x5;
	s24 =	simm.s32 $0x6;
	v6 =	vor.u32 $0x100, v11;
	[tilespmem:s11+$0xFFFFFFD0] =	vst v4;
	v7 =	vmul.f32 v2, v7;
	v4 =	vld [tilespmem:s11+$0x50]  }
0x2a4: {  	v11 =	vmov s24;
	v13 =	vmov s7;
	v5 =	vld [tilespmem:s11+$0x60];
	v8 =	vmul.f32 v2, v8;
	[tilespmem:s11+$0xFFFFFFF0] =	vst v12  }
0x2a5: {  	v11 =	vand.u32 $0x7E, v11;
	v12 =	vand.u32 $0x7D, v13;
	v9 =	vmul.f32 v2, v9;
	[tilespmem:s11+$0x0] =	vst v7;
	v7 =	vld [tilespmem:s11+$0x70]  }
0x2a6: {  	s6 =	simm.s32 $0x700;
	s24 =	simm.s32 $0x8;
	v6 =	vbroadcast v6, $0x0;
	s7 =	simm.s32 $0x7;
	v10 =	vmul.f32 v2, v10;
	v12 =	vor.u32 $0x100, v12;
	[tilespmem:s11+$0x10] =	vst v8;
	v8 =	vld [tilespmem:s11+$0x80]  }
.LBB2_13:
0x2a7: {  	p1 =	slt.u32 s24, $0x7C;
	v11 =	vor.u32 $0x100, v11;
	v13 =	vmov s7;
	[tilespmem:s11+$0x20] =	vst v9;
	v3 =	vmul.f32 v2, v3;
	v9 =	vld [tilespmem:s11+$0x90]  }
0x2a8: {  	v12 =	vbroadcast v12, $0x0;
	v13 =	vand.u32 $0x7F, v13;
	[tilespmem:s11+$0x30] =	vst v10;
	v4 =	vmul.f32 v2, v4;
	v10 =	vld [tilespmem:s11+$0xA0]  }
0x2a9: {  	v11 =	vbroadcast v11, $0x0;
	v13 =	vor.u32 $0x100, v13;
	[tilespmem:s11+$0x40] =	vst v3;
	v3 =	vmul.f32 v2, v5;
	v5 =	vld [tilespmem:s11+$0xB0]  }
0x2aa: {  	v13 =	vbroadcast v13, $0x0;
	[tilespmem:s11+$0x50] =	vst v4;
	v2 =	vmul.f32 v2, v7;
	v4 =	vld [tilespmem:s11+$0xC0]  }
0x2ab: {  	[tilespmem:s11+$0x60] =	vst v3;
	v3 =	vmul.f32 v1, v8;
	v7 =	vld [tilespmem:s11+$0xD0]  }
0x2ac: {  	[tilespmem:s11+$0x70] =	vst v2;
	v2 =	vmul.f32 v1, v9;
	v8 =	vld [tilespmem:s11+$0xE0]  }
0x2ad: {  	v6 =	vld.idx.msk [tilespmem:v6+s31+$0x0], $0xffff;
	[tilespmem:s11+$0x80] =	vst v3;
	v3 =	vmul.f32 v1, v10  }
0x2ae: {  	v9 =	vld.idx.msk [tilespmem:v12+s31+$0x0], $0xffff;
	[tilespmem:s11+$0x90] =	vst v2;
	v5 =	vmul.f32 v1, v5  }
0x2af: {  	v2 =	vld.idx.msk [tilespmem:v11+s31+$0x0], $0xffff;
	[tilespmem:s11+$0xA0] =	vst v3;
	v3 =	vmul.f32 v1, v4  }
0x2b0: {  	s11 =	sadd.s32 $0x200, s11;
	v4 =	vld.idx.msk [tilespmem:v13+s31+$0x0], $0xffff;
	[tilespmem:s6+$0xB0] =	vst v5;
	v5 =	vmul.f32 v1, v7  }
0x2b1: {  	v7 =	vld [tilespmem:s11+$0xF0];
	[tilespmem:s6+$0xC0] =	vst v3;
	v1 =	vmul.f32 v1, v8  }
0x2b2: {  	v3 =	vld [tilespmem:s11+$0xFFFFFF00];
	[tilespmem:s6+$0xD0] =	vst v5  }
0x2b3: {  	v5 =	vld [tilespmem:s11+$0xFFFFFF10];
	[tilespmem:s6+$0xE0] =	vst v1;
	s6 =	smov.u32 s11  }
0x2b4: {  	v8 =	vld [tilespmem:s11+$0xFFFFFF20]  }
0x2b5: {  	v10 =	vld [tilespmem:s11+$0xFFFFFF30]  }
0x2b6: {  	v1 =	vmov v4;
	v11 =	vld [tilespmem:s11+$0xFFFFFF40];
	v7 =	vmul.f32 v4, v7  }
0x2b7: {  	v3 =	vmul.f32 v6, v3;
	v4 =	vld [tilespmem:s11+$0xFFFFFF50]  }
0x2b8: {  	v5 =	vmul.f32 v6, v5;
	v12 =	vld [tilespmem:s11+$0xFFFFFF60];
	[tilespmem:s11+$0xF0] =	vst v7  }
0x2b9: {  	[tilespmem:s11+$0xFFFFFF00] =	vst v3;
	v3 =	vmul.f32 v6, v8;
	v7 =	vld [tilespmem:s11+$0xFFFFFF70]  }
0x2ba: {  	[tilespmem:s11+$0xFFFFFF10] =	vst v5;
	v5 =	vmul.f32 v6, v10;
	v8 =	vld [tilespmem:s11+$0xFFFFFF80]  }
0x2bb: {  	[tilespmem:s11+$0xFFFFFF20] =	vst v3;
	v3 =	vmul.f32 v6, v11;
	v10 =	vld [tilespmem:s11+$0xFFFFFF90]  }
0x2bc: {  	[tilespmem:s11+$0xFFFFFF30] =	vst v5;
	v4 =	vmul.f32 v6, v4;
	v5 =	vld [tilespmem:s11+$0xFFFFFFA0]  }
0x2bd: {  	[tilespmem:s11+$0xFFFFFF40] =	vst v3;
	v3 =	vmul.f32 v6, v12;
	v11 =	vld [tilespmem:s11+$0xFFFFFFB0]  }
0x2be: {  	[tilespmem:s11+$0xFFFFFF50] =	vst v4;
	v4 =	vmul.f32 v6, v7;
	v6 =	vld [tilespmem:s11+$0xFFFFFFC0]  }
0x2bf: {  	[tilespmem:s11+$0xFFFFFF60] =	vst v3;
	v3 =	vmul.f32 v9, v8;
	v7 =	vld [tilespmem:s11+$0xFFFFFFD0]  }
0x2c0: {  	[tilespmem:s11+$0xFFFFFF70] =	vst v4;
	v4 =	vmul.f32 v9, v10;
	v8 =	vld [tilespmem:s11+$0xFFFFFFE0]  }
0x2c1: {  	[tilespmem:s11+$0xFFFFFF80] =	vst v3;
	v3 =	vmul.f32 v9, v5;
	v5 =	vld [tilespmem:s11+$0xFFFFFFF0]  }
0x2c2: {  	[tilespmem:s11+$0xFFFFFF90] =	vst v4;
	v4 =	vmul.f32 v9, v11;
	v10 =	vld [tilespmem:s11+$0x0]  }
0x2c3: {  	[tilespmem:s11+$0xFFFFFFA0] =	vst v3;
	v3 =	vmul.f32 v9, v6;
	v6 =	vld [tilespmem:s11+$0x10]  }
0x2c4: {  	[tilespmem:s11+$0xFFFFFFB0] =	vst v4;
	v4 =	vmul.f32 v9, v7;
	v7 =	vld [tilespmem:s11+$0x20]  }
0x2c5: {  	[tilespmem:s11+$0xFFFFFFC0] =	vst v3;
	v8 =	vmul.f32 v9, v8;
	v13 =	vld [tilespmem:s11+$0x30]  }
.Ltmp7:
0x2c6: {  	s7 =	sadd.s32 $0x1, s24;
	v11 =	vmov s24;
	[tilespmem:s11+$0xFFFFFFD0] =	vst v4;
	v5 =	vmul.f32 v9, v5;
	v3 =	vld [tilespmem:s11+$0x40];
	(pc) =	sbr.rel @p1 .LBB2_13-.Ltmp7, $4  }
0x2c7: {  	v9 =	vand.u32 $0x7C, v11;
	v11 =	vmov s7;
	s7 =	sadd.s32 $0x2, s24;
	[tilespmem:s11+$0xFFFFFFE0] =	vst v8;
	v8 =	vmul.f32 v2, v10;
	v4 =	vld [tilespmem:s11+$0x50]  }
0x2c8: {  	v10 =	vor.u32 $0x100, v9;
	v9 =	vmov s7;
	[tilespmem:s11+$0xFFFFFFF0] =	vst v5;
	v14 =	vmul.f32 v2, v6;
	v5 =	vld [tilespmem:s11+$0x60]  }
0x2c9: {  	v12 =	vand.u32 $0x7D, v11;
	v11 =	vand.u32 $0x7E, v9;
	[tilespmem:s11+$0x0] =	vst v8;
	v9 =	vmul.f32 v2, v7;
	v7 =	vld [tilespmem:s11+$0x70]  }
0x2ca: {  	s7 =	sadd.s32 $0x3, s24;
	s24 =	sadd.s32 $0x4, s24;
	v6 =	vbroadcast v10, $0x0;
	v12 =	vor.u32 $0x100, v12;
	[tilespmem:s11+$0x10] =	vst v14;
	v10 =	vmul.f32 v2, v13;
	v8 =	vld [tilespmem:s11+$0x80]  }
0x2cb: {  	v14 =	vld [tilespmem:s11+$0x90]  }
0x2cc: {  	v15 =	vld [tilespmem:s11+$0xA0]  }
0x2cd: {  	v13 =	vmov s7;
	v11 =	vor.u32 $0x100, v11;
	v12 =	vbroadcast v12, $0x0;
	v16 =	vld [tilespmem:s11+$0xB0]  }
0x2ce: {  	v17 =	vld [tilespmem:s11+$0xC0];
	[tilespmem:s11+$0x20] =	vst v9;
	v3 =	vmul.f32 v2, v3;
	v13 =	vand.u32 $0x7F, v13;
	v11 =	vbroadcast v11, $0x0  }
0x2cf: {  	v9 =	vld [tilespmem:s11+$0xD0];
	[tilespmem:s11+$0x30] =	vst v10;
	v4 =	vmul.f32 v2, v4;
	v13 =	vor.u32 $0x100, v13  }
0x2d0: {  	v10 =	vld [tilespmem:s11+$0xE0];
	[tilespmem:s11+$0x40] =	vst v3;
	v3 =	vmul.f32 v2, v5;
	v13 =	vbroadcast v13, $0x0  }
0x2d1: {  	s24 =	sadd.s32 $0x200, s11;
	v5 =	vld.idx.msk [tilespmem:v6+s31+$0x0], $0xffff;
	[tilespmem:s11+$0x50] =	vst v4;
	v2 =	vmul.f32 v2, v7  }
0x2d2: {  	[tilespmem:s11+$0x60] =	vst v3;
	v3 =	vmul.f32 v1, v8;
	v8 =	vld [tilespmem:s24+$0xF0]  }
0x2d3: {  	[tilespmem:s11+$0x70] =	vst v2;
	v2 =	vmul.f32 v1, v14;
	v4 =	vld.idx.msk [tilespmem:v12+s31+$0x0], $0xffff  }
0x2d4: {  	[tilespmem:s11+$0x80] =	vst v3;
	v3 =	vmul.f32 v1, v15;
	v6 =	vld.idx.msk [tilespmem:v11+s31+$0x0], $0xffff  }
0x2d5: {  	[tilespmem:s11+$0x90] =	vst v2;
	v2 =	vmul.f32 v1, v16;
	v11 =	vld [tilespmem:s24+$0xFFFFFF00]  }
0x2d6: {  	[tilespmem:s11+$0xA0] =	vst v3;
	v3 =	vmul.f32 v1, v17;
	v7 =	vld.idx.msk [tilespmem:v13+s31+$0x0], $0xffff  }
0x2d7: {  	v12 =	vld [tilespmem:s24+$0xFFFFFF10];
	[tilespmem:s6+$0xB0] =	vst v2;
	v2 =	vmul.f32 v1, v9  }
0x2d8: {  	v9 =	vld [tilespmem:s24+$0xFFFFFF20];
	v1 =	vmul.f32 v1, v10;
	[tilespmem:s6+$0xC0] =	vst v3  }
0x2d9: {  	v3 =	vld [tilespmem:s24+$0xFFFFFF30];
	[tilespmem:s6+$0xD0] =	vst v2  }
0x2da: {  	v2 =	vld [tilespmem:s24+$0xFFFFFF40];
	[tilespmem:s6+$0xE0] =	vst v1;
	v1 =	vmul.f32 v5, v11  }
0x2db: {  	v10 =	vld [tilespmem:s24+$0xFFFFFF50];
	v8 =	vmul.f32 v7, v8  }
0x2dc: {  	v11 =	vmul.f32 v5, v12;
	v12 =	vld [tilespmem:s24+$0xFFFFFF60];
	[tilespmem:s24+$0xFFFFFF00] =	vst v1  }
0x2dd: {  	v1 =	vmul.f32 v5, v9;
	[tilespmem:s24+$0xF0] =	vst v8;
	v8 =	vld [tilespmem:s24+$0xFFFFFF70]  }
0x2de: {  	[tilespmem:s24+$0xFFFFFF10] =	vst v11;
	v9 =	vld [tilespmem:s24+$0xFFFFFF80];
	v3 =	vmul.f32 v5, v3  }
0x2df: {  	[tilespmem:s24+$0xFFFFFF20] =	vst v1;
	v1 =	vmul.f32 v5, v2;
	v2 =	vld [tilespmem:s24+$0xFFFFFF90]  }
0x2e0: {  	[tilespmem:s24+$0xFFFFFF30] =	vst v3;
	v3 =	vmul.f32 v5, v10;
	v10 =	vld [tilespmem:s24+$0xFFFFFFA0]  }
0x2e1: {  	v11 =	vld [tilespmem:s24+$0xFFFFFFB0];
	[tilespmem:s24+$0xFFFFFF40] =	vst v1;
	v1 =	vmul.f32 v5, v12  }
0x2e2: {  	[tilespmem:s24+$0xFFFFFF50] =	vst v3;
	v3 =	vmul.f32 v5, v8;
	v5 =	vld [tilespmem:s24+$0xFFFFFFC0]  }
0x2e3: {  	[tilespmem:s24+$0xFFFFFF60] =	vst v1;
	v1 =	vmul.f32 v4, v9;
	v8 =	vld [tilespmem:s24+$0xFFFFFFD0]  }
0x2e4: {  	v2 =	vmul.f32 v4, v2;
	[tilespmem:s24+$0xFFFFFF70] =	vst v3;
	v3 =	vld [tilespmem:s24+$0xFFFFFFE0]  }
0x2e5: {  	v9 =	vld [tilespmem:s24+$0xFFFFFFF0];
	[tilespmem:s24+$0xFFFFFF80] =	vst v1;
	v1 =	vmul.f32 v4, v10  }
0x2e6: {  	v10 =	vld [tilespmem:s24+$0x0];
	[tilespmem:s24+$0xFFFFFF90] =	vst v2;
	v2 =	vmul.f32 v4, v11  }
0x2e7: {  	[tilespmem:s24+$0xFFFFFFA0] =	vst v1;
	v1 =	vmul.f32 v4, v5;
	v5 =	vld [tilespmem:s24+$0x10]  }
0x2e8: {  	[tilespmem:s24+$0xFFFFFFB0] =	vst v2;
	v2 =	vmul.f32 v4, v8;
	v8 =	vld [tilespmem:s24+$0x20]  }
0x2e9: {  	[tilespmem:s24+$0xFFFFFFC0] =	vst v1;
	v1 =	vmul.f32 v4, v3;
	v3 =	vld [tilespmem:s24+$0x30]  }
0x2ea: {  	[tilespmem:s24+$0xFFFFFFD0] =	vst v2;
	v2 =	vmul.f32 v4, v9;
	v4 =	vld [tilespmem:s24+$0x40]  }
0x2eb: {  	v9 =	vld [tilespmem:s24+$0x50];
	[tilespmem:s24+$0xFFFFFFE0] =	vst v1;
	v1 =	vmul.f32 v6, v10  }
0x2ec: {  	[tilespmem:s24+$0xFFFFFFF0] =	vst v2;
	v2 =	vmul.f32 v6, v5;
	v5 =	vld [tilespmem:s24+$0x60]  }
0x2ed: {  	[tilespmem:s24+$0x0] =	vst v1;
	v1 =	vmul.f32 v6, v8;
	v8 =	vld [tilespmem:s24+$0x70]  }
0x2ee: {  	[tilespmem:s24+$0x10] =	vst v2;
	v2 =	vmul.f32 v6, v3;
	v3 =	vld [tilespmem:s24+$0x80]  }
0x2ef: {  	[tilespmem:s24+$0x20] =	vst v1;
	v1 =	vmul.f32 v6, v4;
	v4 =	vld [tilespmem:s24+$0x90]  }
0x2f0: {  	[tilespmem:s24+$0x30] =	vst v2;
	v2 =	vmul.f32 v6, v9;
	v9 =	vld [tilespmem:s24+$0xA0]  }
0x2f1: {  	[tilespmem:s24+$0x40] =	vst v1;
	v1 =	vmul.f32 v6, v5;
	v5 =	vld [tilespmem:s24+$0xB0]  }
0x2f2: {  	[tilespmem:s24+$0x50] =	vst v2;
	v2 =	vmul.f32 v6, v8;
	v6 =	vld [tilespmem:s24+$0xC0]  }
0x2f3: {  	[tilespmem:s24+$0x60] =	vst v1;
	v1 =	vmul.f32 v7, v3;
	v3 =	vld [tilespmem:s24+$0xD0]  }
0x2f4: {  	[tilespmem:s24+$0x70] =	vst v2;
	v2 =	vmul.f32 v7, v4;
	v4 =	vld [tilespmem:s24+$0xE0]  }
0x2f5: {  	[tilespmem:s24+$0x80] =	vst v1;
	v1 =	vmul.f32 v7, v9  }
0x2f6: {  	[tilespmem:s24+$0x90] =	vst v2;
	v2 =	vmul.f32 v7, v5  }
0x2f7: {  	[tilespmem:s24+$0xA0] =	vst v1;
	v1 =	vmul.f32 v7, v6  }
0x2f8: {  	[tilespmem:s24+$0xB0] =	vst v2;
	v2 =	vmul.f32 v7, v3  }
0x2f9: {  	[tilespmem:s24+$0xC0] =	vst v1;
	v1 =	vmul.f32 v7, v4  }
0x2fa: {  	p1 =	seq.s32 s8, $0x19;
	[tilespmem:s24+$0xD0] =	vst v2  }
0x2fb: {  	s6 =	simm.s32 @p1 $0x2;
	[tilespmem:s24+$0xE0] =	vst v1  }
0x2fc: {  	[spmem:s2] =	stream.indirect.scatter.add.f32 [tilespmem:s26], [sflag:$0x6], $0x80, s31, s30, $0xb8;
	[tilespmem:$0x1C600] =	vst v63  }
0x2fd: {  	s7 =	sadd.s32 @!p1 s9, s22;
	_ =	swait.ge @p1 [sflag:s6], $0x4000  }
0x2fe: {  	s7 =	sshll.u32 @!p1 s7, $0x6;
	[sflag:s6] =	ssyncset.done @p1 $0x0  }
0x2ff: {  	[sflag:s6] =	ssyncadd.s32 @p1 $0xFFFFC000;
	s6 =	sadd.s32 @!p1 s5, s7;
	s7 =	simm.s32 @!p1 $0x0  }
0x300: {  	[tilespmem:s7], [sflag:$0x3] =	stream.linear.gather @!p1 [hbm4b:s6+s7], $0x200, $0x38;
	[tilespmem:$0x1C600] =	vst v63  }
0x301: {  	s6 =	simm.s32 @!p1 $0x2  }
0x302: {  	s24 =	simm.s32 $0x0;
	_ =	swait.ge @!p1 [sflag:s6], $0x4000  }
0x303: {  	s11 =	simm.s32 $0x3;
	v1 =	vmov s24;
	[sflag:s6] =	ssyncset.done @!p1 $0x0  }
0x304: {  	v2 =	vmov s11;
	v1 =	vand.u32 $0x7C, v1;
	[sflag:s6] =	ssyncadd.s32 @!p1 $0xFFFFC000;
	s6 =	simm.s32 @!p1 $0x3  }
0x305: {  	v2 =	vand.u32 $0x7F, v2;
	v1 =	vor.u32 $0x100, v1;
	_ =	swait.ge @!p1 [sflag:s6], $0x200  }
0x306: {  	v2 =	vor.u32 $0x100, v2;
	v1 =	vbroadcast v1, $0x0;
	[sflag:s6] =	ssyncset.done @!p1 $0x0  }
0x307: {  	v2 =	vbroadcast v2, $0x0;
	[sflag:s6] =	ssyncadd.s32 @!p1 $0xFFFFFE00;
	s6 =	simm.s32 @!p1 $0x6  }
0x308: {  	_ =	swait.ge @!p1 [sflag:s6], $0x4000  }
0x309: {  	[sflag:s6] =	ssyncset.done @!p1 $0x0  }
0x30a: {  	s7 =	simm.s32 @!p1 $0x600;
	[sflag:s6] =	ssyncadd.s32 @!p1 $0xFFFFC000;
	s6 =	simm.s32 @!p1 $0x80  }
0x30b: {  	[tilespmem:s7], [sflag:$0x1] =	stream.indirect.gather @!p1 [hbm4b:s1+s6], $0x80, s6, s6, $0xb8;
	[tilespmem:$0x1C600] =	vst v63  }
0x30c: {  	s24 =	simm.s32 $0x1;
	v3 =	vld.idx.msk [tilespmem:v1+s18+$0x0], $0xffff  }
0x30d: {  	s11 =	simm.s32 $0x4700;
	v4 =	vmov s24;
	v1 =	vld.idx.msk [tilespmem:v2+s18+$0x0], $0xffff  }
0x30e: {  	v2 =	vand.u32 $0x7D, v4;
	v4 =	vld [tilespmem:s11+$0xF0]  }
0x30f: {  	v5 =	vld [tilespmem:s11+$0xFFFFFF00]  }
0x310: {  	v6 =	vld [tilespmem:s11+$0xFFFFFF10]  }
0x311: {  	v7 =	vld [tilespmem:s11+$0xFFFFFF20];
	v2 =	vor.u32 $0x100, v2  }
0x312: {  	v8 =	vld [tilespmem:s11+$0xFFFFFF30];
	v2 =	vbroadcast v2, $0x0  }
0x313: {  	v9 =	vld [tilespmem:s11+$0xFFFFFF40]  }
0x314: {  	v10 =	vld [tilespmem:s11+$0xFFFFFF50];
	v5 =	vmul.f32 v3, v5  }
0x315: {  	v11 =	vld [tilespmem:s11+$0xFFFFFF60];
	v4 =	vmul.f32 v1, v4  }
0x316: {  	[tilespmem:s11+$0xFFFFFF00] =	vst v5;
	v5 =	vld [tilespmem:s11+$0xFFFFFF70]  }
0x317: {  	s7 =	simm.s32 $0x2;
	v6 =	vmul.f32 v3, v6;
	[tilespmem:s11+$0xF0] =	vst v4;
	v4 =	vmul.f32 v3, v7;
	v7 =	vld [tilespmem:s11+$0xFFFFFF90]  }
0x318: {  	v12 =	vmov s7;
	v13 =	vld.idx.msk [tilespmem:v2+s18+$0x0], $0xffff  }
0x319: {  	[tilespmem:s11+$0xFFFFFF10] =	vst v6;
	v6 =	vmul.f32 v3, v8;
	v2 =	vand.u32 $0x7E, v12;
	v12 =	vld [tilespmem:s11+$0xFFFFFF80]  }
0x31a: {  	v11 =	vmul.f32 v3, v11;
	v8 =	vld [tilespmem:s11+$0xFFFFFFA0];
	v2 =	vor.u32 $0x100, v2;
	[tilespmem:s11+$0xFFFFFF20] =	vst v4;
	v4 =	vmul.f32 v3, v9  }
0x31b: {  	v9 =	vld [tilespmem:s11+$0xFFFFFFB0];
	[tilespmem:s11+$0xFFFFFF30] =	vst v6;
	v6 =	vmul.f32 v3, v10;
	v2 =	vbroadcast v2, $0x0  }
0x31c: {  	[tilespmem:s11+$0xFFFFFF60] =	vst v11;
	v10 =	vld [tilespmem:s11+$0xFFFFFFC0]  }
0x31d: {  	[tilespmem:s11+$0xFFFFFF50] =	vst v6;
	v6 =	vld [tilespmem:s11+$0xFFFFFFE0];
	v3 =	vmul.f32 v3, v5  }
0x31e: {  	[tilespmem:s11+$0xFFFFFF40] =	vst v4;
	v5 =	vld [tilespmem:s11+$0xFFFFFFF0];
	v4 =	vmul.f32 v13, v12  }
0x31f: {  	v12 =	vld [tilespmem:s11+$0xFFFFFFD0];
	[tilespmem:s11+$0xFFFFFF70] =	vst v3;
	v3 =	vmul.f32 v13, v8  }
0x320: {  	[tilespmem:s11+$0xFFFFFF80] =	vst v4;
	v4 =	vmul.f32 v13, v7;
	v7 =	vld [tilespmem:s11+$0x0]  }
0x321: {  	v2 =	vld.idx.msk [tilespmem:v2+s18+$0x0], $0xffff;
	[tilespmem:s11+$0xFFFFFFA0] =	vst v3;
	v3 =	vmul.f32 v13, v10  }
0x322: {  	v8 =	vld [tilespmem:s11+$0x10];
	[tilespmem:s11+$0xFFFFFF90] =	vst v4;
	v4 =	vmul.f32 v13, v9  }
0x323: {  	s24 =	simm.s32 $0x4;
	v6 =	vmul.f32 v13, v6;
	v9 =	vld [tilespmem:s11+$0x20];
	[tilespmem:s11+$0xFFFFFFC0] =	vst v3  }
0x324: {  	v11 =	vmov s24;
	v10 =	vld [tilespmem:s11+$0x30];
	[tilespmem:s11+$0xFFFFFFB0] =	vst v4;
	v4 =	vmul.f32 v13, v12  }
0x325: {  	v11 =	vand.u32 $0x7C, v11;
	v3 =	vld [tilespmem:s11+$0x40];
	[tilespmem:s11+$0xFFFFFFE0] =	vst v6;
	v12 =	vmul.f32 v13, v5  }
0x326: {  	s7 =	simm.s32 $0x5;
	s24 =	simm.s32 $0x6;
	v6 =	vor.u32 $0x100, v11;
	[tilespmem:s11+$0xFFFFFFD0] =	vst v4;
	v7 =	vmul.f32 v2, v7;
	v4 =	vld [tilespmem:s11+$0x50]  }
0x327: {  	v11 =	vmov s24;
	v13 =	vmov s7;
	v5 =	vld [tilespmem:s11+$0x60];
	v8 =	vmul.f32 v2, v8;
	[tilespmem:s11+$0xFFFFFFF0] =	vst v12  }
0x328: {  	v11 =	vand.u32 $0x7E, v11;
	v12 =	vand.u32 $0x7D, v13;
	v9 =	vmul.f32 v2, v9;
	[tilespmem:s11+$0x0] =	vst v7;
	v7 =	vld [tilespmem:s11+$0x70]  }
0x329: {  	s6 =	simm.s32 $0x4700;
	s24 =	simm.s32 $0x8;
	v6 =	vbroadcast v6, $0x0;
	s7 =	simm.s32 $0x7;
	v10 =	vmul.f32 v2, v10;
	v12 =	vor.u32 $0x100, v12;
	[tilespmem:s11+$0x10] =	vst v8;
	v8 =	vld [tilespmem:s11+$0x80]  }
.LBB2_15:
0x32a: {  	p2 =	slt.u32 s24, $0x7C;
	v11 =	vor.u32 $0x100, v11;
	v13 =	vmov s7;
	[tilespmem:s11+$0x20] =	vst v9;
	v3 =	vmul.f32 v2, v3;
	v9 =	vld [tilespmem:s11+$0x90]  }
0x32b: {  	v12 =	vbroadcast v12, $0x0;
	v13 =	vand.u32 $0x7F, v13;
	[tilespmem:s11+$0x30] =	vst v10;
	v4 =	vmul.f32 v2, v4;
	v10 =	vld [tilespmem:s11+$0xA0]  }
0x32c: {  	v11 =	vbroadcast v11, $0x0;
	v13 =	vor.u32 $0x100, v13;
	[tilespmem:s11+$0x40] =	vst v3;
	v3 =	vmul.f32 v2, v5;
	v5 =	vld [tilespmem:s11+$0xB0]  }
0x32d: {  	v13 =	vbroadcast v13, $0x0;
	[tilespmem:s11+$0x50] =	vst v4;
	v2 =	vmul.f32 v2, v7;
	v4 =	vld [tilespmem:s11+$0xC0]  }
0x32e: {  	[tilespmem:s11+$0x60] =	vst v3;
	v3 =	vmul.f32 v1, v8;
	v7 =	vld [tilespmem:s11+$0xD0]  }
0x32f: {  	[tilespmem:s11+$0x70] =	vst v2;
	v2 =	vmul.f32 v1, v9;
	v8 =	vld [tilespmem:s11+$0xE0]  }
0x330: {  	v6 =	vld.idx.msk [tilespmem:v6+s18+$0x0], $0xffff;
	[tilespmem:s11+$0x80] =	vst v3;
	v3 =	vmul.f32 v1, v10  }
0x331: {  	v9 =	vld.idx.msk [tilespmem:v12+s18+$0x0], $0xffff;
	[tilespmem:s11+$0x90] =	vst v2;
	v5 =	vmul.f32 v1, v5  }
0x332: {  	v2 =	vld.idx.msk [tilespmem:v11+s18+$0x0], $0xffff;
	[tilespmem:s11+$0xA0] =	vst v3;
	v3 =	vmul.f32 v1, v4  }
0x333: {  	s11 =	sadd.s32 $0x200, s11;
	v4 =	vld.idx.msk [tilespmem:v13+s18+$0x0], $0xffff;
	[tilespmem:s6+$0xB0] =	vst v5;
	v5 =	vmul.f32 v1, v7  }
0x334: {  	v7 =	vld [tilespmem:s11+$0xF0];
	[tilespmem:s6+$0xC0] =	vst v3;
	v1 =	vmul.f32 v1, v8  }
0x335: {  	v3 =	vld [tilespmem:s11+$0xFFFFFF00];
	[tilespmem:s6+$0xD0] =	vst v5  }
0x336: {  	v5 =	vld [tilespmem:s11+$0xFFFFFF10];
	[tilespmem:s6+$0xE0] =	vst v1;
	s6 =	smov.u32 s11  }
0x337: {  	v8 =	vld [tilespmem:s11+$0xFFFFFF20]  }
0x338: {  	v10 =	vld [tilespmem:s11+$0xFFFFFF30]  }
0x339: {  	v1 =	vmov v4;
	v11 =	vld [tilespmem:s11+$0xFFFFFF40];
	v7 =	vmul.f32 v4, v7  }
0x33a: {  	v3 =	vmul.f32 v6, v3;
	v4 =	vld [tilespmem:s11+$0xFFFFFF50]  }
0x33b: {  	v5 =	vmul.f32 v6, v5;
	v12 =	vld [tilespmem:s11+$0xFFFFFF60];
	[tilespmem:s11+$0xF0] =	vst v7  }
0x33c: {  	[tilespmem:s11+$0xFFFFFF00] =	vst v3;
	v3 =	vmul.f32 v6, v8;
	v7 =	vld [tilespmem:s11+$0xFFFFFF70]  }
0x33d: {  	[tilespmem:s11+$0xFFFFFF10] =	vst v5;
	v5 =	vmul.f32 v6, v10;
	v8 =	vld [tilespmem:s11+$0xFFFFFF80]  }
0x33e: {  	[tilespmem:s11+$0xFFFFFF20] =	vst v3;
	v3 =	vmul.f32 v6, v11;
	v10 =	vld [tilespmem:s11+$0xFFFFFF90]  }
0x33f: {  	[tilespmem:s11+$0xFFFFFF30] =	vst v5;
	v4 =	vmul.f32 v6, v4;
	v5 =	vld [tilespmem:s11+$0xFFFFFFA0]  }
0x340: {  	[tilespmem:s11+$0xFFFFFF40] =	vst v3;
	v3 =	vmul.f32 v6, v12;
	v11 =	vld [tilespmem:s11+$0xFFFFFFB0]  }
0x341: {  	[tilespmem:s11+$0xFFFFFF50] =	vst v4;
	v4 =	vmul.f32 v6, v7;
	v6 =	vld [tilespmem:s11+$0xFFFFFFC0]  }
0x342: {  	[tilespmem:s11+$0xFFFFFF60] =	vst v3;
	v3 =	vmul.f32 v9, v8;
	v7 =	vld [tilespmem:s11+$0xFFFFFFD0]  }
0x343: {  	[tilespmem:s11+$0xFFFFFF70] =	vst v4;
	v4 =	vmul.f32 v9, v10;
	v8 =	vld [tilespmem:s11+$0xFFFFFFE0]  }
0x344: {  	[tilespmem:s11+$0xFFFFFF80] =	vst v3;
	v3 =	vmul.f32 v9, v5;
	v5 =	vld [tilespmem:s11+$0xFFFFFFF0]  }
0x345: {  	[tilespmem:s11+$0xFFFFFF90] =	vst v4;
	v4 =	vmul.f32 v9, v11;
	v10 =	vld [tilespmem:s11+$0x0]  }
0x346: {  	[tilespmem:s11+$0xFFFFFFA0] =	vst v3;
	v3 =	vmul.f32 v9, v6;
	v6 =	vld [tilespmem:s11+$0x10]  }
0x347: {  	[tilespmem:s11+$0xFFFFFFB0] =	vst v4;
	v4 =	vmul.f32 v9, v7;
	v7 =	vld [tilespmem:s11+$0x20]  }
0x348: {  	[tilespmem:s11+$0xFFFFFFC0] =	vst v3;
	v8 =	vmul.f32 v9, v8;
	v13 =	vld [tilespmem:s11+$0x30]  }
.Ltmp8:
0x349: {  	s7 =	sadd.s32 $0x1, s24;
	v11 =	vmov s24;
	[tilespmem:s11+$0xFFFFFFD0] =	vst v4;
	v5 =	vmul.f32 v9, v5;
	v3 =	vld [tilespmem:s11+$0x40];
	(pc) =	sbr.rel @p2 .LBB2_15-.Ltmp8, $4  }
0x34a: {  	v9 =	vand.u32 $0x7C, v11;
	v11 =	vmov s7;
	s7 =	sadd.s32 $0x2, s24;
	[tilespmem:s11+$0xFFFFFFE0] =	vst v8;
	v8 =	vmul.f32 v2, v10;
	v4 =	vld [tilespmem:s11+$0x50]  }
0x34b: {  	v10 =	vor.u32 $0x100, v9;
	v9 =	vmov s7;
	[tilespmem:s11+$0xFFFFFFF0] =	vst v5;
	v14 =	vmul.f32 v2, v6;
	v5 =	vld [tilespmem:s11+$0x60]  }
0x34c: {  	v12 =	vand.u32 $0x7D, v11;
	v11 =	vand.u32 $0x7E, v9;
	[tilespmem:s11+$0x0] =	vst v8;
	v9 =	vmul.f32 v2, v7;
	v7 =	vld [tilespmem:s11+$0x70]  }
0x34d: {  	s7 =	sadd.s32 $0x3, s24;
	s24 =	sadd.s32 $0x4, s24;
	v6 =	vbroadcast v10, $0x0;
	v12 =	vor.u32 $0x100, v12;
	[tilespmem:s11+$0x10] =	vst v14;
	v10 =	vmul.f32 v2, v13;
	v8 =	vld [tilespmem:s11+$0x80]  }
0x34e: {  	v14 =	vld [tilespmem:s11+$0x90]  }
0x34f: {  	v15 =	vld [tilespmem:s11+$0xA0]  }
0x350: {  	v16 =	vld [tilespmem:s11+$0xB0]  }
0x351: {  	v17 =	vld [tilespmem:s11+$0xC0];
	v3 =	vmul.f32 v2, v3  }
0x352: {  	v13 =	vmov s7;
	[tilespmem:s11+$0x20] =	vst v9;
	v32 =	vld [tilespmem:s11+$0xD0]  }
0x353: {  	v33 =	vld [tilespmem:s11+$0xE0];
	v13 =	vand.u32 $0x7F, v13;
	[tilespmem:s11+$0x40] =	vst v3;
	v3 =	vmul.f32 v2, v5  }
0x354: {  	s24 =	sadd.s32 $0x200, s11;
	[tilespmem:s11+$0x30] =	vst v10;
	v4 =	vmul.f32 v2, v4;
	v34 =	vld.idx.msk [tilespmem:v6+s18+$0x0], $0xffff;
	v13 =	vor.u32 $0x100, v13;
	v2 =	vmul.f32 v2, v7  }
0x355: {  	v38 =	vld [tilespmem:s24+$0xF0];
	v13 =	vbroadcast v13, $0x0;
	[tilespmem:s11+$0x60] =	vst v3;
	v3 =	vmul.f32 v1, v8  }
0x356: {  	v39 =	vld [tilespmem:s24+$0xFFFFFF00];
	[tilespmem:s11+$0x70] =	vst v2;
	v2 =	vmul.f32 v1, v14  }
0x357: {  	v40 =	vld [tilespmem:s24+$0xFFFFFF10];
	[tilespmem:s11+$0x80] =	vst v3;
	v3 =	vmul.f32 v1, v15  }
0x358: {  	v41 =	vld [tilespmem:s24+$0xFFFFFF20];
	[tilespmem:s11+$0x90] =	vst v2;
	v2 =	vmul.f32 v1, v16  }
0x359: {  	v42 =	vld [tilespmem:s24+$0xFFFFFF50];
	[tilespmem:s11+$0xA0] =	vst v3;
	v3 =	vmul.f32 v1, v17  }
0x35a: {  	v44 =	vld [tilespmem:s24+$0xFFFFFF60];
	[tilespmem:s6+$0xB0] =	vst v2;
	v2 =	vmul.f32 v1, v32  }
0x35b: {  	v12 =	vbroadcast v12, $0x0;
	v37 =	vld.idx.msk [tilespmem:v13+s18+$0x0], $0xffff;
	v1 =	vmul.f32 v1, v33;
	[tilespmem:s6+$0xC0] =	vst v3  }
0x35c: {  	v3 =	vld [tilespmem:s24+$0xFFFFFF30];
	[tilespmem:s6+$0xD0] =	vst v2  }
0x35d: {  	v2 =	vld [tilespmem:s24+$0xFFFFFF40];
	[tilespmem:s6+$0xE0] =	vst v1;
	v1 =	vmul.f32 v34, v39  }
0x35e: {  	v45 =	vld [tilespmem:s24+$0xFFFFFF70];
	[tilespmem:s11+$0x50] =	vst v4;
	v43 =	vmul.f32 v34, v40  }
0x35f: {  	v46 =	vld [tilespmem:s24+$0xFFFFFF80];
	[tilespmem:s24+$0xFFFFFF00] =	vst v1;
	v1 =	vmul.f32 v34, v41  }
0x360: {  	v47 =	vld [tilespmem:s24+$0xFFFFFFA0];
	[tilespmem:s24+$0xFFFFFF10] =	vst v43;
	v8 =	vmul.f32 v37, v38  }
0x361: {  	v35 =	vld.idx.msk [tilespmem:v12+s18+$0x0], $0xffff;
	v3 =	vmul.f32 v34, v3;
	[tilespmem:s24+$0xFFFFFF20] =	vst v1  }
0x362: {  	v11 =	vor.u32 $0x100, v11;
	[tilespmem:s24+$0xF0] =	vst v8;
	v1 =	vmul.f32 v34, v2;
	v2 =	vld [tilespmem:s24+$0xFFFFFF90]  }
0x363: {  	v11 =	vbroadcast v11, $0x0;
	v48 =	vld [tilespmem:s24+$0xFFFFFFB0];
	[tilespmem:s24+$0xFFFFFF30] =	vst v3;
	v3 =	vmul.f32 v34, v42  }
0x364: {  	v49 =	vld [tilespmem:s24+$0xFFFFFFC0];
	[tilespmem:s24+$0xFFFFFF40] =	vst v1;
	v1 =	vmul.f32 v34, v44  }
0x365: {  	v50 =	vld [tilespmem:s24+$0xFFFFFFD0];
	[tilespmem:s24+$0xFFFFFF50] =	vst v3;
	v3 =	vmul.f32 v34, v45  }
0x366: {  	v51 =	vld [tilespmem:s24+$0xFFFFFFF0];
	[tilespmem:s24+$0xFFFFFF60] =	vst v1;
	v1 =	vmul.f32 v35, v46  }
0x367: {  	[tilespmem:s24+$0xFFFFFF70] =	vst v3;
	v2 =	vmul.f32 v35, v2;
	v3 =	vld [tilespmem:s24+$0xFFFFFFE0]  }
0x368: {  	v52 =	vld [tilespmem:s24+$0x0];
	[tilespmem:s24+$0xFFFFFF80] =	vst v1;
	v1 =	vmul.f32 v35, v47  }
0x369: {  	v36 =	vld.idx.msk [tilespmem:v11+s18+$0x0], $0xffff;
	[tilespmem:s24+$0xFFFFFF90] =	vst v2;
	v2 =	vmul.f32 v35, v48  }
0x36a: {  	v53 =	vld [tilespmem:s24+$0x10];
	[tilespmem:s24+$0xFFFFFFA0] =	vst v1;
	v1 =	vmul.f32 v35, v49  }
0x36b: {  	v54 =	vld [tilespmem:s24+$0x20];
	[tilespmem:s24+$0xFFFFFFB0] =	vst v2;
	v2 =	vmul.f32 v35, v50  }
0x36c: {  	[tilespmem:s24+$0xFFFFFFC0] =	vst v1;
	v1 =	vmul.f32 v35, v3;
	v3 =	vld [tilespmem:s24+$0x30]  }
0x36d: {  	v55 =	vld [tilespmem:s24+$0x40];
	[tilespmem:s24+$0xFFFFFFD0] =	vst v2;
	v2 =	vmul.f32 v35, v51  }
0x36e: {  	v56 =	vld [tilespmem:s24+$0x50];
	[tilespmem:s24+$0xFFFFFFE0] =	vst v1;
	v1 =	vmul.f32 v36, v52  }
0x36f: {  	v57 =	vld [tilespmem:s24+$0x60];
	[tilespmem:s24+$0xFFFFFFF0] =	vst v2;
	v2 =	vmul.f32 v36, v53  }
0x370: {  	v58 =	vld [tilespmem:s24+$0x70];
	[tilespmem:s24+$0x0] =	vst v1;
	v1 =	vmul.f32 v36, v54  }
0x371: {  	[tilespmem:s24+$0x10] =	vst v2;
	v2 =	vmul.f32 v36, v3;
	v3 =	vld [tilespmem:s24+$0x80]  }
0x372: {  	v59 =	vld [tilespmem:s24+$0x90];
	[tilespmem:s24+$0x20] =	vst v1;
	v1 =	vmul.f32 v36, v55  }
0x373: {  	v60 =	vld [tilespmem:s24+$0xA0];
	[tilespmem:s24+$0x30] =	vst v2;
	v2 =	vmul.f32 v36, v56  }
0x374: {  	v61 =	vld [tilespmem:s24+$0xB0];
	[tilespmem:s24+$0x40] =	vst v1;
	v1 =	vmul.f32 v36, v57  }
0x375: {  	v62 =	vld [tilespmem:s24+$0xC0];
	[tilespmem:s24+$0x50] =	vst v2;
	v2 =	vmul.f32 v36, v58  }
0x376: {  	[tilespmem:s24+$0x60] =	vst v1;
	v1 =	vmul.f32 v37, v3;
	v3 =	vld [tilespmem:s24+$0xD0]  }
0x377: {  	v63 =	vld [tilespmem:s24+$0xE0];
	[tilespmem:s24+$0x70] =	vst v2;
	v2 =	vmul.f32 v37, v59  }
0x378: {  	[tilespmem:s24+$0x80] =	vst v1;
	v1 =	vmul.f32 v37, v60  }
0x379: {  	[tilespmem:s24+$0x90] =	vst v2;
	v2 =	vmul.f32 v37, v61  }
0x37a: {  	[tilespmem:s24+$0xA0] =	vst v1;
	v1 =	vmul.f32 v37, v62  }
.Ltmp9:
0x37b: {  	[tilespmem:s24+$0xB0] =	vst v2;
	v2 =	vmul.f32 v37, v3;
	(pc) =	sbr.rel @p1 .LBB2_18-.Ltmp9, $4  }
0x37c: {  	[tilespmem:s24+$0xC0] =	vst v1;
	v1 =	vmul.f32 v37, v63  }
0x37d: {  	[tilespmem:s24+$0xD0] =	vst v2  }
0x37e: {  	[tilespmem:s24+$0xE0] =	vst v1  }
0x37f: {  	[spmem:s2] =	stream.indirect.scatter.add.f32 [tilespmem:s17], [sflag:$0x7], $0x80, s18, s30, $0xb8;
	[tilespmem:$0x1C600] =	vst v63  }
.Ltmp10:
0x380: {  	(pc) =	sbr.rel .LBB2_4-.Ltmp10, $4  }
0x381: {  	s6 =	sadd.s32 s9, s23  }
0x382: {  	s6 =	sshll.u32 s6, $0x6  }
0x383: {  	s8 =	sadd.s32 $0x1, s8;
	s6 =	sadd.s32 s5, s6  }
0x384: {  	[tilespmem:s31], [sflag:$0x4] =	stream.linear.gather [hbm4b:s6+s4], $0x200, $0x38;
	[tilespmem:$0x1C600] =	vst v63  }
.LBB2_18:
0x385: {  	_ =	swait.ge [sflag:s21], $0x4000  }
.Ltmp11:
0x386: {  	[sflag:s21] =	ssyncset.done $0x0;
	(pc) =	sbr.rel @p0 .LBB2_22-.Ltmp11, $4  }
0x387: {  	[sflag:s21] =	ssyncadd.s32 $0xFFFFC000  }
0x388: {  	_ =	swait.ge [sflag:s10], $0x4000  }
0x389: {  	[sflag:s10] =	ssyncset.done $0x0  }
0x38a: {  	s7 =	simm.s32 $0x0;
	s8 =	simm.s32 $0x0;
	[sflag:s10] =	ssyncadd.s32 $0xFFFFC000  }
.LBB2_19:
0x38b: {  	s6 =	rddreg [dreg:$0x10]  }
0x38c: {  	s6 =	sadd.s32 s6, s8  }
0x38d: {  	s6 =	sshll.u32 s6, $0x6  }
0x38e: {  	v1 =	vmov s7;
	s9 =	simm.s32 $0x3;
	s6 =	sadd.s32 s5, s6  }
0x38f: {  	v1 =	vand.u32 $0x7C, v1;
	v2 =	vmov s9;
	[tilespmem:s7], [sflag:$0x3] =	stream.linear.gather [hbm4b:s6+s7], $0x200, $0x38;
	[tilespmem:$0x1C600] =	vst v63  }
0x390: {  	v1 =	vor.u32 $0x100, v1;
	v2 =	vand.u32 $0x7F, v2;
	_ =	swait.ge [sflag:s29], $0x200  }
0x391: {  	v1 =	vbroadcast v1, $0x0;
	v2 =	vor.u32 $0x100, v2;
	[sflag:s29] =	ssyncset.done $0x0  }
0x392: {  	v2 =	vbroadcast v2, $0x0;
	[sflag:s29] =	ssyncadd.s32 $0xFFFFFE00  }
0x393: {  	[tilespmem:s26], [sflag:$0x1] =	stream.indirect.gather [hbm4b:s1+s30], $0x80, s30, s30, $0xb8;
	[tilespmem:$0x1C600] =	vst v63  }
0x394: {  	_ =	swait.ge [sflag:s0], $0x4000  }
0x395: {  	[sflag:s0] =	ssyncset.done $0x0  }
0x396: {  	[sflag:s0] =	ssyncadd.s32 $0xFFFFC000  }
0x397: {  	s24 =	simm.s32 $0x1;
	v3 =	vld.idx.msk [tilespmem:v1+s4+$0x0], $0xffff  }
0x398: {  	s9 =	simm.s32 $0x700;
	v4 =	vmov s24;
	v1 =	vld.idx.msk [tilespmem:v2+s4+$0x0], $0xffff  }
0x399: {  	v2 =	vand.u32 $0x7D, v4;
	v4 =	vld [tilespmem:s9+$0xF0]  }
0x39a: {  	v5 =	vld [tilespmem:s9+$0xFFFFFF00]  }
0x39b: {  	v6 =	vld [tilespmem:s9+$0xFFFFFF10];
	v2 =	vor.u32 $0x100, v2  }
0x39c: {  	v7 =	vld [tilespmem:s9+$0xFFFFFF20];
	v2 =	vbroadcast v2, $0x0  }
0x39d: {  	v8 =	vld [tilespmem:s9+$0xFFFFFF30]  }
0x39e: {  	v9 =	vld [tilespmem:s9+$0xFFFFFF40]  }
0x39f: {  	v10 =	vld [tilespmem:s9+$0xFFFFFF50];
	v5 =	vmul.f32 v3, v5  }
0x3a0: {  	v11 =	vld [tilespmem:s9+$0xFFFFFF60]  }
0x3a1: {  	s11 =	simm.s32 $0x2;
	v4 =	vmul.f32 v1, v4;
	[tilespmem:s9+$0xFFFFFF00] =	vst v5;
	v5 =	vld [tilespmem:s9+$0xFFFFFF70]  }
0x3a2: {  	v12 =	vmov s11;
	v6 =	vmul.f32 v3, v6;
	v13 =	vld.idx.msk [tilespmem:v2+s4+$0x0], $0xffff  }
0x3a3: {  	[tilespmem:s9+$0xF0] =	vst v4;
	v4 =	vmul.f32 v3, v7;
	v2 =	vand.u32 $0x7E, v12;
	v12 =	vld [tilespmem:s9+$0xFFFFFF80]  }
0x3a4: {  	v7 =	vld [tilespmem:s9+$0xFFFFFF90];
	[tilespmem:s9+$0xFFFFFF10] =	vst v6;
	v6 =	vmul.f32 v3, v8;
	v2 =	vor.u32 $0x100, v2  }
0x3a5: {  	v8 =	vld [tilespmem:s9+$0xFFFFFFA0];
	[tilespmem:s9+$0xFFFFFF20] =	vst v4;
	v4 =	vmul.f32 v3, v9;
	v2 =	vbroadcast v2, $0x0  }
0x3a6: {  	v9 =	vld [tilespmem:s9+$0xFFFFFFB0];
	[tilespmem:s9+$0xFFFFFF30] =	vst v6;
	v6 =	vmul.f32 v3, v10  }
0x3a7: {  	v11 =	vmul.f32 v3, v11;
	v10 =	vld [tilespmem:s9+$0xFFFFFFC0];
	[tilespmem:s9+$0xFFFFFF40] =	vst v4;
	v3 =	vmul.f32 v3, v5  }
0x3a8: {  	[tilespmem:s9+$0xFFFFFF50] =	vst v6;
	v6 =	vld [tilespmem:s9+$0xFFFFFFE0];
	v4 =	vmul.f32 v13, v12  }
0x3a9: {  	v12 =	vld [tilespmem:s9+$0xFFFFFFD0];
	[tilespmem:s9+$0xFFFFFF70] =	vst v3  }
0x3aa: {  	v3 =	vmul.f32 v13, v8;
	[tilespmem:s9+$0xFFFFFF80] =	vst v4;
	v4 =	vmul.f32 v13, v7;
	v7 =	vld [tilespmem:s9+$0x0]  }
0x3ab: {  	[tilespmem:s9+$0xFFFFFF60] =	vst v11;
	v2 =	vld.idx.msk [tilespmem:v2+s4+$0x0], $0xffff  }
0x3ac: {  	v5 =	vld [tilespmem:s9+$0xFFFFFFF0];
	[tilespmem:s9+$0xFFFFFFA0] =	vst v3;
	v3 =	vmul.f32 v13, v10  }
0x3ad: {  	v8 =	vld [tilespmem:s9+$0x10];
	[tilespmem:s9+$0xFFFFFF90] =	vst v4;
	v4 =	vmul.f32 v13, v9  }
0x3ae: {  	s24 =	simm.s32 $0x4;
	v6 =	vmul.f32 v13, v6;
	v9 =	vld [tilespmem:s9+$0x20];
	[tilespmem:s9+$0xFFFFFFC0] =	vst v3  }
0x3af: {  	v11 =	vmov s24;
	v10 =	vld [tilespmem:s9+$0x30];
	[tilespmem:s9+$0xFFFFFFB0] =	vst v4;
	v4 =	vmul.f32 v13, v12  }
0x3b0: {  	v11 =	vand.u32 $0x7C, v11;
	v3 =	vld [tilespmem:s9+$0x40];
	[tilespmem:s9+$0xFFFFFFE0] =	vst v6;
	v7 =	vmul.f32 v2, v7  }
0x3b1: {  	s11 =	simm.s32 $0x5;
	s24 =	simm.s32 $0x6;
	v6 =	vor.u32 $0x100, v11;
	v12 =	vmul.f32 v13, v5;
	[tilespmem:s9+$0xFFFFFFD0] =	vst v4;
	v4 =	vld [tilespmem:s9+$0x50]  }
0x3b2: {  	v13 =	vmov s11;
	v5 =	vld [tilespmem:s9+$0x60];
	v8 =	vmul.f32 v2, v8;
	[tilespmem:s9+$0x0] =	vst v7;
	v7 =	vmov s24  }
0x3b3: {  	[tilespmem:s9+$0xFFFFFFF0] =	vst v12;
	v12 =	vand.u32 $0x7D, v13;
	v9 =	vmul.f32 v2, v9;
	v11 =	vand.u32 $0x7E, v7;
	v7 =	vld [tilespmem:s9+$0x70]  }
0x3b4: {  	s6 =	simm.s32 $0x700;
	v6 =	vbroadcast v6, $0x0;
	s11 =	simm.s32 $0x8;
	v10 =	vmul.f32 v2, v10;
	v12 =	vor.u32 $0x100, v12;
	s24 =	simm.s32 $0x7;
	[tilespmem:s9+$0x10] =	vst v8;
	v8 =	vld [tilespmem:s9+$0x80]  }
.LBB2_20:
0x3b5: {  	p1 =	slt.u32 s11, $0x7C;
	v11 =	vor.u32 $0x100, v11;
	v13 =	vmov s24;
	[tilespmem:s9+$0x20] =	vst v9;
	v3 =	vmul.f32 v2, v3;
	v9 =	vld [tilespmem:s9+$0x90]  }
0x3b6: {  	v12 =	vbroadcast v12, $0x0;
	v13 =	vand.u32 $0x7F, v13;
	[tilespmem:s9+$0x30] =	vst v10;
	v4 =	vmul.f32 v2, v4;
	v10 =	vld [tilespmem:s9+$0xA0]  }
0x3b7: {  	v11 =	vbroadcast v11, $0x0;
	v13 =	vor.u32 $0x100, v13;
	[tilespmem:s9+$0x40] =	vst v3;
	v3 =	vmul.f32 v2, v5;
	v5 =	vld [tilespmem:s9+$0xB0]  }
0x3b8: {  	v13 =	vbroadcast v13, $0x0;
	[tilespmem:s9+$0x50] =	vst v4;
	v2 =	vmul.f32 v2, v7;
	v4 =	vld [tilespmem:s9+$0xC0]  }
0x3b9: {  	[tilespmem:s9+$0x60] =	vst v3;
	v3 =	vmul.f32 v1, v8;
	v7 =	vld [tilespmem:s9+$0xD0]  }
0x3ba: {  	[tilespmem:s9+$0x70] =	vst v2;
	v2 =	vmul.f32 v1, v9;
	v8 =	vld [tilespmem:s9+$0xE0]  }
0x3bb: {  	v6 =	vld.idx.msk [tilespmem:v6+s4+$0x0], $0xffff;
	[tilespmem:s9+$0x80] =	vst v3;
	v3 =	vmul.f32 v1, v10  }
0x3bc: {  	v9 =	vld.idx.msk [tilespmem:v12+s4+$0x0], $0xffff;
	[tilespmem:s9+$0x90] =	vst v2;
	v5 =	vmul.f32 v1, v5  }
0x3bd: {  	v2 =	vld.idx.msk [tilespmem:v11+s4+$0x0], $0xffff;
	[tilespmem:s9+$0xA0] =	vst v3;
	v3 =	vmul.f32 v1, v4  }
0x3be: {  	s9 =	sadd.s32 $0x200, s9;
	v4 =	vld.idx.msk [tilespmem:v13+s4+$0x0], $0xffff;
	[tilespmem:s6+$0xB0] =	vst v5;
	v5 =	vmul.f32 v1, v7  }
0x3bf: {  	v7 =	vld [tilespmem:s9+$0xF0];
	[tilespmem:s6+$0xC0] =	vst v3;
	v1 =	vmul.f32 v1, v8  }
0x3c0: {  	v3 =	vld [tilespmem:s9+$0xFFFFFF00];
	[tilespmem:s6+$0xD0] =	vst v5  }
0x3c1: {  	v5 =	vld [tilespmem:s9+$0xFFFFFF10];
	[tilespmem:s6+$0xE0] =	vst v1;
	s6 =	smov.u32 s9  }
0x3c2: {  	v8 =	vld [tilespmem:s9+$0xFFFFFF20]  }
0x3c3: {  	v10 =	vld [tilespmem:s9+$0xFFFFFF30]  }
0x3c4: {  	v1 =	vmov v4;
	v11 =	vld [tilespmem:s9+$0xFFFFFF40];
	v7 =	vmul.f32 v4, v7  }
0x3c5: {  	v3 =	vmul.f32 v6, v3;
	v4 =	vld [tilespmem:s9+$0xFFFFFF50]  }
0x3c6: {  	v5 =	vmul.f32 v6, v5;
	v12 =	vld [tilespmem:s9+$0xFFFFFF60];
	[tilespmem:s9+$0xF0] =	vst v7  }
0x3c7: {  	[tilespmem:s9+$0xFFFFFF00] =	vst v3;
	v3 =	vmul.f32 v6, v8;
	v7 =	vld [tilespmem:s9+$0xFFFFFF70]  }
0x3c8: {  	[tilespmem:s9+$0xFFFFFF10] =	vst v5;
	v5 =	vmul.f32 v6, v10;
	v8 =	vld [tilespmem:s9+$0xFFFFFF80]  }
0x3c9: {  	[tilespmem:s9+$0xFFFFFF20] =	vst v3;
	v3 =	vmul.f32 v6, v11;
	v10 =	vld [tilespmem:s9+$0xFFFFFF90]  }
0x3ca: {  	[tilespmem:s9+$0xFFFFFF30] =	vst v5;
	v4 =	vmul.f32 v6, v4;
	v5 =	vld [tilespmem:s9+$0xFFFFFFA0]  }
0x3cb: {  	[tilespmem:s9+$0xFFFFFF40] =	vst v3;
	v3 =	vmul.f32 v6, v12;
	v11 =	vld [tilespmem:s9+$0xFFFFFFB0]  }
0x3cc: {  	[tilespmem:s9+$0xFFFFFF50] =	vst v4;
	v4 =	vmul.f32 v6, v7;
	v6 =	vld [tilespmem:s9+$0xFFFFFFC0]  }
0x3cd: {  	[tilespmem:s9+$0xFFFFFF60] =	vst v3;
	v3 =	vmul.f32 v9, v8;
	v7 =	vld [tilespmem:s9+$0xFFFFFFD0]  }
0x3ce: {  	[tilespmem:s9+$0xFFFFFF70] =	vst v4;
	v4 =	vmul.f32 v9, v10;
	v8 =	vld [tilespmem:s9+$0xFFFFFFE0]  }
0x3cf: {  	[tilespmem:s9+$0xFFFFFF80] =	vst v3;
	v3 =	vmul.f32 v9, v5;
	v5 =	vld [tilespmem:s9+$0xFFFFFFF0]  }
0x3d0: {  	[tilespmem:s9+$0xFFFFFF90] =	vst v4;
	v4 =	vmul.f32 v9, v11;
	v10 =	vld [tilespmem:s9+$0x0]  }
0x3d1: {  	[tilespmem:s9+$0xFFFFFFA0] =	vst v3;
	v3 =	vmul.f32 v9, v6;
	v6 =	vld [tilespmem:s9+$0x10]  }
0x3d2: {  	[tilespmem:s9+$0xFFFFFFB0] =	vst v4;
	v4 =	vmul.f32 v9, v7;
	v7 =	vld [tilespmem:s9+$0x20]  }
0x3d3: {  	[tilespmem:s9+$0xFFFFFFC0] =	vst v3;
	v8 =	vmul.f32 v9, v8;
	v13 =	vld [tilespmem:s9+$0x30]  }
.Ltmp12:
0x3d4: {  	s24 =	sadd.s32 $0x1, s11;
	v11 =	vmov s11;
	[tilespmem:s9+$0xFFFFFFD0] =	vst v4;
	v5 =	vmul.f32 v9, v5;
	v3 =	vld [tilespmem:s9+$0x40];
	(pc) =	sbr.rel @p1 .LBB2_20-.Ltmp12, $4  }
0x3d5: {  	v9 =	vand.u32 $0x7C, v11;
	v11 =	vmov s24;
	s24 =	sadd.s32 $0x2, s11;
	[tilespmem:s9+$0xFFFFFFE0] =	vst v8;
	v8 =	vmul.f32 v2, v10;
	v4 =	vld [tilespmem:s9+$0x50]  }
0x3d6: {  	v10 =	vor.u32 $0x100, v9;
	v9 =	vmov s24;
	[tilespmem:s9+$0xFFFFFFF0] =	vst v5;
	v14 =	vmul.f32 v2, v6;
	v5 =	vld [tilespmem:s9+$0x60]  }
0x3d7: {  	v12 =	vand.u32 $0x7D, v11;
	v11 =	vand.u32 $0x7E, v9;
	[tilespmem:s9+$0x0] =	vst v8;
	v9 =	vmul.f32 v2, v7;
	v7 =	vld [tilespmem:s9+$0x70]  }
0x3d8: {  	s24 =	sadd.s32 $0x3, s11;
	s11 =	sadd.s32 $0x4, s11;
	v6 =	vbroadcast v10, $0x0;
	v12 =	vor.u32 $0x100, v12;
	[tilespmem:s9+$0x10] =	vst v14;
	v10 =	vmul.f32 v2, v13;
	v8 =	vld [tilespmem:s9+$0x80]  }
0x3d9: {  	v14 =	vld [tilespmem:s9+$0x90]  }
0x3da: {  	v15 =	vld [tilespmem:s9+$0xA0]  }
0x3db: {  	v16 =	vld [tilespmem:s9+$0xB0]  }
0x3dc: {  	v17 =	vld [tilespmem:s9+$0xC0];
	v3 =	vmul.f32 v2, v3  }
0x3dd: {  	v13 =	vmov s24;
	[tilespmem:s9+$0x20] =	vst v9;
	v32 =	vld [tilespmem:s9+$0xD0]  }
0x3de: {  	v33 =	vld [tilespmem:s9+$0xE0];
	v13 =	vand.u32 $0x7F, v13;
	[tilespmem:s9+$0x40] =	vst v3;
	v3 =	vmul.f32 v2, v5  }
0x3df: {  	s11 =	sadd.s32 $0x200, s9;
	[tilespmem:s9+$0x30] =	vst v10;
	v4 =	vmul.f32 v2, v4;
	v34 =	vld.idx.msk [tilespmem:v6+s4+$0x0], $0xffff;
	v13 =	vor.u32 $0x100, v13;
	v2 =	vmul.f32 v2, v7  }
0x3e0: {  	v38 =	vld [tilespmem:s11+$0xF0];
	v13 =	vbroadcast v13, $0x0;
	[tilespmem:s9+$0x60] =	vst v3;
	v3 =	vmul.f32 v1, v8  }
0x3e1: {  	v39 =	vld [tilespmem:s11+$0xFFFFFF00];
	[tilespmem:s9+$0x70] =	vst v2;
	v2 =	vmul.f32 v1, v14  }
0x3e2: {  	v40 =	vld [tilespmem:s11+$0xFFFFFF10];
	[tilespmem:s9+$0x80] =	vst v3;
	v3 =	vmul.f32 v1, v15  }
0x3e3: {  	v41 =	vld [tilespmem:s11+$0xFFFFFF20];
	[tilespmem:s9+$0x90] =	vst v2;
	v2 =	vmul.f32 v1, v16  }
0x3e4: {  	v42 =	vld [tilespmem:s11+$0xFFFFFF50];
	[tilespmem:s9+$0xA0] =	vst v3;
	v3 =	vmul.f32 v1, v17  }
0x3e5: {  	v44 =	vld [tilespmem:s11+$0xFFFFFF60];
	[tilespmem:s6+$0xB0] =	vst v2;
	v2 =	vmul.f32 v1, v32  }
0x3e6: {  	v12 =	vbroadcast v12, $0x0;
	v37 =	vld.idx.msk [tilespmem:v13+s4+$0x0], $0xffff;
	v1 =	vmul.f32 v1, v33;
	[tilespmem:s6+$0xC0] =	vst v3  }
0x3e7: {  	v3 =	vld [tilespmem:s11+$0xFFFFFF30];
	[tilespmem:s6+$0xD0] =	vst v2  }
0x3e8: {  	v2 =	vld [tilespmem:s11+$0xFFFFFF40];
	[tilespmem:s6+$0xE0] =	vst v1;
	v1 =	vmul.f32 v34, v39  }
0x3e9: {  	v45 =	vld [tilespmem:s11+$0xFFFFFF70];
	[tilespmem:s9+$0x50] =	vst v4;
	v43 =	vmul.f32 v34, v40  }
0x3ea: {  	v46 =	vld [tilespmem:s11+$0xFFFFFF80];
	[tilespmem:s11+$0xFFFFFF00] =	vst v1;
	v1 =	vmul.f32 v34, v41  }
0x3eb: {  	v47 =	vld [tilespmem:s11+$0xFFFFFFA0];
	[tilespmem:s11+$0xFFFFFF10] =	vst v43;
	v8 =	vmul.f32 v37, v38  }
0x3ec: {  	v35 =	vld.idx.msk [tilespmem:v12+s4+$0x0], $0xffff;
	v3 =	vmul.f32 v34, v3;
	[tilespmem:s11+$0xFFFFFF20] =	vst v1  }
0x3ed: {  	v11 =	vor.u32 $0x100, v11;
	[tilespmem:s11+$0xF0] =	vst v8;
	v1 =	vmul.f32 v34, v2;
	v2 =	vld [tilespmem:s11+$0xFFFFFF90]  }
0x3ee: {  	v11 =	vbroadcast v11, $0x0;
	v48 =	vld [tilespmem:s11+$0xFFFFFFB0];
	[tilespmem:s11+$0xFFFFFF30] =	vst v3;
	v3 =	vmul.f32 v34, v42  }
0x3ef: {  	v49 =	vld [tilespmem:s11+$0xFFFFFFC0];
	[tilespmem:s11+$0xFFFFFF40] =	vst v1;
	v1 =	vmul.f32 v34, v44  }
0x3f0: {  	v50 =	vld [tilespmem:s11+$0xFFFFFFD0];
	[tilespmem:s11+$0xFFFFFF50] =	vst v3;
	v3 =	vmul.f32 v34, v45  }
0x3f1: {  	v51 =	vld [tilespmem:s11+$0xFFFFFFF0];
	[tilespmem:s11+$0xFFFFFF60] =	vst v1;
	v1 =	vmul.f32 v35, v46  }
0x3f2: {  	[tilespmem:s11+$0xFFFFFF70] =	vst v3;
	v2 =	vmul.f32 v35, v2;
	v3 =	vld [tilespmem:s11+$0xFFFFFFE0]  }
0x3f3: {  	v52 =	vld [tilespmem:s11+$0x0];
	[tilespmem:s11+$0xFFFFFF80] =	vst v1;
	v1 =	vmul.f32 v35, v47  }
0x3f4: {  	v36 =	vld.idx.msk [tilespmem:v11+s4+$0x0], $0xffff;
	[tilespmem:s11+$0xFFFFFF90] =	vst v2;
	v2 =	vmul.f32 v35, v48  }
0x3f5: {  	v53 =	vld [tilespmem:s11+$0x10];
	[tilespmem:s11+$0xFFFFFFA0] =	vst v1;
	v1 =	vmul.f32 v35, v49  }
0x3f6: {  	v54 =	vld [tilespmem:s11+$0x20];
	[tilespmem:s11+$0xFFFFFFB0] =	vst v2;
	v2 =	vmul.f32 v35, v50  }
0x3f7: {  	[tilespmem:s11+$0xFFFFFFC0] =	vst v1;
	v1 =	vmul.f32 v35, v3;
	v3 =	vld [tilespmem:s11+$0x30]  }
0x3f8: {  	v55 =	vld [tilespmem:s11+$0x40];
	[tilespmem:s11+$0xFFFFFFD0] =	vst v2;
	v2 =	vmul.f32 v35, v51  }
0x3f9: {  	v56 =	vld [tilespmem:s11+$0x50];
	[tilespmem:s11+$0xFFFFFFE0] =	vst v1;
	v1 =	vmul.f32 v36, v52  }
0x3fa: {  	v57 =	vld [tilespmem:s11+$0x60];
	[tilespmem:s11+$0xFFFFFFF0] =	vst v2;
	v2 =	vmul.f32 v36, v53  }
0x3fb: {  	v58 =	vld [tilespmem:s11+$0x70];
	[tilespmem:s11+$0x0] =	vst v1;
	v1 =	vmul.f32 v36, v54  }
0x3fc: {  	[tilespmem:s11+$0x10] =	vst v2;
	v2 =	vmul.f32 v36, v3;
	v3 =	vld [tilespmem:s11+$0x80]  }
0x3fd: {  	v59 =	vld [tilespmem:s11+$0x90];
	[tilespmem:s11+$0x20] =	vst v1;
	v1 =	vmul.f32 v36, v55  }
0x3fe: {  	v60 =	vld [tilespmem:s11+$0xA0];
	[tilespmem:s11+$0x30] =	vst v2;
	v2 =	vmul.f32 v36, v56  }
0x3ff: {  	v61 =	vld [tilespmem:s11+$0xB0];
	[tilespmem:s11+$0x40] =	vst v1;
	v1 =	vmul.f32 v36, v57  }
0x400: {  	v62 =	vld [tilespmem:s11+$0xC0];
	[tilespmem:s11+$0x50] =	vst v2;
	v2 =	vmul.f32 v36, v58  }
0x401: {  	[tilespmem:s11+$0x60] =	vst v1;
	v1 =	vmul.f32 v37, v3;
	v3 =	vld [tilespmem:s11+$0xD0]  }
0x402: {  	v63 =	vld [tilespmem:s11+$0xE0];
	[tilespmem:s11+$0x70] =	vst v2;
	v2 =	vmul.f32 v37, v59  }
0x403: {  	[tilespmem:s11+$0x80] =	vst v1;
	v1 =	vmul.f32 v37, v60  }
0x404: {  	[tilespmem:s11+$0x90] =	vst v2;
	v2 =	vmul.f32 v37, v61  }
0x405: {  	[tilespmem:s11+$0xA0] =	vst v1;
	v1 =	vmul.f32 v37, v62  }
0x406: {  	[tilespmem:s11+$0xB0] =	vst v2;
	v2 =	vmul.f32 v37, v3  }
0x407: {  	[tilespmem:s11+$0xC0] =	vst v1;
	v1 =	vmul.f32 v37, v63  }
0x408: {  	s8 =	sadd.s32 $0x1, s8;
	[tilespmem:s11+$0xD0] =	vst v2  }
0x409: {  	p1 =	sne.s32 s8, $0x4;
	[tilespmem:s11+$0xE0] =	vst v1  }
0x40a: {  	[spmem:s2] =	stream.indirect.scatter.add.f32 [tilespmem:s26], [sflag:$0x6], $0x80, s4, s30, $0xb8;
	[tilespmem:$0x1C600] =	vst v63  }
.Ltmp13:
0x40b: {  	_ = 	snop;
	(pc) =	sbr.rel @p1 .LBB2_19-.Ltmp13, $4  }
.Ltmp14:
0x40c: {  	_ = 	snop;
	(pc) =	sbr.rel @!p1 .LBB2_22-.Ltmp14, $4  }
0x40d: {  	_ =	swait.ge [sflag:s21], $0x4000  }
0x40e: {  	[sflag:s21] =	ssyncset.done $0x0  }
0x40f: {  	[sflag:s21] =	ssyncadd.s32 $0xFFFFC000  }
0x410: {  	_ = 	snop  }
.LBB2_23:
0x411: {  	_ =	sfence.sel $0x180000  }
0x412: {  	[bflag:$0x0] =	sbarrier.arrive $0xFFFF  }
0x413: {  	_ =	strace $0x9000004A  }
0x414: {  	s0 =	stileid.u32;
	[bflag:$0x2] =	sbarrier.arrive $0xFFFF  }
0x415: {  	p0 =	sne.s32 s0, $0x0;
	s0 =	rddreg [dreg:$0x3]  }
0x416: {  	s0 =	sadd.s32 @!p0 $0x100000, s0  }
0x417: {  	[sflag:s0] =	ssyncadd.tile.s32 @!p0 $0x1;
	_ =	shalt  }
.Lfunc_end2:
_tile_overlayer_lowered:
.L_overlay_start_2:
0x418: {  	(tag) =	ssettag $0x2  }
0x419: {  	s0 =	rddreg [dreg:$0x0];
	s2 =	stileid.u32  }
0x41a: {  	s1 =	rddreg [dreg:$0x1];
	p0 =	sne.s32 s2, $0x0  }
0x41b: {  	s3 =	rddreg [dreg:$0x2];
	[bflag:$0x3] =	sbarrier.arrive $0xFFFF;
	s2 =	simm.s32 @!p0 $0x1C08  }
0x41c: {  	[timem:s3], [sflag:s2] =	dma.local @!p0 [hbm:s0], s1  }
0x41d: {  	s0 =	simm.s32 @!p0 $0x8  }
0x41e: {  	_ =	swait.ge @!p0 [sflag:s0], s1  }
0x41f: {  	s1 =	ssub.s32 @!p0 $0x0, s1;
	[sflag:s0] =	ssyncset.done @!p0 $0x0  }
0x420: {  	[sflag:s0] =	ssyncadd.s32 @!p0 s1  }
0x421: {  	[bflag:$0x3] =	sbarrier.arrive $0xFFFF  }
0x422: {  	_ =	shalt  }

// kernel: kernel.6.cloned.1.call-start
scs
__scs_entry_jumppad:
0x0: {  	(pc) =	sbr.rel $0x88, $3  }
0x1: {  	(tag) =	ssettag $0x0;
	lr =	simm.s32 $0x1  }
0x2: {  	[smem:$0x3F95] =	sst lr;
	_ =	strace $0xD0000000  }
0x3: {  	_ = 	snop  }
0x4: {  	_ = 	snop  }
0x5: {  	_ = 	snop  }
0x6: {  	_ = 	snop  }
0x7: {  	_ = 	snop  }
__scs_overlays_trampoline_lowered:
0x8: {  	[smem:$0x3FA4] =	sst s0  }
0x9: {  	[smem:$0x3FA5] =	sst s1  }
0xa: {  	[smem:$0x3FA6] =	sst s2  }
0xb: {  	[smem:$0x3FA7] =	sst s3  }
0xc: {  	[smem:$0x3FA8] =	sst s4  }
0xd: {  	[smem:$0x3FA9] =	sst s5  }
0xe: {  	[smem:$0x3FAA] =	sst s6  }
0xf: {  	[smem:$0x3FAB] =	sst s7  }
0x10: {  	[smem:$0x3FAC] =	sst s8  }
0x11: {  	[smem:$0x3FAD] =	sst s9;
	s0 =	simm.s32 @!p0 $0x0  }
0x12: {  	s1 =	sld [smem:$0x3F93];
	s0 =	simm.s32 @p0 $0x1  }
0x13: {  	[smem:$0x3FAE] =	sst s0;
	s0 =	simm.s32 @!p1 $0x0  }
0x14: {  	s2 =	sld [smem:$0x3F92];
	s0 =	simm.s32 @p1 $0x1  }
0x15: {  	[smem:$0x3FAF] =	sst s0;
	s0 =	simm.s32 @!p2 $0x0  }
0x16: {  	s3 =	sld [smem:$0x3FDB];
	s0 =	simm.s32 @p2 $0x1  }
0x17: {  	s4 =	simm.s32 $0x1BF5;
	[smem:$0x3FB1] =	sst s0  }
0x18: {  	s0 =	sld [smem:$0x3F94];
	_ =	swait.ge [sflag:s4], $0x0  }
0x19: {  	s7 =	sld [smem:$0x3F95]  }
0x1a: {  	s8 =	sadd.s32 $0xFFFFE003, lr  }
0x1b: {  	s9 =	sadd.s32 $0xFFFFFEF7, lr;
	s5 =	simm.s32 $0xFFFFFFFF;
	p2 =	slt.u32 s8, $0xFFFFF086  }
0x1c: {  	p1 =	slt.u32 s9, $0xF7A;
	s5 =	simm.s32 @!p2 $0x0  }
0x1d: {  	s5 =	simm.s32 @p1 $0x1;
	p0 =	seq.s32 s7, s2  }
0x1e: {  	s7 =	smul.u32 @!p0 $0xF7A, s2;
	p2 =	seq.s32 @!p0 s5, $0x0  }
0x1f: {  	s9 =	smul.u32 $0xF7A, s1;
	s8 =	simm.s32 @!p0 $0x1BF5;
	p2 =	por !p2, p0  }
0x20: {  	[sflag:s8] =	ssyncset.s32 @!p0 $0xFFFFF086;
	s6 =	sadd.s32 @!p0 s3, s7;
	s7 =	simm.s32 @!p0 $0x108  }
0x21: {  	s3 =	sadd.s32 s3, s9;
	s6 =	sadd.s32 @!p0 $0x88, s6;
	s7 =	simm.s32 @p2 $0x1082  }
0x22: {  	[simem:s7], [sflag:s8] =	dma.local @!p0 [hbm:s6], $0xF7A  }
0x23: {  	s9 =	sor.u32 $0xD0000000, s2;
	s6 =	simm.s32 $0x108;
	_ =	swait.ge @!p0 [sflag:s8], $0x0  }
0x24: {  	s3 =	sadd.s32 $0x88, s3;
	s6 =	simm.s32 @!p1 $0x1082;
	[sflag:s4] =	ssyncset.s32 $0xFFFFF086  }
0x25: {  	[simem:s6], [sflag:s4] =	dma.local [hbm:s3], $0xF7A  }
0x26: {  	[smem:$0x3F95] =	sst s1;
	(tag) =	ssettag s2;
	_ =	strace s9  }
0x27: {  	s1 =	sld [smem:$0x3FA5]  }
0x28: {  	s2 =	sld [smem:$0x3FA6]  }
0x29: {  	s4 =	sld [smem:$0x3FA8]  }
0x2a: {  	p0 =	seq.s32 s5, $0x0;
	s5 =	sld [smem:$0x3FA9]  }
0x2b: {  	s6 =	sld [smem:$0x3FAA]  }
0x2c: {  	s7 =	sld [smem:$0x3FAB]  }
0x2d: {  	s3 =	simm.s32 $0x108;
	s8 =	sld [smem:$0x3FAC]  }
0x2e: {  	s3 =	simm.s32 @!p0 $0x1082;
	s9 =	sld [smem:$0x3FAD]  }
0x2f: {  	lr =	sadd.s32 s0, s3;
	s0 =	sld [smem:$0x3FA4]  }
0x30: {  	s3 =	sld [smem:$0x3FA7]  }
0x31: {  	[smem:$0x3FB0] =	sst s10  }
0x32: {  	s10 =	sld [smem:$0x3FAE];
	_ =	sdelay $0x3  }
0x33: {  	p0 =	seq.s32 s10, $0x1;
	s10 =	sld [smem:$0x3FB0];
	_ =	sdelay $0x3  }
0x34: {  	[smem:$0x3FB0] =	sst s10  }
0x35: {  	s10 =	sld [smem:$0x3FAF];
	_ =	sdelay $0x3  }
0x36: {  	p1 =	seq.s32 s10, $0x1;
	s10 =	sld [smem:$0x3FB0];
	_ =	sdelay $0x3  }
0x37: {  	[smem:$0x3FB0] =	sst s10  }
0x38: {  	s10 =	sld [smem:$0x3FB1]  }
0x39: {  	_ = 	snop;
	(pc) =	sbr.ind lr, $3  }
0x3a: {  	_ = 	snop  }
0x3b: {  	_ = 	snop  }
0x3c: {  	p2 =	seq.s32 s10, $0x1;
	s10 =	sld [smem:$0x3FB0]  }
0x3d: {  	_ =	shalt  }
0x3e: {  	_ =	shalt  }
0x3f: {  	_ =	shalt  }
0x40: {  	_ =	shalt  }
0x41: {  	_ =	shalt  }
0x42: {  	_ =	shalt  }
0x43: {  	_ =	shalt  }
0x44: {  	_ =	shalt  }
0x45: {  	_ =	shalt  }
0x46: {  	_ =	shalt  }
0x47: {  	_ =	shalt  }
0x48: {  	_ =	shalt  }
0x49: {  	_ =	shalt  }
0x4a: {  	_ =	shalt  }
0x4b: {  	_ =	shalt  }
0x4c: {  	_ =	shalt  }
0x4d: {  	_ =	shalt  }
0x4e: {  	_ =	shalt  }
0x4f: {  	_ =	shalt  }
0x50: {  	_ =	shalt  }
0x51: {  	_ =	shalt  }
0x52: {  	_ =	shalt  }
0x53: {  	_ =	shalt  }
0x54: {  	_ =	shalt  }
0x55: {  	_ =	shalt  }
0x56: {  	_ =	shalt  }
0x57: {  	_ =	shalt  }
0x58: {  	_ =	shalt  }
0x59: {  	_ =	shalt  }
0x5a: {  	_ =	shalt  }
0x5b: {  	_ =	shalt  }
0x5c: {  	_ =	shalt  }
0x5d: {  	_ =	shalt  }
0x5e: {  	_ =	shalt  }
0x5f: {  	_ =	shalt  }
0x60: {  	_ =	shalt  }
0x61: {  	_ =	shalt  }
0x62: {  	_ =	shalt  }
0x63: {  	_ =	shalt  }
0x64: {  	_ =	shalt  }
0x65: {  	_ =	shalt  }
0x66: {  	_ =	shalt  }
0x67: {  	_ =	shalt  }
0x68: {  	_ =	shalt  }
0x69: {  	_ =	shalt  }
0x6a: {  	_ =	shalt  }
0x6b: {  	_ =	shalt  }
0x6c: {  	_ =	shalt  }
0x6d: {  	_ =	shalt  }
0x6e: {  	_ =	shalt  }
0x6f: {  	_ =	shalt  }
0x70: {  	_ =	shalt  }
0x71: {  	_ =	shalt  }
0x72: {  	_ =	shalt  }
0x73: {  	_ =	shalt  }
0x74: {  	_ =	shalt  }
0x75: {  	_ =	shalt  }
0x76: {  	_ =	shalt  }
0x77: {  	_ =	shalt  }
0x78: {  	_ =	shalt  }
0x79: {  	_ =	shalt  }
0x7a: {  	_ =	shalt  }
0x7b: {  	_ =	shalt  }
0x7c: {  	_ =	shalt  }
0x7d: {  	_ =	shalt  }
0x7e: {  	_ =	shalt  }
0x7f: {  	_ =	shalt  }
0x80: {  	_ =	shalt  }
0x81: {  	_ =	shalt  }
0x82: {  	_ =	shalt  }
0x83: {  	_ =	shalt  }
0x84: {  	_ =	shalt  }
0x85: {  	_ =	shalt  }
0x86: {  	_ =	shalt  }
0x87: {  	_ =	shalt  }
.Lfunc_end0:
.L_simem_size_0:
called_computation.1_lowered:
.L_overlay_start_0:
0x88: {  	s2 =	sld [smem:$0x3FD9]  }
0x89: {  	s3 =	sld [smem:$0x3FFE];
	_ =	sdelay $0x1  }
0x8a: {  	s1 =	srdreg.scid  }
0x8b: {  	s0 =	sand.u32 $0x1, s1  }
0x8c: {  	s14 =	sshll.u32 s0, $0xA;
	s2 =	sadd.s32 s3, s2  }
0x8d: {  	s2 =	sadd.s32 s2, s14  }
0x8e: {  	[smem:$0x3FBC] =	sst s2  }
0x8f: {  	_ = 	snop  }
0x90: {  	s2 =	sld [smem:$0x3FD0];
	_ =	sdelay $0x2  }
0x91: {  	s15 =	simm.s32 $0xA;
	s4 =	simm.s32 $0x10  }
0x92: {  	[smem:s4], [sflag:s15] =	dma.local [hbm:s2], $0x1  }
0x93: {  	_ =	swait.eq [sflag:s15], $0x1  }
0x94: {  	[sflag:s15] =	ssyncset.done $0x0  }
0x95: {  	s16 =	sld [smem:$0x10];
	[sflag:s15] =	ssyncadd.s32 $0xFFFFFFFF  }
0x96: {  	s17 =	sld [smem:$0x11];
	(tm) =	ssettm $0x1  }
0x97: {  	s18 =	sld [smem:$0x3FFB];
	_ =	sdelay $0x3  }
0x98: {  	_ =	strace s18  }
0x99: {  	s4 =	sld [smem:$0x3FFC];
	_ =	sdelay $0x3  }
0x9a: {  	_ =	strace s4  }
0x9b: {  	s4 =	sld [smem:$0x3FFD];
	_ =	sdelay $0x3  }
0x9c: {  	_ =	strace s4  }
0x9d: {  	_ =	strace $0x8FFFFFFF  }
0x9e: {  	s19 =	sld [smem:$0x3FDB];
	_ =	sdelay $0x1  }
0x9f: {  	s5 =	simm.s32 $_scs_section_size  }
0xa0: {  	s6 =	simm.s32 $_size__tile_overlayer_lowered;
	s7 =	simm.s32 $_tile_overlayer_lowered  }
0xa1: {  	s22 =	simm.s32 $0x1BFF;
	s21 =	sshll.u32 s7, $0x1;
	s4 =	sadd.s32 s5, s19  }
0xa2: {  	s8 =	simm.s32 $0x0;
	s20 =	sshll.u32 s6, $0x1;
	s6 =	sadd.s32 s21, s4  }
0xa3: {  	[timem:s8], [sflag:s22] =	dma.local [hbm:s6], s20  }
0xa4: {  	_ =	swait.ge [sflag:s22], s20  }
0xa5: {  	s5 =	ssub.s32 $0x0, s20;
	[sflag:s22] =	ssyncset.done $0x0  }
0xa6: {  	[sflag:s22] =	ssyncadd.s32 s5;
	_ =	sdelay $0x1  }
0xa7: {  	s23 =	simm.s32 $0x1B8B  }
0xa8: {  	_ =	swait.ge [sflag:s23], $0x1  }
0xa9: {  	[sflag:s23] =	ssyncset.done $0x0  }
0xaa: {  	s25 =	simm.s32 $0x1B8E;
	s24 =	sld [smem:$0x3FFE];
	[sflag:s23] =	ssyncadd.s32 $0xFFFFFFFF  }
0xab: {  	s26 =	simm.s32 $execute0_lowered;
	[smem:$0x3FD2] =	sst s25  }
0xac: {  	s6 =	sshll.u32 s26, $0x1;
	_ =	strace $0x80000046;
	[dreg:$0x1] =	wrdreg $0xFFFFFFFF  }
0xad: {  	s28 =	simm.s32 $_size_execute0_lowered;
	s4 =	sadd.s32 s4, s6;
	[dreg:$0x0] =	wrdreg $0x0  }
0xae: {  	s6 =	sshll.u32 s28, $0x1;
	[dreg:$0x2] =	wrdreg s4  }
0xaf: {  	[dreg:$0x3] =	wrdreg s6  }
0xb0: {  	[dreg:$0x4] =	wrdreg $0xC0  }
0xb1: {  	_ =	task [dreg:s8], $0x5FFFF  }
0xb2: {  	[dreg:$0x1] =	wrdreg $0xFFFFFFFF  }
0xb3: {  	[dreg:$0x0] =	wrdreg $0x60  }
0xb4: {  	[dreg:$0x2] =	wrdreg s16  }
0xb5: {  	[dreg:$0x3] =	wrdreg s24  }
0xb6: {  	[dreg:$0x4] =	wrdreg s17  }
0xb7: {  	[dreg:$0x5] =	wrdreg $0x9  }
0xb8: {  	_ =	task.clear_ibuf [dreg:s8], $0x6FFFF;
	_ =	strace $0x90000046  }
0xb9: {  	s29 =	simm.s32 $0x9;
	_ =	strace $0x80000048  }
0xba: {  	_ =	swait.ge [sflag:s29], $0x1  }
0xbb: {  	[sflag:s29] =	ssyncadd.s32 $0xFFFFFFFF  }
0xbc: {  	_ =	strace $0x90000048  }
0xbd: {  	_ =	sfence  }
0xbe: {  	s30 =	sld [smem:$0x0];
	_ =	sdelay $0x2  }
0xbf: {  	s31 =	sshll.u32 s1, $0xD;
	s1 =	sshrl.u32 s1, $0x2  }
0xc0: {  	s3 =	sand.u32 $0x4000, s31;
	s1 =	sadd.s32 s1, s30  }
0xc1: {  	s0 =	sor.u32 s3, s0;
	s1 =	sshll.u32 s1, $0x11  }
0xc2: {  	s0 =	sor.u32 s1, s0  }
0xc3: {  	s0 =	sadd.s32 $0x8F2B, s0  }
0xc4: {  	[sflag:s0] =	ssyncadd.remote.s32 $0x1  }
0xc5: {  	_ =	sfence.sel $0xFFFF  }
0xc6: {  	[dreg:$0x0] =	wrdreg $0xFFFFFFFF;
	(pc) =	sbr.abs _section_cstart, $3  }
0xc7: {  	[dreg:$0x1] =	wrdreg $0xFFFFFFFF  }
0xc8: {  	_ =	task.clear_ibuf [dreg:s8], $0x2FFFF;
	_ =	strace $0x9FFFFFFF  }
0xc9: {  	(tm) =	ssettm $0x7FFFFFFF  }
tec
execute0_lowered:
.L_overlay_start_1:
0x0: {  	(tag) =	ssettag $0x1  }
0x1: {  	s1 =	rddreg [dreg:$0x0];
	s2 =	srdreg.scid  }
0x2: {  	s0 =	stileid.u32;
	s5 =	rddreg [dreg:$0x1]  }
0x3: {  	s3 =	rddreg [dreg:$0x2];
	s4 =	simm.s32 $0x0;
	s13 =	simm.s32 $0x5  }
0x4: {  	s14 =	simm.s32 $0x80;
	s15 =	simm.s32 $0x1900;
	s16 =	simm.s32 $0x1  }
0x5: {  	s17 =	simm.s32 $0x5900;
	s18 =	simm.s32 $0x2;
	s19 =	simm.s32 $0x3  }
0x6: {  	s20 =	simm.s32 $0x100;
	s21 =	simm.s32 $0x4;
	s22 =	simm.s32 $0x1880  }
0x7: {  	s6 =	sand.u32 $0x1, s2;
	s29 =	sshll.u32 s0, $0x1;
	s10 =	smul.u32 $0x190000, s0  }
0x8: {  	s23 =	simm.s32 $0x0;
	s7 =	sor.u32 s6, s29;
	s11 =	smul.u32 $0xC8000, s6  }
0x9: {  	s2 =	rddreg [dreg:$0x3];
	s9 =	ssub.s32 $0x2, s6;
	s8 =	smul.u32 $0x320, s7  }
0xa: {  	[smem:$0x7FF] =	sst s4;
	s7 =	smul.u32 $0xC8000, s7;
	s30 =	sshrl.u32 s9, $0x1  }
0xb: {  	_ =	strace $0x80000047;
	s31 =	ssub.s32 s9, s30;
	s11 =	sadd.s32 s11, s10  }
0xc: {  	s5 =	sadd.s32 s8, s5;
	s7 =	sshrl.u32 s7, $0x3;
	s6 =	smax.u32 s31, $0x1  }
0xd: {  	s12 =	sadd.s32 $0xC000, s11;
	s11 =	sadd.s32 $0x8000, s11;
	s7 =	sadd.s32 s3, s7  }
0xe: {  	s5 =	sadd.s32 $0xBC00, s5;
	s12 =	sshrl.u32 s12, $0x3;
	s8 =	sadd.s32 $0x800, s7  }
0xf: {  	s9 =	sadd.s32 $0x18000, s7;
	s10 =	sadd.s32 $0x18800, s7;
	s12 =	sadd.s32 s12, s3  }
.LBB2_1:
0x10: {  	[tilespmem:s4], [sflag:$0x5] =	stream.linear.gather [hbm4b:s5+s4], $0x1900, $0x38;
	[tilespmem:$0x9900] =	vst v63  }
0x11: {  	_ =	swait.ge [sflag:s13], $0x1900  }
0x12: {  	[sflag:s13] =	ssyncset.done $0x0  }
0x13: {  	[sflag:s13] =	ssyncadd.s32 $0xFFFFE700  }
0x14: {  	[tilespmem:s15], [sflag:$0x1] =	stream.indirect.gather [hbm4b:s1+s14], $0x80, s4, s14, $0xb8;
	[tilespmem:$0x9900] =	vst v63  }
0x15: {  	_ =	swait.ge [sflag:s16], $0x4000  }
0x16: {  	[sflag:s16] =	ssyncset.done $0x0  }
0x17: {  	[sflag:s16] =	ssyncadd.s32 $0xFFFFC000  }
0x18: {  	[tilespmem:s17], [sflag:$0x2] =	stream.indirect.gather [hbm4b:s1+s14], $0x80, s14, s14, $0xb8;
	[tilespmem:$0x9900] =	vst v63  }
0x19: {  	_ = 	snop  }
0x1a: {  	[hbm4b:s7+s4] =	stream.linear.scatter [tilespmem:s15], [sflag:$0x3], $0x4000, $0x38;
	[tilespmem:$0x9900] =	vst v63  }
0x1b: {  	_ =	swait.ge [sflag:s18], $0x4000  }
0x1c: {  	[sflag:s18] =	ssyncset.done $0x0  }
0x1d: {  	[sflag:s18] =	ssyncadd.s32 $0xFFFFC000  }
0x1e: {  	_ =	swait.ge [sflag:s19], $0x4000  }
0x1f: {  	[sflag:s19] =	ssyncset.done $0x0  }
0x20: {  	[sflag:s19] =	ssyncadd.s32 $0xFFFFC000  }
0x21: {  	[tilespmem:s15], [sflag:$0x1] =	stream.indirect.gather [hbm4b:s1+s14], $0x80, s20, s14, $0xb8;
	[tilespmem:$0x9900] =	vst v63  }
0x22: {  	_ = 	snop  }
0x23: {  	[hbm4b:s8+s4] =	stream.linear.scatter [tilespmem:s17], [sflag:$0x4], $0x4000, $0x38;
	[tilespmem:$0x9900] =	vst v63  }
0x24: {  	_ =	swait.ge [sflag:s16], $0x4000  }
0x25: {  	[sflag:s16] =	ssyncset.done $0x0  }
0x26: {  	[sflag:s16] =	ssyncadd.s32 $0xFFFFC000  }
0x27: {  	_ =	swait.ge [sflag:s21], $0x4000  }
0x28: {  	[sflag:s21] =	ssyncset.done $0x0  }
0x29: {  	s24 =	simm.s32 $0x180;
	s25 =	sshrl.u32 s11, $0x3;
	[sflag:s21] =	ssyncadd.s32 $0xFFFFC000  }
0x2a: {  	[tilespmem:s17], [sflag:$0x2] =	stream.indirect.gather [hbm4b:s1+s14], $0x80, s24, s14, $0xb8;
	[tilespmem:$0x9900] =	vst v63  }
0x2b: {  	s30 =	sadd.s32 s3, s25  }
0x2c: {  	[hbm4b:s30+s4] =	stream.linear.scatter [tilespmem:s15], [sflag:$0x3], $0x4000, $0x38;
	[tilespmem:$0x9900] =	vst v63  }
0x2d: {  	_ =	swait.ge [sflag:s18], $0x4000  }
0x2e: {  	[sflag:s18] =	ssyncset.done $0x0  }
0x2f: {  	[sflag:s18] =	ssyncadd.s32 $0xFFFFC000  }
0x30: {  	s31 =	simm.s32 $0x200;
	_ =	swait.ge [sflag:s19], $0x4000  }
0x31: {  	s28 =	sadd.s32 $0x0, s12;
	s26 =	sadd.s32 $0x8000, s11;
	[sflag:s19] =	ssyncset.done $0x0  }
0x32: {  	s25 =	simm.s32 $0x300;
	s24 =	simm.s32 $0x1000;
	[sflag:s19] =	ssyncadd.s32 $0xFFFFC000  }
0x33: {  	[tilespmem:s15], [sflag:$0x1] =	stream.indirect.gather [hbm4b:s1+s14], $0x80, s31, s14, $0xb8;
	[tilespmem:$0x9900] =	vst v63  }
.LBB2_2:
0x34: {  	[hbm4b:s28+s4] =	stream.linear.scatter [tilespmem:s17], [sflag:$0x4], $0x4000, $0x38;
	[tilespmem:$0x9900] =	vst v63  }
0x35: {  	s28 =	smov.u32 s24  }
0x36: {  	p0 =	sne.s32 s24, $0x16000;
	s24 =	sadd.s32 $0x1000, s24;
	_ =	swait.ge [sflag:s16], $0x4000  }
0x37: {  	[sflag:s16] =	ssyncset.done $0x0  }
0x38: {  	[sflag:s16] =	ssyncadd.s32 $0xFFFFC000  }
0x39: {  	_ =	swait.ge [sflag:s21], $0x4000  }
0x3a: {  	[sflag:s21] =	ssyncset.done $0x0  }
0x3b: {  	s29 =	sadd.s32 $0xFFFFFF80, s25;
	s30 =	sshrl.u32 s26, $0x3;
	[sflag:s21] =	ssyncadd.s32 $0xFFFFC000  }
0x3c: {  	[tilespmem:s17], [sflag:$0x2] =	stream.indirect.gather [hbm4b:s1+s14], $0x80, s29, s14, $0xb8;
	[tilespmem:$0x9900] =	vst v63  }
0x3d: {  	s29 =	sadd.s32 s3, s30  }
0x3e: {  	[hbm4b:s29+s4] =	stream.linear.scatter [tilespmem:s15], [sflag:$0x3], $0x4000, $0x38;
	[tilespmem:$0x9900] =	vst v63  }
0x3f: {  	_ =	swait.ge [sflag:s18], $0x4000  }
0x40: {  	[sflag:s18] =	ssyncset.done $0x0  }
0x41: {  	[sflag:s18] =	ssyncadd.s32 $0xFFFFC000  }
.Ltmp0:
0x42: {  	_ =	swait.ge [sflag:s19], $0x4000;
	(pc) =	sbr.rel @p0 .LBB2_2-.Ltmp0, $4  }
0x43: {  	[sflag:s19] =	ssyncset.done $0x0  }
0x44: {  	[sflag:s19] =	ssyncadd.s32 $0xFFFFC000  }
0x45: {  	[tilespmem:s15], [sflag:$0x1] =	stream.indirect.gather [hbm4b:s1+s14], $0x80, s25, s14, $0xb8;
	[tilespmem:$0x9900] =	vst v63  }
0x46: {  	s26 =	sadd.s32 $0x8000, s26;
	s28 =	sadd.s32 s28, s12;
	s25 =	sadd.s32 $0x100, s25  }
0x47: {  	[hbm4b:s28+s4] =	stream.linear.scatter [tilespmem:s17], [sflag:$0x4], $0x4000, $0x38;
	[tilespmem:$0x9900] =	vst v63  }
0x48: {  	_ =	swait.ge [sflag:s16], $0x4000  }
0x49: {  	[sflag:s16] =	ssyncset.done $0x0  }
0x4a: {  	[sflag:s16] =	ssyncadd.s32 $0xFFFFC000  }
0x4b: {  	_ =	swait.ge [sflag:s21], $0x4000  }
0x4c: {  	[sflag:s21] =	ssyncset.done $0x0  }
0x4d: {  	[sflag:s21] =	ssyncadd.s32 $0xFFFFC000  }
0x4e: {  	[tilespmem:s17], [sflag:$0x2] =	stream.indirect.gather [hbm4b:s1+s14], $0x80, s22, s14, $0xb8;
	[tilespmem:$0x9900] =	vst v63  }
0x4f: {  	_ = 	snop  }
0x50: {  	[hbm4b:s9+s4] =	stream.linear.scatter [tilespmem:s15], [sflag:$0x3], $0x4000, $0x38;
	[tilespmem:$0x9900] =	vst v63  }
0x51: {  	_ =	swait.ge [sflag:s18], $0x4000  }
0x52: {  	[sflag:s18] =	ssyncset.done $0x0  }
0x53: {  	s23 =	sadd.s32 $0x1, s23;
	[sflag:s18] =	ssyncadd.s32 $0xFFFFC000  }
0x54: {  	[hbm4b:s10+s4] =	stream.linear.scatter [tilespmem:s17], [sflag:$0x4], $0x4000, $0x38;
	[tilespmem:$0x9900] =	vst v63  }
0x55: {  	p0 =	sne.s32 s23, s6;
	_ =	swait.ge [sflag:s19], $0x4000  }
.Ltmp1:
0x56: {  	[sflag:s19] =	ssyncset.done $0x0;
	(pc) =	sbr.rel @p0 .LBB2_1-.Ltmp1, $4  }
0x57: {  	[sflag:s19] =	ssyncadd.s32 $0xFFFFC000  }
0x58: {  	_ =	swait.ge [sflag:s21], $0x4000  }
0x59: {  	[sflag:s21] =	ssyncset.done $0x0  }
0x5a: {  	[sflag:s21] =	ssyncadd.s32 $0xFFFFC000  }
0x5b: {  	_ =	sfence.sel $0x180000  }
0x5c: {  	[bflag:$0x0] =	sbarrier.arrive $0xFFFF  }
0x5d: {  	p0 =	sne.s32 s0, $0x0;
	_ =	strace $0x90000047  }
0x5e: {  	s0 =	sadd.s32 @!p0 $0x100000, s2;
	[bflag:$0x2] =	sbarrier.arrive $0xFFFF  }
0x5f: {  	[sflag:s0] =	ssyncadd.tile.s32 @!p0 $0x1;
	_ =	shalt  }
.Lfunc_end2:
_tile_overlayer_lowered:
.L_overlay_start_2:
0x60: {  	(tag) =	ssettag $0x2  }
0x61: {  	s0 =	rddreg [dreg:$0x0];
	s2 =	stileid.u32  }
0x62: {  	s1 =	rddreg [dreg:$0x1];
	p0 =	sne.s32 s2, $0x0  }
0x63: {  	s3 =	rddreg [dreg:$0x2];
	[bflag:$0x3] =	sbarrier.arrive $0xFFFF;
	s2 =	simm.s32 @!p0 $0x1C05  }
0x64: {  	[timem:s3], [sflag:s2] =	dma.local @!p0 [hbm:s0], s1  }
0x65: {  	s0 =	simm.s32 @!p0 $0x5  }
0x66: {  	_ =	swait.ge @!p0 [sflag:s0], s1  }
0x67: {  	s1 =	ssub.s32 @!p0 $0x0, s1;
	[sflag:s0] =	ssyncset.done @!p0 $0x0  }
0x68: {  	[sflag:s0] =	ssyncadd.s32 @!p0 s1  }
0x69: {  	[bflag:$0x3] =	sbarrier.arrive $0xFFFF  }
0x6a: {  	_ =	shalt  }

</sc_bundles>
